<compile_context>
chip_gen: v7x
topology: tpu7x:2x2x1
jax: 0.10.2.dev20260603
libtpu: 0.0.44.dev20260713+nightly
codegen_flags: <defaults>
</compile_context>

<pallas_src>
import functools

import jax
import jax.numpy as jnp
from jax import lax
from jax.experimental import pallas as pl
from jax.experimental.pallas import tpu as pltpu
from jax.experimental.pallas import tpu_sc as plsc

_B = 16384
_D = 16
_NC = 2
_NS = 16
_NW = _NC * _NS
_BPW = _B // _NW
_G = 8
_NG = _BPW // _G
_IDP = 640


def _fire(g, table, idvec, panels, sem):
    for lane in range(_G):
        an_id = idvec[lane]
        k0 = pl.multiple_of(an_id & -128, 128)
        pltpu.async_copy(
            table.at[:, pl.ds(k0, 128)], panels.at[lane], sem)


def _drain(table, panels, sem):
    for lane in range(_G):
        pltpu.make_async_copy(
            table.at[:, pl.ds(0, 128)], panels.at[lane], sem).wait()


def _process(gp, uvec, ivec, upanels, ipanels, stage, iota16):
    chunk = jnp.full((16,), gp >> 4, jnp.int32)
    colbase = (gp * _G) & 127
    for lane in range(_G):
        lu = jnp.full((16,), uvec[lane] & 127, jnp.int32)
        li = jnp.full((16,), ivec[lane] & 127, jnp.int32)
        ucol = plsc.load_gather(upanels.at[lane], [iota16, lu])
        icol = plsc.load_gather(ipanels.at[lane], [iota16, li])
        col = jnp.full((16,), colbase + lane, jnp.int32)
        plsc.store_scatter(stage, [chunk, iota16, col], ucol * icol)


def _gmf_body(utt, itt, uids, iids, out_hbm,
              uidx_v, iidx_v, pu, pi, stage, sem0, sem1, sem2):
    wid = lax.axis_index("s") * _NC + lax.axis_index("c")
    base = wid * _BPW

    pltpu.sync_copy(uids.at[wid], uidx_v)
    pltpu.sync_copy(iids.at[wid], iidx_v)

    iota16 = lax.iota(jnp.int32, 16)
    sems = (sem0, sem1, sem2)

    def step(t, carry):
        for half in range(3):
            g = 3 * t + half

            @pl.when(g < _NG)
            def _():
                uvec = uidx_v[pl.ds(g * _G, 16)]
                ivec = iidx_v[pl.ds(g * _G, 16)]
                _fire(g, utt, uvec, pu.at[half], sems[half])
                _fire(g, itt, ivec, pi.at[half], sems[half])

            prev = (half + 2) % 3

            @pl.when((g > 0) & (g - 1 < _NG))
            def _():
                gp = g - 1
                _drain(utt, pu.at[prev], sems[prev])
                _drain(itt, pi.at[prev], sems[prev])
                upvec = uidx_v[pl.ds(gp * _G, 16)]
                ipvec = iidx_v[pl.ds(gp * _G, 16)]
                _process(gp, upvec, ipvec, pu.at[prev], pi.at[prev],
                         stage, iota16)
        return carry

    lax.fori_loop(0, (_NG + 2) // 3, step, 0)

    for ch in range(4):
        pltpu.sync_copy(
            stage.at[ch],
            out_hbm.at[:, pl.ds(pl.multiple_of(base + ch * 128, 128), 128)])


@jax.jit
def _gmf(utt, itt, uids, iids):
    run = functools.partial(
        pl.kernel,
        mesh=plsc.VectorSubcoreMesh(core_axis_name="c", subcore_axis_name="s"),
        out_type=jax.ShapeDtypeStruct((_D, _B), jnp.float32),
        scratch_types=[
            pltpu.VMEM((_IDP,), jnp.int32),
            pltpu.VMEM((_IDP,), jnp.int32),
            pltpu.VMEM((3, _G, _D, 128), jnp.float32),
            pltpu.VMEM((3, _G, _D, 128), jnp.float32),
            pltpu.VMEM((4, _D, 128), jnp.float32),
            pltpu.SemaphoreType.DMA,
            pltpu.SemaphoreType.DMA,
            pltpu.SemaphoreType.DMA,
        ],
        compiler_params=pltpu.CompilerParams(needs_layout_passes=False),
    )(_gmf_body)
    return run(utt, itt, uids, iids)


def kernel(user_ids, item_ids, user_table, item_table):
    uids = user_ids.astype(jnp.int32).reshape(_NW, _BPW)
    iids = item_ids.astype(jnp.int32).reshape(_NW, _BPW)
    uids = jnp.pad(uids, ((0, 0), (0, _IDP - _BPW)))
    iids = jnp.pad(iids, ((0, 0), (0, _IDP - _BPW)))
    out_t = _gmf(user_table.T, item_table.T, uids, iids)
    return out_t.T

# --- scband reference (transcript-rebuilt; emitter-appended) ---
"""Pipeline reference for scband-gmf-14413910245786 (READ-ONLY COPY).

The authoritative reference and input builder live on the scoring server;
editing this copy changes nothing except your own understanding.
"""

import jax, jax.numpy as jnp
import numpy as np

NUM_USERS = 1000000
NUM_ITEMS = 1000000
EMBED_DIM = 16
BATCH = 16384


def setup_inputs(seed: int = 0) -> dict:
    key = jax.random.key(seed)
    k1, k2, k3, k4 = jax.random.split(key, 4)
    user_ids = jax.random.randint(k1, (BATCH,), 0, NUM_USERS, dtype=jnp.int64 if jax.config.jax_enable_x64 else jnp.int32)
    item_ids = jax.random.randint(k2, (BATCH,), 0, NUM_ITEMS, dtype=jnp.int64 if jax.config.jax_enable_x64 else jnp.int32)
    user_table = jax.random.normal(k3, (NUM_USERS, EMBED_DIM), dtype=jnp.float32) * 0.01
    item_table = jax.random.normal(k4, (NUM_ITEMS, EMBED_DIM), dtype=jnp.float32) * 0.01
    return {"user_ids": user_ids, "item_ids": item_ids, "user_table": user_table, "item_table": item_table}


def reference(user_ids, item_ids, user_table, item_table):
    # tokenizer.look_up: embedding gathers for user and item id features
    user_embeds = jnp.take(user_table, user_ids, axis=0)
    item_embeds = jnp.take(item_table, item_ids, axis=0)
    # GMF: elementwise product of user and item embeddings
    return user_embeds * item_embeds

if __name__ == "__main__":
    import jax
    _d = setup_inputs()
    print(jax.jit(kernel)(*tuple(_d.values())))

</pallas_src>

<mosaic_0001>
#map = affine_map<(d0, d1) -> (0, 0)>
module attributes {stable_mosaic.version = 14 : i64} {
  func.func @_gmf_body(%arg0: i32, %arg1: i32, %arg2: memref<16x1000000xf32, #tpu.memory_space<hbm>>, %arg3: memref<16x1000000xf32, #tpu.memory_space<hbm>>, %arg4: memref<32x640xi32, #tpu.memory_space<hbm>>, %arg5: memref<32x640xi32, #tpu.memory_space<hbm>>, %arg6: memref<16x16384xf32, #tpu.memory_space<hbm>>, %arg7: memref<640xi32, #tpu.memory_space<vmem>>, %arg8: memref<640xi32, #tpu.memory_space<vmem>>, %arg9: memref<3x8x16x128xf32, #tpu.memory_space<vmem>>, %arg10: memref<3x8x16x128xf32, #tpu.memory_space<vmem>>, %arg11: memref<4x16x128xf32, #tpu.memory_space<vmem>>, %arg12: memref<!tpu.dma_semaphore, #tpu.memory_space<semaphore_mem>>, %arg13: memref<!tpu.dma_semaphore, #tpu.memory_space<semaphore_mem>>, %arg14: memref<!tpu.dma_semaphore, #tpu.memory_space<semaphore_mem>>) attributes {dimension_semantics = [#tpu.dimension_semantics<core_parallel>, #tpu.dimension_semantics<subcore_parallel>], iteration_bounds = array<i64: 2, 16>, scalar_prefetch = 0 : i64, scratch_operands = 8 : i64, tpu.core_type = #tpu.core_type<sc_vector_subcore>, window_params = [{transform_indices = #map}, {transform_indices = #map}, {transform_indices = #map}, {transform_indices = #map}, {transform_indices = #map}]} {
    %mul3A = arith.constant 2 : i32
    %mul3A_0 = arith.muli %arg1, %mul3A : i32
    %add3A = arith.addi %mul3A_0, %arg0 : i32
    %mul3A_1 = arith.constant 512 : i32
    %mul3A_2 = arith.muli %add3A, %mul3A_1 : i32
    "tpu.region"() ({
      %run_scoped3A_22 = tpu.sem_alloc : memref<!tpu.dma_semaphore, #tpu.memory_space<semaphore_mem>>
      %dma_start3A = arith.constant 0 : i32
      %dma_start3A_23 = tpu.memref_slice %arg4[%add3A, %dma_start3A] : memref<32x640xi32, #tpu.memory_space<hbm>> -> memref<1x640xi32, #tpu.memory_space<hbm>>
      %dma_start3A_24 = tpu.memref_squeeze %dma_start3A_23 : memref<1x640xi32, #tpu.memory_space<hbm>> -> memref<640xi32, #tpu.memory_space<hbm>>
      %dma_start3A_25 = arith.constant 0 : i32
      %dma_start3A_26 = tpu.memref_slice %arg4[%add3A, %dma_start3A_25] : memref<32x640xi32, #tpu.memory_space<hbm>> -> memref<1x640xi32, #tpu.memory_space<hbm>>
      %dma_start3A_27 = tpu.memref_squeeze %dma_start3A_26 : memref<1x640xi32, #tpu.memory_space<hbm>> -> memref<640xi32, #tpu.memory_space<hbm>>
      tpu.enqueue_dma source(%dma_start3A_27 : memref<640xi32, #tpu.memory_space<hbm>>) target(%arg7 : memref<640xi32, #tpu.memory_space<vmem>>) target_semaphore(%run_scoped3A_22 : memref<!tpu.dma_semaphore, #tpu.memory_space<semaphore_mem>>)
      %dma_wait3A = arith.constant 0 : i32
      %dma_wait3A_28 = tpu.memref_slice %arg4[%add3A, %dma_wait3A] : memref<32x640xi32, #tpu.memory_space<hbm>> -> memref<1x640xi32, #tpu.memory_space<hbm>>
      %dma_wait3A_29 = tpu.memref_squeeze %dma_wait3A_28 : memref<1x640xi32, #tpu.memory_space<hbm>> -> memref<640xi32, #tpu.memory_space<hbm>>
      %dma_wait3A_30 = arith.constant 0 : i32
      %dma_wait3A_31 = tpu.memref_slice %arg4[%add3A, %dma_wait3A_30] : memref<32x640xi32, #tpu.memory_space<hbm>> -> memref<1x640xi32, #tpu.memory_space<hbm>>
      %dma_wait3A_32 = tpu.memref_squeeze %dma_wait3A_31 : memref<1x640xi32, #tpu.memory_space<hbm>> -> memref<640xi32, #tpu.memory_space<hbm>>
      tpu.wait_dma2 semaphore(%run_scoped3A_22 : memref<!tpu.dma_semaphore, #tpu.memory_space<semaphore_mem>>) src(%dma_wait3A_32 : memref<640xi32, #tpu.memory_space<hbm>>) dst(%arg7 : memref<640xi32, #tpu.memory_space<vmem>>)
      tpu.yield
    }) : () -> ()
    "tpu.region"() ({
      %run_scoped3A_22 = tpu.sem_alloc : memref<!tpu.dma_semaphore, #tpu.memory_space<semaphore_mem>>
      %dma_start3A = arith.constant 0 : i32
      %dma_start3A_23 = tpu.memref_slice %arg5[%add3A, %dma_start3A] : memref<32x640xi32, #tpu.memory_space<hbm>> -> memref<1x640xi32, #tpu.memory_space<hbm>>
      %dma_start3A_24 = tpu.memref_squeeze %dma_start3A_23 : memref<1x640xi32, #tpu.memory_space<hbm>> -> memref<640xi32, #tpu.memory_space<hbm>>
      %dma_start3A_25 = arith.constant 0 : i32
      %dma_start3A_26 = tpu.memref_slice %arg5[%add3A, %dma_start3A_25] : memref<32x640xi32, #tpu.memory_space<hbm>> -> memref<1x640xi32, #tpu.memory_space<hbm>>
      %dma_start3A_27 = tpu.memref_squeeze %dma_start3A_26 : memref<1x640xi32, #tpu.memory_space<hbm>> -> memref<640xi32, #tpu.memory_space<hbm>>
      tpu.enqueue_dma source(%dma_start3A_27 : memref<640xi32, #tpu.memory_space<hbm>>) target(%arg8 : memref<640xi32, #tpu.memory_space<vmem>>) target_semaphore(%run_scoped3A_22 : memref<!tpu.dma_semaphore, #tpu.memory_space<semaphore_mem>>)
      %dma_wait3A = arith.constant 0 : i32
      %dma_wait3A_28 = tpu.memref_slice %arg5[%add3A, %dma_wait3A] : memref<32x640xi32, #tpu.memory_space<hbm>> -> memref<1x640xi32, #tpu.memory_space<hbm>>
      %dma_wait3A_29 = tpu.memref_squeeze %dma_wait3A_28 : memref<1x640xi32, #tpu.memory_space<hbm>> -> memref<640xi32, #tpu.memory_space<hbm>>
      %dma_wait3A_30 = arith.constant 0 : i32
      %dma_wait3A_31 = tpu.memref_slice %arg5[%add3A, %dma_wait3A_30] : memref<32x640xi32, #tpu.memory_space<hbm>> -> memref<1x640xi32, #tpu.memory_space<hbm>>
      %dma_wait3A_32 = tpu.memref_squeeze %dma_wait3A_31 : memref<1x640xi32, #tpu.memory_space<hbm>> -> memref<640xi32, #tpu.memory_space<hbm>>
      tpu.wait_dma2 semaphore(%run_scoped3A_22 : memref<!tpu.dma_semaphore, #tpu.memory_space<semaphore_mem>>) src(%dma_wait3A_32 : memref<640xi32, #tpu.memory_space<hbm>>) dst(%arg8 : memref<640xi32, #tpu.memory_space<vmem>>)
      tpu.yield
    }) : () -> ()
    %iota3A = tpu.iota {dimensions = array<i32: 0>} : vector<16xi32>
    %scan3A = arith.constant 0 : i32
    %scan3A_3 = arith.constant 0 : i32
    %scan3A_4 = arith.constant 22 : i32
    %scan3A_5 = arith.addi %scan3A_3, %scan3A_4 : i32
    %scan3A_6 = arith.constant 1 : i32
    scf.for %scan3A_22 = %scan3A_3 to %scan3A_5 step %scan3A_6  : i32 {
      %mul3A_23 = arith.constant 3 : i32
      %mul3A_24 = arith.muli %mul3A_23, %scan3A_22 : i32
      %add3A_25 = arith.constant 0 : i32
      %add3A_26 = arith.addi %mul3A_24, %add3A_25 : i32
      %lt3A = arith.constant 64 : i32
      %lt3A_27 = arith.cmpi slt, %add3A_26, %lt3A : i32
      %convert_element_type3A = arith.extui %lt3A_27 : i1 to i32
      %cond3A = arith.constant 0 : i32
      %cond3A_28 = arith.cmpi ne, %convert_element_type3A, %cond3A : i32
      scf.if %cond3A_28 {
        %mul3A_74 = arith.constant 8 : i32
        %mul3A_75 = arith.muli %add3A_26, %mul3A_74 : i32
        %get3A = arith.index_cast %mul3A_75 : i32 to index
        %get3A_76 = tpu.vector_load %arg7[%get3A] {strides = array<i32>} : memref<640xi32, #tpu.memory_space<vmem>>, vector<16xi32>,
        %mul3A_77 = arith.constant 8 : i32
        %mul3A_78 = arith.muli %add3A_26, %mul3A_77 : i32
        %get3A_79 = arith.index_cast %mul3A_78 : i32 to index
        %get3A_80 = tpu.vector_load %arg8[%get3A_79] {strides = array<i32>} : memref<640xi32, #tpu.memory_space<vmem>>, vector<16xi32>,
        %slice3A = vector.extract_strided_slice %get3A_76 {offsets = [0], sizes = [1], strides = [1]} : vector<16xi32> to vector<1xi32>
        %squeeze3A = vector.extract %slice3A[0] : i32 from vector<1xi32>
        %and3A_81 = arith.constant -128 : i32
        %and3A_82 = arith.andi %squeeze3A, %and3A_81 : i32
        %multiple_of3A_83 = tpu.assume_multiple %and3A_82, 128 : i32
        %dma_start3A = arith.constant 0 : i32
        %dma_start3A_84 = arith.constant 0 : i32
        %dma_start3A_85 = arith.constant 0 : i32
        %dma_start3A_86 = arith.constant 0 : i32
        %dma_start3A_87 = arith.constant 0 : i32
        %dma_start3A_88 = tpu.memref_slice %arg9[%dma_start3A, %dma_start3A_85, %dma_start3A_86, %dma_start3A_87] : memref<3x8x16x128xf32, #tpu.memory_space<vmem>> -> memref<1x8x16x128xf32, #tpu.memory_space<vmem>>
        %dma_start3A_89 = tpu.memref_squeeze %dma_start3A_88 : memref<1x8x16x128xf32, #tpu.memory_space<vmem>> -> memref<8x16x128xf32, #tpu.memory_space<vmem>>
        %dma_start3A_90 = arith.constant 0 : i32
        %dma_start3A_91 = arith.constant 0 : i32
        %dma_start3A_92 = tpu.memref_slice %dma_start3A_89[%dma_start3A_84, %dma_start3A_90, %dma_start3A_91] : memref<8x16x128xf32, #tpu.memory_space<vmem>> -> memref<1x16x128xf32, #tpu.memory_space<vmem>>
        %dma_start3A_93 = tpu.memref_squeeze %dma_start3A_92 : memref<1x16x128xf32, #tpu.memory_space<vmem>> -> memref<16x128xf32, #tpu.memory_space<vmem>>
        %dma_start3A_94 = arith.constant 0 : i32
        %dma_start3A_95 = tpu.memref_slice %arg2[%dma_start3A_94, %multiple_of3A_83] : memref<16x1000000xf32, #tpu.memory_space<hbm>> -> memref<16x128xf32, #tpu.memory_space<hbm>>
        %dma_start3A_96 = arith.constant 0 : i32
        %dma_start3A_97 = arith.constant 0 : i32
        %dma_start3A_98 = arith.constant 0 : i32
        %dma_start3A_99 = tpu.memref_slice %arg9[%dma_start3A, %dma_start3A_96, %dma_start3A_97, %dma_start3A_98] : memref<3x8x16x128xf32, #tpu.memory_space<vmem>> -> memref<1x8x16x128xf32, #tpu.memory_space<vmem>>
        %dma_start3A_100 = tpu.memref_squeeze %dma_start3A_99 : memref<1x8x16x128xf32, #tpu.memory_space<vmem>> -> memref<8x16x128xf32, #tpu.memory_space<vmem>>
        %dma_start3A_101 = arith.constant 0 : i32
        %dma_start3A_102 = arith.constant 0 : i32
        %dma_start3A_103 = tpu.memref_slice %dma_start3A_100[%dma_start3A_84, %dma_start3A_101, %dma_start3A_102] : memref<8x16x128xf32, #tpu.memory_space<vmem>> -> memref<1x16x128xf32, #tpu.memory_space<vmem>>
        %dma_start3A_104 = tpu.memref_squeeze %dma_start3A_103 : memref<1x16x128xf32, #tpu.memory_space<vmem>> -> memref<16x128xf32, #tpu.memory_space<vmem>>
        %dma_start3A_105 = arith.constant 0 : i32
        %dma_start3A_106 = tpu.memref_slice %arg2[%dma_start3A_105, %multiple_of3A_83] : memref<16x1000000xf32, #tpu.memory_space<hbm>> -> memref<16x128xf32, #tpu.memory_space<hbm>>
        tpu.enqueue_dma source(%dma_start3A_106 : memref<16x128xf32, #tpu.memory_space<hbm>>) target(%dma_start3A_104 : memref<16x128xf32, #tpu.memory_space<vmem>>) target_semaphore(%arg12 : memref<!tpu.dma_semaphore, #tpu.memory_space<semaphore_mem>>)
        %slice3A_107 = vector.extract_strided_slice %get3A_76 {offsets = [1], sizes = [1], strides = [1]} : vector<16xi32> to vector<1xi32>
        %squeeze3A_108 = vector.extract %slice3A_107[0] : i32 from vector<1xi32>
        %and3A_109 = arith.constant -128 : i32
        %and3A_110 = arith.andi %squeeze3A_108, %and3A_109 : i32
        %multiple_of3A_111 = tpu.assume_multiple %and3A_110, 128 : i32
        %dma_start3A_112 = arith.constant 0 : i32
        %dma_start3A_113 = arith.constant 1 : i32
        %dma_start3A_114 = arith.constant 0 : i32
        %dma_start3A_115 = arith.constant 0 : i32
        %dma_start3A_116 = arith.constant 0 : i32
        %dma_start3A_117 = tpu.memref_slice %arg9[%dma_start3A_112, %dma_start3A_114, %dma_start3A_115, %dma_start3A_116] : memref<3x8x16x128xf32, #tpu.memory_space<vmem>> -> memref<1x8x16x128xf32, #tpu.memory_space<vmem>>
        %dma_start3A_118 = tpu.memref_squeeze %dma_start3A_117 : memref<1x8x16x128xf32, #tpu.memory_space<vmem>> -> memref<8x16x128xf32, #tpu.memory_space<vmem>>
        %dma_start3A_119 = arith.constant 0 : i32
        %dma_start3A_120 = arith.constant 0 : i32
        %dma_start3A_121 = tpu.memref_slice %dma_start3A_118[%dma_start3A_113, %dma_start3A_119, %dma_start3A_120] : memref<8x16x128xf32, #tpu.memory_space<vmem>> -> memref<1x16x128xf32, #tpu.memory_space<vmem>>
        %dma_start3A_122 = tpu.memref_squeeze %dma_start3A_121 : memref<1x16x128xf32, #tpu.memory_space<vmem>> -> memref<16x128xf32, #tpu.memory_space<vmem>>
        %dma_start3A_123 = arith.constant 0 : i32
        %dma_start3A_124 = tpu.memref_slice %arg2[%dma_start3A_123, %multiple_of3A_111] : memref<16x1000000xf32, #tpu.memory_space<hbm>> -> memref<16x128xf32, #tpu.memory_space<hbm>>
        %dma_start3A_125 = arith.constant 0 : i32
        %dma_start3A_126 = arith.constant 0 : i32
        %dma_start3A_127 = arith.constant 0 : i32
        %dma_start3A_128 = tpu.memref_slice %arg9[%dma_start3A_112, %dma_start3A_125, %dma_start3A_126, %dma_start3A_127] : memref<3x8x16x128xf32, #tpu.memory_space<vmem>> -> memref<1x8x16x128xf32, #tpu.memory_space<vmem>>
        %dma_start3A_129 = tpu.memref_squeeze %dma_start3A_128 : memref<1x8x16x128xf32, #tpu.memory_space<vmem>> -> memref<8x16x128xf32, #tpu.memory_space<vmem>>
        %dma_start3A_130 = arith.constant 0 : i32
        %dma_start3A_131 = arith.constant 0 : i32
        %dma_start3A_132 = tpu.memref_slice %dma_start3A_129[%dma_start3A_113, %dma_start3A_130, %dma_start3A_131] : memref<8x16x128xf32, #tpu.memory_space<vmem>> -> memref<1x16x128xf32, #tpu.memory_space<vmem>>
        %dma_start3A_133 = tpu.memref_squeeze %dma_start3A_132 : memref<1x16x128xf32, #tpu.memory_space<vmem>> -> memref<16x128xf32, #tpu.memory_space<vmem>>
        %dma_start3A_134 = arith.constant 0 : i32
        %dma_start3A_135 = tpu.memref_slice %arg2[%dma_start3A_134, %multiple_of3A_111] : memref<16x1000000xf32, #tpu.memory_space<hbm>> -> memref<16x128xf32, #tpu.memory_space<hbm>>
        tpu.enqueue_dma source(%dma_start3A_135 : memref<16x128xf32, #tpu.memory_space<hbm>>) target(%dma_start3A_133 : memref<16x128xf32, #tpu.memory_space<vmem>>) target_semaphore(%arg12 : memref<!tpu.dma_semaphore, #tpu.memory_space<semaphore_mem>>)
        %slice3A_136 = vector.extract_strided_slice %get3A_76 {offsets = [2], sizes = [1], strides = [1]} : vector<16xi32> to vector<1xi32>
        %squeeze3A_137 = vector.extract %slice3A_136[0] : i32 from vector<1xi32>
        %and3A_138 = arith.constant -128 : i32
        %and3A_139 = arith.andi %squeeze3A_137, %and3A_138 : i32
        %multiple_of3A_140 = tpu.assume_multiple %and3A_139, 128 : i32
        %dma_start3A_141 = arith.constant 0 : i32
        %dma_start3A_142 = arith.constant 2 : i32
        %dma_start3A_143 = arith.constant 0 : i32
        %dma_start3A_144 = arith.constant 0 : i32
        %dma_start3A_145 = arith.constant 0 : i32
        %dma_start3A_146 = tpu.memref_slice %arg9[%dma_start3A_141, %dma_start3A_143, %dma_start3A_144, %dma_start3A_145] : memref<3x8x16x128xf32, #tpu.memory_space<vmem>> -> memref<1x8x16x128xf32, #tpu.memory_space<vmem>>
        %dma_start3A_147 = tpu.memref_squeeze %dma_start3A_146 : memref<1x8x16x128xf32, #tpu.memory_space<vmem>> -> memref<8x16x128xf32, #tpu.memory_space<vmem>>
        %dma_start3A_148 = arith.constant 0 : i32
        %dma_start3A_149 = arith.constant 0 : i32
        %dma_start3A_150 = tpu.memref_slice %dma_start3A_147[%dma_start3A_142, %dma_start3A_148, %dma_start3A_149] : memref<8x16x128xf32, #tpu.memory_space<vmem>> -> memref<1x16x128xf32, #tpu.memory_space<vmem>>
        %dma_start3A_151 = tpu.memref_squeeze %dma_start3A_150 : memref<1x16x128xf32, #tpu.memory_space<vmem>> -> memref<16x128xf32, #tpu.memory_space<vmem>>
        %dma_start3A_152 = arith.constant 0 : i32
        %dma_start3A_153 = tpu.memref_slice %arg2[%dma_start3A_152, %multiple_of3A_140] : memref<16x1000000xf32, #tpu.memory_space<hbm>> -> memref<16x128xf32, #tpu.memory_space<hbm>>
        %dma_start3A_154 = arith.constant 0 : i32
        %dma_start3A_155 = arith.constant 0 : i32
        %dma_start3A_156 = arith.constant 0 : i32
        %dma_start3A_157 = tpu.memref_slice %arg9[%dma_start3A_141, %dma_start3A_154, %dma_start3A_155, %dma_start3A_156] : memref<3x8x16x128xf32, #tpu.memory_space<vmem>> -> memref<1x8x16x128xf32, #tpu.memory_space<vmem>>
        %dma_start3A_158 = tpu.memref_squeeze %dma_start3A_157 : memref<1x8x16x128xf32, #tpu.memory_space<vmem>> -> memref<8x16x128xf32, #tpu.memory_space<vmem>>
        %dma_start3A_159 = arith.constant 0 : i32
        %dma_start3A_160 = arith.constant 0 : i32
        %dma_start3A_161 = tpu.memref_slice %dma_start3A_158[%dma_start3A_142, %dma_start3A_159, %dma_start3A_160] : memref<8x16x128xf32, #tpu.memory_space<vmem>> -> memref<1x16x128xf32, #tpu.memory_space<vmem>>
        %dma_start3A_162 = tpu.memref_squeeze %dma_start3A_161 : memref<1x16x128xf32, #tpu.memory_space<vmem>> -> memref<16x128xf32, #tpu.memory_space<vmem>>
        %dma_start3A_163 = arith.constant 0 : i32
        %dma_start3A_164 = tpu.memref_slice %arg2[%dma_start3A_163, %multiple_of3A_140] : memref<16x1000000xf32, #tpu.memory_space<hbm>> -> memref<16x128xf32, #tpu.memory_space<hbm>>
        tpu.enqueue_dma source(%dma_start3A_164 : memref<16x128xf32, #tpu.memory_space<hbm>>) target(%dma_start3A_162 : memref<16x128xf32, #tpu.memory_space<vmem>>) target_semaphore(%arg12 : memref<!tpu.dma_semaphore, #tpu.memory_space<semaphore_mem>>)
        %slice3A_165 = vector.extract_strided_slice %get3A_76 {offsets = [3], sizes = [1], strides = [1]} : vector<16xi32> to vector<1xi32>
        %squeeze3A_166 = vector.extract %slice3A_165[0] : i32 from vector<1xi32>
        %and3A_167 = arith.constant -128 : i32
        %and3A_168 = arith.andi %squeeze3A_166, %and3A_167 : i32
        %multiple_of3A_169 = tpu.assume_multiple %and3A_168, 128 : i32
        %dma_start3A_170 = arith.constant 0 : i32
        %dma_start3A_171 = arith.constant 3 : i32
        %dma_start3A_172 = arith.constant 0 : i32
        %dma_start3A_173 = arith.constant 0 : i32
        %dma_start3A_174 = arith.constant 0 : i32
        %dma_start3A_175 = tpu.memref_slice %arg9[%dma_start3A_170, %dma_start3A_172, %dma_start3A_173, %dma_start3A_174] : memref<3x8x16x128xf32, #tpu.memory_space<vmem>> -> memref<1x8x16x128xf32, #tpu.memory_space<vmem>>
        %dma_start3A_176 = tpu.memref_squeeze %dma_start3A_175 : memref<1x8x16x128xf32, #tpu.memory_space<vmem>> -> memref<8x16x128xf32, #tpu.memory_space<vmem>>
        %dma_start3A_177 = arith.constant 0 : i32
        %dma_start3A_178 = arith.constant 0 : i32
        %dma_start3A_179 = tpu.memref_slice %dma_start3A_176[%dma_start3A_171, %dma_start3A_177, %dma_start3A_178] : memref<8x16x128xf32, #tpu.memory_space<vmem>> -> memref<1x16x128xf32, #tpu.memory_space<vmem>>
        %dma_start3A_180 = tpu.memref_squeeze %dma_start3A_179 : memref<1x16x128xf32, #tpu.memory_space<vmem>> -> memref<16x128xf32, #tpu.memory_space<vmem>>
        %dma_start3A_181 = arith.constant 0 : i32
        %dma_start3A_182 = tpu.memref_slice %arg2[%dma_start3A_181, %multiple_of3A_169] : memref<16x1000000xf32, #tpu.memory_space<hbm>> -> memref<16x128xf32, #tpu.memory_space<hbm>>
        %dma_start3A_183 = arith.constant 0 : i32
        %dma_start3A_184 = arith.constant 0 : i32
        %dma_start3A_185 = arith.constant 0 : i32
        %dma_start3A_186 = tpu.memref_slice %arg9[%dma_start3A_170, %dma_start3A_183, %dma_start3A_184, %dma_start3A_185] : memref<3x8x16x128xf32, #tpu.memory_space<vmem>> -> memref<1x8x16x128xf32, #tpu.memory_space<vmem>>
        %dma_start3A_187 = tpu.memref_squeeze %dma_start3A_186 : memref<1x8x16x128xf32, #tpu.memory_space<vmem>> -> memref<8x16x128xf32, #tpu.memory_space<vmem>>
        %dma_start3A_188 = arith.constant 0 : i32
        %dma_start3A_189 = arith.constant 0 : i32
        %dma_start3A_190 = tpu.memref_slice %dma_start3A_187[%dma_start3A_171, %dma_start3A_188, %dma_start3A_189] : memref<8x16x128xf32, #tpu.memory_space<vmem>> -> memref<1x16x128xf32, #tpu.memory_space<vmem>>
        %dma_start3A_191 = tpu.memref_squeeze %dma_start3A_190 : memref<1x16x128xf32, #tpu.memory_space<vmem>> -> memref<16x128xf32, #tpu.memory_space<vmem>>
        %dma_start3A_192 = arith.constant 0 : i32
        %dma_start3A_193 = tpu.memref_slice %arg2[%dma_start3A_192, %multiple_of3A_169] : memref<16x1000000xf32, #tpu.memory_space<hbm>> -> memref<16x128xf32, #tpu.memory_space<hbm>>
        tpu.enqueue_dma source(%dma_start3A_193 : memref<16x128xf32, #tpu.memory_space<hbm>>) target(%dma_start3A_191 : memref<16x128xf32, #tpu.memory_space<vmem>>) target_semaphore(%arg12 : memref<!tpu.dma_semaphore, #tpu.memory_space<semaphore_mem>>)
        %slice3A_194 = vector.extract_strided_slice %get3A_76 {offsets = [4], sizes = [1], strides = [1]} : vector<16xi32> to vector<1xi32>
        %squeeze3A_195 = vector.extract %slice3A_194[0] : i32 from vector<1xi32>
        %and3A_196 = arith.constant -128 : i32
        %and3A_197 = arith.andi %squeeze3A_195, %and3A_196 : i32
        %multiple_of3A_198 = tpu.assume_multiple %and3A_197, 128 : i32
        %dma_start3A_199 = arith.constant 0 : i32
        %dma_start3A_200 = arith.constant 4 : i32
        %dma_start3A_201 = arith.constant 0 : i32
        %dma_start3A_202 = arith.constant 0 : i32
        %dma_start3A_203 = arith.constant 0 : i32
        %dma_start3A_204 = tpu.memref_slice %arg9[%dma_start3A_199, %dma_start3A_201, %dma_start3A_202, %dma_start3A_203] : memref<3x8x16x128xf32, #tpu.memory_space<vmem>> -> memref<1x8x16x128xf32, #tpu.memory_space<vmem>>
        %dma_start3A_205 = tpu.memref_squeeze %dma_start3A_204 : memref<1x8x16x128xf32, #tpu.memory_space<vmem>> -> memref<8x16x128xf32, #tpu.memory_space<vmem>>
        %dma_start3A_206 = arith.constant 0 : i32
        %dma_start3A_207 = arith.constant 0 : i32
        %dma_start3A_208 = tpu.memref_slice %dma_start3A_205[%dma_start3A_200, %dma_start3A_206, %dma_start3A_207] : memref<8x16x128xf32, #tpu.memory_space<vmem>> -> memref<1x16x128xf32, #tpu.memory_space<vmem>>
        %dma_start3A_209 = tpu.memref_squeeze %dma_start3A_208 : memref<1x16x128xf32, #tpu.memory_space<vmem>> -> memref<16x128xf32, #tpu.memory_space<vmem>>
        %dma_start3A_210 = arith.constant 0 : i32
        %dma_start3A_211 = tpu.memref_slice %arg2[%dma_start3A_210, %multiple_of3A_198] : memref<16x1000000xf32, #tpu.memory_space<hbm>> -> memref<16x128xf32, #tpu.memory_space<hbm>>
        %dma_start3A_212 = arith.constant 0 : i32
        %dma_start3A_213 = arith.constant 0 : i32
        %dma_start3A_214 = arith.constant 0 : i32
        %dma_start3A_215 = tpu.memref_slice %arg9[%dma_start3A_199, %dma_start3A_212, %dma_start3A_213, %dma_start3A_214] : memref<3x8x16x128xf32, #tpu.memory_space<vmem>> -> memref<1x8x16x128xf32, #tpu.memory_space<vmem>>
        %dma_start3A_216 = tpu.memref_squeeze %dma_start3A_215 : memref<1x8x16x128xf32, #tpu.memory_space<vmem>> -> memref<8x16x128xf32, #tpu.memory_space<vmem>>
        %dma_start3A_217 = arith.constant 0 : i32
        %dma_start3A_218 = arith.constant 0 : i32
        %dma_start3A_219 = tpu.memref_slice %dma_start3A_216[%dma_start3A_200, %dma_start3A_217, %dma_start3A_218] : memref<8x16x128xf32, #tpu.memory_space<vmem>> -> memref<1x16x128xf32, #tpu.memory_space<vmem>>
        %dma_start3A_220 = tpu.memref_squeeze %dma_start3A_219 : memref<1x16x128xf32, #tpu.memory_space<vmem>> -> memref<16x128xf32, #tpu.memory_space<vmem>>
        %dma_start3A_221 = arith.constant 0 : i32
        %dma_start3A_222 = tpu.memref_slice %arg2[%dma_start3A_221, %multiple_of3A_198] : memref<16x1000000xf32, #tpu.memory_space<hbm>> -> memref<16x128xf32, #tpu.memory_space<hbm>>
        tpu.enqueue_dma source(%dma_start3A_222 : memref<16x128xf32, #tpu.memory_space<hbm>>) target(%dma_start3A_220 : memref<16x128xf32, #tpu.memory_space<vmem>>) target_semaphore(%arg12 : memref<!tpu.dma_semaphore, #tpu.memory_space<semaphore_mem>>)
        %slice3A_223 = vector.extract_strided_slice %get3A_76 {offsets = [5], sizes = [1], strides = [1]} : vector<16xi32> to vector<1xi32>
        %squeeze3A_224 = vector.extract %slice3A_223[0] : i32 from vector<1xi32>
        %and3A_225 = arith.constant -128 : i32
        %and3A_226 = arith.andi %squeeze3A_224, %and3A_225 : i32
        %multiple_of3A_227 = tpu.assume_multiple %and3A_226, 128 : i32
        %dma_start3A_228 = arith.constant 0 : i32
        %dma_start3A_229 = arith.constant 5 : i32
        %dma_start3A_230 = arith.constant 0 : i32
        %dma_start3A_231 = arith.constant 0 : i32
        %dma_start3A_232 = arith.constant 0 : i32
        %dma_start3A_233 = tpu.memref_slice %arg9[%dma_start3A_228, %dma_start3A_230, %dma_start3A_231, %dma_start3A_232] : memref<3x8x16x128xf32, #tpu.memory_space<vmem>> -> memref<1x8x16x128xf32, #tpu.memory_space<vmem>>
        %dma_start3A_234 = tpu.memref_squeeze %dma_start3A_233 : memref<1x8x16x128xf32, #tpu.memory_space<vmem>> -> memref<8x16x128xf32, #tpu.memory_space<vmem>>
        %dma_start3A_235 = arith.constant 0 : i32
        %dma_start3A_236 = arith.constant 0 : i32
        %dma_start3A_237 = tpu.memref_slice %dma_start3A_234[%dma_start3A_229, %dma_start3A_235, %dma_start3A_236] : memref<8x16x128xf32, #tpu.memory_space<vmem>> -> memref<1x16x128xf32, #tpu.memory_space<vmem>>
        %dma_start3A_238 = tpu.memref_squeeze %dma_start3A_237 : memref<1x16x128xf32, #tpu.memory_space<vmem>> -> memref<16x128xf32, #tpu.memory_space<vmem>>
        %dma_start3A_239 = arith.constant 0 : i32
        %dma_start3A_240 = tpu.memref_slice %arg2[%dma_start3A_239, %multiple_of3A_227] : memref<16x1000000xf32, #tpu.memory_space<hbm>> -> memref<16x128xf32, #tpu.memory_space<hbm>>
        %dma_start3A_241 = arith.constant 0 : i32
        %dma_start3A_242 = arith.constant 0 : i32
        %dma_start3A_243 = arith.constant 0 : i32
        %dma_start3A_244 = tpu.memref_slice %arg9[%dma_start3A_228, %dma_start3A_241, %dma_start3A_242, %dma_start3A_243] : memref<3x8x16x128xf32, #tpu.memory_space<vmem>> -> memref<1x8x16x128xf32, #tpu.memory_space<vmem>>
        %dma_start3A_245 = tpu.memref_squeeze %dma_start3A_244 : memref<1x8x16x128xf32, #tpu.memory_space<vmem>> -> memref<8x16x128xf32, #tpu.memory_space<vmem>>
        %dma_start3A_246 = arith.constant 0 : i32
        %dma_start3A_247 = arith.constant 0 : i32
        %dma_start3A_248 = tpu.memref_slice %dma_start3A_245[%dma_start3A_229, %dma_start3A_246, %dma_start3A_247] : memref<8x16x128xf32, #tpu.memory_space<vmem>> -> memref<1x16x128xf32, #tpu.memory_space<vmem>>
        %dma_start3A_249 = tpu.memref_squeeze %dma_start3A_248 : memref<1x16x128xf32, #tpu.memory_space<vmem>> -> memref<16x128xf32, #tpu.memory_space<vmem>>
        %dma_start3A_250 = arith.constant 0 : i32
        %dma_start3A_251 = tpu.memref_slice %arg2[%dma_start3A_250, %multiple_of3A_227] : memref<16x1000000xf32, #tpu.memory_space<hbm>> -> memref<16x128xf32, #tpu.memory_space<hbm>>
        tpu.enqueue_dma source(%dma_start3A_251 : memref<16x128xf32, #tpu.memory_space<hbm>>) target(%dma_start3A_249 : memref<16x128xf32, #tpu.memory_space<vmem>>) target_semaphore(%arg12 : memref<!tpu.dma_semaphore, #tpu.memory_space<semaphore_mem>>)
        %slice3A_252 = vector.extract_strided_slice %get3A_76 {offsets = [6], sizes = [1], strides = [1]} : vector<16xi32> to vector<1xi32>
        %squeeze3A_253 = vector.extract %slice3A_252[0] : i32 from vector<1xi32>
        %and3A_254 = arith.constant -128 : i32
        %and3A_255 = arith.andi %squeeze3A_253, %and3A_254 : i32
        %multiple_of3A_256 = tpu.assume_multiple %and3A_255, 128 : i32
        %dma_start3A_257 = arith.constant 0 : i32
        %dma_start3A_258 = arith.constant 6 : i32
        %dma_start3A_259 = arith.constant 0 : i32
        %dma_start3A_260 = arith.constant 0 : i32
        %dma_start3A_261 = arith.constant 0 : i32
        %dma_start3A_262 = tpu.memref_slice %arg9[%dma_start3A_257, %dma_start3A_259, %dma_start3A_260, %dma_start3A_261] : memref<3x8x16x128xf32, #tpu.memory_space<vmem>> -> memref<1x8x16x128xf32, #tpu.memory_space<vmem>>
        %dma_start3A_263 = tpu.memref_squeeze %dma_start3A_262 : memref<1x8x16x128xf32, #tpu.memory_space<vmem>> -> memref<8x16x128xf32, #tpu.memory_space<vmem>>
        %dma_start3A_264 = arith.constant 0 : i32
        %dma_start3A_265 = arith.constant 0 : i32
        %dma_start3A_266 = tpu.memref_slice %dma_start3A_263[%dma_start3A_258, %dma_start3A_264, %dma_start3A_265] : memref<8x16x128xf32, #tpu.memory_space<vmem>> -> memref<1x16x128xf32, #tpu.memory_space<vmem>>
        %dma_start3A_267 = tpu.memref_squeeze %dma_start3A_266 : memref<1x16x128xf32, #tpu.memory_space<vmem>> -> memref<16x128xf32, #tpu.memory_space<vmem>>
        %dma_start3A_268 = arith.constant 0 : i32
        %dma_start3A_269 = tpu.memref_slice %arg2[%dma_start3A_268, %multiple_of3A_256] : memref<16x1000000xf32, #tpu.memory_space<hbm>> -> memref<16x128xf32, #tpu.memory_space<hbm>>
        %dma_start3A_270 = arith.constant 0 : i32
        %dma_start3A_271 = arith.constant 0 : i32
        %dma_start3A_272 = arith.constant 0 : i32
        %dma_start3A_273 = tpu.memref_slice %arg9[%dma_start3A_257, %dma_start3A_270, %dma_start3A_271, %dma_start3A_272] : memref<3x8x16x128xf32, #tpu.memory_space<vmem>> -> memref<1x8x16x128xf32, #tpu.memory_space<vmem>>
        %dma_start3A_274 = tpu.memref_squeeze %dma_start3A_273 : memref<1x8x16x128xf32, #tpu.memory_space<vmem>> -> memref<8x16x128xf32, #tpu.memory_space<vmem>>
        %dma_start3A_275 = arith.constant 0 : i32
        %dma_start3A_276 = arith.constant 0 : i32
        %dma_start3A_277 = tpu.memref_slice %dma_start3A_274[%dma_start3A_258, %dma_start3A_275, %dma_start3A_276] : memref<8x16x128xf32, #tpu.memory_space<vmem>> -> memref<1x16x128xf32, #tpu.memory_space<vmem>>
        %dma_start3A_278 = tpu.memref_squeeze %dma_start3A_277 : memref<1x16x128xf32, #tpu.memory_space<vmem>> -> memref<16x128xf32, #tpu.memory_space<vmem>>
        %dma_start3A_279 = arith.constant 0 : i32
        %dma_start3A_280 = tpu.memref_slice %arg2[%dma_start3A_279, %multiple_of3A_256] : memref<16x1000000xf32, #tpu.memory_space<hbm>> -> memref<16x128xf32, #tpu.memory_space<hbm>>
        tpu.enqueue_dma source(%dma_start3A_280 : memref<16x128xf32, #tpu.memory_space<hbm>>) target(%dma_start3A_278 : memref<16x128xf32, #tpu.memory_space<vmem>>) target_semaphore(%arg12 : memref<!tpu.dma_semaphore, #tpu.memory_space<semaphore_mem>>)
        %slice3A_281 = vector.extract_strided_slice %get3A_76 {offsets = [7], sizes = [1], strides = [1]} : vector<16xi32> to vector<1xi32>
        %squeeze3A_282 = vector.extract %slice3A_281[0] : i32 from vector<1xi32>
        %and3A_283 = arith.constant -128 : i32
        %and3A_284 = arith.andi %squeeze3A_282, %and3A_283 : i32
        %multiple_of3A_285 = tpu.assume_multiple %and3A_284, 128 : i32
        %dma_start3A_286 = arith.constant 0 : i32
        %dma_start3A_287 = arith.constant 7 : i32
        %dma_start3A_288 = arith.constant 0 : i32
        %dma_start3A_289 = arith.constant 0 : i32
        %dma_start3A_290 = arith.constant 0 : i32
        %dma_start3A_291 = tpu.memref_slice %arg9[%dma_start3A_286, %dma_start3A_288, %dma_start3A_289, %dma_start3A_290] : memref<3x8x16x128xf32, #tpu.memory_space<vmem>> -> memref<1x8x16x128xf32, #tpu.memory_space<vmem>>
        %dma_start3A_292 = tpu.memref_squeeze %dma_start3A_291 : memref<1x8x16x128xf32, #tpu.memory_space<vmem>> -> memref<8x16x128xf32, #tpu.memory_space<vmem>>
        %dma_start3A_293 = arith.constant 0 : i32
        %dma_start3A_294 = arith.constant 0 : i32
        %dma_start3A_295 = tpu.memref_slice %dma_start3A_292[%dma_start3A_287, %dma_start3A_293, %dma_start3A_294] : memref<8x16x128xf32, #tpu.memory_space<vmem>> -> memref<1x16x128xf32, #tpu.memory_space<vmem>>
        %dma_start3A_296 = tpu.memref_squeeze %dma_start3A_295 : memref<1x16x128xf32, #tpu.memory_space<vmem>> -> memref<16x128xf32, #tpu.memory_space<vmem>>
        %dma_start3A_297 = arith.constant 0 : i32
        %dma_start3A_298 = tpu.memref_slice %arg2[%dma_start3A_297, %multiple_of3A_285] : memref<16x1000000xf32, #tpu.memory_space<hbm>> -> memref<16x128xf32, #tpu.memory_space<hbm>>
        %dma_start3A_299 = arith.constant 0 : i32
        %dma_start3A_300 = arith.constant 0 : i32
        %dma_start3A_301 = arith.constant 0 : i32
        %dma_start3A_302 = tpu.memref_slice %arg9[%dma_start3A_286, %dma_start3A_299, %dma_start3A_300, %dma_start3A_301] : memref<3x8x16x128xf32, #tpu.memory_space<vmem>> -> memref<1x8x16x128xf32, #tpu.memory_space<vmem>>
        %dma_start3A_303 = tpu.memref_squeeze %dma_start3A_302 : memref<1x8x16x128xf32, #tpu.memory_space<vmem>> -> memref<8x16x128xf32, #tpu.memory_space<vmem>>
        %dma_start3A_304 = arith.constant 0 : i32
        %dma_start3A_305 = arith.constant 0 : i32
        %dma_start3A_306 = tpu.memref_slice %dma_start3A_303[%dma_start3A_287, %dma_start3A_304, %dma_start3A_305] : memref<8x16x128xf32, #tpu.memory_space<vmem>> -> memref<1x16x128xf32, #tpu.memory_space<vmem>>
        %dma_start3A_307 = tpu.memref_squeeze %dma_start3A_306 : memref<1x16x128xf32, #tpu.memory_space<vmem>> -> memref<16x128xf32, #tpu.memory_space<vmem>>
        %dma_start3A_308 = arith.constant 0 : i32
        %dma_start3A_309 = tpu.memref_slice %arg2[%dma_start3A_308, %multiple_of3A_285] : memref<16x1000000xf32, #tpu.memory_space<hbm>> -> memref<16x128xf32, #tpu.memory_space<hbm>>
        tpu.enqueue_dma source(%dma_start3A_309 : memref<16x128xf32, #tpu.memory_space<hbm>>) target(%dma_start3A_307 : memref<16x128xf32, #tpu.memory_space<vmem>>) target_semaphore(%arg12 : memref<!tpu.dma_semaphore, #tpu.memory_space<semaphore_mem>>)
        %slice3A_310 = vector.extract_strided_slice %get3A_80 {offsets = [0], sizes = [1], strides = [1]} : vector<16xi32> to vector<1xi32>
        %squeeze3A_311 = vector.extract %slice3A_310[0] : i32 from vector<1xi32>
        %and3A_312 = arith.constant -128 : i32
        %and3A_313 = arith.andi %squeeze3A_311, %and3A_312 : i32
        %multiple_of3A_314 = tpu.assume_multiple %and3A_313, 128 : i32
        %dma_start3A_315 = arith.constant 0 : i32
        %dma_start3A_316 = arith.constant 0 : i32
        %dma_start3A_317 = arith.constant 0 : i32
        %dma_start3A_318 = arith.constant 0 : i32
        %dma_start3A_319 = arith.constant 0 : i32
        %dma_start3A_320 = tpu.memref_slice %arg10[%dma_start3A_315, %dma_start3A_317, %dma_start3A_318, %dma_start3A_319] : memref<3x8x16x128xf32, #tpu.memory_space<vmem>> -> memref<1x8x16x128xf32, #tpu.memory_space<vmem>>
        %dma_start3A_321 = tpu.memref_squeeze %dma_start3A_320 : memref<1x8x16x128xf32, #tpu.memory_space<vmem>> -> memref<8x16x128xf32, #tpu.memory_space<vmem>>
        %dma_start3A_322 = arith.constant 0 : i32
        %dma_start3A_323 = arith.constant 0 : i32
        %dma_start3A_324 = tpu.memref_slice %dma_start3A_321[%dma_start3A_316, %dma_start3A_322, %dma_start3A_323] : memref<8x16x128xf32, #tpu.memory_space<vmem>> -> memref<1x16x128xf32, #tpu.memory_space<vmem>>
        %dma_start3A_325 = tpu.memref_squeeze %dma_start3A_324 : memref<1x16x128xf32, #tpu.memory_space<vmem>> -> memref<16x128xf32, #tpu.memory_space<vmem>>
        %dma_start3A_326 = arith.constant 0 : i32
        %dma_start3A_327 = tpu.memref_slice %arg3[%dma_start3A_326, %multiple_of3A_314] : memref<16x1000000xf32, #tpu.memory_space<hbm>> -> memref<16x128xf32, #tpu.memory_space<hbm>>
        %dma_start3A_328 = arith.constant 0 : i32
        %dma_start3A_329 = arith.constant 0 : i32
        %dma_start3A_330 = arith.constant 0 : i32
        %dma_start3A_331 = tpu.memref_slice %arg10[%dma_start3A_315, %dma_start3A_328, %dma_start3A_329, %dma_start3A_330] : memref<3x8x16x128xf32, #tpu.memory_space<vmem>> -> memref<1x8x16x128xf32, #tpu.memory_space<vmem>>
        %dma_start3A_332 = tpu.memref_squeeze %dma_start3A_331 : memref<1x8x16x128xf32, #tpu.memory_space<vmem>> -> memref<8x16x128xf32, #tpu.memory_space<vmem>>
        %dma_start3A_333 = arith.constant 0 : i32
        %dma_start3A_334 = arith.constant 0 : i32
        %dma_start3A_335 = tpu.memref_slice %dma_start3A_332[%dma_start3A_316, %dma_start3A_333, %dma_start3A_334] : memref<8x16x128xf32, #tpu.memory_space<vmem>> -> memref<1x16x128xf32, #tpu.memory_space<vmem>>
        %dma_start3A_336 = tpu.memref_squeeze %dma_start3A_335 : memref<1x16x128xf32, #tpu.memory_space<vmem>> -> memref<16x128xf32, #tpu.memory_space<vmem>>
        %dma_start3A_337 = arith.constant 0 : i32
        %dma_start3A_338 = tpu.memref_slice %arg3[%dma_start3A_337, %multiple_of3A_314] : memref<16x1000000xf32, #tpu.memory_space<hbm>> -> memref<16x128xf32, #tpu.memory_space<hbm>>
        tpu.enqueue_dma source(%dma_start3A_338 : memref<16x128xf32, #tpu.memory_space<hbm>>) target(%dma_start3A_336 : memref<16x128xf32, #tpu.memory_space<vmem>>) target_semaphore(%arg12 : memref<!tpu.dma_semaphore, #tpu.memory_space<semaphore_mem>>)
        %slice3A_339 = vector.extract_strided_slice %get3A_80 {offsets = [1], sizes = [1], strides = [1]} : vector<16xi32> to vector<1xi32>
        %squeeze3A_340 = vector.extract %slice3A_339[0] : i32 from vector<1xi32>
        %and3A_341 = arith.constant -128 : i32
        %and3A_342 = arith.andi %squeeze3A_340, %and3A_341 : i32
        %multiple_of3A_343 = tpu.assume_multiple %and3A_342, 128 : i32
        %dma_start3A_344 = arith.constant 0 : i32
        %dma_start3A_345 = arith.constant 1 : i32
        %dma_start3A_346 = arith.constant 0 : i32
        %dma_start3A_347 = arith.constant 0 : i32
        %dma_start3A_348 = arith.constant 0 : i32
        %dma_start3A_349 = tpu.memref_slice %arg10[%dma_start3A_344, %dma_start3A_346, %dma_start3A_347, %dma_start3A_348] : memref<3x8x16x128xf32, #tpu.memory_space<vmem>> -> memref<1x8x16x128xf32, #tpu.memory_space<vmem>>
        %dma_start3A_350 = tpu.memref_squeeze %dma_start3A_349 : memref<1x8x16x128xf32, #tpu.memory_space<vmem>> -> memref<8x16x128xf32, #tpu.memory_space<vmem>>
        %dma_start3A_351 = arith.constant 0 : i32
        %dma_start3A_352 = arith.constant 0 : i32
        %dma_start3A_353 = tpu.memref_slice %dma_start3A_350[%dma_start3A_345, %dma_start3A_351, %dma_start3A_352] : memref<8x16x128xf32, #tpu.memory_space<vmem>> -> memref<1x16x128xf32, #tpu.memory_space<vmem>>
        %dma_start3A_354 = tpu.memref_squeeze %dma_start3A_353 : memref<1x16x128xf32, #tpu.memory_space<vmem>> -> memref<16x128xf32, #tpu.memory_space<vmem>>
        %dma_start3A_355 = arith.constant 0 : i32
        %dma_start3A_356 = tpu.memref_slice %arg3[%dma_start3A_355, %multiple_of3A_343] : memref<16x1000000xf32, #tpu.memory_space<hbm>> -> memref<16x128xf32, #tpu.memory_space<hbm>>
        %dma_start3A_357 = arith.constant 0 : i32
        %dma_start3A_358 = arith.constant 0 : i32
        %dma_start3A_359 = arith.constant 0 : i32
        %dma_start3A_360 = tpu.memref_slice %arg10[%dma_start3A_344, %dma_start3A_357, %dma_start3A_358, %dma_start3A_359] : memref<3x8x16x128xf32, #tpu.memory_space<vmem>> -> memref<1x8x16x128xf32, #tpu.memory_space<vmem>>
        %dma_start3A_361 = tpu.memref_squeeze %dma_start3A_360 : memref<1x8x16x128xf32, #tpu.memory_space<vmem>> -> memref<8x16x128xf32, #tpu.memory_space<vmem>>
        %dma_start3A_362 = arith.constant 0 : i32
        %dma_start3A_363 = arith.constant 0 : i32
        %dma_start3A_364 = tpu.memref_slice %dma_start3A_361[%dma_start3A_345, %dma_start3A_362, %dma_start3A_363] : memref<8x16x128xf32, #tpu.memory_space<vmem>> -> memref<1x16x128xf32, #tpu.memory_space<vmem>>
        %dma_start3A_365 = tpu.memref_squeeze %dma_start3A_364 : memref<1x16x128xf32, #tpu.memory_space<vmem>> -> memref<16x128xf32, #tpu.memory_space<vmem>>
        %dma_start3A_366 = arith.constant 0 : i32
        %dma_start3A_367 = tpu.memref_slice %arg3[%dma_start3A_366, %multiple_of3A_343] : memref<16x1000000xf32, #tpu.memory_space<hbm>> -> memref<16x128xf32, #tpu.memory_space<hbm>>
        tpu.enqueue_dma source(%dma_start3A_367 : memref<16x128xf32, #tpu.memory_space<hbm>>) target(%dma_start3A_365 : memref<16x128xf32, #tpu.memory_space<vmem>>) target_semaphore(%arg12 : memref<!tpu.dma_semaphore, #tpu.memory_space<semaphore_mem>>)
        %slice3A_368 = vector.extract_strided_slice %get3A_80 {offsets = [2], sizes = [1], strides = [1]} : vector<16xi32> to vector<1xi32>
        %squeeze3A_369 = vector.extract %slice3A_368[0] : i32 from vector<1xi32>
        %and3A_370 = arith.constant -128 : i32
        %and3A_371 = arith.andi %squeeze3A_369, %and3A_370 : i32
        %multiple_of3A_372 = tpu.assume_multiple %and3A_371, 128 : i32
        %dma_start3A_373 = arith.constant 0 : i32
        %dma_start3A_374 = arith.constant 2 : i32
        %dma_start3A_375 = arith.constant 0 : i32
        %dma_start3A_376 = arith.constant 0 : i32
        %dma_start3A_377 = arith.constant 0 : i32
        %dma_start3A_378 = tpu.memref_slice %arg10[%dma_start3A_373, %dma_start3A_375, %dma_start3A_376, %dma_start3A_377] : memref<3x8x16x128xf32, #tpu.memory_space<vmem>> -> memref<1x8x16x128xf32, #tpu.memory_space<vmem>>
        %dma_start3A_379 = tpu.memref_squeeze %dma_start3A_378 : memref<1x8x16x128xf32, #tpu.memory_space<vmem>> -> memref<8x16x128xf32, #tpu.memory_space<vmem>>
        %dma_start3A_380 = arith.constant 0 : i32
        %dma_start3A_381 = arith.constant 0 : i32
        %dma_start3A_382 = tpu.memref_slice %dma_start3A_379[%dma_start3A_374, %dma_start3A_380, %dma_start3A_381] : memref<8x16x128xf32, #tpu.memory_space<vmem>> -> memref<1x16x128xf32, #tpu.memory_space<vmem>>
        %dma_start3A_383 = tpu.memref_squeeze %dma_start3A_382 : memref<1x16x128xf32, #tpu.memory_space<vmem>> -> memref<16x128xf32, #tpu.memory_space<vmem>>
        %dma_start3A_384 = arith.constant 0 : i32
        %dma_start3A_385 = tpu.memref_slice %arg3[%dma_start3A_384, %multiple_of3A_372] : memref<16x1000000xf32, #tpu.memory_space<hbm>> -> memref<16x128xf32, #tpu.memory_space<hbm>>
        %dma_start3A_386 = arith.constant 0 : i32
        %dma_start3A_387 = arith.constant 0 : i32
        %dma_start3A_388 = arith.constant 0 : i32
        %dma_start3A_389 = tpu.memref_slice %arg10[%dma_start3A_373, %dma_start3A_386, %dma_start3A_387, %dma_start3A_388] : memref<3x8x16x128xf32, #tpu.memory_space<vmem>> -> memref<1x8x16x128xf32, #tpu.memory_space<vmem>>
        %dma_start3A_390 = tpu.memref_squeeze %dma_start3A_389 : memref<1x8x16x128xf32, #tpu.memory_space<vmem>> -> memref<8x16x128xf32, #tpu.memory_space<vmem>>
        %dma_start3A_391 = arith.constant 0 : i32
        %dma_start3A_392 = arith.constant 0 : i32
        %dma_start3A_393 = tpu.memref_slice %dma_start3A_390[%dma_start3A_374, %dma_start3A_391, %dma_start3A_392] : memref<8x16x128xf32, #tpu.memory_space<vmem>> -> memref<1x16x128xf32, #tpu.memory_space<vmem>>
        %dma_start3A_394 = tpu.memref_squeeze %dma_start3A_393 : memref<1x16x128xf32, #tpu.memory_space<vmem>> -> memref<16x128xf32, #tpu.memory_space<vmem>>
        %dma_start3A_395 = arith.constant 0 : i32
        %dma_start3A_396 = tpu.memref_slice %arg3[%dma_start3A_395, %multiple_of3A_372] : memref<16x1000000xf32, #tpu.memory_space<hbm>> -> memref<16x128xf32, #tpu.memory_space<hbm>>
        tpu.enqueue_dma source(%dma_start3A_396 : memref<16x128xf32, #tpu.memory_space<hbm>>) target(%dma_start3A_394 : memref<16x128xf32, #tpu.memory_space<vmem>>) target_semaphore(%arg12 : memref<!tpu.dma_semaphore, #tpu.memory_space<semaphore_mem>>)
        %slice3A_397 = vector.extract_strided_slice %get3A_80 {offsets = [3], sizes = [1], strides = [1]} : vector<16xi32> to vector<1xi32>
        %squeeze3A_398 = vector.extract %slice3A_397[0] : i32 from vector<1xi32>
        %and3A_399 = arith.constant -128 : i32
        %and3A_400 = arith.andi %squeeze3A_398, %and3A_399 : i32
        %multiple_of3A_401 = tpu.assume_multiple %and3A_400, 128 : i32
        %dma_start3A_402 = arith.constant 0 : i32
        %dma_start3A_403 = arith.constant 3 : i32
        %dma_start3A_404 = arith.constant 0 : i32
        %dma_start3A_405 = arith.constant 0 : i32
        %dma_start3A_406 = arith.constant 0 : i32
        %dma_start3A_407 = tpu.memref_slice %arg10[%dma_start3A_402, %dma_start3A_404, %dma_start3A_405, %dma_start3A_406] : memref<3x8x16x128xf32, #tpu.memory_space<vmem>> -> memref<1x8x16x128xf32, #tpu.memory_space<vmem>>
        %dma_start3A_408 = tpu.memref_squeeze %dma_start3A_407 : memref<1x8x16x128xf32, #tpu.memory_space<vmem>> -> memref<8x16x128xf32, #tpu.memory_space<vmem>>
        %dma_start3A_409 = arith.constant 0 : i32
        %dma_start3A_410 = arith.constant 0 : i32
        %dma_start3A_411 = tpu.memref_slice %dma_start3A_408[%dma_start3A_403, %dma_start3A_409, %dma_start3A_410] : memref<8x16x128xf32, #tpu.memory_space<vmem>> -> memref<1x16x128xf32, #tpu.memory_space<vmem>>
        %dma_start3A_412 = tpu.memref_squeeze %dma_start3A_411 : memref<1x16x128xf32, #tpu.memory_space<vmem>> -> memref<16x128xf32, #tpu.memory_space<vmem>>
        %dma_start3A_413 = arith.constant 0 : i32
        %dma_start3A_414 = tpu.memref_slice %arg3[%dma_start3A_413, %multiple_of3A_401] : memref<16x1000000xf32, #tpu.memory_space<hbm>> -> memref<16x128xf32, #tpu.memory_space<hbm>>
        %dma_start3A_415 = arith.constant 0 : i32
        %dma_start3A_416 = arith.constant 0 : i32
        %dma_start3A_417 = arith.constant 0 : i32
        %dma_start3A_418 = tpu.memref_slice %arg10[%dma_start3A_402, %dma_start3A_415, %dma_start3A_416, %dma_start3A_417] : memref<3x8x16x128xf32, #tpu.memory_space<vmem>> -> memref<1x8x16x128xf32, #tpu.memory_space<vmem>>
        %dma_start3A_419 = tpu.memref_squeeze %dma_start3A_418 : memref<1x8x16x128xf32, #tpu.memory_space<vmem>> -> memref<8x16x128xf32, #tpu.memory_space<vmem>>
        %dma_start3A_420 = arith.constant 0 : i32
        %dma_start3A_421 = arith.constant 0 : i32
        %dma_start3A_422 = tpu.memref_slice %dma_start3A_419[%dma_start3A_403, %dma_start3A_420, %dma_start3A_421] : memref<8x16x128xf32, #tpu.memory_space<vmem>> -> memref<1x16x128xf32, #tpu.memory_space<vmem>>
        %dma_start3A_423 = tpu.memref_squeeze %dma_start3A_422 : memref<1x16x128xf32, #tpu.memory_space<vmem>> -> memref<16x128xf32, #tpu.memory_space<vmem>>
        %dma_start3A_424 = arith.constant 0 : i32
        %dma_start3A_425 = tpu.memref_slice %arg3[%dma_start3A_424, %multiple_of3A_401] : memref<16x1000000xf32, #tpu.memory_space<hbm>> -> memref<16x128xf32, #tpu.memory_space<hbm>>
        tpu.enqueue_dma source(%dma_start3A_425 : memref<16x128xf32, #tpu.memory_space<hbm>>) target(%dma_start3A_423 : memref<16x128xf32, #tpu.memory_space<vmem>>) target_semaphore(%arg12 : memref<!tpu.dma_semaphore, #tpu.memory_space<semaphore_mem>>)
        %slice3A_426 = vector.extract_strided_slice %get3A_80 {offsets = [4], sizes = [1], strides = [1]} : vector<16xi32> to vector<1xi32>
        %squeeze3A_427 = vector.extract %slice3A_426[0] : i32 from vector<1xi32>
        %and3A_428 = arith.constant -128 : i32
        %and3A_429 = arith.andi %squeeze3A_427, %and3A_428 : i32
        %multiple_of3A_430 = tpu.assume_multiple %and3A_429, 128 : i32
        %dma_start3A_431 = arith.constant 0 : i32
        %dma_start3A_432 = arith.constant 4 : i32
        %dma_start3A_433 = arith.constant 0 : i32
        %dma_start3A_434 = arith.constant 0 : i32
        %dma_start3A_435 = arith.constant 0 : i32
        %dma_start3A_436 = tpu.memref_slice %arg10[%dma_start3A_431, %dma_start3A_433, %dma_start3A_434, %dma_start3A_435] : memref<3x8x16x128xf32, #tpu.memory_space<vmem>> -> memref<1x8x16x128xf32, #tpu.memory_space<vmem>>
        %dma_start3A_437 = tpu.memref_squeeze %dma_start3A_436 : memref<1x8x16x128xf32, #tpu.memory_space<vmem>> -> memref<8x16x128xf32, #tpu.memory_space<vmem>>
        %dma_start3A_438 = arith.constant 0 : i32
        %dma_start3A_439 = arith.constant 0 : i32
        %dma_start3A_440 = tpu.memref_slice %dma_start3A_437[%dma_start3A_432, %dma_start3A_438, %dma_start3A_439] : memref<8x16x128xf32, #tpu.memory_space<vmem>> -> memref<1x16x128xf32, #tpu.memory_space<vmem>>
        %dma_start3A_441 = tpu.memref_squeeze %dma_start3A_440 : memref<1x16x128xf32, #tpu.memory_space<vmem>> -> memref<16x128xf32, #tpu.memory_space<vmem>>
        %dma_start3A_442 = arith.constant 0 : i32
        %dma_start3A_443 = tpu.memref_slice %arg3[%dma_start3A_442, %multiple_of3A_430] : memref<16x1000000xf32, #tpu.memory_space<hbm>> -> memref<16x128xf32, #tpu.memory_space<hbm>>
        %dma_start3A_444 = arith.constant 0 : i32
        %dma_start3A_445 = arith.constant 0 : i32
        %dma_start3A_446 = arith.constant 0 : i32
        %dma_start3A_447 = tpu.memref_slice %arg10[%dma_start3A_431, %dma_start3A_444, %dma_start3A_445, %dma_start3A_446] : memref<3x8x16x128xf32, #tpu.memory_space<vmem>> -> memref<1x8x16x128xf32, #tpu.memory_space<vmem>>
        %dma_start3A_448 = tpu.memref_squeeze %dma_start3A_447 : memref<1x8x16x128xf32, #tpu.memory_space<vmem>> -> memref<8x16x128xf32, #tpu.memory_space<vmem>>
        %dma_start3A_449 = arith.constant 0 : i32
        %dma_start3A_450 = arith.constant 0 : i32
        %dma_start3A_451 = tpu.memref_slice %dma_start3A_448[%dma_start3A_432, %dma_start3A_449, %dma_start3A_450] : memref<8x16x128xf32, #tpu.memory_space<vmem>> -> memref<1x16x128xf32, #tpu.memory_space<vmem>>
        %dma_start3A_452 = tpu.memref_squeeze %dma_start3A_451 : memref<1x16x128xf32, #tpu.memory_space<vmem>> -> memref<16x128xf32, #tpu.memory_space<vmem>>
        %dma_start3A_453 = arith.constant 0 : i32
        %dma_start3A_454 = tpu.memref_slice %arg3[%dma_start3A_453, %multiple_of3A_430] : memref<16x1000000xf32, #tpu.memory_space<hbm>> -> memref<16x128xf32, #tpu.memory_space<hbm>>
        tpu.enqueue_dma source(%dma_start3A_454 : memref<16x128xf32, #tpu.memory_space<hbm>>) target(%dma_start3A_452 : memref<16x128xf32, #tpu.memory_space<vmem>>) target_semaphore(%arg12 : memref<!tpu.dma_semaphore, #tpu.memory_space<semaphore_mem>>)
        %slice3A_455 = vector.extract_strided_slice %get3A_80 {offsets = [5], sizes = [1], strides = [1]} : vector<16xi32> to vector<1xi32>
        %squeeze3A_456 = vector.extract %slice3A_455[0] : i32 from vector<1xi32>
        %and3A_457 = arith.constant -128 : i32
        %and3A_458 = arith.andi %squeeze3A_456, %and3A_457 : i32
        %multiple_of3A_459 = tpu.assume_multiple %and3A_458, 128 : i32
        %dma_start3A_460 = arith.constant 0 : i32
        %dma_start3A_461 = arith.constant 5 : i32
        %dma_start3A_462 = arith.constant 0 : i32
        %dma_start3A_463 = arith.constant 0 : i32
        %dma_start3A_464 = arith.constant 0 : i32
        %dma_start3A_465 = tpu.memref_slice %arg10[%dma_start3A_460, %dma_start3A_462, %dma_start3A_463, %dma_start3A_464] : memref<3x8x16x128xf32, #tpu.memory_space<vmem>> -> memref<1x8x16x128xf32, #tpu.memory_space<vmem>>
        %dma_start3A_466 = tpu.memref_squeeze %dma_start3A_465 : memref<1x8x16x128xf32, #tpu.memory_space<vmem>> -> memref<8x16x128xf32, #tpu.memory_space<vmem>>
        %dma_start3A_467 = arith.constant 0 : i32
        %dma_start3A_468 = arith.constant 0 : i32
        %dma_start3A_469 = tpu.memref_slice %dma_start3A_466[%dma_start3A_461, %dma_start3A_467, %dma_start3A_468] : memref<8x16x128xf32, #tpu.memory_space<vmem>> -> memref<1x16x128xf32, #tpu.memory_space<vmem>>
        %dma_start3A_470 = tpu.memref_squeeze %dma_start3A_469 : memref<1x16x128xf32, #tpu.memory_space<vmem>> -> memref<16x128xf32, #tpu.memory_space<vmem>>
        %dma_start3A_471 = arith.constant 0 : i32
        %dma_start3A_472 = tpu.memref_slice %arg3[%dma_start3A_471, %multiple_of3A_459] : memref<16x1000000xf32, #tpu.memory_space<hbm>> -> memref<16x128xf32, #tpu.memory_space<hbm>>
        %dma_start3A_473 = arith.constant 0 : i32
        %dma_start3A_474 = arith.constant 0 : i32
        %dma_start3A_475 = arith.constant 0 : i32
        %dma_start3A_476 = tpu.memref_slice %arg10[%dma_start3A_460, %dma_start3A_473, %dma_start3A_474, %dma_start3A_475] : memref<3x8x16x128xf32, #tpu.memory_space<vmem>> -> memref<1x8x16x128xf32, #tpu.memory_space<vmem>>
        %dma_start3A_477 = tpu.memref_squeeze %dma_start3A_476 : memref<1x8x16x128xf32, #tpu.memory_space<vmem>> -> memref<8x16x128xf32, #tpu.memory_space<vmem>>
        %dma_start3A_478 = arith.constant 0 : i32
        %dma_start3A_479 = arith.constant 0 : i32
        %dma_start3A_480 = tpu.memref_slice %dma_start3A_477[%dma_start3A_461, %dma_start3A_478, %dma_start3A_479] : memref<8x16x128xf32, #tpu.memory_space<vmem>> -> memref<1x16x128xf32, #tpu.memory_space<vmem>>
        %dma_start3A_481 = tpu.memref_squeeze %dma_start3A_480 : memref<1x16x128xf32, #tpu.memory_space<vmem>> -> memref<16x128xf32, #tpu.memory_space<vmem>>
        %dma_start3A_482 = arith.constant 0 : i32
        %dma_start3A_483 = tpu.memref_slice %arg3[%dma_start3A_482, %multiple_of3A_459] : memref<16x1000000xf32, #tpu.memory_space<hbm>> -> memref<16x128xf32, #tpu.memory_space<hbm>>
        tpu.enqueue_dma source(%dma_start3A_483 : memref<16x128xf32, #tpu.memory_space<hbm>>) target(%dma_start3A_481 : memref<16x128xf32, #tpu.memory_space<vmem>>) target_semaphore(%arg12 : memref<!tpu.dma_semaphore, #tpu.memory_space<semaphore_mem>>)
        %slice3A_484 = vector.extract_strided_slice %get3A_80 {offsets = [6], sizes = [1], strides = [1]} : vector<16xi32> to vector<1xi32>
        %squeeze3A_485 = vector.extract %slice3A_484[0] : i32 from vector<1xi32>
        %and3A_486 = arith.constant -128 : i32
        %and3A_487 = arith.andi %squeeze3A_485, %and3A_486 : i32
        %multiple_of3A_488 = tpu.assume_multiple %and3A_487, 128 : i32
        %dma_start3A_489 = arith.constant 0 : i32
        %dma_start3A_490 = arith.constant 6 : i32
        %dma_start3A_491 = arith.constant 0 : i32
        %dma_start3A_492 = arith.constant 0 : i32
        %dma_start3A_493 = arith.constant 0 : i32
        %dma_start3A_494 = tpu.memref_slice %arg10[%dma_start3A_489, %dma_start3A_491, %dma_start3A_492, %dma_start3A_493] : memref<3x8x16x128xf32, #tpu.memory_space<vmem>> -> memref<1x8x16x128xf32, #tpu.memory_space<vmem>>
        %dma_start3A_495 = tpu.memref_squeeze %dma_start3A_494 : memref<1x8x16x128xf32, #tpu.memory_space<vmem>> -> memref<8x16x128xf32, #tpu.memory_space<vmem>>
        %dma_start3A_496 = arith.constant 0 : i32
        %dma_start3A_497 = arith.constant 0 : i32
        %dma_start3A_498 = tpu.memref_slice %dma_start3A_495[%dma_start3A_490, %dma_start3A_496, %dma_start3A_497] : memref<8x16x128xf32, #tpu.memory_space<vmem>> -> memref<1x16x128xf32, #tpu.memory_space<vmem>>
        %dma_start3A_499 = tpu.memref_squeeze %dma_start3A_498 : memref<1x16x128xf32, #tpu.memory_space<vmem>> -> memref<16x128xf32, #tpu.memory_space<vmem>>
        %dma_start3A_500 = arith.constant 0 : i32
        %dma_start3A_501 = tpu.memref_slice %arg3[%dma_start3A_500, %multiple_of3A_488] : memref<16x1000000xf32, #tpu.memory_space<hbm>> -> memref<16x128xf32, #tpu.memory_space<hbm>>
        %dma_start3A_502 = arith.constant 0 : i32
        %dma_start3A_503 = arith.constant 0 : i32
        %dma_start3A_504 = arith.constant 0 : i32
        %dma_start3A_505 = tpu.memref_slice %arg10[%dma_start3A_489, %dma_start3A_502, %dma_start3A_503, %dma_start3A_504] : memref<3x8x16x128xf32, #tpu.memory_space<vmem>> -> memref<1x8x16x128xf32, #tpu.memory_space<vmem>>
        %dma_start3A_506 = tpu.memref_squeeze %dma_start3A_505 : memref<1x8x16x128xf32, #tpu.memory_space<vmem>> -> memref<8x16x128xf32, #tpu.memory_space<vmem>>
        %dma_start3A_507 = arith.constant 0 : i32
        %dma_start3A_508 = arith.constant 0 : i32
        %dma_start3A_509 = tpu.memref_slice %dma_start3A_506[%dma_start3A_490, %dma_start3A_507, %dma_start3A_508] : memref<8x16x128xf32, #tpu.memory_space<vmem>> -> memref<1x16x128xf32, #tpu.memory_space<vmem>>
        %dma_start3A_510 = tpu.memref_squeeze %dma_start3A_509 : memref<1x16x128xf32, #tpu.memory_space<vmem>> -> memref<16x128xf32, #tpu.memory_space<vmem>>
        %dma_start3A_511 = arith.constant 0 : i32
        %dma_start3A_512 = tpu.memref_slice %arg3[%dma_start3A_511, %multiple_of3A_488] : memref<16x1000000xf32, #tpu.memory_space<hbm>> -> memref<16x128xf32, #tpu.memory_space<hbm>>
        tpu.enqueue_dma source(%dma_start3A_512 : memref<16x128xf32, #tpu.memory_space<hbm>>) target(%dma_start3A_510 : memref<16x128xf32, #tpu.memory_space<vmem>>) target_semaphore(%arg12 : memref<!tpu.dma_semaphore, #tpu.memory_space<semaphore_mem>>)
        %slice3A_513 = vector.extract_strided_slice %get3A_80 {offsets = [7], sizes = [1], strides = [1]} : vector<16xi32> to vector<1xi32>
        %squeeze3A_514 = vector.extract %slice3A_513[0] : i32 from vector<1xi32>
        %and3A_515 = arith.constant -128 : i32
        %and3A_516 = arith.andi %squeeze3A_514, %and3A_515 : i32
        %multiple_of3A_517 = tpu.assume_multiple %and3A_516, 128 : i32
        %dma_start3A_518 = arith.constant 0 : i32
        %dma_start3A_519 = arith.constant 7 : i32
        %dma_start3A_520 = arith.constant 0 : i32
        %dma_start3A_521 = arith.constant 0 : i32
        %dma_start3A_522 = arith.constant 0 : i32
        %dma_start3A_523 = tpu.memref_slice %arg10[%dma_start3A_518, %dma_start3A_520, %dma_start3A_521, %dma_start3A_522] : memref<3x8x16x128xf32, #tpu.memory_space<vmem>> -> memref<1x8x16x128xf32, #tpu.memory_space<vmem>>
        %dma_start3A_524 = tpu.memref_squeeze %dma_start3A_523 : memref<1x8x16x128xf32, #tpu.memory_space<vmem>> -> memref<8x16x128xf32, #tpu.memory_space<vmem>>
        %dma_start3A_525 = arith.constant 0 : i32
        %dma_start3A_526 = arith.constant 0 : i32
        %dma_start3A_527 = tpu.memref_slice %dma_start3A_524[%dma_start3A_519, %dma_start3A_525, %dma_start3A_526] : memref<8x16x128xf32, #tpu.memory_space<vmem>> -> memref<1x16x128xf32, #tpu.memory_space<vmem>>
        %dma_start3A_528 = tpu.memref_squeeze %dma_start3A_527 : memref<1x16x128xf32, #tpu.memory_space<vmem>> -> memref<16x128xf32, #tpu.memory_space<vmem>>
        %dma_start3A_529 = arith.constant 0 : i32
        %dma_start3A_530 = tpu.memref_slice %arg3[%dma_start3A_529, %multiple_of3A_517] : memref<16x1000000xf32, #tpu.memory_space<hbm>> -> memref<16x128xf32, #tpu.memory_space<hbm>>
        %dma_start3A_531 = arith.constant 0 : i32
        %dma_start3A_532 = arith.constant 0 : i32
        %dma_start3A_533 = arith.constant 0 : i32
        %dma_start3A_534 = tpu.memref_slice %arg10[%dma_start3A_518, %dma_start3A_531, %dma_start3A_532, %dma_start3A_533] : memref<3x8x16x128xf32, #tpu.memory_space<vmem>> -> memref<1x8x16x128xf32, #tpu.memory_space<vmem>>
        %dma_start3A_535 = tpu.memref_squeeze %dma_start3A_534 : memref<1x8x16x128xf32, #tpu.memory_space<vmem>> -> memref<8x16x128xf32, #tpu.memory_space<vmem>>
        %dma_start3A_536 = arith.constant 0 : i32
        %dma_start3A_537 = arith.constant 0 : i32
        %dma_start3A_538 = tpu.memref_slice %dma_start3A_535[%dma_start3A_519, %dma_start3A_536, %dma_start3A_537] : memref<8x16x128xf32, #tpu.memory_space<vmem>> -> memref<1x16x128xf32, #tpu.memory_space<vmem>>
        %dma_start3A_539 = tpu.memref_squeeze %dma_start3A_538 : memref<1x16x128xf32, #tpu.memory_space<vmem>> -> memref<16x128xf32, #tpu.memory_space<vmem>>
        %dma_start3A_540 = arith.constant 0 : i32
        %dma_start3A_541 = tpu.memref_slice %arg3[%dma_start3A_540, %multiple_of3A_517] : memref<16x1000000xf32, #tpu.memory_space<hbm>> -> memref<16x128xf32, #tpu.memory_space<hbm>>
        tpu.enqueue_dma source(%dma_start3A_541 : memref<16x128xf32, #tpu.memory_space<hbm>>) target(%dma_start3A_539 : memref<16x128xf32, #tpu.memory_space<vmem>>) target_semaphore(%arg12 : memref<!tpu.dma_semaphore, #tpu.memory_space<semaphore_mem>>)
      } else {
      }
      %gt3A = arith.constant 0 : i32
      %gt3A_29 = arith.cmpi sgt, %add3A_26, %gt3A : i32
      %sub3A = arith.constant 1 : i32
      %sub3A_30 = arith.subi %add3A_26, %sub3A : i32
      %lt3A_31 = arith.constant 64 : i32
      %lt3A_32 = arith.cmpi slt, %sub3A_30, %lt3A_31 : i32
      %and3A = arith.andi %gt3A_29, %lt3A_32 : i1
      %convert_element_type3A_33 = arith.extui %and3A : i1 to i32
      %cond3A_34 = arith.constant 0 : i32
      %cond3A_35 = arith.cmpi ne, %convert_element_type3A_33, %cond3A_34 : i32
      scf.if %cond3A_35 {
        %sub3A_74 = arith.constant 1 : i32
        %sub3A_75 = arith.subi %add3A_26, %sub3A_74 : i32
        %dma_wait3A = arith.constant 2 : i32
        %dma_wait3A_76 = arith.constant 0 : i32
        %dma_wait3A_77 = arith.constant 0 : i32
        %dma_wait3A_78 = arith.constant 0 : i32
        %dma_wait3A_79 = arith.constant 0 : i32
        %dma_wait3A_80 = tpu.memref_slice %arg9[%dma_wait3A, %dma_wait3A_77, %dma_wait3A_78, %dma_wait3A_79] : memref<3x8x16x128xf32, #tpu.memory_space<vmem>> -> memref<1x8x16x128xf32, #tpu.memory_space<vmem>>
        %dma_wait3A_81 = tpu.memref_squeeze %dma_wait3A_80 : memref<1x8x16x128xf32, #tpu.memory_space<vmem>> -> memref<8x16x128xf32, #tpu.memory_space<vmem>>
        %dma_wait3A_82 = arith.constant 0 : i32
        %dma_wait3A_83 = arith.constant 0 : i32
        %dma_wait3A_84 = tpu.memref_slice %dma_wait3A_81[%dma_wait3A_76, %dma_wait3A_82, %dma_wait3A_83] : memref<8x16x128xf32, #tpu.memory_space<vmem>> -> memref<1x16x128xf32, #tpu.memory_space<vmem>>
        %dma_wait3A_85 = tpu.memref_squeeze %dma_wait3A_84 : memref<1x16x128xf32, #tpu.memory_space<vmem>> -> memref<16x128xf32, #tpu.memory_space<vmem>>
        %dma_wait3A_86 = arith.constant 0 : i32
        %dma_wait3A_87 = arith.constant 0 : i32
        %dma_wait3A_88 = tpu.memref_slice %arg2[%dma_wait3A_86, %dma_wait3A_87] : memref<16x1000000xf32, #tpu.memory_space<hbm>> -> memref<16x128xf32, #tpu.memory_space<hbm>>
        %dma_wait3A_89 = arith.constant 0 : i32
        %dma_wait3A_90 = arith.constant 0 : i32
        %dma_wait3A_91 = arith.constant 0 : i32
        %dma_wait3A_92 = tpu.memref_slice %arg9[%dma_wait3A, %dma_wait3A_89, %dma_wait3A_90, %dma_wait3A_91] : memref<3x8x16x128xf32, #tpu.memory_space<vmem>> -> memref<1x8x16x128xf32, #tpu.memory_space<vmem>>
        %dma_wait3A_93 = tpu.memref_squeeze %dma_wait3A_92 : memref<1x8x16x128xf32, #tpu.memory_space<vmem>> -> memref<8x16x128xf32, #tpu.memory_space<vmem>>
        %dma_wait3A_94 = arith.constant 0 : i32
        %dma_wait3A_95 = arith.constant 0 : i32
        %dma_wait3A_96 = tpu.memref_slice %dma_wait3A_93[%dma_wait3A_76, %dma_wait3A_94, %dma_wait3A_95] : memref<8x16x128xf32, #tpu.memory_space<vmem>> -> memref<1x16x128xf32, #tpu.memory_space<vmem>>
        %dma_wait3A_97 = tpu.memref_squeeze %dma_wait3A_96 : memref<1x16x128xf32, #tpu.memory_space<vmem>> -> memref<16x128xf32, #tpu.memory_space<vmem>>
        %dma_wait3A_98 = arith.constant 0 : i32
        %dma_wait3A_99 = arith.constant 0 : i32
        %dma_wait3A_100 = tpu.memref_slice %arg2[%dma_wait3A_98, %dma_wait3A_99] : memref<16x1000000xf32, #tpu.memory_space<hbm>> -> memref<16x128xf32, #tpu.memory_space<hbm>>
        tpu.wait_dma2 semaphore(%arg14 : memref<!tpu.dma_semaphore, #tpu.memory_space<semaphore_mem>>) src(%dma_wait3A_100 : memref<16x128xf32, #tpu.memory_space<hbm>>) dst(%dma_wait3A_97 : memref<16x128xf32, #tpu.memory_space<vmem>>)
        %dma_wait3A_101 = arith.constant 2 : i32
        %dma_wait3A_102 = arith.constant 1 : i32
        %dma_wait3A_103 = arith.constant 0 : i32
        %dma_wait3A_104 = arith.constant 0 : i32
        %dma_wait3A_105 = arith.constant 0 : i32
        %dma_wait3A_106 = tpu.memref_slice %arg9[%dma_wait3A_101, %dma_wait3A_103, %dma_wait3A_104, %dma_wait3A_105] : memref<3x8x16x128xf32, #tpu.memory_space<vmem>> -> memref<1x8x16x128xf32, #tpu.memory_space<vmem>>
        %dma_wait3A_107 = tpu.memref_squeeze %dma_wait3A_106 : memref<1x8x16x128xf32, #tpu.memory_space<vmem>> -> memref<8x16x128xf32, #tpu.memory_space<vmem>>
        %dma_wait3A_108 = arith.constant 0 : i32
        %dma_wait3A_109 = arith.constant 0 : i32
        %dma_wait3A_110 = tpu.memref_slice %dma_wait3A_107[%dma_wait3A_102, %dma_wait3A_108, %dma_wait3A_109] : memref<8x16x128xf32, #tpu.memory_space<vmem>> -> memref<1x16x128xf32, #tpu.memory_space<vmem>>
        %dma_wait3A_111 = tpu.memref_squeeze %dma_wait3A_110 : memref<1x16x128xf32, #tpu.memory_space<vmem>> -> memref<16x128xf32, #tpu.memory_space<vmem>>
        %dma_wait3A_112 = arith.constant 0 : i32
        %dma_wait3A_113 = arith.constant 0 : i32
        %dma_wait3A_114 = tpu.memref_slice %arg2[%dma_wait3A_112, %dma_wait3A_113] : memref<16x1000000xf32, #tpu.memory_space<hbm>> -> memref<16x128xf32, #tpu.memory_space<hbm>>
        %dma_wait3A_115 = arith.constant 0 : i32
        %dma_wait3A_116 = arith.constant 0 : i32
        %dma_wait3A_117 = arith.constant 0 : i32
        %dma_wait3A_118 = tpu.memref_slice %arg9[%dma_wait3A_101, %dma_wait3A_115, %dma_wait3A_116, %dma_wait3A_117] : memref<3x8x16x128xf32, #tpu.memory_space<vmem>> -> memref<1x8x16x128xf32, #tpu.memory_space<vmem>>
        %dma_wait3A_119 = tpu.memref_squeeze %dma_wait3A_118 : memref<1x8x16x128xf32, #tpu.memory_space<vmem>> -> memref<8x16x128xf32, #tpu.memory_space<vmem>>
        %dma_wait3A_120 = arith.constant 0 : i32
        %dma_wait3A_121 = arith.constant 0 : i32
        %dma_wait3A_122 = tpu.memref_slice %dma_wait3A_119[%dma_wait3A_102, %dma_wait3A_120, %dma_wait3A_121] : memref<8x16x128xf32, #tpu.memory_space<vmem>> -> memref<1x16x128xf32, #tpu.memory_space<vmem>>
        %dma_wait3A_123 = tpu.memref_squeeze %dma_wait3A_122 : memref<1x16x128xf32, #tpu.memory_space<vmem>> -> memref<16x128xf32, #tpu.memory_space<vmem>>
        %dma_wait3A_124 = arith.constant 0 : i32
        %dma_wait3A_125 = arith.constant 0 : i32
        %dma_wait3A_126 = tpu.memref_slice %arg2[%dma_wait3A_124, %dma_wait3A_125] : memref<16x1000000xf32, #tpu.memory_space<hbm>> -> memref<16x128xf32, #tpu.memory_space<hbm>>
        tpu.wait_dma2 semaphore(%arg14 : memref<!tpu.dma_semaphore, #tpu.memory_space<semaphore_mem>>) src(%dma_wait3A_126 : memref<16x128xf32, #tpu.memory_space<hbm>>) dst(%dma_wait3A_123 : memref<16x128xf32, #tpu.memory_space<vmem>>)
        %dma_wait3A_127 = arith.constant 2 : i32
        %dma_wait3A_128 = arith.constant 2 : i32
        %dma_wait3A_129 = arith.constant 0 : i32
        %dma_wait3A_130 = arith.constant 0 : i32
        %dma_wait3A_131 = arith.constant 0 : i32
        %dma_wait3A_132 = tpu.memref_slice %arg9[%dma_wait3A_127, %dma_wait3A_129, %dma_wait3A_130, %dma_wait3A_131] : memref<3x8x16x128xf32, #tpu.memory_space<vmem>> -> memref<1x8x16x128xf32, #tpu.memory_space<vmem>>
        %dma_wait3A_133 = tpu.memref_squeeze %dma_wait3A_132 : memref<1x8x16x128xf32, #tpu.memory_space<vmem>> -> memref<8x16x128xf32, #tpu.memory_space<vmem>>
        %dma_wait3A_134 = arith.constant 0 : i32
        %dma_wait3A_135 = arith.constant 0 : i32
        %dma_wait3A_136 = tpu.memref_slice %dma_wait3A_133[%dma_wait3A_128, %dma_wait3A_134, %dma_wait3A_135] : memref<8x16x128xf32, #tpu.memory_space<vmem>> -> memref<1x16x128xf32, #tpu.memory_space<vmem>>
        %dma_wait3A_137 = tpu.memref_squeeze %dma_wait3A_136 : memref<1x16x128xf32, #tpu.memory_space<vmem>> -> memref<16x128xf32, #tpu.memory_space<vmem>>
        %dma_wait3A_138 = arith.constant 0 : i32
        %dma_wait3A_139 = arith.constant 0 : i32
        %dma_wait3A_140 = tpu.memref_slice %arg2[%dma_wait3A_138, %dma_wait3A_139] : memref<16x1000000xf32, #tpu.memory_space<hbm>> -> memref<16x128xf32, #tpu.memory_space<hbm>>
        %dma_wait3A_141 = arith.constant 0 : i32
        %dma_wait3A_142 = arith.constant 0 : i32
        %dma_wait3A_143 = arith.constant 0 : i32
        %dma_wait3A_144 = tpu.memref_slice %arg9[%dma_wait3A_127, %dma_wait3A_141, %dma_wait3A_142, %dma_wait3A_143] : memref<3x8x16x128xf32, #tpu.memory_space<vmem>> -> memref<1x8x16x128xf32, #tpu.memory_space<vmem>>
        %dma_wait3A_145 = tpu.memref_squeeze %dma_wait3A_144 : memref<1x8x16x128xf32, #tpu.memory_space<vmem>> -> memref<8x16x128xf32, #tpu.memory_space<vmem>>
        %dma_wait3A_146 = arith.constant 0 : i32
        %dma_wait3A_147 = arith.constant 0 : i32
        %dma_wait3A_148 = tpu.memref_slice %dma_wait3A_145[%dma_wait3A_128, %dma_wait3A_146, %dma_wait3A_147] : memref<8x16x128xf32, #tpu.memory_space<vmem>> -> memref<1x16x128xf32, #tpu.memory_space<vmem>>
        %dma_wait3A_149 = tpu.memref_squeeze %dma_wait3A_148 : memref<1x16x128xf32, #tpu.memory_space<vmem>> -> memref<16x128xf32, #tpu.memory_space<vmem>>
        %dma_wait3A_150 = arith.constant 0 : i32
        %dma_wait3A_151 = arith.constant 0 : i32
        %dma_wait3A_152 = tpu.memref_slice %arg2[%dma_wait3A_150, %dma_wait3A_151] : memref<16x1000000xf32, #tpu.memory_space<hbm>> -> memref<16x128xf32, #tpu.memory_space<hbm>>
        tpu.wait_dma2 semaphore(%arg14 : memref<!tpu.dma_semaphore, #tpu.memory_space<semaphore_mem>>) src(%dma_wait3A_152 : memref<16x128xf32, #tpu.memory_space<hbm>>) dst(%dma_wait3A_149 : memref<16x128xf32, #tpu.memory_space<vmem>>)
        %dma_wait3A_153 = arith.constant 2 : i32
        %dma_wait3A_154 = arith.constant 3 : i32
        %dma_wait3A_155 = arith.constant 0 : i32
        %dma_wait3A_156 = arith.constant 0 : i32
        %dma_wait3A_157 = arith.constant 0 : i32
        %dma_wait3A_158 = tpu.memref_slice %arg9[%dma_wait3A_153, %dma_wait3A_155, %dma_wait3A_156, %dma_wait3A_157] : memref<3x8x16x128xf32, #tpu.memory_space<vmem>> -> memref<1x8x16x128xf32, #tpu.memory_space<vmem>>
        %dma_wait3A_159 = tpu.memref_squeeze %dma_wait3A_158 : memref<1x8x16x128xf32, #tpu.memory_space<vmem>> -> memref<8x16x128xf32, #tpu.memory_space<vmem>>
        %dma_wait3A_160 = arith.constant 0 : i32
        %dma_wait3A_161 = arith.constant 0 : i32
        %dma_wait3A_162 = tpu.memref_slice %dma_wait3A_159[%dma_wait3A_154, %dma_wait3A_160, %dma_wait3A_161] : memref<8x16x128xf32, #tpu.memory_space<vmem>> -> memref<1x16x128xf32, #tpu.memory_space<vmem>>
        %dma_wait3A_163 = tpu.memref_squeeze %dma_wait3A_162 : memref<1x16x128xf32, #tpu.memory_space<vmem>> -> memref<16x128xf32, #tpu.memory_space<vmem>>
        %dma_wait3A_164 = arith.constant 0 : i32
        %dma_wait3A_165 = arith.constant 0 : i32
        %dma_wait3A_166 = tpu.memref_slice %arg2[%dma_wait3A_164, %dma_wait3A_165] : memref<16x1000000xf32, #tpu.memory_space<hbm>> -> memref<16x128xf32, #tpu.memory_space<hbm>>
        %dma_wait3A_167 = arith.constant 0 : i32
        %dma_wait3A_168 = arith.constant 0 : i32
        %dma_wait3A_169 = arith.constant 0 : i32
        %dma_wait3A_170 = tpu.memref_slice %arg9[%dma_wait3A_153, %dma_wait3A_167, %dma_wait3A_168, %dma_wait3A_169] : memref<3x8x16x128xf32, #tpu.memory_space<vmem>> -> memref<1x8x16x128xf32, #tpu.memory_space<vmem>>
        %dma_wait3A_171 = tpu.memref_squeeze %dma_wait3A_170 : memref<1x8x16x128xf32, #tpu.memory_space<vmem>> -> memref<8x16x128xf32, #tpu.memory_space<vmem>>
        %dma_wait3A_172 = arith.constant 0 : i32
        %dma_wait3A_173 = arith.constant 0 : i32
        %dma_wait3A_174 = tpu.memref_slice %dma_wait3A_171[%dma_wait3A_154, %dma_wait3A_172, %dma_wait3A_173] : memref<8x16x128xf32, #tpu.memory_space<vmem>> -> memref<1x16x128xf32, #tpu.memory_space<vmem>>
        %dma_wait3A_175 = tpu.memref_squeeze %dma_wait3A_174 : memref<1x16x128xf32, #tpu.memory_space<vmem>> -> memref<16x128xf32, #tpu.memory_space<vmem>>
        %dma_wait3A_176 = arith.constant 0 : i32
        %dma_wait3A_177 = arith.constant 0 : i32
        %dma_wait3A_178 = tpu.memref_slice %arg2[%dma_wait3A_176, %dma_wait3A_177] : memref<16x1000000xf32, #tpu.memory_space<hbm>> -> memref<16x128xf32, #tpu.memory_space<hbm>>
        tpu.wait_dma2 semaphore(%arg14 : memref<!tpu.dma_semaphore, #tpu.memory_space<semaphore_mem>>) src(%dma_wait3A_178 : memref<16x128xf32, #tpu.memory_space<hbm>>) dst(%dma_wait3A_175 : memref<16x128xf32, #tpu.memory_space<vmem>>)
        %dma_wait3A_179 = arith.constant 2 : i32
        %dma_wait3A_180 = arith.constant 4 : i32
        %dma_wait3A_181 = arith.constant 0 : i32
        %dma_wait3A_182 = arith.constant 0 : i32
        %dma_wait3A_183 = arith.constant 0 : i32
        %dma_wait3A_184 = tpu.memref_slice %arg9[%dma_wait3A_179, %dma_wait3A_181, %dma_wait3A_182, %dma_wait3A_183] : memref<3x8x16x128xf32, #tpu.memory_space<vmem>> -> memref<1x8x16x128xf32, #tpu.memory_space<vmem>>
        %dma_wait3A_185 = tpu.memref_squeeze %dma_wait3A_184 : memref<1x8x16x128xf32, #tpu.memory_space<vmem>> -> memref<8x16x128xf32, #tpu.memory_space<vmem>>
        %dma_wait3A_186 = arith.constant 0 : i32
        %dma_wait3A_187 = arith.constant 0 : i32
        %dma_wait3A_188 = tpu.memref_slice %dma_wait3A_185[%dma_wait3A_180, %dma_wait3A_186, %dma_wait3A_187] : memref<8x16x128xf32, #tpu.memory_space<vmem>> -> memref<1x16x128xf32, #tpu.memory_space<vmem>>
        %dma_wait3A_189 = tpu.memref_squeeze %dma_wait3A_188 : memref<1x16x128xf32, #tpu.memory_space<vmem>> -> memref<16x128xf32, #tpu.memory_space<vmem>>
        %dma_wait3A_190 = arith.constant 0 : i32
        %dma_wait3A_191 = arith.constant 0 : i32
        %dma_wait3A_192 = tpu.memref_slice %arg2[%dma_wait3A_190, %dma_wait3A_191] : memref<16x1000000xf32, #tpu.memory_space<hbm>> -> memref<16x128xf32, #tpu.memory_space<hbm>>
        %dma_wait3A_193 = arith.constant 0 : i32
        %dma_wait3A_194 = arith.constant 0 : i32
        %dma_wait3A_195 = arith.constant 0 : i32
        %dma_wait3A_196 = tpu.memref_slice %arg9[%dma_wait3A_179, %dma_wait3A_193, %dma_wait3A_194, %dma_wait3A_195] : memref<3x8x16x128xf32, #tpu.memory_space<vmem>> -> memref<1x8x16x128xf32, #tpu.memory_space<vmem>>
        %dma_wait3A_197 = tpu.memref_squeeze %dma_wait3A_196 : memref<1x8x16x128xf32, #tpu.memory_space<vmem>> -> memref<8x16x128xf32, #tpu.memory_space<vmem>>
        %dma_wait3A_198 = arith.constant 0 : i32
        %dma_wait3A_199 = arith.constant 0 : i32
        %dma_wait3A_200 = tpu.memref_slice %dma_wait3A_197[%dma_wait3A_180, %dma_wait3A_198, %dma_wait3A_199] : memref<8x16x128xf32, #tpu.memory_space<vmem>> -> memref<1x16x128xf32, #tpu.memory_space<vmem>>
        %dma_wait3A_201 = tpu.memref_squeeze %dma_wait3A_200 : memref<1x16x128xf32, #tpu.memory_space<vmem>> -> memref<16x128xf32, #tpu.memory_space<vmem>>
        %dma_wait3A_202 = arith.constant 0 : i32
        %dma_wait3A_203 = arith.constant 0 : i32
        %dma_wait3A_204 = tpu.memref_slice %arg2[%dma_wait3A_202, %dma_wait3A_203] : memref<16x1000000xf32, #tpu.memory_space<hbm>> -> memref<16x128xf32, #tpu.memory_space<hbm>>
        tpu.wait_dma2 semaphore(%arg14 : memref<!tpu.dma_semaphore, #tpu.memory_space<semaphore_mem>>) src(%dma_wait3A_204 : memref<16x128xf32, #tpu.memory_space<hbm>>) dst(%dma_wait3A_201 : memref<16x128xf32, #tpu.memory_space<vmem>>)
        %dma_wait3A_205 = arith.constant 2 : i32
        %dma_wait3A_206 = arith.constant 5 : i32
        %dma_wait3A_207 = arith.constant 0 : i32
        %dma_wait3A_208 = arith.constant 0 : i32
        %dma_wait3A_209 = arith.constant 0 : i32
        %dma_wait3A_210 = tpu.memref_slice %arg9[%dma_wait3A_205, %dma_wait3A_207, %dma_wait3A_208, %dma_wait3A_209] : memref<3x8x16x128xf32, #tpu.memory_space<vmem>> -> memref<1x8x16x128xf32, #tpu.memory_space<vmem>>
        %dma_wait3A_211 = tpu.memref_squeeze %dma_wait3A_210 : memref<1x8x16x128xf32, #tpu.memory_space<vmem>> -> memref<8x16x128xf32, #tpu.memory_space<vmem>>
        %dma_wait3A_212 = arith.constant 0 : i32
        %dma_wait3A_213 = arith.constant 0 : i32
        %dma_wait3A_214 = tpu.memref_slice %dma_wait3A_211[%dma_wait3A_206, %dma_wait3A_212, %dma_wait3A_213] : memref<8x16x128xf32, #tpu.memory_space<vmem>> -> memref<1x16x128xf32, #tpu.memory_space<vmem>>
        %dma_wait3A_215 = tpu.memref_squeeze %dma_wait3A_214 : memref<1x16x128xf32, #tpu.memory_space<vmem>> -> memref<16x128xf32, #tpu.memory_space<vmem>>
        %dma_wait3A_216 = arith.constant 0 : i32
        %dma_wait3A_217 = arith.constant 0 : i32
        %dma_wait3A_218 = tpu.memref_slice %arg2[%dma_wait3A_216, %dma_wait3A_217] : memref<16x1000000xf32, #tpu.memory_space<hbm>> -> memref<16x128xf32, #tpu.memory_space<hbm>>
        %dma_wait3A_219 = arith.constant 0 : i32
        %dma_wait3A_220 = arith.constant 0 : i32
        %dma_wait3A_221 = arith.constant 0 : i32
        %dma_wait3A_222 = tpu.memref_slice %arg9[%dma_wait3A_205, %dma_wait3A_219, %dma_wait3A_220, %dma_wait3A_221] : memref<3x8x16x128xf32, #tpu.memory_space<vmem>> -> memref<1x8x16x128xf32, #tpu.memory_space<vmem>>
        %dma_wait3A_223 = tpu.memref_squeeze %dma_wait3A_222 : memref<1x8x16x128xf32, #tpu.memory_space<vmem>> -> memref<8x16x128xf32, #tpu.memory_space<vmem>>
        %dma_wait3A_224 = arith.constant 0 : i32
        %dma_wait3A_225 = arith.constant 0 : i32
        %dma_wait3A_226 = tpu.memref_slice %dma_wait3A_223[%dma_wait3A_206, %dma_wait3A_224, %dma_wait3A_225] : memref<8x16x128xf32, #tpu.memory_space<vmem>> -> memref<1x16x128xf32, #tpu.memory_space<vmem>>
        %dma_wait3A_227 = tpu.memref_squeeze %dma_wait3A_226 : memref<1x16x128xf32, #tpu.memory_space<vmem>> -> memref<16x128xf32, #tpu.memory_space<vmem>>
        %dma_wait3A_228 = arith.constant 0 : i32
        %dma_wait3A_229 = arith.constant 0 : i32
        %dma_wait3A_230 = tpu.memref_slice %arg2[%dma_wait3A_228, %dma_wait3A_229] : memref<16x1000000xf32, #tpu.memory_space<hbm>> -> memref<16x128xf32, #tpu.memory_space<hbm>>
        tpu.wait_dma2 semaphore(%arg14 : memref<!tpu.dma_semaphore, #tpu.memory_space<semaphore_mem>>) src(%dma_wait3A_230 : memref<16x128xf32, #tpu.memory_space<hbm>>) dst(%dma_wait3A_227 : memref<16x128xf32, #tpu.memory_space<vmem>>)
        %dma_wait3A_231 = arith.constant 2 : i32
        %dma_wait3A_232 = arith.constant 6 : i32
        %dma_wait3A_233 = arith.constant 0 : i32
        %dma_wait3A_234 = arith.constant 0 : i32
        %dma_wait3A_235 = arith.constant 0 : i32
        %dma_wait3A_236 = tpu.memref_slice %arg9[%dma_wait3A_231, %dma_wait3A_233, %dma_wait3A_234, %dma_wait3A_235] : memref<3x8x16x128xf32, #tpu.memory_space<vmem>> -> memref<1x8x16x128xf32, #tpu.memory_space<vmem>>
        %dma_wait3A_237 = tpu.memref_squeeze %dma_wait3A_236 : memref<1x8x16x128xf32, #tpu.memory_space<vmem>> -> memref<8x16x128xf32, #tpu.memory_space<vmem>>
        %dma_wait3A_238 = arith.constant 0 : i32
        %dma_wait3A_239 = arith.constant 0 : i32
        %dma_wait3A_240 = tpu.memref_slice %dma_wait3A_237[%dma_wait3A_232, %dma_wait3A_238, %dma_wait3A_239] : memref<8x16x128xf32, #tpu.memory_space<vmem>> -> memref<1x16x128xf32, #tpu.memory_space<vmem>>
        %dma_wait3A_241 = tpu.memref_squeeze %dma_wait3A_240 : memref<1x16x128xf32, #tpu.memory_space<vmem>> -> memref<16x128xf32, #tpu.memory_space<vmem>>
        %dma_wait3A_242 = arith.constant 0 : i32
        %dma_wait3A_243 = arith.constant 0 : i32
        %dma_wait3A_244 = tpu.memref_slice %arg2[%dma_wait3A_242, %dma_wait3A_243] : memref<16x1000000xf32, #tpu.memory_space<hbm>> -> memref<16x128xf32, #tpu.memory_space<hbm>>
        %dma_wait3A_245 = arith.constant 0 : i32
        %dma_wait3A_246 = arith.constant 0 : i32
        %dma_wait3A_247 = arith.constant 0 : i32
        %dma_wait3A_248 = tpu.memref_slice %arg9[%dma_wait3A_231, %dma_wait3A_245, %dma_wait3A_246, %dma_wait3A_247] : memref<3x8x16x128xf32, #tpu.memory_space<vmem>> -> memref<1x8x16x128xf32, #tpu.memory_space<vmem>>
        %dma_wait3A_249 = tpu.memref_squeeze %dma_wait3A_248 : memref<1x8x16x128xf32, #tpu.memory_space<vmem>> -> memref<8x16x128xf32, #tpu.memory_space<vmem>>
        %dma_wait3A_250 = arith.constant 0 : i32
        %dma_wait3A_251 = arith.constant 0 : i32
        %dma_wait3A_252 = tpu.memref_slice %dma_wait3A_249[%dma_wait3A_232, %dma_wait3A_250, %dma_wait3A_251] : memref<8x16x128xf32, #tpu.memory_space<vmem>> -> memref<1x16x128xf32, #tpu.memory_space<vmem>>
        %dma_wait3A_253 = tpu.memref_squeeze %dma_wait3A_252 : memref<1x16x128xf32, #tpu.memory_space<vmem>> -> memref<16x128xf32, #tpu.memory_space<vmem>>
        %dma_wait3A_254 = arith.constant 0 : i32
        %dma_wait3A_255 = arith.constant 0 : i32
        %dma_wait3A_256 = tpu.memref_slice %arg2[%dma_wait3A_254, %dma_wait3A_255] : memref<16x1000000xf32, #tpu.memory_space<hbm>> -> memref<16x128xf32, #tpu.memory_space<hbm>>
        tpu.wait_dma2 semaphore(%arg14 : memref<!tpu.dma_semaphore, #tpu.memory_space<semaphore_mem>>) src(%dma_wait3A_256 : memref<16x128xf32, #tpu.memory_space<hbm>>) dst(%dma_wait3A_253 : memref<16x128xf32, #tpu.memory_space<vmem>>)
        %dma_wait3A_257 = arith.constant 2 : i32
        %dma_wait3A_258 = arith.constant 7 : i32
        %dma_wait3A_259 = arith.constant 0 : i32
        %dma_wait3A_260 = arith.constant 0 : i32
        %dma_wait3A_261 = arith.constant 0 : i32
        %dma_wait3A_262 = tpu.memref_slice %arg9[%dma_wait3A_257, %dma_wait3A_259, %dma_wait3A_260, %dma_wait3A_261] : memref<3x8x16x128xf32, #tpu.memory_space<vmem>> -> memref<1x8x16x128xf32, #tpu.memory_space<vmem>>
        %dma_wait3A_263 = tpu.memref_squeeze %dma_wait3A_262 : memref<1x8x16x128xf32, #tpu.memory_space<vmem>> -> memref<8x16x128xf32, #tpu.memory_space<vmem>>
        %dma_wait3A_264 = arith.constant 0 : i32
        %dma_wait3A_265 = arith.constant 0 : i32
        %dma_wait3A_266 = tpu.memref_slice %dma_wait3A_263[%dma_wait3A_258, %dma_wait3A_264, %dma_wait3A_265] : memref<8x16x128xf32, #tpu.memory_space<vmem>> -> memref<1x16x128xf32, #tpu.memory_space<vmem>>
        %dma_wait3A_267 = tpu.memref_squeeze %dma_wait3A_266 : memref<1x16x128xf32, #tpu.memory_space<vmem>> -> memref<16x128xf32, #tpu.memory_space<vmem>>
        %dma_wait3A_268 = arith.constant 0 : i32
        %dma_wait3A_269 = arith.constant 0 : i32
        %dma_wait3A_270 = tpu.memref_slice %arg2[%dma_wait3A_268, %dma_wait3A_269] : memref<16x1000000xf32, #tpu.memory_space<hbm>> -> memref<16x128xf32, #tpu.memory_space<hbm>>
        %dma_wait3A_271 = arith.constant 0 : i32
        %dma_wait3A_272 = arith.constant 0 : i32
        %dma_wait3A_273 = arith.constant 0 : i32
        %dma_wait3A_274 = tpu.memref_slice %arg9[%dma_wait3A_257, %dma_wait3A_271, %dma_wait3A_272, %dma_wait3A_273] : memref<3x8x16x128xf32, #tpu.memory_space<vmem>> -> memref<1x8x16x128xf32, #tpu.memory_space<vmem>>
        %dma_wait3A_275 = tpu.memref_squeeze %dma_wait3A_274 : memref<1x8x16x128xf32, #tpu.memory_space<vmem>> -> memref<8x16x128xf32, #tpu.memory_space<vmem>>
        %dma_wait3A_276 = arith.constant 0 : i32
        %dma_wait3A_277 = arith.constant 0 : i32
        %dma_wait3A_278 = tpu.memref_slice %dma_wait3A_275[%dma_wait3A_258, %dma_wait3A_276, %dma_wait3A_277] : memref<8x16x128xf32, #tpu.memory_space<vmem>> -> memref<1x16x128xf32, #tpu.memory_space<vmem>>
        %dma_wait3A_279 = tpu.memref_squeeze %dma_wait3A_278 : memref<1x16x128xf32, #tpu.memory_space<vmem>> -> memref<16x128xf32, #tpu.memory_space<vmem>>
        %dma_wait3A_280 = arith.constant 0 : i32
        %dma_wait3A_281 = arith.constant 0 : i32
        %dma_wait3A_282 = tpu.memref_slice %arg2[%dma_wait3A_280, %dma_wait3A_281] : memref<16x1000000xf32, #tpu.memory_space<hbm>> -> memref<16x128xf32, #tpu.memory_space<hbm>>
        tpu.wait_dma2 semaphore(%arg14 : memref<!tpu.dma_semaphore, #tpu.memory_space<semaphore_mem>>) src(%dma_wait3A_282 : memref<16x128xf32, #tpu.memory_space<hbm>>) dst(%dma_wait3A_279 : memref<16x128xf32, #tpu.memory_space<vmem>>)
        %dma_wait3A_283 = arith.constant 2 : i32
        %dma_wait3A_284 = arith.constant 0 : i32
        %dma_wait3A_285 = arith.constant 0 : i32
        %dma_wait3A_286 = arith.constant 0 : i32
        %dma_wait3A_287 = arith.constant 0 : i32
        %dma_wait3A_288 = tpu.memref_slice %arg10[%dma_wait3A_283, %dma_wait3A_285, %dma_wait3A_286, %dma_wait3A_287] : memref<3x8x16x128xf32, #tpu.memory_space<vmem>> -> memref<1x8x16x128xf32, #tpu.memory_space<vmem>>
        %dma_wait3A_289 = tpu.memref_squeeze %dma_wait3A_288 : memref<1x8x16x128xf32, #tpu.memory_space<vmem>> -> memref<8x16x128xf32, #tpu.memory_space<vmem>>
        %dma_wait3A_290 = arith.constant 0 : i32
        %dma_wait3A_291 = arith.constant 0 : i32
        %dma_wait3A_292 = tpu.memref_slice %dma_wait3A_289[%dma_wait3A_284, %dma_wait3A_290, %dma_wait3A_291] : memref<8x16x128xf32, #tpu.memory_space<vmem>> -> memref<1x16x128xf32, #tpu.memory_space<vmem>>
        %dma_wait3A_293 = tpu.memref_squeeze %dma_wait3A_292 : memref<1x16x128xf32, #tpu.memory_space<vmem>> -> memref<16x128xf32, #tpu.memory_space<vmem>>
        %dma_wait3A_294 = arith.constant 0 : i32
        %dma_wait3A_295 = arith.constant 0 : i32
        %dma_wait3A_296 = tpu.memref_slice %arg3[%dma_wait3A_294, %dma_wait3A_295] : memref<16x1000000xf32, #tpu.memory_space<hbm>> -> memref<16x128xf32, #tpu.memory_space<hbm>>
        %dma_wait3A_297 = arith.constant 0 : i32
        %dma_wait3A_298 = arith.constant 0 : i32
        %dma_wait3A_299 = arith.constant 0 : i32
        %dma_wait3A_300 = tpu.memref_slice %arg10[%dma_wait3A_283, %dma_wait3A_297, %dma_wait3A_298, %dma_wait3A_299] : memref<3x8x16x128xf32, #tpu.memory_space<vmem>> -> memref<1x8x16x128xf32, #tpu.memory_space<vmem>>
        %dma_wait3A_301 = tpu.memref_squeeze %dma_wait3A_300 : memref<1x8x16x128xf32, #tpu.memory_space<vmem>> -> memref<8x16x128xf32, #tpu.memory_space<vmem>>
        %dma_wait3A_302 = arith.constant 0 : i32
        %dma_wait3A_303 = arith.constant 0 : i32
        %dma_wait3A_304 = tpu.memref_slice %dma_wait3A_301[%dma_wait3A_284, %dma_wait3A_302, %dma_wait3A_303] : memref<8x16x128xf32, #tpu.memory_space<vmem>> -> memref<1x16x128xf32, #tpu.memory_space<vmem>>
        %dma_wait3A_305 = tpu.memref_squeeze %dma_wait3A_304 : memref<1x16x128xf32, #tpu.memory_space<vmem>> -> memref<16x128xf32, #tpu.memory_space<vmem>>
        %dma_wait3A_306 = arith.constant 0 : i32
        %dma_wait3A_307 = arith.constant 0 : i32
        %dma_wait3A_308 = tpu.memref_slice %arg3[%dma_wait3A_306, %dma_wait3A_307] : memref<16x1000000xf32, #tpu.memory_space<hbm>> -> memref<16x128xf32, #tpu.memory_space<hbm>>
        tpu.wait_dma2 semaphore(%arg14 : memref<!tpu.dma_semaphore, #tpu.memory_space<semaphore_mem>>) src(%dma_wait3A_308 : memref<16x128xf32, #tpu.memory_space<hbm>>) dst(%dma_wait3A_305 : memref<16x128xf32, #tpu.memory_space<vmem>>)
        %dma_wait3A_309 = arith.constant 2 : i32
        %dma_wait3A_310 = arith.constant 1 : i32
        %dma_wait3A_311 = arith.constant 0 : i32
        %dma_wait3A_312 = arith.constant 0 : i32
        %dma_wait3A_313 = arith.constant 0 : i32
        %dma_wait3A_314 = tpu.memref_slice %arg10[%dma_wait3A_309, %dma_wait3A_311, %dma_wait3A_312, %dma_wait3A_313] : memref<3x8x16x128xf32, #tpu.memory_space<vmem>> -> memref<1x8x16x128xf32, #tpu.memory_space<vmem>>
        %dma_wait3A_315 = tpu.memref_squeeze %dma_wait3A_314 : memref<1x8x16x128xf32, #tpu.memory_space<vmem>> -> memref<8x16x128xf32, #tpu.memory_space<vmem>>
        %dma_wait3A_316 = arith.constant 0 : i32
        %dma_wait3A_317 = arith.constant 0 : i32
        %dma_wait3A_318 = tpu.memref_slice %dma_wait3A_315[%dma_wait3A_310, %dma_wait3A_316, %dma_wait3A_317] : memref<8x16x128xf32, #tpu.memory_space<vmem>> -> memref<1x16x128xf32, #tpu.memory_space<vmem>>
        %dma_wait3A_319 = tpu.memref_squeeze %dma_wait3A_318 : memref<1x16x128xf32, #tpu.memory_space<vmem>> -> memref<16x128xf32, #tpu.memory_space<vmem>>
        %dma_wait3A_320 = arith.constant 0 : i32
        %dma_wait3A_321 = arith.constant 0 : i32
        %dma_wait3A_322 = tpu.memref_slice %arg3[%dma_wait3A_320, %dma_wait3A_321] : memref<16x1000000xf32, #tpu.memory_space<hbm>> -> memref<16x128xf32, #tpu.memory_space<hbm>>
        %dma_wait3A_323 = arith.constant 0 : i32
        %dma_wait3A_324 = arith.constant 0 : i32
        %dma_wait3A_325 = arith.constant 0 : i32
        %dma_wait3A_326 = tpu.memref_slice %arg10[%dma_wait3A_309, %dma_wait3A_323, %dma_wait3A_324, %dma_wait3A_325] : memref<3x8x16x128xf32, #tpu.memory_space<vmem>> -> memref<1x8x16x128xf32, #tpu.memory_space<vmem>>
        %dma_wait3A_327 = tpu.memref_squeeze %dma_wait3A_326 : memref<1x8x16x128xf32, #tpu.memory_space<vmem>> -> memref<8x16x128xf32, #tpu.memory_space<vmem>>
        %dma_wait3A_328 = arith.constant 0 : i32
        %dma_wait3A_329 = arith.constant 0 : i32
        %dma_wait3A_330 = tpu.memref_slice %dma_wait3A_327[%dma_wait3A_310, %dma_wait3A_328, %dma_wait3A_329] : memref<8x16x128xf32, #tpu.memory_space<vmem>> -> memref<1x16x128xf32, #tpu.memory_space<vmem>>
        %dma_wait3A_331 = tpu.memref_squeeze %dma_wait3A_330 : memref<1x16x128xf32, #tpu.memory_space<vmem>> -> memref<16x128xf32, #tpu.memory_space<vmem>>
        %dma_wait3A_332 = arith.constant 0 : i32
        %dma_wait3A_333 = arith.constant 0 : i32
        %dma_wait3A_334 = tpu.memref_slice %arg3[%dma_wait3A_332, %dma_wait3A_333] : memref<16x1000000xf32, #tpu.memory_space<hbm>> -> memref<16x128xf32, #tpu.memory_space<hbm>>
        tpu.wait_dma2 semaphore(%arg14 : memref<!tpu.dma_semaphore, #tpu.memory_space<semaphore_mem>>) src(%dma_wait3A_334 : memref<16x128xf32, #tpu.memory_space<hbm>>) dst(%dma_wait3A_331 : memref<16x128xf32, #tpu.memory_space<vmem>>)
        %dma_wait3A_335 = arith.constant 2 : i32
        %dma_wait3A_336 = arith.constant 2 : i32
        %dma_wait3A_337 = arith.constant 0 : i32
        %dma_wait3A_338 = arith.constant 0 : i32
        %dma_wait3A_339 = arith.constant 0 : i32
        %dma_wait3A_340 = tpu.memref_slice %arg10[%dma_wait3A_335, %dma_wait3A_337, %dma_wait3A_338, %dma_wait3A_339] : memref<3x8x16x128xf32, #tpu.memory_space<vmem>> -> memref<1x8x16x128xf32, #tpu.memory_space<vmem>>
        %dma_wait3A_341 = tpu.memref_squeeze %dma_wait3A_340 : memref<1x8x16x128xf32, #tpu.memory_space<vmem>> -> memref<8x16x128xf32, #tpu.memory_space<vmem>>
        %dma_wait3A_342 = arith.constant 0 : i32
        %dma_wait3A_343 = arith.constant 0 : i32
        %dma_wait3A_344 = tpu.memref_slice %dma_wait3A_341[%dma_wait3A_336, %dma_wait3A_342, %dma_wait3A_343] : memref<8x16x128xf32, #tpu.memory_space<vmem>> -> memref<1x16x128xf32, #tpu.memory_space<vmem>>
        %dma_wait3A_345 = tpu.memref_squeeze %dma_wait3A_344 : memref<1x16x128xf32, #tpu.memory_space<vmem>> -> memref<16x128xf32, #tpu.memory_space<vmem>>
        %dma_wait3A_346 = arith.constant 0 : i32
        %dma_wait3A_347 = arith.constant 0 : i32
        %dma_wait3A_348 = tpu.memref_slice %arg3[%dma_wait3A_346, %dma_wait3A_347] : memref<16x1000000xf32, #tpu.memory_space<hbm>> -> memref<16x128xf32, #tpu.memory_space<hbm>>
        %dma_wait3A_349 = arith.constant 0 : i32
        %dma_wait3A_350 = arith.constant 0 : i32
        %dma_wait3A_351 = arith.constant 0 : i32
        %dma_wait3A_352 = tpu.memref_slice %arg10[%dma_wait3A_335, %dma_wait3A_349, %dma_wait3A_350, %dma_wait3A_351] : memref<3x8x16x128xf32, #tpu.memory_space<vmem>> -> memref<1x8x16x128xf32, #tpu.memory_space<vmem>>
        %dma_wait3A_353 = tpu.memref_squeeze %dma_wait3A_352 : memref<1x8x16x128xf32, #tpu.memory_space<vmem>> -> memref<8x16x128xf32, #tpu.memory_space<vmem>>
        %dma_wait3A_354 = arith.constant 0 : i32
        %dma_wait3A_355 = arith.constant 0 : i32
        %dma_wait3A_356 = tpu.memref_slice %dma_wait3A_353[%dma_wait3A_336, %dma_wait3A_354, %dma_wait3A_355] : memref<8x16x128xf32, #tpu.memory_space<vmem>> -> memref<1x16x128xf32, #tpu.memory_space<vmem>>
        %dma_wait3A_357 = tpu.memref_squeeze %dma_wait3A_356 : memref<1x16x128xf32, #tpu.memory_space<vmem>> -> memref<16x128xf32, #tpu.memory_space<vmem>>
        %dma_wait3A_358 = arith.constant 0 : i32
        %dma_wait3A_359 = arith.constant 0 : i32
        %dma_wait3A_360 = tpu.memref_slice %arg3[%dma_wait3A_358, %dma_wait3A_359] : memref<16x1000000xf32, #tpu.memory_space<hbm>> -> memref<16x128xf32, #tpu.memory_space<hbm>>
        tpu.wait_dma2 semaphore(%arg14 : memref<!tpu.dma_semaphore, #tpu.memory_space<semaphore_mem>>) src(%dma_wait3A_360 : memref<16x128xf32, #tpu.memory_space<hbm>>) dst(%dma_wait3A_357 : memref<16x128xf32, #tpu.memory_space<vmem>>)
        %dma_wait3A_361 = arith.constant 2 : i32
        %dma_wait3A_362 = arith.constant 3 : i32
        %dma_wait3A_363 = arith.constant 0 : i32
        %dma_wait3A_364 = arith.constant 0 : i32
        %dma_wait3A_365 = arith.constant 0 : i32
        %dma_wait3A_366 = tpu.memref_slice %arg10[%dma_wait3A_361, %dma_wait3A_363, %dma_wait3A_364, %dma_wait3A_365] : memref<3x8x16x128xf32, #tpu.memory_space<vmem>> -> memref<1x8x16x128xf32, #tpu.memory_space<vmem>>
        %dma_wait3A_367 = tpu.memref_squeeze %dma_wait3A_366 : memref<1x8x16x128xf32, #tpu.memory_space<vmem>> -> memref<8x16x128xf32, #tpu.memory_space<vmem>>
        %dma_wait3A_368 = arith.constant 0 : i32
        %dma_wait3A_369 = arith.constant 0 : i32
        %dma_wait3A_370 = tpu.memref_slice %dma_wait3A_367[%dma_wait3A_362, %dma_wait3A_368, %dma_wait3A_369] : memref<8x16x128xf32, #tpu.memory_space<vmem>> -> memref<1x16x128xf32, #tpu.memory_space<vmem>>
        %dma_wait3A_371 = tpu.memref_squeeze %dma_wait3A_370 : memref<1x16x128xf32, #tpu.memory_space<vmem>> -> memref<16x128xf32, #tpu.memory_space<vmem>>
        %dma_wait3A_372 = arith.constant 0 : i32
        %dma_wait3A_373 = arith.constant 0 : i32
        %dma_wait3A_374 = tpu.memref_slice %arg3[%dma_wait3A_372, %dma_wait3A_373] : memref<16x1000000xf32, #tpu.memory_space<hbm>> -> memref<16x128xf32, #tpu.memory_space<hbm>>
        %dma_wait3A_375 = arith.constant 0 : i32
        %dma_wait3A_376 = arith.constant 0 : i32
        %dma_wait3A_377 = arith.constant 0 : i32
        %dma_wait3A_378 = tpu.memref_slice %arg10[%dma_wait3A_361, %dma_wait3A_375, %dma_wait3A_376, %dma_wait3A_377] : memref<3x8x16x128xf32, #tpu.memory_space<vmem>> -> memref<1x8x16x128xf32, #tpu.memory_space<vmem>>
        %dma_wait3A_379 = tpu.memref_squeeze %dma_wait3A_378 : memref<1x8x16x128xf32, #tpu.memory_space<vmem>> -> memref<8x16x128xf32, #tpu.memory_space<vmem>>
        %dma_wait3A_380 = arith.constant 0 : i32
        %dma_wait3A_381 = arith.constant 0 : i32
        %dma_wait3A_382 = tpu.memref_slice %dma_wait3A_379[%dma_wait3A_362, %dma_wait3A_380, %dma_wait3A_381] : memref<8x16x128xf32, #tpu.memory_space<vmem>> -> memref<1x16x128xf32, #tpu.memory_space<vmem>>
        %dma_wait3A_383 = tpu.memref_squeeze %dma_wait3A_382 : memref<1x16x128xf32, #tpu.memory_space<vmem>> -> memref<16x128xf32, #tpu.memory_space<vmem>>
        %dma_wait3A_384 = arith.constant 0 : i32
        %dma_wait3A_385 = arith.constant 0 : i32
        %dma_wait3A_386 = tpu.memref_slice %arg3[%dma_wait3A_384, %dma_wait3A_385] : memref<16x1000000xf32, #tpu.memory_space<hbm>> -> memref<16x128xf32, #tpu.memory_space<hbm>>
        tpu.wait_dma2 semaphore(%arg14 : memref<!tpu.dma_semaphore, #tpu.memory_space<semaphore_mem>>) src(%dma_wait3A_386 : memref<16x128xf32, #tpu.memory_space<hbm>>) dst(%dma_wait3A_383 : memref<16x128xf32, #tpu.memory_space<vmem>>)
        %dma_wait3A_387 = arith.constant 2 : i32
        %dma_wait3A_388 = arith.constant 4 : i32
        %dma_wait3A_389 = arith.constant 0 : i32
        %dma_wait3A_390 = arith.constant 0 : i32
        %dma_wait3A_391 = arith.constant 0 : i32
        %dma_wait3A_392 = tpu.memref_slice %arg10[%dma_wait3A_387, %dma_wait3A_389, %dma_wait3A_390, %dma_wait3A_391] : memref<3x8x16x128xf32, #tpu.memory_space<vmem>> -> memref<1x8x16x128xf32, #tpu.memory_space<vmem>>
        %dma_wait3A_393 = tpu.memref_squeeze %dma_wait3A_392 : memref<1x8x16x128xf32, #tpu.memory_space<vmem>> -> memref<8x16x128xf32, #tpu.memory_space<vmem>>
        %dma_wait3A_394 = arith.constant 0 : i32
        %dma_wait3A_395 = arith.constant 0 : i32
        %dma_wait3A_396 = tpu.memref_slice %dma_wait3A_393[%dma_wait3A_388, %dma_wait3A_394, %dma_wait3A_395] : memref<8x16x128xf32, #tpu.memory_space<vmem>> -> memref<1x16x128xf32, #tpu.memory_space<vmem>>
        %dma_wait3A_397 = tpu.memref_squeeze %dma_wait3A_396 : memref<1x16x128xf32, #tpu.memory_space<vmem>> -> memref<16x128xf32, #tpu.memory_space<vmem>>
        %dma_wait3A_398 = arith.constant 0 : i32
        %dma_wait3A_399 = arith.constant 0 : i32
        %dma_wait3A_400 = tpu.memref_slice %arg3[%dma_wait3A_398, %dma_wait3A_399] : memref<16x1000000xf32, #tpu.memory_space<hbm>> -> memref<16x128xf32, #tpu.memory_space<hbm>>
        %dma_wait3A_401 = arith.constant 0 : i32
        %dma_wait3A_402 = arith.constant 0 : i32
        %dma_wait3A_403 = arith.constant 0 : i32
        %dma_wait3A_404 = tpu.memref_slice %arg10[%dma_wait3A_387, %dma_wait3A_401, %dma_wait3A_402, %dma_wait3A_403] : memref<3x8x16x128xf32, #tpu.memory_space<vmem>> -> memref<1x8x16x128xf32, #tpu.memory_space<vmem>>
        %dma_wait3A_405 = tpu.memref_squeeze %dma_wait3A_404 : memref<1x8x16x128xf32, #tpu.memory_space<vmem>> -> memref<8x16x128xf32, #tpu.memory_space<vmem>>
        %dma_wait3A_406 = arith.constant 0 : i32
        %dma_wait3A_407 = arith.constant 0 : i32
        %dma_wait3A_408 = tpu.memref_slice %dma_wait3A_405[%dma_wait3A_388, %dma_wait3A_406, %dma_wait3A_407] : memref<8x16x128xf32, #tpu.memory_space<vmem>> -> memref<1x16x128xf32, #tpu.memory_space<vmem>>
        %dma_wait3A_409 = tpu.memref_squeeze %dma_wait3A_408 : memref<1x16x128xf32, #tpu.memory_space<vmem>> -> memref<16x128xf32, #tpu.memory_space<vmem>>
        %dma_wait3A_410 = arith.constant 0 : i32
        %dma_wait3A_411 = arith.constant 0 : i32
        %dma_wait3A_412 = tpu.memref_slice %arg3[%dma_wait3A_410, %dma_wait3A_411] : memref<16x1000000xf32, #tpu.memory_space<hbm>> -> memref<16x128xf32, #tpu.memory_space<hbm>>
        tpu.wait_dma2 semaphore(%arg14 : memref<!tpu.dma_semaphore, #tpu.memory_space<semaphore_mem>>) src(%dma_wait3A_412 : memref<16x128xf32, #tpu.memory_space<hbm>>) dst(%dma_wait3A_409 : memref<16x128xf32, #tpu.memory_space<vmem>>)
        %dma_wait3A_413 = arith.constant 2 : i32
        %dma_wait3A_414 = arith.constant 5 : i32
        %dma_wait3A_415 = arith.constant 0 : i32
        %dma_wait3A_416 = arith.constant 0 : i32
        %dma_wait3A_417 = arith.constant 0 : i32
        %dma_wait3A_418 = tpu.memref_slice %arg10[%dma_wait3A_413, %dma_wait3A_415, %dma_wait3A_416, %dma_wait3A_417] : memref<3x8x16x128xf32, #tpu.memory_space<vmem>> -> memref<1x8x16x128xf32, #tpu.memory_space<vmem>>
        %dma_wait3A_419 = tpu.memref_squeeze %dma_wait3A_418 : memref<1x8x16x128xf32, #tpu.memory_space<vmem>> -> memref<8x16x128xf32, #tpu.memory_space<vmem>>
        %dma_wait3A_420 = arith.constant 0 : i32
        %dma_wait3A_421 = arith.constant 0 : i32
        %dma_wait3A_422 = tpu.memref_slice %dma_wait3A_419[%dma_wait3A_414, %dma_wait3A_420, %dma_wait3A_421] : memref<8x16x128xf32, #tpu.memory_space<vmem>> -> memref<1x16x128xf32, #tpu.memory_space<vmem>>
        %dma_wait3A_423 = tpu.memref_squeeze %dma_wait3A_422 : memref<1x16x128xf32, #tpu.memory_space<vmem>> -> memref<16x128xf32, #tpu.memory_space<vmem>>
        %dma_wait3A_424 = arith.constant 0 : i32
        %dma_wait3A_425 = arith.constant 0 : i32
        %dma_wait3A_426 = tpu.memref_slice %arg3[%dma_wait3A_424, %dma_wait3A_425] : memref<16x1000000xf32, #tpu.memory_space<hbm>> -> memref<16x128xf32, #tpu.memory_space<hbm>>
        %dma_wait3A_427 = arith.constant 0 : i32
        %dma_wait3A_428 = arith.constant 0 : i32
        %dma_wait3A_429 = arith.constant 0 : i32
        %dma_wait3A_430 = tpu.memref_slice %arg10[%dma_wait3A_413, %dma_wait3A_427, %dma_wait3A_428, %dma_wait3A_429] : memref<3x8x16x128xf32, #tpu.memory_space<vmem>> -> memref<1x8x16x128xf32, #tpu.memory_space<vmem>>
        %dma_wait3A_431 = tpu.memref_squeeze %dma_wait3A_430 : memref<1x8x16x128xf32, #tpu.memory_space<vmem>> -> memref<8x16x128xf32, #tpu.memory_space<vmem>>
        %dma_wait3A_432 = arith.constant 0 : i32
        %dma_wait3A_433 = arith.constant 0 : i32
        %dma_wait3A_434 = tpu.memref_slice %dma_wait3A_431[%dma_wait3A_414, %dma_wait3A_432, %dma_wait3A_433] : memref<8x16x128xf32, #tpu.memory_space<vmem>> -> memref<1x16x128xf32, #tpu.memory_space<vmem>>
        %dma_wait3A_435 = tpu.memref_squeeze %dma_wait3A_434 : memref<1x16x128xf32, #tpu.memory_space<vmem>> -> memref<16x128xf32, #tpu.memory_space<vmem>>
        %dma_wait3A_436 = arith.constant 0 : i32
        %dma_wait3A_437 = arith.constant 0 : i32
        %dma_wait3A_438 = tpu.memref_slice %arg3[%dma_wait3A_436, %dma_wait3A_437] : memref<16x1000000xf32, #tpu.memory_space<hbm>> -> memref<16x128xf32, #tpu.memory_space<hbm>>
        tpu.wait_dma2 semaphore(%arg14 : memref<!tpu.dma_semaphore, #tpu.memory_space<semaphore_mem>>) src(%dma_wait3A_438 : memref<16x128xf32, #tpu.memory_space<hbm>>) dst(%dma_wait3A_435 : memref<16x128xf32, #tpu.memory_space<vmem>>)
        %dma_wait3A_439 = arith.constant 2 : i32
        %dma_wait3A_440 = arith.constant 6 : i32
        %dma_wait3A_441 = arith.constant 0 : i32
        %dma_wait3A_442 = arith.constant 0 : i32
        %dma_wait3A_443 = arith.constant 0 : i32
        %dma_wait3A_444 = tpu.memref_slice %arg10[%dma_wait3A_439, %dma_wait3A_441, %dma_wait3A_442, %dma_wait3A_443] : memref<3x8x16x128xf32, #tpu.memory_space<vmem>> -> memref<1x8x16x128xf32, #tpu.memory_space<vmem>>
        %dma_wait3A_445 = tpu.memref_squeeze %dma_wait3A_444 : memref<1x8x16x128xf32, #tpu.memory_space<vmem>> -> memref<8x16x128xf32, #tpu.memory_space<vmem>>
        %dma_wait3A_446 = arith.constant 0 : i32
        %dma_wait3A_447 = arith.constant 0 : i32
        %dma_wait3A_448 = tpu.memref_slice %dma_wait3A_445[%dma_wait3A_440, %dma_wait3A_446, %dma_wait3A_447] : memref<8x16x128xf32, #tpu.memory_space<vmem>> -> memref<1x16x128xf32, #tpu.memory_space<vmem>>
        %dma_wait3A_449 = tpu.memref_squeeze %dma_wait3A_448 : memref<1x16x128xf32, #tpu.memory_space<vmem>> -> memref<16x128xf32, #tpu.memory_space<vmem>>
        %dma_wait3A_450 = arith.constant 0 : i32
        %dma_wait3A_451 = arith.constant 0 : i32
        %dma_wait3A_452 = tpu.memref_slice %arg3[%dma_wait3A_450, %dma_wait3A_451] : memref<16x1000000xf32, #tpu.memory_space<hbm>> -> memref<16x128xf32, #tpu.memory_space<hbm>>
        %dma_wait3A_453 = arith.constant 0 : i32
        %dma_wait3A_454 = arith.constant 0 : i32
        %dma_wait3A_455 = arith.constant 0 : i32
        %dma_wait3A_456 = tpu.memref_slice %arg10[%dma_wait3A_439, %dma_wait3A_453, %dma_wait3A_454, %dma_wait3A_455] : memref<3x8x16x128xf32, #tpu.memory_space<vmem>> -> memref<1x8x16x128xf32, #tpu.memory_space<vmem>>
        %dma_wait3A_457 = tpu.memref_squeeze %dma_wait3A_456 : memref<1x8x16x128xf32, #tpu.memory_space<vmem>> -> memref<8x16x128xf32, #tpu.memory_space<vmem>>
        %dma_wait3A_458 = arith.constant 0 : i32
        %dma_wait3A_459 = arith.constant 0 : i32
        %dma_wait3A_460 = tpu.memref_slice %dma_wait3A_457[%dma_wait3A_440, %dma_wait3A_458, %dma_wait3A_459] : memref<8x16x128xf32, #tpu.memory_space<vmem>> -> memref<1x16x128xf32, #tpu.memory_space<vmem>>
        %dma_wait3A_461 = tpu.memref_squeeze %dma_wait3A_460 : memref<1x16x128xf32, #tpu.memory_space<vmem>> -> memref<16x128xf32, #tpu.memory_space<vmem>>
        %dma_wait3A_462 = arith.constant 0 : i32
        %dma_wait3A_463 = arith.constant 0 : i32
        %dma_wait3A_464 = tpu.memref_slice %arg3[%dma_wait3A_462, %dma_wait3A_463] : memref<16x1000000xf32, #tpu.memory_space<hbm>> -> memref<16x128xf32, #tpu.memory_space<hbm>>
        tpu.wait_dma2 semaphore(%arg14 : memref<!tpu.dma_semaphore, #tpu.memory_space<semaphore_mem>>) src(%dma_wait3A_464 : memref<16x128xf32, #tpu.memory_space<hbm>>) dst(%dma_wait3A_461 : memref<16x128xf32, #tpu.memory_space<vmem>>)
        %dma_wait3A_465 = arith.constant 2 : i32
        %dma_wait3A_466 = arith.constant 7 : i32
        %dma_wait3A_467 = arith.constant 0 : i32
        %dma_wait3A_468 = arith.constant 0 : i32
        %dma_wait3A_469 = arith.constant 0 : i32
        %dma_wait3A_470 = tpu.memref_slice %arg10[%dma_wait3A_465, %dma_wait3A_467, %dma_wait3A_468, %dma_wait3A_469] : memref<3x8x16x128xf32, #tpu.memory_space<vmem>> -> memref<1x8x16x128xf32, #tpu.memory_space<vmem>>
        %dma_wait3A_471 = tpu.memref_squeeze %dma_wait3A_470 : memref<1x8x16x128xf32, #tpu.memory_space<vmem>> -> memref<8x16x128xf32, #tpu.memory_space<vmem>>
        %dma_wait3A_472 = arith.constant 0 : i32
        %dma_wait3A_473 = arith.constant 0 : i32
        %dma_wait3A_474 = tpu.memref_slice %dma_wait3A_471[%dma_wait3A_466, %dma_wait3A_472, %dma_wait3A_473] : memref<8x16x128xf32, #tpu.memory_space<vmem>> -> memref<1x16x128xf32, #tpu.memory_space<vmem>>
        %dma_wait3A_475 = tpu.memref_squeeze %dma_wait3A_474 : memref<1x16x128xf32, #tpu.memory_space<vmem>> -> memref<16x128xf32, #tpu.memory_space<vmem>>
        %dma_wait3A_476 = arith.constant 0 : i32
        %dma_wait3A_477 = arith.constant 0 : i32
        %dma_wait3A_478 = tpu.memref_slice %arg3[%dma_wait3A_476, %dma_wait3A_477] : memref<16x1000000xf32, #tpu.memory_space<hbm>> -> memref<16x128xf32, #tpu.memory_space<hbm>>
        %dma_wait3A_479 = arith.constant 0 : i32
        %dma_wait3A_480 = arith.constant 0 : i32
        %dma_wait3A_481 = arith.constant 0 : i32
        %dma_wait3A_482 = tpu.memref_slice %arg10[%dma_wait3A_465, %dma_wait3A_479, %dma_wait3A_480, %dma_wait3A_481] : memref<3x8x16x128xf32, #tpu.memory_space<vmem>> -> memref<1x8x16x128xf32, #tpu.memory_space<vmem>>
        %dma_wait3A_483 = tpu.memref_squeeze %dma_wait3A_482 : memref<1x8x16x128xf32, #tpu.memory_space<vmem>> -> memref<8x16x128xf32, #tpu.memory_space<vmem>>
        %dma_wait3A_484 = arith.constant 0 : i32
        %dma_wait3A_485 = arith.constant 0 : i32
        %dma_wait3A_486 = tpu.memref_slice %dma_wait3A_483[%dma_wait3A_466, %dma_wait3A_484, %dma_wait3A_485] : memref<8x16x128xf32, #tpu.memory_space<vmem>> -> memref<1x16x128xf32, #tpu.memory_space<vmem>>
        %dma_wait3A_487 = tpu.memref_squeeze %dma_wait3A_486 : memref<1x16x128xf32, #tpu.memory_space<vmem>> -> memref<16x128xf32, #tpu.memory_space<vmem>>
        %dma_wait3A_488 = arith.constant 0 : i32
        %dma_wait3A_489 = arith.constant 0 : i32
        %dma_wait3A_490 = tpu.memref_slice %arg3[%dma_wait3A_488, %dma_wait3A_489] : memref<16x1000000xf32, #tpu.memory_space<hbm>> -> memref<16x128xf32, #tpu.memory_space<hbm>>
        tpu.wait_dma2 semaphore(%arg14 : memref<!tpu.dma_semaphore, #tpu.memory_space<semaphore_mem>>) src(%dma_wait3A_490 : memref<16x128xf32, #tpu.memory_space<hbm>>) dst(%dma_wait3A_487 : memref<16x128xf32, #tpu.memory_space<vmem>>)
        %mul3A_491 = arith.constant 8 : i32
        %mul3A_492 = arith.muli %sub3A_75, %mul3A_491 : i32
        %get3A = arith.index_cast %mul3A_492 : i32 to index
        %get3A_493 = tpu.vector_load %arg7[%get3A] {strides = array<i32>} : memref<640xi32, #tpu.memory_space<vmem>>, vector<16xi32>,
        %mul3A_494 = arith.constant 8 : i32
        %mul3A_495 = arith.muli %sub3A_75, %mul3A_494 : i32
        %get3A_496 = arith.index_cast %mul3A_495 : i32 to index
        %get3A_497 = tpu.vector_load %arg8[%get3A_496] {strides = array<i32>} : memref<640xi32, #tpu.memory_space<vmem>>, vector<16xi32>,
        %shift_right_arithmetic3A = arith.constant 4 : i32
        %shift_right_arithmetic3A_498 = arith.shrsi %sub3A_75, %shift_right_arithmetic3A : i32
        %broadcast_in_dim3A = vector.broadcast %shift_right_arithmetic3A_498 : i32 to vector<16xi32>
        %mul3A_499 = arith.constant 8 : i32
        %mul3A_500 = arith.muli %sub3A_75, %mul3A_499 : i32
        %and3A_501 = arith.constant 127 : i32
        %and3A_502 = arith.andi %mul3A_500, %and3A_501 : i32
        %slice3A = vector.extract_strided_slice %get3A_493 {offsets = [0], sizes = [1], strides = [1]} : vector<16xi32> to vector<1xi32>
        %squeeze3A = vector.extract %slice3A[0] : i32 from vector<1xi32>
        %and3A_503 = arith.constant 127 : i32
        %and3A_504 = arith.andi %squeeze3A, %and3A_503 : i32
        %broadcast_in_dim3A_505 = vector.broadcast %and3A_504 : i32 to vector<16xi32>
        %slice3A_506 = vector.extract_strided_slice %get3A_497 {offsets = [0], sizes = [1], strides = [1]} : vector<16xi32> to vector<1xi32>
        %squeeze3A_507 = vector.extract %slice3A_506[0] : i32 from vector<1xi32>
        %and3A_508 = arith.constant 127 : i32
        %and3A_509 = arith.andi %squeeze3A_507, %and3A_508 : i32
        %broadcast_in_dim3A_510 = vector.broadcast %and3A_509 : i32 to vector<16xi32>
        %gather3A = arith.constant 2 : i32
        %gather3A_511 = arith.constant 0 : i32
        %gather3A_512 = arith.constant 0 : i32
        %gather3A_513 = arith.constant 0 : i32
        %gather3A_514 = arith.constant 0 : i32
        %gather3A_515 = tpu.memref_slice %arg9[%gather3A, %gather3A_512, %gather3A_513, %gather3A_514] : memref<3x8x16x128xf32, #tpu.memory_space<vmem>> -> memref<1x8x16x128xf32, #tpu.memory_space<vmem>>
        %gather3A_516 = tpu.memref_squeeze %gather3A_515 : memref<1x8x16x128xf32, #tpu.memory_space<vmem>> -> memref<8x16x128xf32, #tpu.memory_space<vmem>>
        %gather3A_517 = arith.constant 0 : i32
        %gather3A_518 = arith.constant 0 : i32
        %gather3A_519 = tpu.memref_slice %gather3A_516[%gather3A_511, %gather3A_517, %gather3A_518] : memref<8x16x128xf32, #tpu.memory_space<vmem>> -> memref<1x16x128xf32, #tpu.memory_space<vmem>>
        %gather3A_520 = tpu.memref_squeeze %gather3A_519 : memref<1x16x128xf32, #tpu.memory_space<vmem>> -> memref<16x128xf32, #tpu.memory_space<vmem>>
        %gather3A_521 = tpu.vector_load_idx %gather3A_520[%iota3A, %broadcast_in_dim3A_505] : memref<16x128xf32, #tpu.memory_space<vmem>>[vector<16xi32>, vector<16xi32>], vector<16xf32>,
        %gather3A_522 = arith.constant 2 : i32
        %gather3A_523 = arith.constant 0 : i32
        %gather3A_524 = arith.constant 0 : i32
        %gather3A_525 = arith.constant 0 : i32
        %gather3A_526 = arith.constant 0 : i32
        %gather3A_527 = tpu.memref_slice %arg10[%gather3A_522, %gather3A_524, %gather3A_525, %gather3A_526] : memref<3x8x16x128xf32, #tpu.memory_space<vmem>> -> memref<1x8x16x128xf32, #tpu.memory_space<vmem>>
        %gather3A_528 = tpu.memref_squeeze %gather3A_527 : memref<1x8x16x128xf32, #tpu.memory_space<vmem>> -> memref<8x16x128xf32, #tpu.memory_space<vmem>>
        %gather3A_529 = arith.constant 0 : i32
        %gather3A_530 = arith.constant 0 : i32
        %gather3A_531 = tpu.memref_slice %gather3A_528[%gather3A_523, %gather3A_529, %gather3A_530] : memref<8x16x128xf32, #tpu.memory_space<vmem>> -> memref<1x16x128xf32, #tpu.memory_space<vmem>>
        %gather3A_532 = tpu.memref_squeeze %gather3A_531 : memref<1x16x128xf32, #tpu.memory_space<vmem>> -> memref<16x128xf32, #tpu.memory_space<vmem>>
        %gather3A_533 = tpu.vector_load_idx %gather3A_532[%iota3A, %broadcast_in_dim3A_510] : memref<16x128xf32, #tpu.memory_space<vmem>>[vector<16xi32>, vector<16xi32>], vector<16xf32>,
        %add3A_534 = arith.constant 0 : i32
        %add3A_535 = arith.addi %and3A_502, %add3A_534 : i32
        %broadcast_in_dim3A_536 = vector.broadcast %add3A_535 : i32 to vector<16xi32>
        %mul3A_537 = arith.mulf %gather3A_521, %gather3A_533 : vector<16xf32>
        tpu.vector_store_idx %arg11[%broadcast_in_dim3A, %iota3A, %broadcast_in_dim3A_536], %mul3A_537 : memref<4x16x128xf32, #tpu.memory_space<vmem>>[vector<16xi32>, vector<16xi32>, vector<16xi32>], vector<16xf32>,
        %slice3A_538 = vector.extract_strided_slice %get3A_493 {offsets = [1], sizes = [1], strides = [1]} : vector<16xi32> to vector<1xi32>
        %squeeze3A_539 = vector.extract %slice3A_538[0] : i32 from vector<1xi32>
        %and3A_540 = arith.constant 127 : i32
        %and3A_541 = arith.andi %squeeze3A_539, %and3A_540 : i32
        %broadcast_in_dim3A_542 = vector.broadcast %and3A_541 : i32 to vector<16xi32>
        %slice3A_543 = vector.extract_strided_slice %get3A_497 {offsets = [1], sizes = [1], strides = [1]} : vector<16xi32> to vector<1xi32>
        %squeeze3A_544 = vector.extract %slice3A_543[0] : i32 from vector<1xi32>
        %and3A_545 = arith.constant 127 : i32
        %and3A_546 = arith.andi %squeeze3A_544, %and3A_545 : i32
        %broadcast_in_dim3A_547 = vector.broadcast %and3A_546 : i32 to vector<16xi32>
        %gather3A_548 = arith.constant 2 : i32
        %gather3A_549 = arith.constant 1 : i32
        %gather3A_550 = arith.constant 0 : i32
        %gather3A_551 = arith.constant 0 : i32
        %gather3A_552 = arith.constant 0 : i32
        %gather3A_553 = tpu.memref_slice %arg9[%gather3A_548, %gather3A_550, %gather3A_551, %gather3A_552] : memref<3x8x16x128xf32, #tpu.memory_space<vmem>> -> memref<1x8x16x128xf32, #tpu.memory_space<vmem>>
        %gather3A_554 = tpu.memref_squeeze %gather3A_553 : memref<1x8x16x128xf32, #tpu.memory_space<vmem>> -> memref<8x16x128xf32, #tpu.memory_space<vmem>>
        %gather3A_555 = arith.constant 0 : i32
        %gather3A_556 = arith.constant 0 : i32
        %gather3A_557 = tpu.memref_slice %gather3A_554[%gather3A_549, %gather3A_555, %gather3A_556] : memref<8x16x128xf32, #tpu.memory_space<vmem>> -> memref<1x16x128xf32, #tpu.memory_space<vmem>>
        %gather3A_558 = tpu.memref_squeeze %gather3A_557 : memref<1x16x128xf32, #tpu.memory_space<vmem>> -> memref<16x128xf32, #tpu.memory_space<vmem>>
        %gather3A_559 = tpu.vector_load_idx %gather3A_558[%iota3A, %broadcast_in_dim3A_542] : memref<16x128xf32, #tpu.memory_space<vmem>>[vector<16xi32>, vector<16xi32>], vector<16xf32>,
        %gather3A_560 = arith.constant 2 : i32
        %gather3A_561 = arith.constant 1 : i32
        %gather3A_562 = arith.constant 0 : i32
        %gather3A_563 = arith.constant 0 : i32
        %gather3A_564 = arith.constant 0 : i32
        %gather3A_565 = tpu.memref_slice %arg10[%gather3A_560, %gather3A_562, %gather3A_563, %gather3A_564] : memref<3x8x16x128xf32, #tpu.memory_space<vmem>> -> memref<1x8x16x128xf32, #tpu.memory_space<vmem>>
        %gather3A_566 = tpu.memref_squeeze %gather3A_565 : memref<1x8x16x128xf32, #tpu.memory_space<vmem>> -> memref<8x16x128xf32, #tpu.memory_space<vmem>>
        %gather3A_567 = arith.constant 0 : i32
        %gather3A_568 = arith.constant 0 : i32
        %gather3A_569 = tpu.memref_slice %gather3A_566[%gather3A_561, %gather3A_567, %gather3A_568] : memref<8x16x128xf32, #tpu.memory_space<vmem>> -> memref<1x16x128xf32, #tpu.memory_space<vmem>>
        %gather3A_570 = tpu.memref_squeeze %gather3A_569 : memref<1x16x128xf32, #tpu.memory_space<vmem>> -> memref<16x128xf32, #tpu.memory_space<vmem>>
        %gather3A_571 = tpu.vector_load_idx %gather3A_570[%iota3A, %broadcast_in_dim3A_547] : memref<16x128xf32, #tpu.memory_space<vmem>>[vector<16xi32>, vector<16xi32>], vector<16xf32>,
        %add3A_572 = arith.constant 1 : i32
        %add3A_573 = arith.addi %and3A_502, %add3A_572 : i32
        %broadcast_in_dim3A_574 = vector.broadcast %add3A_573 : i32 to vector<16xi32>
        %mul3A_575 = arith.mulf %gather3A_559, %gather3A_571 : vector<16xf32>
        tpu.vector_store_idx %arg11[%broadcast_in_dim3A, %iota3A, %broadcast_in_dim3A_574], %mul3A_575 : memref<4x16x128xf32, #tpu.memory_space<vmem>>[vector<16xi32>, vector<16xi32>, vector<16xi32>], vector<16xf32>,
        %slice3A_576 = vector.extract_strided_slice %get3A_493 {offsets = [2], sizes = [1], strides = [1]} : vector<16xi32> to vector<1xi32>
        %squeeze3A_577 = vector.extract %slice3A_576[0] : i32 from vector<1xi32>
        %and3A_578 = arith.constant 127 : i32
        %and3A_579 = arith.andi %squeeze3A_577, %and3A_578 : i32
        %broadcast_in_dim3A_580 = vector.broadcast %and3A_579 : i32 to vector<16xi32>
        %slice3A_581 = vector.extract_strided_slice %get3A_497 {offsets = [2], sizes = [1], strides = [1]} : vector<16xi32> to vector<1xi32>
        %squeeze3A_582 = vector.extract %slice3A_581[0] : i32 from vector<1xi32>
        %and3A_583 = arith.constant 127 : i32
        %and3A_584 = arith.andi %squeeze3A_582, %and3A_583 : i32
        %broadcast_in_dim3A_585 = vector.broadcast %and3A_584 : i32 to vector<16xi32>
        %gather3A_586 = arith.constant 2 : i32
        %gather3A_587 = arith.constant 2 : i32
        %gather3A_588 = arith.constant 0 : i32
        %gather3A_589 = arith.constant 0 : i32
        %gather3A_590 = arith.constant 0 : i32
        %gather3A_591 = tpu.memref_slice %arg9[%gather3A_586, %gather3A_588, %gather3A_589, %gather3A_590] : memref<3x8x16x128xf32, #tpu.memory_space<vmem>> -> memref<1x8x16x128xf32, #tpu.memory_space<vmem>>
        %gather3A_592 = tpu.memref_squeeze %gather3A_591 : memref<1x8x16x128xf32, #tpu.memory_space<vmem>> -> memref<8x16x128xf32, #tpu.memory_space<vmem>>
        %gather3A_593 = arith.constant 0 : i32
        %gather3A_594 = arith.constant 0 : i32
        %gather3A_595 = tpu.memref_slice %gather3A_592[%gather3A_587, %gather3A_593, %gather3A_594] : memref<8x16x128xf32, #tpu.memory_space<vmem>> -> memref<1x16x128xf32, #tpu.memory_space<vmem>>
        %gather3A_596 = tpu.memref_squeeze %gather3A_595 : memref<1x16x128xf32, #tpu.memory_space<vmem>> -> memref<16x128xf32, #tpu.memory_space<vmem>>
        %gather3A_597 = tpu.vector_load_idx %gather3A_596[%iota3A, %broadcast_in_dim3A_580] : memref<16x128xf32, #tpu.memory_space<vmem>>[vector<16xi32>, vector<16xi32>], vector<16xf32>,
        %gather3A_598 = arith.constant 2 : i32
        %gather3A_599 = arith.constant 2 : i32
        %gather3A_600 = arith.constant 0 : i32
        %gather3A_601 = arith.constant 0 : i32
        %gather3A_602 = arith.constant 0 : i32
        %gather3A_603 = tpu.memref_slice %arg10[%gather3A_598, %gather3A_600, %gather3A_601, %gather3A_602] : memref<3x8x16x128xf32, #tpu.memory_space<vmem>> -> memref<1x8x16x128xf32, #tpu.memory_space<vmem>>
        %gather3A_604 = tpu.memref_squeeze %gather3A_603 : memref<1x8x16x128xf32, #tpu.memory_space<vmem>> -> memref<8x16x128xf32, #tpu.memory_space<vmem>>
        %gather3A_605 = arith.constant 0 : i32
        %gather3A_606 = arith.constant 0 : i32
        %gather3A_607 = tpu.memref_slice %gather3A_604[%gather3A_599, %gather3A_605, %gather3A_606] : memref<8x16x128xf32, #tpu.memory_space<vmem>> -> memref<1x16x128xf32, #tpu.memory_space<vmem>>
        %gather3A_608 = tpu.memref_squeeze %gather3A_607 : memref<1x16x128xf32, #tpu.memory_space<vmem>> -> memref<16x128xf32, #tpu.memory_space<vmem>>
        %gather3A_609 = tpu.vector_load_idx %gather3A_608[%iota3A, %broadcast_in_dim3A_585] : memref<16x128xf32, #tpu.memory_space<vmem>>[vector<16xi32>, vector<16xi32>], vector<16xf32>,
        %add3A_610 = arith.constant 2 : i32
        %add3A_611 = arith.addi %and3A_502, %add3A_610 : i32
        %broadcast_in_dim3A_612 = vector.broadcast %add3A_611 : i32 to vector<16xi32>
        %mul3A_613 = arith.mulf %gather3A_597, %gather3A_609 : vector<16xf32>
        tpu.vector_store_idx %arg11[%broadcast_in_dim3A, %iota3A, %broadcast_in_dim3A_612], %mul3A_613 : memref<4x16x128xf32, #tpu.memory_space<vmem>>[vector<16xi32>, vector<16xi32>, vector<16xi32>], vector<16xf32>,
        %slice3A_614 = vector.extract_strided_slice %get3A_493 {offsets = [3], sizes = [1], strides = [1]} : vector<16xi32> to vector<1xi32>
        %squeeze3A_615 = vector.extract %slice3A_614[0] : i32 from vector<1xi32>
        %and3A_616 = arith.constant 127 : i32
        %and3A_617 = arith.andi %squeeze3A_615, %and3A_616 : i32
        %broadcast_in_dim3A_618 = vector.broadcast %and3A_617 : i32 to vector<16xi32>
        %slice3A_619 = vector.extract_strided_slice %get3A_497 {offsets = [3], sizes = [1], strides = [1]} : vector<16xi32> to vector<1xi32>
        %squeeze3A_620 = vector.extract %slice3A_619[0] : i32 from vector<1xi32>
        %and3A_621 = arith.constant 127 : i32
        %and3A_622 = arith.andi %squeeze3A_620, %and3A_621 : i32
        %broadcast_in_dim3A_623 = vector.broadcast %and3A_622 : i32 to vector<16xi32>
        %gather3A_624 = arith.constant 2 : i32
        %gather3A_625 = arith.constant 3 : i32
        %gather3A_626 = arith.constant 0 : i32
        %gather3A_627 = arith.constant 0 : i32
        %gather3A_628 = arith.constant 0 : i32
        %gather3A_629 = tpu.memref_slice %arg9[%gather3A_624, %gather3A_626, %gather3A_627, %gather3A_628] : memref<3x8x16x128xf32, #tpu.memory_space<vmem>> -> memref<1x8x16x128xf32, #tpu.memory_space<vmem>>
        %gather3A_630 = tpu.memref_squeeze %gather3A_629 : memref<1x8x16x128xf32, #tpu.memory_space<vmem>> -> memref<8x16x128xf32, #tpu.memory_space<vmem>>
        %gather3A_631 = arith.constant 0 : i32
        %gather3A_632 = arith.constant 0 : i32
        %gather3A_633 = tpu.memref_slice %gather3A_630[%gather3A_625, %gather3A_631, %gather3A_632] : memref<8x16x128xf32, #tpu.memory_space<vmem>> -> memref<1x16x128xf32, #tpu.memory_space<vmem>>
        %gather3A_634 = tpu.memref_squeeze %gather3A_633 : memref<1x16x128xf32, #tpu.memory_space<vmem>> -> memref<16x128xf32, #tpu.memory_space<vmem>>
        %gather3A_635 = tpu.vector_load_idx %gather3A_634[%iota3A, %broadcast_in_dim3A_618] : memref<16x128xf32, #tpu.memory_space<vmem>>[vector<16xi32>, vector<16xi32>], vector<16xf32>,
        %gather3A_636 = arith.constant 2 : i32
        %gather3A_637 = arith.constant 3 : i32
        %gather3A_638 = arith.constant 0 : i32
        %gather3A_639 = arith.constant 0 : i32
        %gather3A_640 = arith.constant 0 : i32
        %gather3A_641 = tpu.memref_slice %arg10[%gather3A_636, %gather3A_638, %gather3A_639, %gather3A_640] : memref<3x8x16x128xf32, #tpu.memory_space<vmem>> -> memref<1x8x16x128xf32, #tpu.memory_space<vmem>>
        %gather3A_642 = tpu.memref_squeeze %gather3A_641 : memref<1x8x16x128xf32, #tpu.memory_space<vmem>> -> memref<8x16x128xf32, #tpu.memory_space<vmem>>
        %gather3A_643 = arith.constant 0 : i32
        %gather3A_644 = arith.constant 0 : i32
        %gather3A_645 = tpu.memref_slice %gather3A_642[%gather3A_637, %gather3A_643, %gather3A_644] : memref<8x16x128xf32, #tpu.memory_space<vmem>> -> memref<1x16x128xf32, #tpu.memory_space<vmem>>
        %gather3A_646 = tpu.memref_squeeze %gather3A_645 : memref<1x16x128xf32, #tpu.memory_space<vmem>> -> memref<16x128xf32, #tpu.memory_space<vmem>>
        %gather3A_647 = tpu.vector_load_idx %gather3A_646[%iota3A, %broadcast_in_dim3A_623] : memref<16x128xf32, #tpu.memory_space<vmem>>[vector<16xi32>, vector<16xi32>], vector<16xf32>,
        %add3A_648 = arith.constant 3 : i32
        %add3A_649 = arith.addi %and3A_502, %add3A_648 : i32
        %broadcast_in_dim3A_650 = vector.broadcast %add3A_649 : i32 to vector<16xi32>
        %mul3A_651 = arith.mulf %gather3A_635, %gather3A_647 : vector<16xf32>
        tpu.vector_store_idx %arg11[%broadcast_in_dim3A, %iota3A, %broadcast_in_dim3A_650], %mul3A_651 : memref<4x16x128xf32, #tpu.memory_space<vmem>>[vector<16xi32>, vector<16xi32>, vector<16xi32>], vector<16xf32>,
        %slice3A_652 = vector.extract_strided_slice %get3A_493 {offsets = [4], sizes = [1], strides = [1]} : vector<16xi32> to vector<1xi32>
        %squeeze3A_653 = vector.extract %slice3A_652[0] : i32 from vector<1xi32>
        %and3A_654 = arith.constant 127 : i32
        %and3A_655 = arith.andi %squeeze3A_653, %and3A_654 : i32
        %broadcast_in_dim3A_656 = vector.broadcast %and3A_655 : i32 to vector<16xi32>
        %slice3A_657 = vector.extract_strided_slice %get3A_497 {offsets = [4], sizes = [1], strides = [1]} : vector<16xi32> to vector<1xi32>
        %squeeze3A_658 = vector.extract %slice3A_657[0] : i32 from vector<1xi32>
        %and3A_659 = arith.constant 127 : i32
        %and3A_660 = arith.andi %squeeze3A_658, %and3A_659 : i32
        %broadcast_in_dim3A_661 = vector.broadcast %and3A_660 : i32 to vector<16xi32>
        %gather3A_662 = arith.constant 2 : i32
        %gather3A_663 = arith.constant 4 : i32
        %gather3A_664 = arith.constant 0 : i32
        %gather3A_665 = arith.constant 0 : i32
        %gather3A_666 = arith.constant 0 : i32
        %gather3A_667 = tpu.memref_slice %arg9[%gather3A_662, %gather3A_664, %gather3A_665, %gather3A_666] : memref<3x8x16x128xf32, #tpu.memory_space<vmem>> -> memref<1x8x16x128xf32, #tpu.memory_space<vmem>>
        %gather3A_668 = tpu.memref_squeeze %gather3A_667 : memref<1x8x16x128xf32, #tpu.memory_space<vmem>> -> memref<8x16x128xf32, #tpu.memory_space<vmem>>
        %gather3A_669 = arith.constant 0 : i32
        %gather3A_670 = arith.constant 0 : i32
        %gather3A_671 = tpu.memref_slice %gather3A_668[%gather3A_663, %gather3A_669, %gather3A_670] : memref<8x16x128xf32, #tpu.memory_space<vmem>> -> memref<1x16x128xf32, #tpu.memory_space<vmem>>
        %gather3A_672 = tpu.memref_squeeze %gather3A_671 : memref<1x16x128xf32, #tpu.memory_space<vmem>> -> memref<16x128xf32, #tpu.memory_space<vmem>>
        %gather3A_673 = tpu.vector_load_idx %gather3A_672[%iota3A, %broadcast_in_dim3A_656] : memref<16x128xf32, #tpu.memory_space<vmem>>[vector<16xi32>, vector<16xi32>], vector<16xf32>,
        %gather3A_674 = arith.constant 2 : i32
        %gather3A_675 = arith.constant 4 : i32
        %gather3A_676 = arith.constant 0 : i32
        %gather3A_677 = arith.constant 0 : i32
        %gather3A_678 = arith.constant 0 : i32
        %gather3A_679 = tpu.memref_slice %arg10[%gather3A_674, %gather3A_676, %gather3A_677, %gather3A_678] : memref<3x8x16x128xf32, #tpu.memory_space<vmem>> -> memref<1x8x16x128xf32, #tpu.memory_space<vmem>>
        %gather3A_680 = tpu.memref_squeeze %gather3A_679 : memref<1x8x16x128xf32, #tpu.memory_space<vmem>> -> memref<8x16x128xf32, #tpu.memory_space<vmem>>
        %gather3A_681 = arith.constant 0 : i32
        %gather3A_682 = arith.constant 0 : i32
        %gather3A_683 = tpu.memref_slice %gather3A_680[%gather3A_675, %gather3A_681, %gather3A_682] : memref<8x16x128xf32, #tpu.memory_space<vmem>> -> memref<1x16x128xf32, #tpu.memory_space<vmem>>
        %gather3A_684 = tpu.memref_squeeze %gather3A_683 : memref<1x16x128xf32, #tpu.memory_space<vmem>> -> memref<16x128xf32, #tpu.memory_space<vmem>>
        %gather3A_685 = tpu.vector_load_idx %gather3A_684[%iota3A, %broadcast_in_dim3A_661] : memref<16x128xf32, #tpu.memory_space<vmem>>[vector<16xi32>, vector<16xi32>], vector<16xf32>,
        %add3A_686 = arith.constant 4 : i32
        %add3A_687 = arith.addi %and3A_502, %add3A_686 : i32
        %broadcast_in_dim3A_688 = vector.broadcast %add3A_687 : i32 to vector<16xi32>
        %mul3A_689 = arith.mulf %gather3A_673, %gather3A_685 : vector<16xf32>
        tpu.vector_store_idx %arg11[%broadcast_in_dim3A, %iota3A, %broadcast_in_dim3A_688], %mul3A_689 : memref<4x16x128xf32, #tpu.memory_space<vmem>>[vector<16xi32>, vector<16xi32>, vector<16xi32>], vector<16xf32>,
        %slice3A_690 = vector.extract_strided_slice %get3A_493 {offsets = [5], sizes = [1], strides = [1]} : vector<16xi32> to vector<1xi32>
        %squeeze3A_691 = vector.extract %slice3A_690[0] : i32 from vector<1xi32>
        %and3A_692 = arith.constant 127 : i32
        %and3A_693 = arith.andi %squeeze3A_691, %and3A_692 : i32
        %broadcast_in_dim3A_694 = vector.broadcast %and3A_693 : i32 to vector<16xi32>
        %slice3A_695 = vector.extract_strided_slice %get3A_497 {offsets = [5], sizes = [1], strides = [1]} : vector<16xi32> to vector<1xi32>
        %squeeze3A_696 = vector.extract %slice3A_695[0] : i32 from vector<1xi32>
        %and3A_697 = arith.constant 127 : i32
        %and3A_698 = arith.andi %squeeze3A_696, %and3A_697 : i32
        %broadcast_in_dim3A_699 = vector.broadcast %and3A_698 : i32 to vector<16xi32>
        %gather3A_700 = arith.constant 2 : i32
        %gather3A_701 = arith.constant 5 : i32
        %gather3A_702 = arith.constant 0 : i32
        %gather3A_703 = arith.constant 0 : i32
        %gather3A_704 = arith.constant 0 : i32
        %gather3A_705 = tpu.memref_slice %arg9[%gather3A_700, %gather3A_702, %gather3A_703, %gather3A_704] : memref<3x8x16x128xf32, #tpu.memory_space<vmem>> -> memref<1x8x16x128xf32, #tpu.memory_space<vmem>>
        %gather3A_706 = tpu.memref_squeeze %gather3A_705 : memref<1x8x16x128xf32, #tpu.memory_space<vmem>> -> memref<8x16x128xf32, #tpu.memory_space<vmem>>
        %gather3A_707 = arith.constant 0 : i32
        %gather3A_708 = arith.constant 0 : i32
        %gather3A_709 = tpu.memref_slice %gather3A_706[%gather3A_701, %gather3A_707, %gather3A_708] : memref<8x16x128xf32, #tpu.memory_space<vmem>> -> memref<1x16x128xf32, #tpu.memory_space<vmem>>
        %gather3A_710 = tpu.memref_squeeze %gather3A_709 : memref<1x16x128xf32, #tpu.memory_space<vmem>> -> memref<16x128xf32, #tpu.memory_space<vmem>>
        %gather3A_711 = tpu.vector_load_idx %gather3A_710[%iota3A, %broadcast_in_dim3A_694] : memref<16x128xf32, #tpu.memory_space<vmem>>[vector<16xi32>, vector<16xi32>], vector<16xf32>,
        %gather3A_712 = arith.constant 2 : i32
        %gather3A_713 = arith.constant 5 : i32
        %gather3A_714 = arith.constant 0 : i32
        %gather3A_715 = arith.constant 0 : i32
        %gather3A_716 = arith.constant 0 : i32
        %gather3A_717 = tpu.memref_slice %arg10[%gather3A_712, %gather3A_714, %gather3A_715, %gather3A_716] : memref<3x8x16x128xf32, #tpu.memory_space<vmem>> -> memref<1x8x16x128xf32, #tpu.memory_space<vmem>>
        %gather3A_718 = tpu.memref_squeeze %gather3A_717 : memref<1x8x16x128xf32, #tpu.memory_space<vmem>> -> memref<8x16x128xf32, #tpu.memory_space<vmem>>
        %gather3A_719 = arith.constant 0 : i32
        %gather3A_720 = arith.constant 0 : i32
        %gather3A_721 = tpu.memref_slice %gather3A_718[%gather3A_713, %gather3A_719, %gather3A_720] : memref<8x16x128xf32, #tpu.memory_space<vmem>> -> memref<1x16x128xf32, #tpu.memory_space<vmem>>
        %gather3A_722 = tpu.memref_squeeze %gather3A_721 : memref<1x16x128xf32, #tpu.memory_space<vmem>> -> memref<16x128xf32, #tpu.memory_space<vmem>>
        %gather3A_723 = tpu.vector_load_idx %gather3A_722[%iota3A, %broadcast_in_dim3A_699] : memref<16x128xf32, #tpu.memory_space<vmem>>[vector<16xi32>, vector<16xi32>], vector<16xf32>,
        %add3A_724 = arith.constant 5 : i32
        %add3A_725 = arith.addi %and3A_502, %add3A_724 : i32
        %broadcast_in_dim3A_726 = vector.broadcast %add3A_725 : i32 to vector<16xi32>
        %mul3A_727 = arith.mulf %gather3A_711, %gather3A_723 : vector<16xf32>
        tpu.vector_store_idx %arg11[%broadcast_in_dim3A, %iota3A, %broadcast_in_dim3A_726], %mul3A_727 : memref<4x16x128xf32, #tpu.memory_space<vmem>>[vector<16xi32>, vector<16xi32>, vector<16xi32>], vector<16xf32>,
        %slice3A_728 = vector.extract_strided_slice %get3A_493 {offsets = [6], sizes = [1], strides = [1]} : vector<16xi32> to vector<1xi32>
        %squeeze3A_729 = vector.extract %slice3A_728[0] : i32 from vector<1xi32>
        %and3A_730 = arith.constant 127 : i32
        %and3A_731 = arith.andi %squeeze3A_729, %and3A_730 : i32
        %broadcast_in_dim3A_732 = vector.broadcast %and3A_731 : i32 to vector<16xi32>
        %slice3A_733 = vector.extract_strided_slice %get3A_497 {offsets = [6], sizes = [1], strides = [1]} : vector<16xi32> to vector<1xi32>
        %squeeze3A_734 = vector.extract %slice3A_733[0] : i32 from vector<1xi32>
        %and3A_735 = arith.constant 127 : i32
        %and3A_736 = arith.andi %squeeze3A_734, %and3A_735 : i32
        %broadcast_in_dim3A_737 = vector.broadcast %and3A_736 : i32 to vector<16xi32>
        %gather3A_738 = arith.constant 2 : i32
        %gather3A_739 = arith.constant 6 : i32
        %gather3A_740 = arith.constant 0 : i32
        %gather3A_741 = arith.constant 0 : i32
        %gather3A_742 = arith.constant 0 : i32
        %gather3A_743 = tpu.memref_slice %arg9[%gather3A_738, %gather3A_740, %gather3A_741, %gather3A_742] : memref<3x8x16x128xf32, #tpu.memory_space<vmem>> -> memref<1x8x16x128xf32, #tpu.memory_space<vmem>>
        %gather3A_744 = tpu.memref_squeeze %gather3A_743 : memref<1x8x16x128xf32, #tpu.memory_space<vmem>> -> memref<8x16x128xf32, #tpu.memory_space<vmem>>
        %gather3A_745 = arith.constant 0 : i32
        %gather3A_746 = arith.constant 0 : i32
        %gather3A_747 = tpu.memref_slice %gather3A_744[%gather3A_739, %gather3A_745, %gather3A_746] : memref<8x16x128xf32, #tpu.memory_space<vmem>> -> memref<1x16x128xf32, #tpu.memory_space<vmem>>
        %gather3A_748 = tpu.memref_squeeze %gather3A_747 : memref<1x16x128xf32, #tpu.memory_space<vmem>> -> memref<16x128xf32, #tpu.memory_space<vmem>>
        %gather3A_749 = tpu.vector_load_idx %gather3A_748[%iota3A, %broadcast_in_dim3A_732] : memref<16x128xf32, #tpu.memory_space<vmem>>[vector<16xi32>, vector<16xi32>], vector<16xf32>,
        %gather3A_750 = arith.constant 2 : i32
        %gather3A_751 = arith.constant 6 : i32
        %gather3A_752 = arith.constant 0 : i32
        %gather3A_753 = arith.constant 0 : i32
        %gather3A_754 = arith.constant 0 : i32
        %gather3A_755 = tpu.memref_slice %arg10[%gather3A_750, %gather3A_752, %gather3A_753, %gather3A_754] : memref<3x8x16x128xf32, #tpu.memory_space<vmem>> -> memref<1x8x16x128xf32, #tpu.memory_space<vmem>>
        %gather3A_756 = tpu.memref_squeeze %gather3A_755 : memref<1x8x16x128xf32, #tpu.memory_space<vmem>> -> memref<8x16x128xf32, #tpu.memory_space<vmem>>
        %gather3A_757 = arith.constant 0 : i32
        %gather3A_758 = arith.constant 0 : i32
        %gather3A_759 = tpu.memref_slice %gather3A_756[%gather3A_751, %gather3A_757, %gather3A_758] : memref<8x16x128xf32, #tpu.memory_space<vmem>> -> memref<1x16x128xf32, #tpu.memory_space<vmem>>
        %gather3A_760 = tpu.memref_squeeze %gather3A_759 : memref<1x16x128xf32, #tpu.memory_space<vmem>> -> memref<16x128xf32, #tpu.memory_space<vmem>>
        %gather3A_761 = tpu.vector_load_idx %gather3A_760[%iota3A, %broadcast_in_dim3A_737] : memref<16x128xf32, #tpu.memory_space<vmem>>[vector<16xi32>, vector<16xi32>], vector<16xf32>,
        %add3A_762 = arith.constant 6 : i32
        %add3A_763 = arith.addi %and3A_502, %add3A_762 : i32
        %broadcast_in_dim3A_764 = vector.broadcast %add3A_763 : i32 to vector<16xi32>
        %mul3A_765 = arith.mulf %gather3A_749, %gather3A_761 : vector<16xf32>
        tpu.vector_store_idx %arg11[%broadcast_in_dim3A, %iota3A, %broadcast_in_dim3A_764], %mul3A_765 : memref<4x16x128xf32, #tpu.memory_space<vmem>>[vector<16xi32>, vector<16xi32>, vector<16xi32>], vector<16xf32>,
        %slice3A_766 = vector.extract_strided_slice %get3A_493 {offsets = [7], sizes = [1], strides = [1]} : vector<16xi32> to vector<1xi32>
        %squeeze3A_767 = vector.extract %slice3A_766[0] : i32 from vector<1xi32>
        %and3A_768 = arith.constant 127 : i32
        %and3A_769 = arith.andi %squeeze3A_767, %and3A_768 : i32
        %broadcast_in_dim3A_770 = vector.broadcast %and3A_769 : i32 to vector<16xi32>
        %slice3A_771 = vector.extract_strided_slice %get3A_497 {offsets = [7], sizes = [1], strides = [1]} : vector<16xi32> to vector<1xi32>
        %squeeze3A_772 = vector.extract %slice3A_771[0] : i32 from vector<1xi32>
        %and3A_773 = arith.constant 127 : i32
        %and3A_774 = arith.andi %squeeze3A_772, %and3A_773 : i32
        %broadcast_in_dim3A_775 = vector.broadcast %and3A_774 : i32 to vector<16xi32>
        %gather3A_776 = arith.constant 2 : i32
        %gather3A_777 = arith.constant 7 : i32
        %gather3A_778 = arith.constant 0 : i32
        %gather3A_779 = arith.constant 0 : i32
        %gather3A_780 = arith.constant 0 : i32
        %gather3A_781 = tpu.memref_slice %arg9[%gather3A_776, %gather3A_778, %gather3A_779, %gather3A_780] : memref<3x8x16x128xf32, #tpu.memory_space<vmem>> -> memref<1x8x16x128xf32, #tpu.memory_space<vmem>>
        %gather3A_782 = tpu.memref_squeeze %gather3A_781 : memref<1x8x16x128xf32, #tpu.memory_space<vmem>> -> memref<8x16x128xf32, #tpu.memory_space<vmem>>
        %gather3A_783 = arith.constant 0 : i32
        %gather3A_784 = arith.constant 0 : i32
        %gather3A_785 = tpu.memref_slice %gather3A_782[%gather3A_777, %gather3A_783, %gather3A_784] : memref<8x16x128xf32, #tpu.memory_space<vmem>> -> memref<1x16x128xf32, #tpu.memory_space<vmem>>
        %gather3A_786 = tpu.memref_squeeze %gather3A_785 : memref<1x16x128xf32, #tpu.memory_space<vmem>> -> memref<16x128xf32, #tpu.memory_space<vmem>>
        %gather3A_787 = tpu.vector_load_idx %gather3A_786[%iota3A, %broadcast_in_dim3A_770] : memref<16x128xf32, #tpu.memory_space<vmem>>[vector<16xi32>, vector<16xi32>], vector<16xf32>,
        %gather3A_788 = arith.constant 2 : i32
        %gather3A_789 = arith.constant 7 : i32
        %gather3A_790 = arith.constant 0 : i32
        %gather3A_791 = arith.constant 0 : i32
        %gather3A_792 = arith.constant 0 : i32
        %gather3A_793 = tpu.memref_slice %arg10[%gather3A_788, %gather3A_790, %gather3A_791, %gather3A_792] : memref<3x8x16x128xf32, #tpu.memory_space<vmem>> -> memref<1x8x16x128xf32, #tpu.memory_space<vmem>>
        %gather3A_794 = tpu.memref_squeeze %gather3A_793 : memref<1x8x16x128xf32, #tpu.memory_space<vmem>> -> memref<8x16x128xf32, #tpu.memory_space<vmem>>
        %gather3A_795 = arith.constant 0 : i32
        %gather3A_796 = arith.constant 0 : i32
        %gather3A_797 = tpu.memref_slice %gather3A_794[%gather3A_789, %gather3A_795, %gather3A_796] : memref<8x16x128xf32, #tpu.memory_space<vmem>> -> memref<1x16x128xf32, #tpu.memory_space<vmem>>
        %gather3A_798 = tpu.memref_squeeze %gather3A_797 : memref<1x16x128xf32, #tpu.memory_space<vmem>> -> memref<16x128xf32, #tpu.memory_space<vmem>>
        %gather3A_799 = tpu.vector_load_idx %gather3A_798[%iota3A, %broadcast_in_dim3A_775] : memref<16x128xf32, #tpu.memory_space<vmem>>[vector<16xi32>, vector<16xi32>], vector<16xf32>,
        %add3A_800 = arith.constant 7 : i32
        %add3A_801 = arith.addi %and3A_502, %add3A_800 : i32
        %broadcast_in_dim3A_802 = vector.broadcast %add3A_801 : i32 to vector<16xi32>
        %mul3A_803 = arith.mulf %gather3A_787, %gather3A_799 : vector<16xf32>
        tpu.vector_store_idx %arg11[%broadcast_in_dim3A, %iota3A, %broadcast_in_dim3A_802], %mul3A_803 : memref<4x16x128xf32, #tpu.memory_space<vmem>>[vector<16xi32>, vector<16xi32>, vector<16xi32>], vector<16xf32>,
      } else {
      }
      %mul3A_36 = arith.constant 3 : i32
      %mul3A_37 = arith.muli %mul3A_36, %scan3A_22 : i32
      %add3A_38 = arith.constant 1 : i32
      %add3A_39 = arith.addi %mul3A_37, %add3A_38 : i32
      %lt3A_40 = arith.constant 64 : i32
      %lt3A_41 = arith.cmpi slt, %add3A_39, %lt3A_40 : i32
      %convert_element_type3A_42 = arith.extui %lt3A_41 : i1 to i32
      %cond3A_43 = arith.constant 0 : i32
      %cond3A_44 = arith.cmpi ne, %convert_element_type3A_42, %cond3A_43 : i32
      scf.if %cond3A_44 {
        %mul3A_74 = arith.constant 8 : i32
        %mul3A_75 = arith.muli %add3A_39, %mul3A_74 : i32
        %get3A = arith.index_cast %mul3A_75 : i32 to index
        %get3A_76 = tpu.vector_load %arg7[%get3A] {strides = array<i32>} : memref<640xi32, #tpu.memory_space<vmem>>, vector<16xi32>,
        %mul3A_77 = arith.constant 8 : i32
        %mul3A_78 = arith.muli %add3A_39, %mul3A_77 : i32
        %get3A_79 = arith.index_cast %mul3A_78 : i32 to index
        %get3A_80 = tpu.vector_load %arg8[%get3A_79] {strides = array<i32>} : memref<640xi32, #tpu.memory_space<vmem>>, vector<16xi32>,
        %slice3A = vector.extract_strided_slice %get3A_76 {offsets = [0], sizes = [1], strides = [1]} : vector<16xi32> to vector<1xi32>
        %squeeze3A = vector.extract %slice3A[0] : i32 from vector<1xi32>
        %and3A_81 = arith.constant -128 : i32
        %and3A_82 = arith.andi %squeeze3A, %and3A_81 : i32
        %multiple_of3A_83 = tpu.assume_multiple %and3A_82, 128 : i32
        %dma_start3A = arith.constant 1 : i32
        %dma_start3A_84 = arith.constant 0 : i32
        %dma_start3A_85 = arith.constant 0 : i32
        %dma_start3A_86 = arith.constant 0 : i32
        %dma_start3A_87 = arith.constant 0 : i32
        %dma_start3A_88 = tpu.memref_slice %arg9[%dma_start3A, %dma_start3A_85, %dma_start3A_86, %dma_start3A_87] : memref<3x8x16x128xf32, #tpu.memory_space<vmem>> -> memref<1x8x16x128xf32, #tpu.memory_space<vmem>>
        %dma_start3A_89 = tpu.memref_squeeze %dma_start3A_88 : memref<1x8x16x128xf32, #tpu.memory_space<vmem>> -> memref<8x16x128xf32, #tpu.memory_space<vmem>>
        %dma_start3A_90 = arith.constant 0 : i32
        %dma_start3A_91 = arith.constant 0 : i32
        %dma_start3A_92 = tpu.memref_slice %dma_start3A_89[%dma_start3A_84, %dma_start3A_90, %dma_start3A_91] : memref<8x16x128xf32, #tpu.memory_space<vmem>> -> memref<1x16x128xf32, #tpu.memory_space<vmem>>
        %dma_start3A_93 = tpu.memref_squeeze %dma_start3A_92 : memref<1x16x128xf32, #tpu.memory_space<vmem>> -> memref<16x128xf32, #tpu.memory_space<vmem>>
        %dma_start3A_94 = arith.constant 0 : i32
        %dma_start3A_95 = tpu.memref_slice %arg2[%dma_start3A_94, %multiple_of3A_83] : memref<16x1000000xf32, #tpu.memory_space<hbm>> -> memref<16x128xf32, #tpu.memory_space<hbm>>
        %dma_start3A_96 = arith.constant 0 : i32
        %dma_start3A_97 = arith.constant 0 : i32
        %dma_start3A_98 = arith.constant 0 : i32
        %dma_start3A_99 = tpu.memref_slice %arg9[%dma_start3A, %dma_start3A_96, %dma_start3A_97, %dma_start3A_98] : memref<3x8x16x128xf32, #tpu.memory_space<vmem>> -> memref<1x8x16x128xf32, #tpu.memory_space<vmem>>
        %dma_start3A_100 = tpu.memref_squeeze %dma_start3A_99 : memref<1x8x16x128xf32, #tpu.memory_space<vmem>> -> memref<8x16x128xf32, #tpu.memory_space<vmem>>
        %dma_start3A_101 = arith.constant 0 : i32
        %dma_start3A_102 = arith.constant 0 : i32
        %dma_start3A_103 = tpu.memref_slice %dma_start3A_100[%dma_start3A_84, %dma_start3A_101, %dma_start3A_102] : memref<8x16x128xf32, #tpu.memory_space<vmem>> -> memref<1x16x128xf32, #tpu.memory_space<vmem>>
        %dma_start3A_104 = tpu.memref_squeeze %dma_start3A_103 : memref<1x16x128xf32, #tpu.memory_space<vmem>> -> memref<16x128xf32, #tpu.memory_space<vmem>>
        %dma_start3A_105 = arith.constant 0 : i32
        %dma_start3A_106 = tpu.memref_slice %arg2[%dma_start3A_105, %multiple_of3A_83] : memref<16x1000000xf32, #tpu.memory_space<hbm>> -> memref<16x128xf32, #tpu.memory_space<hbm>>
        tpu.enqueue_dma source(%dma_start3A_106 : memref<16x128xf32, #tpu.memory_space<hbm>>) target(%dma_start3A_104 : memref<16x128xf32, #tpu.memory_space<vmem>>) target_semaphore(%arg13 : memref<!tpu.dma_semaphore, #tpu.memory_space<semaphore_mem>>)
        %slice3A_107 = vector.extract_strided_slice %get3A_76 {offsets = [1], sizes = [1], strides = [1]} : vector<16xi32> to vector<1xi32>
        %squeeze3A_108 = vector.extract %slice3A_107[0] : i32 from vector<1xi32>
        %and3A_109 = arith.constant -128 : i32
        %and3A_110 = arith.andi %squeeze3A_108, %and3A_109 : i32
        %multiple_of3A_111 = tpu.assume_multiple %and3A_110, 128 : i32
        %dma_start3A_112 = arith.constant 1 : i32
        %dma_start3A_113 = arith.constant 1 : i32
        %dma_start3A_114 = arith.constant 0 : i32
        %dma_start3A_115 = arith.constant 0 : i32
        %dma_start3A_116 = arith.constant 0 : i32
        %dma_start3A_117 = tpu.memref_slice %arg9[%dma_start3A_112, %dma_start3A_114, %dma_start3A_115, %dma_start3A_116] : memref<3x8x16x128xf32, #tpu.memory_space<vmem>> -> memref<1x8x16x128xf32, #tpu.memory_space<vmem>>
        %dma_start3A_118 = tpu.memref_squeeze %dma_start3A_117 : memref<1x8x16x128xf32, #tpu.memory_space<vmem>> -> memref<8x16x128xf32, #tpu.memory_space<vmem>>
        %dma_start3A_119 = arith.constant 0 : i32
        %dma_start3A_120 = arith.constant 0 : i32
        %dma_start3A_121 = tpu.memref_slice %dma_start3A_118[%dma_start3A_113, %dma_start3A_119, %dma_start3A_120] : memref<8x16x128xf32, #tpu.memory_space<vmem>> -> memref<1x16x128xf32, #tpu.memory_space<vmem>>
        %dma_start3A_122 = tpu.memref_squeeze %dma_start3A_121 : memref<1x16x128xf32, #tpu.memory_space<vmem>> -> memref<16x128xf32, #tpu.memory_space<vmem>>
        %dma_start3A_123 = arith.constant 0 : i32
        %dma_start3A_124 = tpu.memref_slice %arg2[%dma_start3A_123, %multiple_of3A_111] : memref<16x1000000xf32, #tpu.memory_space<hbm>> -> memref<16x128xf32, #tpu.memory_space<hbm>>
        %dma_start3A_125 = arith.constant 0 : i32
        %dma_start3A_126 = arith.constant 0 : i32
        %dma_start3A_127 = arith.constant 0 : i32
        %dma_start3A_128 = tpu.memref_slice %arg9[%dma_start3A_112, %dma_start3A_125, %dma_start3A_126, %dma_start3A_127] : memref<3x8x16x128xf32, #tpu.memory_space<vmem>> -> memref<1x8x16x128xf32, #tpu.memory_space<vmem>>
        %dma_start3A_129 = tpu.memref_squeeze %dma_start3A_128 : memref<1x8x16x128xf32, #tpu.memory_space<vmem>> -> memref<8x16x128xf32, #tpu.memory_space<vmem>>
        %dma_start3A_130 = arith.constant 0 : i32
        %dma_start3A_131 = arith.constant 0 : i32
        %dma_start3A_132 = tpu.memref_slice %dma_start3A_129[%dma_start3A_113, %dma_start3A_130, %dma_start3A_131] : memref<8x16x128xf32, #tpu.memory_space<vmem>> -> memref<1x16x128xf32, #tpu.memory_space<vmem>>
        %dma_start3A_133 = tpu.memref_squeeze %dma_start3A_132 : memref<1x16x128xf32, #tpu.memory_space<vmem>> -> memref<16x128xf32, #tpu.memory_space<vmem>>
        %dma_start3A_134 = arith.constant 0 : i32
        %dma_start3A_135 = tpu.memref_slice %arg2[%dma_start3A_134, %multiple_of3A_111] : memref<16x1000000xf32, #tpu.memory_space<hbm>> -> memref<16x128xf32, #tpu.memory_space<hbm>>
        tpu.enqueue_dma source(%dma_start3A_135 : memref<16x128xf32, #tpu.memory_space<hbm>>) target(%dma_start3A_133 : memref<16x128xf32, #tpu.memory_space<vmem>>) target_semaphore(%arg13 : memref<!tpu.dma_semaphore, #tpu.memory_space<semaphore_mem>>)
        %slice3A_136 = vector.extract_strided_slice %get3A_76 {offsets = [2], sizes = [1], strides = [1]} : vector<16xi32> to vector<1xi32>
        %squeeze3A_137 = vector.extract %slice3A_136[0] : i32 from vector<1xi32>
        %and3A_138 = arith.constant -128 : i32
        %and3A_139 = arith.andi %squeeze3A_137, %and3A_138 : i32
        %multiple_of3A_140 = tpu.assume_multiple %and3A_139, 128 : i32
        %dma_start3A_141 = arith.constant 1 : i32
        %dma_start3A_142 = arith.constant 2 : i32
        %dma_start3A_143 = arith.constant 0 : i32
        %dma_start3A_144 = arith.constant 0 : i32
        %dma_start3A_145 = arith.constant 0 : i32
        %dma_start3A_146 = tpu.memref_slice %arg9[%dma_start3A_141, %dma_start3A_143, %dma_start3A_144, %dma_start3A_145] : memref<3x8x16x128xf32, #tpu.memory_space<vmem>> -> memref<1x8x16x128xf32, #tpu.memory_space<vmem>>
        %dma_start3A_147 = tpu.memref_squeeze %dma_start3A_146 : memref<1x8x16x128xf32, #tpu.memory_space<vmem>> -> memref<8x16x128xf32, #tpu.memory_space<vmem>>
        %dma_start3A_148 = arith.constant 0 : i32
        %dma_start3A_149 = arith.constant 0 : i32
        %dma_start3A_150 = tpu.memref_slice %dma_start3A_147[%dma_start3A_142, %dma_start3A_148, %dma_start3A_149] : memref<8x16x128xf32, #tpu.memory_space<vmem>> -> memref<1x16x128xf32, #tpu.memory_space<vmem>>
        %dma_start3A_151 = tpu.memref_squeeze %dma_start3A_150 : memref<1x16x128xf32, #tpu.memory_space<vmem>> -> memref<16x128xf32, #tpu.memory_space<vmem>>
        %dma_start3A_152 = arith.constant 0 : i32
        %dma_start3A_153 = tpu.memref_slice %arg2[%dma_start3A_152, %multiple_of3A_140] : memref<16x1000000xf32, #tpu.memory_space<hbm>> -> memref<16x128xf32, #tpu.memory_space<hbm>>
        %dma_start3A_154 = arith.constant 0 : i32
        %dma_start3A_155 = arith.constant 0 : i32
        %dma_start3A_156 = arith.constant 0 : i32
        %dma_start3A_157 = tpu.memref_slice %arg9[%dma_start3A_141, %dma_start3A_154, %dma_start3A_155, %dma_start3A_156] : memref<3x8x16x128xf32, #tpu.memory_space<vmem>> -> memref<1x8x16x128xf32, #tpu.memory_space<vmem>>
        %dma_start3A_158 = tpu.memref_squeeze %dma_start3A_157 : memref<1x8x16x128xf32, #tpu.memory_space<vmem>> -> memref<8x16x128xf32, #tpu.memory_space<vmem>>
        %dma_start3A_159 = arith.constant 0 : i32
        %dma_start3A_160 = arith.constant 0 : i32
        %dma_start3A_161 = tpu.memref_slice %dma_start3A_158[%dma_start3A_142, %dma_start3A_159, %dma_start3A_160] : memref<8x16x128xf32, #tpu.memory_space<vmem>> -> memref<1x16x128xf32, #tpu.memory_space<vmem>>
        %dma_start3A_162 = tpu.memref_squeeze %dma_start3A_161 : memref<1x16x128xf32, #tpu.memory_space<vmem>> -> memref<16x128xf32, #tpu.memory_space<vmem>>
        %dma_start3A_163 = arith.constant 0 : i32
        %dma_start3A_164 = tpu.memref_slice %arg2[%dma_start3A_163, %multiple_of3A_140] : memref<16x1000000xf32, #tpu.memory_space<hbm>> -> memref<16x128xf32, #tpu.memory_space<hbm>>
        tpu.enqueue_dma source(%dma_start3A_164 : memref<16x128xf32, #tpu.memory_space<hbm>>) target(%dma_start3A_162 : memref<16x128xf32, #tpu.memory_space<vmem>>) target_semaphore(%arg13 : memref<!tpu.dma_semaphore, #tpu.memory_space<semaphore_mem>>)
        %slice3A_165 = vector.extract_strided_slice %get3A_76 {offsets = [3], sizes = [1], strides = [1]} : vector<16xi32> to vector<1xi32>
        %squeeze3A_166 = vector.extract %slice3A_165[0] : i32 from vector<1xi32>
        %and3A_167 = arith.constant -128 : i32
        %and3A_168 = arith.andi %squeeze3A_166, %and3A_167 : i32
        %multiple_of3A_169 = tpu.assume_multiple %and3A_168, 128 : i32
        %dma_start3A_170 = arith.constant 1 : i32
        %dma_start3A_171 = arith.constant 3 : i32
        %dma_start3A_172 = arith.constant 0 : i32
        %dma_start3A_173 = arith.constant 0 : i32
        %dma_start3A_174 = arith.constant 0 : i32
        %dma_start3A_175 = tpu.memref_slice %arg9[%dma_start3A_170, %dma_start3A_172, %dma_start3A_173, %dma_start3A_174] : memref<3x8x16x128xf32, #tpu.memory_space<vmem>> -> memref<1x8x16x128xf32, #tpu.memory_space<vmem>>
        %dma_start3A_176 = tpu.memref_squeeze %dma_start3A_175 : memref<1x8x16x128xf32, #tpu.memory_space<vmem>> -> memref<8x16x128xf32, #tpu.memory_space<vmem>>
        %dma_start3A_177 = arith.constant 0 : i32
        %dma_start3A_178 = arith.constant 0 : i32
        %dma_start3A_179 = tpu.memref_slice %dma_start3A_176[%dma_start3A_171, %dma_start3A_177, %dma_start3A_178] : memref<8x16x128xf32, #tpu.memory_space<vmem>> -> memref<1x16x128xf32, #tpu.memory_space<vmem>>
        %dma_start3A_180 = tpu.memref_squeeze %dma_start3A_179 : memref<1x16x128xf32, #tpu.memory_space<vmem>> -> memref<16x128xf32, #tpu.memory_space<vmem>>
        %dma_start3A_181 = arith.constant 0 : i32
        %dma_start3A_182 = tpu.memref_slice %arg2[%dma_start3A_181, %multiple_of3A_169] : memref<16x1000000xf32, #tpu.memory_space<hbm>> -> memref<16x128xf32, #tpu.memory_space<hbm>>
        %dma_start3A_183 = arith.constant 0 : i32
        %dma_start3A_184 = arith.constant 0 : i32
        %dma_start3A_185 = arith.constant 0 : i32
        %dma_start3A_186 = tpu.memref_slice %arg9[%dma_start3A_170, %dma_start3A_183, %dma_start3A_184, %dma_start3A_185] : memref<3x8x16x128xf32, #tpu.memory_space<vmem>> -> memref<1x8x16x128xf32, #tpu.memory_space<vmem>>
        %dma_start3A_187 = tpu.memref_squeeze %dma_start3A_186 : memref<1x8x16x128xf32, #tpu.memory_space<vmem>> -> memref<8x16x128xf32, #tpu.memory_space<vmem>>
        %dma_start3A_188 = arith.constant 0 : i32
        %dma_start3A_189 = arith.constant 0 : i32
        %dma_start3A_190 = tpu.memref_slice %dma_start3A_187[%dma_start3A_171, %dma_start3A_188, %dma_start3A_189] : memref<8x16x128xf32, #tpu.memory_space<vmem>> -> memref<1x16x128xf32, #tpu.memory_space<vmem>>
        %dma_start3A_191 = tpu.memref_squeeze %dma_start3A_190 : memref<1x16x128xf32, #tpu.memory_space<vmem>> -> memref<16x128xf32, #tpu.memory_space<vmem>>
        %dma_start3A_192 = arith.constant 0 : i32
        %dma_start3A_193 = tpu.memref_slice %arg2[%dma_start3A_192, %multiple_of3A_169] : memref<16x1000000xf32, #tpu.memory_space<hbm>> -> memref<16x128xf32, #tpu.memory_space<hbm>>
        tpu.enqueue_dma source(%dma_start3A_193 : memref<16x128xf32, #tpu.memory_space<hbm>>) target(%dma_start3A_191 : memref<16x128xf32, #tpu.memory_space<vmem>>) target_semaphore(%arg13 : memref<!tpu.dma_semaphore, #tpu.memory_space<semaphore_mem>>)
        %slice3A_194 = vector.extract_strided_slice %get3A_76 {offsets = [4], sizes = [1], strides = [1]} : vector<16xi32> to vector<1xi32>
        %squeeze3A_195 = vector.extract %slice3A_194[0] : i32 from vector<1xi32>
        %and3A_196 = arith.constant -128 : i32
        %and3A_197 = arith.andi %squeeze3A_195, %and3A_196 : i32
        %multiple_of3A_198 = tpu.assume_multiple %and3A_197, 128 : i32
        %dma_start3A_199 = arith.constant 1 : i32
        %dma_start3A_200 = arith.constant 4 : i32
        %dma_start3A_201 = arith.constant 0 : i32
        %dma_start3A_202 = arith.constant 0 : i32
        %dma_start3A_203 = arith.constant 0 : i32
        %dma_start3A_204 = tpu.memref_slice %arg9[%dma_start3A_199, %dma_start3A_201, %dma_start3A_202, %dma_start3A_203] : memref<3x8x16x128xf32, #tpu.memory_space<vmem>> -> memref<1x8x16x128xf32, #tpu.memory_space<vmem>>
        %dma_start3A_205 = tpu.memref_squeeze %dma_start3A_204 : memref<1x8x16x128xf32, #tpu.memory_space<vmem>> -> memref<8x16x128xf32, #tpu.memory_space<vmem>>
        %dma_start3A_206 = arith.constant 0 : i32
        %dma_start3A_207 = arith.constant 0 : i32
        %dma_start3A_208 = tpu.memref_slice %dma_start3A_205[%dma_start3A_200, %dma_start3A_206, %dma_start3A_207] : memref<8x16x128xf32, #tpu.memory_space<vmem>> -> memref<1x16x128xf32, #tpu.memory_space<vmem>>
        %dma_start3A_209 = tpu.memref_squeeze %dma_start3A_208 : memref<1x16x128xf32, #tpu.memory_space<vmem>> -> memref<16x128xf32, #tpu.memory_space<vmem>>
        %dma_start3A_210 = arith.constant 0 : i32
        %dma_start3A_211 = tpu.memref_slice %arg2[%dma_start3A_210, %multiple_of3A_198] : memref<16x1000000xf32, #tpu.memory_space<hbm>> -> memref<16x128xf32, #tpu.memory_space<hbm>>
        %dma_start3A_212 = arith.constant 0 : i32
        %dma_start3A_213 = arith.constant 0 : i32
        %dma_start3A_214 = arith.constant 0 : i32
        %dma_start3A_215 = tpu.memref_slice %arg9[%dma_start3A_199, %dma_start3A_212, %dma_start3A_213, %dma_start3A_214] : memref<3x8x16x128xf32, #tpu.memory_space<vmem>> -> memref<1x8x16x128xf32, #tpu.memory_space<vmem>>
        %dma_start3A_216 = tpu.memref_squeeze %dma_start3A_215 : memref<1x8x16x128xf32, #tpu.memory_space<vmem>> -> memref<8x16x128xf32, #tpu.memory_space<vmem>>
        %dma_start3A_217 = arith.constant 0 : i32
        %dma_start3A_218 = arith.constant 0 : i32
        %dma_start3A_219 = tpu.memref_slice %dma_start3A_216[%dma_start3A_200, %dma_start3A_217, %dma_start3A_218] : memref<8x16x128xf32, #tpu.memory_space<vmem>> -> memref<1x16x128xf32, #tpu.memory_space<vmem>>
        %dma_start3A_220 = tpu.memref_squeeze %dma_start3A_219 : memref<1x16x128xf32, #tpu.memory_space<vmem>> -> memref<16x128xf32, #tpu.memory_space<vmem>>
        %dma_start3A_221 = arith.constant 0 : i32
        %dma_start3A_222 = tpu.memref_slice %arg2[%dma_start3A_221, %multiple_of3A_198] : memref<16x1000000xf32, #tpu.memory_space<hbm>> -> memref<16x128xf32, #tpu.memory_space<hbm>>
        tpu.enqueue_dma source(%dma_start3A_222 : memref<16x128xf32, #tpu.memory_space<hbm>>) target(%dma_start3A_220 : memref<16x128xf32, #tpu.memory_space<vmem>>) target_semaphore(%arg13 : memref<!tpu.dma_semaphore, #tpu.memory_space<semaphore_mem>>)
        %slice3A_223 = vector.extract_strided_slice %get3A_76 {offsets = [5], sizes = [1], strides = [1]} : vector<16xi32> to vector<1xi32>
        %squeeze3A_224 = vector.extract %slice3A_223[0] : i32 from vector<1xi32>
        %and3A_225 = arith.constant -128 : i32
        %and3A_226 = arith.andi %squeeze3A_224, %and3A_225 : i32
        %multiple_of3A_227 = tpu.assume_multiple %and3A_226, 128 : i32
        %dma_start3A_228 = arith.constant 1 : i32
        %dma_start3A_229 = arith.constant 5 : i32
        %dma_start3A_230 = arith.constant 0 : i32
        %dma_start3A_231 = arith.constant 0 : i32
        %dma_start3A_232 = arith.constant 0 : i32
        %dma_start3A_233 = tpu.memref_slice %arg9[%dma_start3A_228, %dma_start3A_230, %dma_start3A_231, %dma_start3A_232] : memref<3x8x16x128xf32, #tpu.memory_space<vmem>> -> memref<1x8x16x128xf32, #tpu.memory_space<vmem>>
        %dma_start3A_234 = tpu.memref_squeeze %dma_start3A_233 : memref<1x8x16x128xf32, #tpu.memory_space<vmem>> -> memref<8x16x128xf32, #tpu.memory_space<vmem>>
        %dma_start3A_235 = arith.constant 0 : i32
        %dma_start3A_236 = arith.constant 0 : i32
        %dma_start3A_237 = tpu.memref_slice %dma_start3A_234[%dma_start3A_229, %dma_start3A_235, %dma_start3A_236] : memref<8x16x128xf32, #tpu.memory_space<vmem>> -> memref<1x16x128xf32, #tpu.memory_space<vmem>>
        %dma_start3A_238 = tpu.memref_squeeze %dma_start3A_237 : memref<1x16x128xf32, #tpu.memory_space<vmem>> -> memref<16x128xf32, #tpu.memory_space<vmem>>
        %dma_start3A_239 = arith.constant 0 : i32
        %dma_start3A_240 = tpu.memref_slice %arg2[%dma_start3A_239, %multiple_of3A_227] : memref<16x1000000xf32, #tpu.memory_space<hbm>> -> memref<16x128xf32, #tpu.memory_space<hbm>>
        %dma_start3A_241 = arith.constant 0 : i32
        %dma_start3A_242 = arith.constant 0 : i32
        %dma_start3A_243 = arith.constant 0 : i32
        %dma_start3A_244 = tpu.memref_slice %arg9[%dma_start3A_228, %dma_start3A_241, %dma_start3A_242, %dma_start3A_243] : memref<3x8x16x128xf32, #tpu.memory_space<vmem>> -> memref<1x8x16x128xf32, #tpu.memory_space<vmem>>
        %dma_start3A_245 = tpu.memref_squeeze %dma_start3A_244 : memref<1x8x16x128xf32, #tpu.memory_space<vmem>> -> memref<8x16x128xf32, #tpu.memory_space<vmem>>
        %dma_start3A_246 = arith.constant 0 : i32
        %dma_start3A_247 = arith.constant 0 : i32
        %dma_start3A_248 = tpu.memref_slice %dma_start3A_245[%dma_start3A_229, %dma_start3A_246, %dma_start3A_247] : memref<8x16x128xf32, #tpu.memory_space<vmem>> -> memref<1x16x128xf32, #tpu.memory_space<vmem>>
        %dma_start3A_249 = tpu.memref_squeeze %dma_start3A_248 : memref<1x16x128xf32, #tpu.memory_space<vmem>> -> memref<16x128xf32, #tpu.memory_space<vmem>>
        %dma_start3A_250 = arith.constant 0 : i32
        %dma_start3A_251 = tpu.memref_slice %arg2[%dma_start3A_250, %multiple_of3A_227] : memref<16x1000000xf32, #tpu.memory_space<hbm>> -> memref<16x128xf32, #tpu.memory_space<hbm>>
        tpu.enqueue_dma source(%dma_start3A_251 : memref<16x128xf32, #tpu.memory_space<hbm>>) target(%dma_start3A_249 : memref<16x128xf32, #tpu.memory_space<vmem>>) target_semaphore(%arg13 : memref<!tpu.dma_semaphore, #tpu.memory_space<semaphore_mem>>)
        %slice3A_252 = vector.extract_strided_slice %get3A_76 {offsets = [6], sizes = [1], strides = [1]} : vector<16xi32> to vector<1xi32>
        %squeeze3A_253 = vector.extract %slice3A_252[0] : i32 from vector<1xi32>
        %and3A_254 = arith.constant -128 : i32
        %and3A_255 = arith.andi %squeeze3A_253, %and3A_254 : i32
        %multiple_of3A_256 = tpu.assume_multiple %and3A_255, 128 : i32
        %dma_start3A_257 = arith.constant 1 : i32
        %dma_start3A_258 = arith.constant 6 : i32
        %dma_start3A_259 = arith.constant 0 : i32
        %dma_start3A_260 = arith.constant 0 : i32
        %dma_start3A_261 = arith.constant 0 : i32
        %dma_start3A_262 = tpu.memref_slice %arg9[%dma_start3A_257, %dma_start3A_259, %dma_start3A_260, %dma_start3A_261] : memref<3x8x16x128xf32, #tpu.memory_space<vmem>> -> memref<1x8x16x128xf32, #tpu.memory_space<vmem>>
        %dma_start3A_263 = tpu.memref_squeeze %dma_start3A_262 : memref<1x8x16x128xf32, #tpu.memory_space<vmem>> -> memref<8x16x128xf32, #tpu.memory_space<vmem>>
        %dma_start3A_264 = arith.constant 0 : i32
        %dma_start3A_265 = arith.constant 0 : i32
        %dma_start3A_266 = tpu.memref_slice %dma_start3A_263[%dma_start3A_258, %dma_start3A_264, %dma_start3A_265] : memref<8x16x128xf32, #tpu.memory_space<vmem>> -> memref<1x16x128xf32, #tpu.memory_space<vmem>>
        %dma_start3A_267 = tpu.memref_squeeze %dma_start3A_266 : memref<1x16x128xf32, #tpu.memory_space<vmem>> -> memref<16x128xf32, #tpu.memory_space<vmem>>
        %dma_start3A_268 = arith.constant 0 : i32
        %dma_start3A_269 = tpu.memref_slice %arg2[%dma_start3A_268, %multiple_of3A_256] : memref<16x1000000xf32, #tpu.memory_space<hbm>> -> memref<16x128xf32, #tpu.memory_space<hbm>>
        %dma_start3A_270 = arith.constant 0 : i32
        %dma_start3A_271 = arith.constant 0 : i32
        %dma_start3A_272 = arith.constant 0 : i32
        %dma_start3A_273 = tpu.memref_slice %arg9[%dma_start3A_257, %dma_start3A_270, %dma_start3A_271, %dma_start3A_272] : memref<3x8x16x128xf32, #tpu.memory_space<vmem>> -> memref<1x8x16x128xf32, #tpu.memory_space<vmem>>
        %dma_start3A_274 = tpu.memref_squeeze %dma_start3A_273 : memref<1x8x16x128xf32, #tpu.memory_space<vmem>> -> memref<8x16x128xf32, #tpu.memory_space<vmem>>
        %dma_start3A_275 = arith.constant 0 : i32
        %dma_start3A_276 = arith.constant 0 : i32
        %dma_start3A_277 = tpu.memref_slice %dma_start3A_274[%dma_start3A_258, %dma_start3A_275, %dma_start3A_276] : memref<8x16x128xf32, #tpu.memory_space<vmem>> -> memref<1x16x128xf32, #tpu.memory_space<vmem>>
        %dma_start3A_278 = tpu.memref_squeeze %dma_start3A_277 : memref<1x16x128xf32, #tpu.memory_space<vmem>> -> memref<16x128xf32, #tpu.memory_space<vmem>>
        %dma_start3A_279 = arith.constant 0 : i32
        %dma_start3A_280 = tpu.memref_slice %arg2[%dma_start3A_279, %multiple_of3A_256] : memref<16x1000000xf32, #tpu.memory_space<hbm>> -> memref<16x128xf32, #tpu.memory_space<hbm>>
        tpu.enqueue_dma source(%dma_start3A_280 : memref<16x128xf32, #tpu.memory_space<hbm>>) target(%dma_start3A_278 : memref<16x128xf32, #tpu.memory_space<vmem>>) target_semaphore(%arg13 : memref<!tpu.dma_semaphore, #tpu.memory_space<semaphore_mem>>)
        %slice3A_281 = vector.extract_strided_slice %get3A_76 {offsets = [7], sizes = [1], strides = [1]} : vector<16xi32> to vector<1xi32>
        %squeeze3A_282 = vector.extract %slice3A_281[0] : i32 from vector<1xi32>
        %and3A_283 = arith.constant -128 : i32
        %and3A_284 = arith.andi %squeeze3A_282, %and3A_283 : i32
        %multiple_of3A_285 = tpu.assume_multiple %and3A_284, 128 : i32
        %dma_start3A_286 = arith.constant 1 : i32
        %dma_start3A_287 = arith.constant 7 : i32
        %dma_start3A_288 = arith.constant 0 : i32
        %dma_start3A_289 = arith.constant 0 : i32
        %dma_start3A_290 = arith.constant 0 : i32
        %dma_start3A_291 = tpu.memref_slice %arg9[%dma_start3A_286, %dma_start3A_288, %dma_start3A_289, %dma_start3A_290] : memref<3x8x16x128xf32, #tpu.memory_space<vmem>> -> memref<1x8x16x128xf32, #tpu.memory_space<vmem>>
        %dma_start3A_292 = tpu.memref_squeeze %dma_start3A_291 : memref<1x8x16x128xf32, #tpu.memory_space<vmem>> -> memref<8x16x128xf32, #tpu.memory_space<vmem>>
        %dma_start3A_293 = arith.constant 0 : i32
        %dma_start3A_294 = arith.constant 0 : i32
        %dma_start3A_295 = tpu.memref_slice %dma_start3A_292[%dma_start3A_287, %dma_start3A_293, %dma_start3A_294] : memref<8x16x128xf32, #tpu.memory_space<vmem>> -> memref<1x16x128xf32, #tpu.memory_space<vmem>>
        %dma_start3A_296 = tpu.memref_squeeze %dma_start3A_295 : memref<1x16x128xf32, #tpu.memory_space<vmem>> -> memref<16x128xf32, #tpu.memory_space<vmem>>
        %dma_start3A_297 = arith.constant 0 : i32
        %dma_start3A_298 = tpu.memref_slice %arg2[%dma_start3A_297, %multiple_of3A_285] : memref<16x1000000xf32, #tpu.memory_space<hbm>> -> memref<16x128xf32, #tpu.memory_space<hbm>>
        %dma_start3A_299 = arith.constant 0 : i32
        %dma_start3A_300 = arith.constant 0 : i32
        %dma_start3A_301 = arith.constant 0 : i32
        %dma_start3A_302 = tpu.memref_slice %arg9[%dma_start3A_286, %dma_start3A_299, %dma_start3A_300, %dma_start3A_301] : memref<3x8x16x128xf32, #tpu.memory_space<vmem>> -> memref<1x8x16x128xf32, #tpu.memory_space<vmem>>
        %dma_start3A_303 = tpu.memref_squeeze %dma_start3A_302 : memref<1x8x16x128xf32, #tpu.memory_space<vmem>> -> memref<8x16x128xf32, #tpu.memory_space<vmem>>
        %dma_start3A_304 = arith.constant 0 : i32
        %dma_start3A_305 = arith.constant 0 : i32
        %dma_start3A_306 = tpu.memref_slice %dma_start3A_303[%dma_start3A_287, %dma_start3A_304, %dma_start3A_305] : memref<8x16x128xf32, #tpu.memory_space<vmem>> -> memref<1x16x128xf32, #tpu.memory_space<vmem>>
        %dma_start3A_307 = tpu.memref_squeeze %dma_start3A_306 : memref<1x16x128xf32, #tpu.memory_space<vmem>> -> memref<16x128xf32, #tpu.memory_space<vmem>>
        %dma_start3A_308 = arith.constant 0 : i32
        %dma_start3A_309 = tpu.memref_slice %arg2[%dma_start3A_308, %multiple_of3A_285] : memref<16x1000000xf32, #tpu.memory_space<hbm>> -> memref<16x128xf32, #tpu.memory_space<hbm>>
        tpu.enqueue_dma source(%dma_start3A_309 : memref<16x128xf32, #tpu.memory_space<hbm>>) target(%dma_start3A_307 : memref<16x128xf32, #tpu.memory_space<vmem>>) target_semaphore(%arg13 : memref<!tpu.dma_semaphore, #tpu.memory_space<semaphore_mem>>)
        %slice3A_310 = vector.extract_strided_slice %get3A_80 {offsets = [0], sizes = [1], strides = [1]} : vector<16xi32> to vector<1xi32>
        %squeeze3A_311 = vector.extract %slice3A_310[0] : i32 from vector<1xi32>
        %and3A_312 = arith.constant -128 : i32
        %and3A_313 = arith.andi %squeeze3A_311, %and3A_312 : i32
        %multiple_of3A_314 = tpu.assume_multiple %and3A_313, 128 : i32
        %dma_start3A_315 = arith.constant 1 : i32
        %dma_start3A_316 = arith.constant 0 : i32
        %dma_start3A_317 = arith.constant 0 : i32
        %dma_start3A_318 = arith.constant 0 : i32
        %dma_start3A_319 = arith.constant 0 : i32
        %dma_start3A_320 = tpu.memref_slice %arg10[%dma_start3A_315, %dma_start3A_317, %dma_start3A_318, %dma_start3A_319] : memref<3x8x16x128xf32, #tpu.memory_space<vmem>> -> memref<1x8x16x128xf32, #tpu.memory_space<vmem>>
        %dma_start3A_321 = tpu.memref_squeeze %dma_start3A_320 : memref<1x8x16x128xf32, #tpu.memory_space<vmem>> -> memref<8x16x128xf32, #tpu.memory_space<vmem>>
        %dma_start3A_322 = arith.constant 0 : i32
        %dma_start3A_323 = arith.constant 0 : i32
        %dma_start3A_324 = tpu.memref_slice %dma_start3A_321[%dma_start3A_316, %dma_start3A_322, %dma_start3A_323] : memref<8x16x128xf32, #tpu.memory_space<vmem>> -> memref<1x16x128xf32, #tpu.memory_space<vmem>>
        %dma_start3A_325 = tpu.memref_squeeze %dma_start3A_324 : memref<1x16x128xf32, #tpu.memory_space<vmem>> -> memref<16x128xf32, #tpu.memory_space<vmem>>
        %dma_start3A_326 = arith.constant 0 : i32
        %dma_start3A_327 = tpu.memref_slice %arg3[%dma_start3A_326, %multiple_of3A_314] : memref<16x1000000xf32, #tpu.memory_space<hbm>> -> memref<16x128xf32, #tpu.memory_space<hbm>>
        %dma_start3A_328 = arith.constant 0 : i32
        %dma_start3A_329 = arith.constant 0 : i32
        %dma_start3A_330 = arith.constant 0 : i32
        %dma_start3A_331 = tpu.memref_slice %arg10[%dma_start3A_315, %dma_start3A_328, %dma_start3A_329, %dma_start3A_330] : memref<3x8x16x128xf32, #tpu.memory_space<vmem>> -> memref<1x8x16x128xf32, #tpu.memory_space<vmem>>
        %dma_start3A_332 = tpu.memref_squeeze %dma_start3A_331 : memref<1x8x16x128xf32, #tpu.memory_space<vmem>> -> memref<8x16x128xf32, #tpu.memory_space<vmem>>
        %dma_start3A_333 = arith.constant 0 : i32
        %dma_start3A_334 = arith.constant 0 : i32
        %dma_start3A_335 = tpu.memref_slice %dma_start3A_332[%dma_start3A_316, %dma_start3A_333, %dma_start3A_334] : memref<8x16x128xf32, #tpu.memory_space<vmem>> -> memref<1x16x128xf32, #tpu.memory_space<vmem>>
        %dma_start3A_336 = tpu.memref_squeeze %dma_start3A_335 : memref<1x16x128xf32, #tpu.memory_space<vmem>> -> memref<16x128xf32, #tpu.memory_space<vmem>>
        %dma_start3A_337 = arith.constant 0 : i32
        %dma_start3A_338 = tpu.memref_slice %arg3[%dma_start3A_337, %multiple_of3A_314] : memref<16x1000000xf32, #tpu.memory_space<hbm>> -> memref<16x128xf32, #tpu.memory_space<hbm>>
        tpu.enqueue_dma source(%dma_start3A_338 : memref<16x128xf32, #tpu.memory_space<hbm>>) target(%dma_start3A_336 : memref<16x128xf32, #tpu.memory_space<vmem>>) target_semaphore(%arg13 : memref<!tpu.dma_semaphore, #tpu.memory_space<semaphore_mem>>)
        %slice3A_339 = vector.extract_strided_slice %get3A_80 {offsets = [1], sizes = [1], strides = [1]} : vector<16xi32> to vector<1xi32>
        %squeeze3A_340 = vector.extract %slice3A_339[0] : i32 from vector<1xi32>
        %and3A_341 = arith.constant -128 : i32
        %and3A_342 = arith.andi %squeeze3A_340, %and3A_341 : i32
        %multiple_of3A_343 = tpu.assume_multiple %and3A_342, 128 : i32
        %dma_start3A_344 = arith.constant 1 : i32
        %dma_start3A_345 = arith.constant 1 : i32
        %dma_start3A_346 = arith.constant 0 : i32
        %dma_start3A_347 = arith.constant 0 : i32
        %dma_start3A_348 = arith.constant 0 : i32
        %dma_start3A_349 = tpu.memref_slice %arg10[%dma_start3A_344, %dma_start3A_346, %dma_start3A_347, %dma_start3A_348] : memref<3x8x16x128xf32, #tpu.memory_space<vmem>> -> memref<1x8x16x128xf32, #tpu.memory_space<vmem>>
        %dma_start3A_350 = tpu.memref_squeeze %dma_start3A_349 : memref<1x8x16x128xf32, #tpu.memory_space<vmem>> -> memref<8x16x128xf32, #tpu.memory_space<vmem>>
        %dma_start3A_351 = arith.constant 0 : i32
        %dma_start3A_352 = arith.constant 0 : i32
        %dma_start3A_353 = tpu.memref_slice %dma_start3A_350[%dma_start3A_345, %dma_start3A_351, %dma_start3A_352] : memref<8x16x128xf32, #tpu.memory_space<vmem>> -> memref<1x16x128xf32, #tpu.memory_space<vmem>>
        %dma_start3A_354 = tpu.memref_squeeze %dma_start3A_353 : memref<1x16x128xf32, #tpu.memory_space<vmem>> -> memref<16x128xf32, #tpu.memory_space<vmem>>
        %dma_start3A_355 = arith.constant 0 : i32
        %dma_start3A_356 = tpu.memref_slice %arg3[%dma_start3A_355, %multiple_of3A_343] : memref<16x1000000xf32, #tpu.memory_space<hbm>> -> memref<16x128xf32, #tpu.memory_space<hbm>>
        %dma_start3A_357 = arith.constant 0 : i32
        %dma_start3A_358 = arith.constant 0 : i32
        %dma_start3A_359 = arith.constant 0 : i32
        %dma_start3A_360 = tpu.memref_slice %arg10[%dma_start3A_344, %dma_start3A_357, %dma_start3A_358, %dma_start3A_359] : memref<3x8x16x128xf32, #tpu.memory_space<vmem>> -> memref<1x8x16x128xf32, #tpu.memory_space<vmem>>
        %dma_start3A_361 = tpu.memref_squeeze %dma_start3A_360 : memref<1x8x16x128xf32, #tpu.memory_space<vmem>> -> memref<8x16x128xf32, #tpu.memory_space<vmem>>
        %dma_start3A_362 = arith.constant 0 : i32
        %dma_start3A_363 = arith.constant 0 : i32
        %dma_start3A_364 = tpu.memref_slice %dma_start3A_361[%dma_start3A_345, %dma_start3A_362, %dma_start3A_363] : memref<8x16x128xf32, #tpu.memory_space<vmem>> -> memref<1x16x128xf32, #tpu.memory_space<vmem>>
        %dma_start3A_365 = tpu.memref_squeeze %dma_start3A_364 : memref<1x16x128xf32, #tpu.memory_space<vmem>> -> memref<16x128xf32, #tpu.memory_space<vmem>>
        %dma_start3A_366 = arith.constant 0 : i32
        %dma_start3A_367 = tpu.memref_slice %arg3[%dma_start3A_366, %multiple_of3A_343] : memref<16x1000000xf32, #tpu.memory_space<hbm>> -> memref<16x128xf32, #tpu.memory_space<hbm>>
        tpu.enqueue_dma source(%dma_start3A_367 : memref<16x128xf32, #tpu.memory_space<hbm>>) target(%dma_start3A_365 : memref<16x128xf32, #tpu.memory_space<vmem>>) target_semaphore(%arg13 : memref<!tpu.dma_semaphore, #tpu.memory_space<semaphore_mem>>)
        %slice3A_368 = vector.extract_strided_slice %get3A_80 {offsets = [2], sizes = [1], strides = [1]} : vector<16xi32> to vector<1xi32>
        %squeeze3A_369 = vector.extract %slice3A_368[0] : i32 from vector<1xi32>
        %and3A_370 = arith.constant -128 : i32
        %and3A_371 = arith.andi %squeeze3A_369, %and3A_370 : i32
        %multiple_of3A_372 = tpu.assume_multiple %and3A_371, 128 : i32
        %dma_start3A_373 = arith.constant 1 : i32
        %dma_start3A_374 = arith.constant 2 : i32
        %dma_start3A_375 = arith.constant 0 : i32
        %dma_start3A_376 = arith.constant 0 : i32
        %dma_start3A_377 = arith.constant 0 : i32
        %dma_start3A_378 = tpu.memref_slice %arg10[%dma_start3A_373, %dma_start3A_375, %dma_start3A_376, %dma_start3A_377] : memref<3x8x16x128xf32, #tpu.memory_space<vmem>> -> memref<1x8x16x128xf32, #tpu.memory_space<vmem>>
        %dma_start3A_379 = tpu.memref_squeeze %dma_start3A_378 : memref<1x8x16x128xf32, #tpu.memory_space<vmem>> -> memref<8x16x128xf32, #tpu.memory_space<vmem>>
        %dma_start3A_380 = arith.constant 0 : i32
        %dma_start3A_381 = arith.constant 0 : i32
        %dma_start3A_382 = tpu.memref_slice %dma_start3A_379[%dma_start3A_374, %dma_start3A_380, %dma_start3A_381] : memref<8x16x128xf32, #tpu.memory_space<vmem>> -> memref<1x16x128xf32, #tpu.memory_space<vmem>>
        %dma_start3A_383 = tpu.memref_squeeze %dma_start3A_382 : memref<1x16x128xf32, #tpu.memory_space<vmem>> -> memref<16x128xf32, #tpu.memory_space<vmem>>
        %dma_start3A_384 = arith.constant 0 : i32
        %dma_start3A_385 = tpu.memref_slice %arg3[%dma_start3A_384, %multiple_of3A_372] : memref<16x1000000xf32, #tpu.memory_space<hbm>> -> memref<16x128xf32, #tpu.memory_space<hbm>>
        %dma_start3A_386 = arith.constant 0 : i32
        %dma_start3A_387 = arith.constant 0 : i32
        %dma_start3A_388 = arith.constant 0 : i32
        %dma_start3A_389 = tpu.memref_slice %arg10[%dma_start3A_373, %dma_start3A_386, %dma_start3A_387, %dma_start3A_388] : memref<3x8x16x128xf32, #tpu.memory_space<vmem>> -> memref<1x8x16x128xf32, #tpu.memory_space<vmem>>
        %dma_start3A_390 = tpu.memref_squeeze %dma_start3A_389 : memref<1x8x16x128xf32, #tpu.memory_space<vmem>> -> memref<8x16x128xf32, #tpu.memory_space<vmem>>
        %dma_start3A_391 = arith.constant 0 : i32
        %dma_start3A_392 = arith.constant 0 : i32
        %dma_start3A_393 = tpu.memref_slice %dma_start3A_390[%dma_start3A_374, %dma_start3A_391, %dma_start3A_392] : memref<8x16x128xf32, #tpu.memory_space<vmem>> -> memref<1x16x128xf32, #tpu.memory_space<vmem>>
        %dma_start3A_394 = tpu.memref_squeeze %dma_start3A_393 : memref<1x16x128xf32, #tpu.memory_space<vmem>> -> memref<16x128xf32, #tpu.memory_space<vmem>>
        %dma_start3A_395 = arith.constant 0 : i32
        %dma_start3A_396 = tpu.memref_slice %arg3[%dma_start3A_395, %multiple_of3A_372] : memref<16x1000000xf32, #tpu.memory_space<hbm>> -> memref<16x128xf32, #tpu.memory_space<hbm>>
        tpu.enqueue_dma source(%dma_start3A_396 : memref<16x128xf32, #tpu.memory_space<hbm>>) target(%dma_start3A_394 : memref<16x128xf32, #tpu.memory_space<vmem>>) target_semaphore(%arg13 : memref<!tpu.dma_semaphore, #tpu.memory_space<semaphore_mem>>)
        %slice3A_397 = vector.extract_strided_slice %get3A_80 {offsets = [3], sizes = [1], strides = [1]} : vector<16xi32> to vector<1xi32>
        %squeeze3A_398 = vector.extract %slice3A_397[0] : i32 from vector<1xi32>
        %and3A_399 = arith.constant -128 : i32
        %and3A_400 = arith.andi %squeeze3A_398, %and3A_399 : i32
        %multiple_of3A_401 = tpu.assume_multiple %and3A_400, 128 : i32
        %dma_start3A_402 = arith.constant 1 : i32
        %dma_start3A_403 = arith.constant 3 : i32
        %dma_start3A_404 = arith.constant 0 : i32
        %dma_start3A_405 = arith.constant 0 : i32
        %dma_start3A_406 = arith.constant 0 : i32
        %dma_start3A_407 = tpu.memref_slice %arg10[%dma_start3A_402, %dma_start3A_404, %dma_start3A_405, %dma_start3A_406] : memref<3x8x16x128xf32, #tpu.memory_space<vmem>> -> memref<1x8x16x128xf32, #tpu.memory_space<vmem>>
        %dma_start3A_408 = tpu.memref_squeeze %dma_start3A_407 : memref<1x8x16x128xf32, #tpu.memory_space<vmem>> -> memref<8x16x128xf32, #tpu.memory_space<vmem>>
        %dma_start3A_409 = arith.constant 0 : i32
        %dma_start3A_410 = arith.constant 0 : i32
        %dma_start3A_411 = tpu.memref_slice %dma_start3A_408[%dma_start3A_403, %dma_start3A_409, %dma_start3A_410] : memref<8x16x128xf32, #tpu.memory_space<vmem>> -> memref<1x16x128xf32, #tpu.memory_space<vmem>>
        %dma_start3A_412 = tpu.memref_squeeze %dma_start3A_411 : memref<1x16x128xf32, #tpu.memory_space<vmem>> -> memref<16x128xf32, #tpu.memory_space<vmem>>
        %dma_start3A_413 = arith.constant 0 : i32
        %dma_start3A_414 = tpu.memref_slice %arg3[%dma_start3A_413, %multiple_of3A_401] : memref<16x1000000xf32, #tpu.memory_space<hbm>> -> memref<16x128xf32, #tpu.memory_space<hbm>>
        %dma_start3A_415 = arith.constant 0 : i32
        %dma_start3A_416 = arith.constant 0 : i32
        %dma_start3A_417 = arith.constant 0 : i32
        %dma_start3A_418 = tpu.memref_slice %arg10[%dma_start3A_402, %dma_start3A_415, %dma_start3A_416, %dma_start3A_417] : memref<3x8x16x128xf32, #tpu.memory_space<vmem>> -> memref<1x8x16x128xf32, #tpu.memory_space<vmem>>
        %dma_start3A_419 = tpu.memref_squeeze %dma_start3A_418 : memref<1x8x16x128xf32, #tpu.memory_space<vmem>> -> memref<8x16x128xf32, #tpu.memory_space<vmem>>
        %dma_start3A_420 = arith.constant 0 : i32
        %dma_start3A_421 = arith.constant 0 : i32
        %dma_start3A_422 = tpu.memref_slice %dma_start3A_419[%dma_start3A_403, %dma_start3A_420, %dma_start3A_421] : memref<8x16x128xf32, #tpu.memory_space<vmem>> -> memref<1x16x128xf32, #tpu.memory_space<vmem>>
        %dma_start3A_423 = tpu.memref_squeeze %dma_start3A_422 : memref<1x16x128xf32, #tpu.memory_space<vmem>> -> memref<16x128xf32, #tpu.memory_space<vmem>>
        %dma_start3A_424 = arith.constant 0 : i32
        %dma_start3A_425 = tpu.memref_slice %arg3[%dma_start3A_424, %multiple_of3A_401] : memref<16x1000000xf32, #tpu.memory_space<hbm>> -> memref<16x128xf32, #tpu.memory_space<hbm>>
        tpu.enqueue_dma source(%dma_start3A_425 : memref<16x128xf32, #tpu.memory_space<hbm>>) target(%dma_start3A_423 : memref<16x128xf32, #tpu.memory_space<vmem>>) target_semaphore(%arg13 : memref<!tpu.dma_semaphore, #tpu.memory_space<semaphore_mem>>)
        %slice3A_426 = vector.extract_strided_slice %get3A_80 {offsets = [4], sizes = [1], strides = [1]} : vector<16xi32> to vector<1xi32>
        %squeeze3A_427 = vector.extract %slice3A_426[0] : i32 from vector<1xi32>
        %and3A_428 = arith.constant -128 : i32
        %and3A_429 = arith.andi %squeeze3A_427, %and3A_428 : i32
        %multiple_of3A_430 = tpu.assume_multiple %and3A_429, 128 : i32
        %dma_start3A_431 = arith.constant 1 : i32
        %dma_start3A_432 = arith.constant 4 : i32
        %dma_start3A_433 = arith.constant 0 : i32
        %dma_start3A_434 = arith.constant 0 : i32
        %dma_start3A_435 = arith.constant 0 : i32
        %dma_start3A_436 = tpu.memref_slice %arg10[%dma_start3A_431, %dma_start3A_433, %dma_start3A_434, %dma_start3A_435] : memref<3x8x16x128xf32, #tpu.memory_space<vmem>> -> memref<1x8x16x128xf32, #tpu.memory_space<vmem>>
        %dma_start3A_437 = tpu.memref_squeeze %dma_start3A_436 : memref<1x8x16x128xf32, #tpu.memory_space<vmem>> -> memref<8x16x128xf32, #tpu.memory_space<vmem>>
        %dma_start3A_438 = arith.constant 0 : i32
        %dma_start3A_439 = arith.constant 0 : i32
        %dma_start3A_440 = tpu.memref_slice %dma_start3A_437[%dma_start3A_432, %dma_start3A_438, %dma_start3A_439] : memref<8x16x128xf32, #tpu.memory_space<vmem>> -> memref<1x16x128xf32, #tpu.memory_space<vmem>>
        %dma_start3A_441 = tpu.memref_squeeze %dma_start3A_440 : memref<1x16x128xf32, #tpu.memory_space<vmem>> -> memref<16x128xf32, #tpu.memory_space<vmem>>
        %dma_start3A_442 = arith.constant 0 : i32
        %dma_start3A_443 = tpu.memref_slice %arg3[%dma_start3A_442, %multiple_of3A_430] : memref<16x1000000xf32, #tpu.memory_space<hbm>> -> memref<16x128xf32, #tpu.memory_space<hbm>>
        %dma_start3A_444 = arith.constant 0 : i32
        %dma_start3A_445 = arith.constant 0 : i32
        %dma_start3A_446 = arith.constant 0 : i32
        %dma_start3A_447 = tpu.memref_slice %arg10[%dma_start3A_431, %dma_start3A_444, %dma_start3A_445, %dma_start3A_446] : memref<3x8x16x128xf32, #tpu.memory_space<vmem>> -> memref<1x8x16x128xf32, #tpu.memory_space<vmem>>
        %dma_start3A_448 = tpu.memref_squeeze %dma_start3A_447 : memref<1x8x16x128xf32, #tpu.memory_space<vmem>> -> memref<8x16x128xf32, #tpu.memory_space<vmem>>
        %dma_start3A_449 = arith.constant 0 : i32
        %dma_start3A_450 = arith.constant 0 : i32
        %dma_start3A_451 = tpu.memref_slice %dma_start3A_448[%dma_start3A_432, %dma_start3A_449, %dma_start3A_450] : memref<8x16x128xf32, #tpu.memory_space<vmem>> -> memref<1x16x128xf32, #tpu.memory_space<vmem>>
        %dma_start3A_452 = tpu.memref_squeeze %dma_start3A_451 : memref<1x16x128xf32, #tpu.memory_space<vmem>> -> memref<16x128xf32, #tpu.memory_space<vmem>>
        %dma_start3A_453 = arith.constant 0 : i32
        %dma_start3A_454 = tpu.memref_slice %arg3[%dma_start3A_453, %multiple_of3A_430] : memref<16x1000000xf32, #tpu.memory_space<hbm>> -> memref<16x128xf32, #tpu.memory_space<hbm>>
        tpu.enqueue_dma source(%dma_start3A_454 : memref<16x128xf32, #tpu.memory_space<hbm>>) target(%dma_start3A_452 : memref<16x128xf32, #tpu.memory_space<vmem>>) target_semaphore(%arg13 : memref<!tpu.dma_semaphore, #tpu.memory_space<semaphore_mem>>)
        %slice3A_455 = vector.extract_strided_slice %get3A_80 {offsets = [5], sizes = [1], strides = [1]} : vector<16xi32> to vector<1xi32>
        %squeeze3A_456 = vector.extract %slice3A_455[0] : i32 from vector<1xi32>
        %and3A_457 = arith.constant -128 : i32
        %and3A_458 = arith.andi %squeeze3A_456, %and3A_457 : i32
        %multiple_of3A_459 = tpu.assume_multiple %and3A_458, 128 : i32
        %dma_start3A_460 = arith.constant 1 : i32
        %dma_start3A_461 = arith.constant 5 : i32
        %dma_start3A_462 = arith.constant 0 : i32
        %dma_start3A_463 = arith.constant 0 : i32
        %dma_start3A_464 = arith.constant 0 : i32
        %dma_start3A_465 = tpu.memref_slice %arg10[%dma_start3A_460, %dma_start3A_462, %dma_start3A_463, %dma_start3A_464] : memref<3x8x16x128xf32, #tpu.memory_space<vmem>> -> memref<1x8x16x128xf32, #tpu.memory_space<vmem>>
        %dma_start3A_466 = tpu.memref_squeeze %dma_start3A_465 : memref<1x8x16x128xf32, #tpu.memory_space<vmem>> -> memref<8x16x128xf32, #tpu.memory_space<vmem>>
        %dma_start3A_467 = arith.constant 0 : i32
        %dma_start3A_468 = arith.constant 0 : i32
        %dma_start3A_469 = tpu.memref_slice %dma_start3A_466[%dma_start3A_461, %dma_start3A_467, %dma_start3A_468] : memref<8x16x128xf32, #tpu.memory_space<vmem>> -> memref<1x16x128xf32, #tpu.memory_space<vmem>>
        %dma_start3A_470 = tpu.memref_squeeze %dma_start3A_469 : memref<1x16x128xf32, #tpu.memory_space<vmem>> -> memref<16x128xf32, #tpu.memory_space<vmem>>
        %dma_start3A_471 = arith.constant 0 : i32
        %dma_start3A_472 = tpu.memref_slice %arg3[%dma_start3A_471, %multiple_of3A_459] : memref<16x1000000xf32, #tpu.memory_space<hbm>> -> memref<16x128xf32, #tpu.memory_space<hbm>>
        %dma_start3A_473 = arith.constant 0 : i32
        %dma_start3A_474 = arith.constant 0 : i32
        %dma_start3A_475 = arith.constant 0 : i32
        %dma_start3A_476 = tpu.memref_slice %arg10[%dma_start3A_460, %dma_start3A_473, %dma_start3A_474, %dma_start3A_475] : memref<3x8x16x128xf32, #tpu.memory_space<vmem>> -> memref<1x8x16x128xf32, #tpu.memory_space<vmem>>
        %dma_start3A_477 = tpu.memref_squeeze %dma_start3A_476 : memref<1x8x16x128xf32, #tpu.memory_space<vmem>> -> memref<8x16x128xf32, #tpu.memory_space<vmem>>
        %dma_start3A_478 = arith.constant 0 : i32
        %dma_start3A_479 = arith.constant 0 : i32
        %dma_start3A_480 = tpu.memref_slice %dma_start3A_477[%dma_start3A_461, %dma_start3A_478, %dma_start3A_479] : memref<8x16x128xf32, #tpu.memory_space<vmem>> -> memref<1x16x128xf32, #tpu.memory_space<vmem>>
        %dma_start3A_481 = tpu.memref_squeeze %dma_start3A_480 : memref<1x16x128xf32, #tpu.memory_space<vmem>> -> memref<16x128xf32, #tpu.memory_space<vmem>>
        %dma_start3A_482 = arith.constant 0 : i32
        %dma_start3A_483 = tpu.memref_slice %arg3[%dma_start3A_482, %multiple_of3A_459] : memref<16x1000000xf32, #tpu.memory_space<hbm>> -> memref<16x128xf32, #tpu.memory_space<hbm>>
        tpu.enqueue_dma source(%dma_start3A_483 : memref<16x128xf32, #tpu.memory_space<hbm>>) target(%dma_start3A_481 : memref<16x128xf32, #tpu.memory_space<vmem>>) target_semaphore(%arg13 : memref<!tpu.dma_semaphore, #tpu.memory_space<semaphore_mem>>)
        %slice3A_484 = vector.extract_strided_slice %get3A_80 {offsets = [6], sizes = [1], strides = [1]} : vector<16xi32> to vector<1xi32>
        %squeeze3A_485 = vector.extract %slice3A_484[0] : i32 from vector<1xi32>
        %and3A_486 = arith.constant -128 : i32
        %and3A_487 = arith.andi %squeeze3A_485, %and3A_486 : i32
        %multiple_of3A_488 = tpu.assume_multiple %and3A_487, 128 : i32
        %dma_start3A_489 = arith.constant 1 : i32
        %dma_start3A_490 = arith.constant 6 : i32
        %dma_start3A_491 = arith.constant 0 : i32
        %dma_start3A_492 = arith.constant 0 : i32
        %dma_start3A_493 = arith.constant 0 : i32
        %dma_start3A_494 = tpu.memref_slice %arg10[%dma_start3A_489, %dma_start3A_491, %dma_start3A_492, %dma_start3A_493] : memref<3x8x16x128xf32, #tpu.memory_space<vmem>> -> memref<1x8x16x128xf32, #tpu.memory_space<vmem>>
        %dma_start3A_495 = tpu.memref_squeeze %dma_start3A_494 : memref<1x8x16x128xf32, #tpu.memory_space<vmem>> -> memref<8x16x128xf32, #tpu.memory_space<vmem>>
        %dma_start3A_496 = arith.constant 0 : i32
        %dma_start3A_497 = arith.constant 0 : i32
        %dma_start3A_498 = tpu.memref_slice %dma_start3A_495[%dma_start3A_490, %dma_start3A_496, %dma_start3A_497] : memref<8x16x128xf32, #tpu.memory_space<vmem>> -> memref<1x16x128xf32, #tpu.memory_space<vmem>>
        %dma_start3A_499 = tpu.memref_squeeze %dma_start3A_498 : memref<1x16x128xf32, #tpu.memory_space<vmem>> -> memref<16x128xf32, #tpu.memory_space<vmem>>
        %dma_start3A_500 = arith.constant 0 : i32
        %dma_start3A_501 = tpu.memref_slice %arg3[%dma_start3A_500, %multiple_of3A_488] : memref<16x1000000xf32, #tpu.memory_space<hbm>> -> memref<16x128xf32, #tpu.memory_space<hbm>>
        %dma_start3A_502 = arith.constant 0 : i32
        %dma_start3A_503 = arith.constant 0 : i32
        %dma_start3A_504 = arith.constant 0 : i32
        %dma_start3A_505 = tpu.memref_slice %arg10[%dma_start3A_489, %dma_start3A_502, %dma_start3A_503, %dma_start3A_504] : memref<3x8x16x128xf32, #tpu.memory_space<vmem>> -> memref<1x8x16x128xf32, #tpu.memory_space<vmem>>
        %dma_start3A_506 = tpu.memref_squeeze %dma_start3A_505 : memref<1x8x16x128xf32, #tpu.memory_space<vmem>> -> memref<8x16x128xf32, #tpu.memory_space<vmem>>
        %dma_start3A_507 = arith.constant 0 : i32
        %dma_start3A_508 = arith.constant 0 : i32
        %dma_start3A_509 = tpu.memref_slice %dma_start3A_506[%dma_start3A_490, %dma_start3A_507, %dma_start3A_508] : memref<8x16x128xf32, #tpu.memory_space<vmem>> -> memref<1x16x128xf32, #tpu.memory_space<vmem>>
        %dma_start3A_510 = tpu.memref_squeeze %dma_start3A_509 : memref<1x16x128xf32, #tpu.memory_space<vmem>> -> memref<16x128xf32, #tpu.memory_space<vmem>>
        %dma_start3A_511 = arith.constant 0 : i32
        %dma_start3A_512 = tpu.memref_slice %arg3[%dma_start3A_511, %multiple_of3A_488] : memref<16x1000000xf32, #tpu.memory_space<hbm>> -> memref<16x128xf32, #tpu.memory_space<hbm>>
        tpu.enqueue_dma source(%dma_start3A_512 : memref<16x128xf32, #tpu.memory_space<hbm>>) target(%dma_start3A_510 : memref<16x128xf32, #tpu.memory_space<vmem>>) target_semaphore(%arg13 : memref<!tpu.dma_semaphore, #tpu.memory_space<semaphore_mem>>)
        %slice3A_513 = vector.extract_strided_slice %get3A_80 {offsets = [7], sizes = [1], strides = [1]} : vector<16xi32> to vector<1xi32>
        %squeeze3A_514 = vector.extract %slice3A_513[0] : i32 from vector<1xi32>
        %and3A_515 = arith.constant -128 : i32
        %and3A_516 = arith.andi %squeeze3A_514, %and3A_515 : i32
        %multiple_of3A_517 = tpu.assume_multiple %and3A_516, 128 : i32
        %dma_start3A_518 = arith.constant 1 : i32
        %dma_start3A_519 = arith.constant 7 : i32
        %dma_start3A_520 = arith.constant 0 : i32
        %dma_start3A_521 = arith.constant 0 : i32
        %dma_start3A_522 = arith.constant 0 : i32
        %dma_start3A_523 = tpu.memref_slice %arg10[%dma_start3A_518, %dma_start3A_520, %dma_start3A_521, %dma_start3A_522] : memref<3x8x16x128xf32, #tpu.memory_space<vmem>> -> memref<1x8x16x128xf32, #tpu.memory_space<vmem>>
        %dma_start3A_524 = tpu.memref_squeeze %dma_start3A_523 : memref<1x8x16x128xf32, #tpu.memory_space<vmem>> -> memref<8x16x128xf32, #tpu.memory_space<vmem>>
        %dma_start3A_525 = arith.constant 0 : i32
        %dma_start3A_526 = arith.constant 0 : i32
        %dma_start3A_527 = tpu.memref_slice %dma_start3A_524[%dma_start3A_519, %dma_start3A_525, %dma_start3A_526] : memref<8x16x128xf32, #tpu.memory_space<vmem>> -> memref<1x16x128xf32, #tpu.memory_space<vmem>>
        %dma_start3A_528 = tpu.memref_squeeze %dma_start3A_527 : memref<1x16x128xf32, #tpu.memory_space<vmem>> -> memref<16x128xf32, #tpu.memory_space<vmem>>
        %dma_start3A_529 = arith.constant 0 : i32
        %dma_start3A_530 = tpu.memref_slice %arg3[%dma_start3A_529, %multiple_of3A_517] : memref<16x1000000xf32, #tpu.memory_space<hbm>> -> memref<16x128xf32, #tpu.memory_space<hbm>>
        %dma_start3A_531 = arith.constant 0 : i32
        %dma_start3A_532 = arith.constant 0 : i32
        %dma_start3A_533 = arith.constant 0 : i32
        %dma_start3A_534 = tpu.memref_slice %arg10[%dma_start3A_518, %dma_start3A_531, %dma_start3A_532, %dma_start3A_533] : memref<3x8x16x128xf32, #tpu.memory_space<vmem>> -> memref<1x8x16x128xf32, #tpu.memory_space<vmem>>
        %dma_start3A_535 = tpu.memref_squeeze %dma_start3A_534 : memref<1x8x16x128xf32, #tpu.memory_space<vmem>> -> memref<8x16x128xf32, #tpu.memory_space<vmem>>
        %dma_start3A_536 = arith.constant 0 : i32
        %dma_start3A_537 = arith.constant 0 : i32
        %dma_start3A_538 = tpu.memref_slice %dma_start3A_535[%dma_start3A_519, %dma_start3A_536, %dma_start3A_537] : memref<8x16x128xf32, #tpu.memory_space<vmem>> -> memref<1x16x128xf32, #tpu.memory_space<vmem>>
        %dma_start3A_539 = tpu.memref_squeeze %dma_start3A_538 : memref<1x16x128xf32, #tpu.memory_space<vmem>> -> memref<16x128xf32, #tpu.memory_space<vmem>>
        %dma_start3A_540 = arith.constant 0 : i32
        %dma_start3A_541 = tpu.memref_slice %arg3[%dma_start3A_540, %multiple_of3A_517] : memref<16x1000000xf32, #tpu.memory_space<hbm>> -> memref<16x128xf32, #tpu.memory_space<hbm>>
        tpu.enqueue_dma source(%dma_start3A_541 : memref<16x128xf32, #tpu.memory_space<hbm>>) target(%dma_start3A_539 : memref<16x128xf32, #tpu.memory_space<vmem>>) target_semaphore(%arg13 : memref<!tpu.dma_semaphore, #tpu.memory_space<semaphore_mem>>)
      } else {
      }
      %gt3A_45 = arith.constant 0 : i32
      %gt3A_46 = arith.cmpi sgt, %add3A_39, %gt3A_45 : i32
      %sub3A_47 = arith.constant 1 : i32
      %sub3A_48 = arith.subi %add3A_39, %sub3A_47 : i32
      %lt3A_49 = arith.constant 64 : i32
      %lt3A_50 = arith.cmpi slt, %sub3A_48, %lt3A_49 : i32
      %and3A_51 = arith.andi %gt3A_46, %lt3A_50 : i1
      %convert_element_type3A_52 = arith.extui %and3A_51 : i1 to i32
      %cond3A_53 = arith.constant 0 : i32
      %cond3A_54 = arith.cmpi ne, %convert_element_type3A_52, %cond3A_53 : i32
      scf.if %cond3A_54 {
        %sub3A_74 = arith.constant 1 : i32
        %sub3A_75 = arith.subi %add3A_39, %sub3A_74 : i32
        %dma_wait3A = arith.constant 0 : i32
        %dma_wait3A_76 = arith.constant 0 : i32
        %dma_wait3A_77 = arith.constant 0 : i32
        %dma_wait3A_78 = arith.constant 0 : i32
        %dma_wait3A_79 = arith.constant 0 : i32
        %dma_wait3A_80 = tpu.memref_slice %arg9[%dma_wait3A, %dma_wait3A_77, %dma_wait3A_78, %dma_wait3A_79] : memref<3x8x16x128xf32, #tpu.memory_space<vmem>> -> memref<1x8x16x128xf32, #tpu.memory_space<vmem>>
        %dma_wait3A_81 = tpu.memref_squeeze %dma_wait3A_80 : memref<1x8x16x128xf32, #tpu.memory_space<vmem>> -> memref<8x16x128xf32, #tpu.memory_space<vmem>>
        %dma_wait3A_82 = arith.constant 0 : i32
        %dma_wait3A_83 = arith.constant 0 : i32
        %dma_wait3A_84 = tpu.memref_slice %dma_wait3A_81[%dma_wait3A_76, %dma_wait3A_82, %dma_wait3A_83] : memref<8x16x128xf32, #tpu.memory_space<vmem>> -> memref<1x16x128xf32, #tpu.memory_space<vmem>>
        %dma_wait3A_85 = tpu.memref_squeeze %dma_wait3A_84 : memref<1x16x128xf32, #tpu.memory_space<vmem>> -> memref<16x128xf32, #tpu.memory_space<vmem>>
        %dma_wait3A_86 = arith.constant 0 : i32
        %dma_wait3A_87 = arith.constant 0 : i32
        %dma_wait3A_88 = tpu.memref_slice %arg2[%dma_wait3A_86, %dma_wait3A_87] : memref<16x1000000xf32, #tpu.memory_space<hbm>> -> memref<16x128xf32, #tpu.memory_space<hbm>>
        %dma_wait3A_89 = arith.constant 0 : i32
        %dma_wait3A_90 = arith.constant 0 : i32
        %dma_wait3A_91 = arith.constant 0 : i32
        %dma_wait3A_92 = tpu.memref_slice %arg9[%dma_wait3A, %dma_wait3A_89, %dma_wait3A_90, %dma_wait3A_91] : memref<3x8x16x128xf32, #tpu.memory_space<vmem>> -> memref<1x8x16x128xf32, #tpu.memory_space<vmem>>
        %dma_wait3A_93 = tpu.memref_squeeze %dma_wait3A_92 : memref<1x8x16x128xf32, #tpu.memory_space<vmem>> -> memref<8x16x128xf32, #tpu.memory_space<vmem>>
        %dma_wait3A_94 = arith.constant 0 : i32
        %dma_wait3A_95 = arith.constant 0 : i32
        %dma_wait3A_96 = tpu.memref_slice %dma_wait3A_93[%dma_wait3A_76, %dma_wait3A_94, %dma_wait3A_95] : memref<8x16x128xf32, #tpu.memory_space<vmem>> -> memref<1x16x128xf32, #tpu.memory_space<vmem>>
        %dma_wait3A_97 = tpu.memref_squeeze %dma_wait3A_96 : memref<1x16x128xf32, #tpu.memory_space<vmem>> -> memref<16x128xf32, #tpu.memory_space<vmem>>
        %dma_wait3A_98 = arith.constant 0 : i32
        %dma_wait3A_99 = arith.constant 0 : i32
        %dma_wait3A_100 = tpu.memref_slice %arg2[%dma_wait3A_98, %dma_wait3A_99] : memref<16x1000000xf32, #tpu.memory_space<hbm>> -> memref<16x128xf32, #tpu.memory_space<hbm>>
        tpu.wait_dma2 semaphore(%arg12 : memref<!tpu.dma_semaphore, #tpu.memory_space<semaphore_mem>>) src(%dma_wait3A_100 : memref<16x128xf32, #tpu.memory_space<hbm>>) dst(%dma_wait3A_97 : memref<16x128xf32, #tpu.memory_space<vmem>>)
        %dma_wait3A_101 = arith.constant 0 : i32
        %dma_wait3A_102 = arith.constant 1 : i32
        %dma_wait3A_103 = arith.constant 0 : i32
        %dma_wait3A_104 = arith.constant 0 : i32
        %dma_wait3A_105 = arith.constant 0 : i32
        %dma_wait3A_106 = tpu.memref_slice %arg9[%dma_wait3A_101, %dma_wait3A_103, %dma_wait3A_104, %dma_wait3A_105] : memref<3x8x16x128xf32, #tpu.memory_space<vmem>> -> memref<1x8x16x128xf32, #tpu.memory_space<vmem>>
        %dma_wait3A_107 = tpu.memref_squeeze %dma_wait3A_106 : memref<1x8x16x128xf32, #tpu.memory_space<vmem>> -> memref<8x16x128xf32, #tpu.memory_space<vmem>>
        %dma_wait3A_108 = arith.constant 0 : i32
        %dma_wait3A_109 = arith.constant 0 : i32
        %dma_wait3A_110 = tpu.memref_slice %dma_wait3A_107[%dma_wait3A_102, %dma_wait3A_108, %dma_wait3A_109] : memref<8x16x128xf32, #tpu.memory_space<vmem>> -> memref<1x16x128xf32, #tpu.memory_space<vmem>>
        %dma_wait3A_111 = tpu.memref_squeeze %dma_wait3A_110 : memref<1x16x128xf32, #tpu.memory_space<vmem>> -> memref<16x128xf32, #tpu.memory_space<vmem>>
        %dma_wait3A_112 = arith.constant 0 : i32
        %dma_wait3A_113 = arith.constant 0 : i32
        %dma_wait3A_114 = tpu.memref_slice %arg2[%dma_wait3A_112, %dma_wait3A_113] : memref<16x1000000xf32, #tpu.memory_space<hbm>> -> memref<16x128xf32, #tpu.memory_space<hbm>>
        %dma_wait3A_115 = arith.constant 0 : i32
        %dma_wait3A_116 = arith.constant 0 : i32
        %dma_wait3A_117 = arith.constant 0 : i32
        %dma_wait3A_118 = tpu.memref_slice %arg9[%dma_wait3A_101, %dma_wait3A_115, %dma_wait3A_116, %dma_wait3A_117] : memref<3x8x16x128xf32, #tpu.memory_space<vmem>> -> memref<1x8x16x128xf32, #tpu.memory_space<vmem>>
        %dma_wait3A_119 = tpu.memref_squeeze %dma_wait3A_118 : memref<1x8x16x128xf32, #tpu.memory_space<vmem>> -> memref<8x16x128xf32, #tpu.memory_space<vmem>>
        %dma_wait3A_120 = arith.constant 0 : i32
        %dma_wait3A_121 = arith.constant 0 : i32
        %dma_wait3A_122 = tpu.memref_slice %dma_wait3A_119[%dma_wait3A_102, %dma_wait3A_120, %dma_wait3A_121] : memref<8x16x128xf32, #tpu.memory_space<vmem>> -> memref<1x16x128xf32, #tpu.memory_space<vmem>>
        %dma_wait3A_123 = tpu.memref_squeeze %dma_wait3A_122 : memref<1x16x128xf32, #tpu.memory_space<vmem>> -> memref<16x128xf32, #tpu.memory_space<vmem>>
        %dma_wait3A_124 = arith.constant 0 : i32
        %dma_wait3A_125 = arith.constant 0 : i32
        %dma_wait3A_126 = tpu.memref_slice %arg2[%dma_wait3A_124, %dma_wait3A_125] : memref<16x1000000xf32, #tpu.memory_space<hbm>> -> memref<16x128xf32, #tpu.memory_space<hbm>>
        tpu.wait_dma2 semaphore(%arg12 : memref<!tpu.dma_semaphore, #tpu.memory_space<semaphore_mem>>) src(%dma_wait3A_126 : memref<16x128xf32, #tpu.memory_space<hbm>>) dst(%dma_wait3A_123 : memref<16x128xf32, #tpu.memory_space<vmem>>)
        %dma_wait3A_127 = arith.constant 0 : i32
        %dma_wait3A_128 = arith.constant 2 : i32
        %dma_wait3A_129 = arith.constant 0 : i32
        %dma_wait3A_130 = arith.constant 0 : i32
        %dma_wait3A_131 = arith.constant 0 : i32
        %dma_wait3A_132 = tpu.memref_slice %arg9[%dma_wait3A_127, %dma_wait3A_129, %dma_wait3A_130, %dma_wait3A_131] : memref<3x8x16x128xf32, #tpu.memory_space<vmem>> -> memref<1x8x16x128xf32, #tpu.memory_space<vmem>>
        %dma_wait3A_133 = tpu.memref_squeeze %dma_wait3A_132 : memref<1x8x16x128xf32, #tpu.memory_space<vmem>> -> memref<8x16x128xf32, #tpu.memory_space<vmem>>
        %dma_wait3A_134 = arith.constant 0 : i32
        %dma_wait3A_135 = arith.constant 0 : i32
        %dma_wait3A_136 = tpu.memref_slice %dma_wait3A_133[%dma_wait3A_128, %dma_wait3A_134, %dma_wait3A_135] : memref<8x16x128xf32, #tpu.memory_space<vmem>> -> memref<1x16x128xf32, #tpu.memory_space<vmem>>
        %dma_wait3A_137 = tpu.memref_squeeze %dma_wait3A_136 : memref<1x16x128xf32, #tpu.memory_space<vmem>> -> memref<16x128xf32, #tpu.memory_space<vmem>>
        %dma_wait3A_138 = arith.constant 0 : i32
        %dma_wait3A_139 = arith.constant 0 : i32
        %dma_wait3A_140 = tpu.memref_slice %arg2[%dma_wait3A_138, %dma_wait3A_139] : memref<16x1000000xf32, #tpu.memory_space<hbm>> -> memref<16x128xf32, #tpu.memory_space<hbm>>
        %dma_wait3A_141 = arith.constant 0 : i32
        %dma_wait3A_142 = arith.constant 0 : i32
        %dma_wait3A_143 = arith.constant 0 : i32
        %dma_wait3A_144 = tpu.memref_slice %arg9[%dma_wait3A_127, %dma_wait3A_141, %dma_wait3A_142, %dma_wait3A_143] : memref<3x8x16x128xf32, #tpu.memory_space<vmem>> -> memref<1x8x16x128xf32, #tpu.memory_space<vmem>>
        %dma_wait3A_145 = tpu.memref_squeeze %dma_wait3A_144 : memref<1x8x16x128xf32, #tpu.memory_space<vmem>> -> memref<8x16x128xf32, #tpu.memory_space<vmem>>
        %dma_wait3A_146 = arith.constant 0 : i32
        %dma_wait3A_147 = arith.constant 0 : i32
        %dma_wait3A_148 = tpu.memref_slice %dma_wait3A_145[%dma_wait3A_128, %dma_wait3A_146, %dma_wait3A_147] : memref<8x16x128xf32, #tpu.memory_space<vmem>> -> memref<1x16x128xf32, #tpu.memory_space<vmem>>
        %dma_wait3A_149 = tpu.memref_squeeze %dma_wait3A_148 : memref<1x16x128xf32, #tpu.memory_space<vmem>> -> memref<16x128xf32, #tpu.memory_space<vmem>>
        %dma_wait3A_150 = arith.constant 0 : i32
        %dma_wait3A_151 = arith.constant 0 : i32
        %dma_wait3A_152 = tpu.memref_slice %arg2[%dma_wait3A_150, %dma_wait3A_151] : memref<16x1000000xf32, #tpu.memory_space<hbm>> -> memref<16x128xf32, #tpu.memory_space<hbm>>
        tpu.wait_dma2 semaphore(%arg12 : memref<!tpu.dma_semaphore, #tpu.memory_space<semaphore_mem>>) src(%dma_wait3A_152 : memref<16x128xf32, #tpu.memory_space<hbm>>) dst(%dma_wait3A_149 : memref<16x128xf32, #tpu.memory_space<vmem>>)
        %dma_wait3A_153 = arith.constant 0 : i32
        %dma_wait3A_154 = arith.constant 3 : i32
        %dma_wait3A_155 = arith.constant 0 : i32
        %dma_wait3A_156 = arith.constant 0 : i32
        %dma_wait3A_157 = arith.constant 0 : i32
        %dma_wait3A_158 = tpu.memref_slice %arg9[%dma_wait3A_153, %dma_wait3A_155, %dma_wait3A_156, %dma_wait3A_157] : memref<3x8x16x128xf32, #tpu.memory_space<vmem>> -> memref<1x8x16x128xf32, #tpu.memory_space<vmem>>
        %dma_wait3A_159 = tpu.memref_squeeze %dma_wait3A_158 : memref<1x8x16x128xf32, #tpu.memory_space<vmem>> -> memref<8x16x128xf32, #tpu.memory_space<vmem>>
        %dma_wait3A_160 = arith.constant 0 : i32
        %dma_wait3A_161 = arith.constant 0 : i32
        %dma_wait3A_162 = tpu.memref_slice %dma_wait3A_159[%dma_wait3A_154, %dma_wait3A_160, %dma_wait3A_161] : memref<8x16x128xf32, #tpu.memory_space<vmem>> -> memref<1x16x128xf32, #tpu.memory_space<vmem>>
        %dma_wait3A_163 = tpu.memref_squeeze %dma_wait3A_162 : memref<1x16x128xf32, #tpu.memory_space<vmem>> -> memref<16x128xf32, #tpu.memory_space<vmem>>
        %dma_wait3A_164 = arith.constant 0 : i32
        %dma_wait3A_165 = arith.constant 0 : i32
        %dma_wait3A_166 = tpu.memref_slice %arg2[%dma_wait3A_164, %dma_wait3A_165] : memref<16x1000000xf32, #tpu.memory_space<hbm>> -> memref<16x128xf32, #tpu.memory_space<hbm>>
        %dma_wait3A_167 = arith.constant 0 : i32
        %dma_wait3A_168 = arith.constant 0 : i32
        %dma_wait3A_169 = arith.constant 0 : i32
        %dma_wait3A_170 = tpu.memref_slice %arg9[%dma_wait3A_153, %dma_wait3A_167, %dma_wait3A_168, %dma_wait3A_169] : memref<3x8x16x128xf32, #tpu.memory_space<vmem>> -> memref<1x8x16x128xf32, #tpu.memory_space<vmem>>
        %dma_wait3A_171 = tpu.memref_squeeze %dma_wait3A_170 : memref<1x8x16x128xf32, #tpu.memory_space<vmem>> -> memref<8x16x128xf32, #tpu.memory_space<vmem>>
        %dma_wait3A_172 = arith.constant 0 : i32
        %dma_wait3A_173 = arith.constant 0 : i32
        %dma_wait3A_174 = tpu.memref_slice %dma_wait3A_171[%dma_wait3A_154, %dma_wait3A_172, %dma_wait3A_173] : memref<8x16x128xf32, #tpu.memory_space<vmem>> -> memref<1x16x128xf32, #tpu.memory_space<vmem>>
        %dma_wait3A_175 = tpu.memref_squeeze %dma_wait3A_174 : memref<1x16x128xf32, #tpu.memory_space<vmem>> -> memref<16x128xf32, #tpu.memory_space<vmem>>
        %dma_wait3A_176 = arith.constant 0 : i32
        %dma_wait3A_177 = arith.constant 0 : i32
        %dma_wait3A_178 = tpu.memref_slice %arg2[%dma_wait3A_176, %dma_wait3A_177] : memref<16x1000000xf32, #tpu.memory_space<hbm>> -> memref<16x128xf32, #tpu.memory_space<hbm>>
        tpu.wait_dma2 semaphore(%arg12 : memref<!tpu.dma_semaphore, #tpu.memory_space<semaphore_mem>>) src(%dma_wait3A_178 : memref<16x128xf32, #tpu.memory_space<hbm>>) dst(%dma_wait3A_175 : memref<16x128xf32, #tpu.memory_space<vmem>>)
        %dma_wait3A_179 = arith.constant 0 : i32
        %dma_wait3A_180 = arith.constant 4 : i32
        %dma_wait3A_181 = arith.constant 0 : i32
        %dma_wait3A_182 = arith.constant 0 : i32
        %dma_wait3A_183 = arith.constant 0 : i32
        %dma_wait3A_184 = tpu.memref_slice %arg9[%dma_wait3A_179, %dma_wait3A_181, %dma_wait3A_182, %dma_wait3A_183] : memref<3x8x16x128xf32, #tpu.memory_space<vmem>> -> memref<1x8x16x128xf32, #tpu.memory_space<vmem>>
        %dma_wait3A_185 = tpu.memref_squeeze %dma_wait3A_184 : memref<1x8x16x128xf32, #tpu.memory_space<vmem>> -> memref<8x16x128xf32, #tpu.memory_space<vmem>>
        %dma_wait3A_186 = arith.constant 0 : i32
        %dma_wait3A_187 = arith.constant 0 : i32
        %dma_wait3A_188 = tpu.memref_slice %dma_wait3A_185[%dma_wait3A_180, %dma_wait3A_186, %dma_wait3A_187] : memref<8x16x128xf32, #tpu.memory_space<vmem>> -> memref<1x16x128xf32, #tpu.memory_space<vmem>>
        %dma_wait3A_189 = tpu.memref_squeeze %dma_wait3A_188 : memref<1x16x128xf32, #tpu.memory_space<vmem>> -> memref<16x128xf32, #tpu.memory_space<vmem>>
        %dma_wait3A_190 = arith.constant 0 : i32
        %dma_wait3A_191 = arith.constant 0 : i32
        %dma_wait3A_192 = tpu.memref_slice %arg2[%dma_wait3A_190, %dma_wait3A_191] : memref<16x1000000xf32, #tpu.memory_space<hbm>> -> memref<16x128xf32, #tpu.memory_space<hbm>>
        %dma_wait3A_193 = arith.constant 0 : i32
        %dma_wait3A_194 = arith.constant 0 : i32
        %dma_wait3A_195 = arith.constant 0 : i32
        %dma_wait3A_196 = tpu.memref_slice %arg9[%dma_wait3A_179, %dma_wait3A_193, %dma_wait3A_194, %dma_wait3A_195] : memref<3x8x16x128xf32, #tpu.memory_space<vmem>> -> memref<1x8x16x128xf32, #tpu.memory_space<vmem>>
        %dma_wait3A_197 = tpu.memref_squeeze %dma_wait3A_196 : memref<1x8x16x128xf32, #tpu.memory_space<vmem>> -> memref<8x16x128xf32, #tpu.memory_space<vmem>>
        %dma_wait3A_198 = arith.constant 0 : i32
        %dma_wait3A_199 = arith.constant 0 : i32
        %dma_wait3A_200 = tpu.memref_slice %dma_wait3A_197[%dma_wait3A_180, %dma_wait3A_198, %dma_wait3A_199] : memref<8x16x128xf32, #tpu.memory_space<vmem>> -> memref<1x16x128xf32, #tpu.memory_space<vmem>>
        %dma_wait3A_201 = tpu.memref_squeeze %dma_wait3A_200 : memref<1x16x128xf32, #tpu.memory_space<vmem>> -> memref<16x128xf32, #tpu.memory_space<vmem>>
        %dma_wait3A_202 = arith.constant 0 : i32
        %dma_wait3A_203 = arith.constant 0 : i32
        %dma_wait3A_204 = tpu.memref_slice %arg2[%dma_wait3A_202, %dma_wait3A_203] : memref<16x1000000xf32, #tpu.memory_space<hbm>> -> memref<16x128xf32, #tpu.memory_space<hbm>>
        tpu.wait_dma2 semaphore(%arg12 : memref<!tpu.dma_semaphore, #tpu.memory_space<semaphore_mem>>) src(%dma_wait3A_204 : memref<16x128xf32, #tpu.memory_space<hbm>>) dst(%dma_wait3A_201 : memref<16x128xf32, #tpu.memory_space<vmem>>)
        %dma_wait3A_205 = arith.constant 0 : i32
        %dma_wait3A_206 = arith.constant 5 : i32
        %dma_wait3A_207 = arith.constant 0 : i32
        %dma_wait3A_208 = arith.constant 0 : i32
        %dma_wait3A_209 = arith.constant 0 : i32
        %dma_wait3A_210 = tpu.memref_slice %arg9[%dma_wait3A_205, %dma_wait3A_207, %dma_wait3A_208, %dma_wait3A_209] : memref<3x8x16x128xf32, #tpu.memory_space<vmem>> -> memref<1x8x16x128xf32, #tpu.memory_space<vmem>>
        %dma_wait3A_211 = tpu.memref_squeeze %dma_wait3A_210 : memref<1x8x16x128xf32, #tpu.memory_space<vmem>> -> memref<8x16x128xf32, #tpu.memory_space<vmem>>
        %dma_wait3A_212 = arith.constant 0 : i32
        %dma_wait3A_213 = arith.constant 0 : i32
        %dma_wait3A_214 = tpu.memref_slice %dma_wait3A_211[%dma_wait3A_206, %dma_wait3A_212, %dma_wait3A_213] : memref<8x16x128xf32, #tpu.memory_space<vmem>> -> memref<1x16x128xf32, #tpu.memory_space<vmem>>
        %dma_wait3A_215 = tpu.memref_squeeze %dma_wait3A_214 : memref<1x16x128xf32, #tpu.memory_space<vmem>> -> memref<16x128xf32, #tpu.memory_space<vmem>>
        %dma_wait3A_216 = arith.constant 0 : i32
        %dma_wait3A_217 = arith.constant 0 : i32
        %dma_wait3A_218 = tpu.memref_slice %arg2[%dma_wait3A_216, %dma_wait3A_217] : memref<16x1000000xf32, #tpu.memory_space<hbm>> -> memref<16x128xf32, #tpu.memory_space<hbm>>
        %dma_wait3A_219 = arith.constant 0 : i32
        %dma_wait3A_220 = arith.constant 0 : i32
        %dma_wait3A_221 = arith.constant 0 : i32
        %dma_wait3A_222 = tpu.memref_slice %arg9[%dma_wait3A_205, %dma_wait3A_219, %dma_wait3A_220, %dma_wait3A_221] : memref<3x8x16x128xf32, #tpu.memory_space<vmem>> -> memref<1x8x16x128xf32, #tpu.memory_space<vmem>>
        %dma_wait3A_223 = tpu.memref_squeeze %dma_wait3A_222 : memref<1x8x16x128xf32, #tpu.memory_space<vmem>> -> memref<8x16x128xf32, #tpu.memory_space<vmem>>
        %dma_wait3A_224 = arith.constant 0 : i32
        %dma_wait3A_225 = arith.constant 0 : i32
        %dma_wait3A_226 = tpu.memref_slice %dma_wait3A_223[%dma_wait3A_206, %dma_wait3A_224, %dma_wait3A_225] : memref<8x16x128xf32, #tpu.memory_space<vmem>> -> memref<1x16x128xf32, #tpu.memory_space<vmem>>
        %dma_wait3A_227 = tpu.memref_squeeze %dma_wait3A_226 : memref<1x16x128xf32, #tpu.memory_space<vmem>> -> memref<16x128xf32, #tpu.memory_space<vmem>>
        %dma_wait3A_228 = arith.constant 0 : i32
        %dma_wait3A_229 = arith.constant 0 : i32
        %dma_wait3A_230 = tpu.memref_slice %arg2[%dma_wait3A_228, %dma_wait3A_229] : memref<16x1000000xf32, #tpu.memory_space<hbm>> -> memref<16x128xf32, #tpu.memory_space<hbm>>
        tpu.wait_dma2 semaphore(%arg12 : memref<!tpu.dma_semaphore, #tpu.memory_space<semaphore_mem>>) src(%dma_wait3A_230 : memref<16x128xf32, #tpu.memory_space<hbm>>) dst(%dma_wait3A_227 : memref<16x128xf32, #tpu.memory_space<vmem>>)
        %dma_wait3A_231 = arith.constant 0 : i32
        %dma_wait3A_232 = arith.constant 6 : i32
        %dma_wait3A_233 = arith.constant 0 : i32
        %dma_wait3A_234 = arith.constant 0 : i32
        %dma_wait3A_235 = arith.constant 0 : i32
        %dma_wait3A_236 = tpu.memref_slice %arg9[%dma_wait3A_231, %dma_wait3A_233, %dma_wait3A_234, %dma_wait3A_235] : memref<3x8x16x128xf32, #tpu.memory_space<vmem>> -> memref<1x8x16x128xf32, #tpu.memory_space<vmem>>
        %dma_wait3A_237 = tpu.memref_squeeze %dma_wait3A_236 : memref<1x8x16x128xf32, #tpu.memory_space<vmem>> -> memref<8x16x128xf32, #tpu.memory_space<vmem>>
        %dma_wait3A_238 = arith.constant 0 : i32
        %dma_wait3A_239 = arith.constant 0 : i32
        %dma_wait3A_240 = tpu.memref_slice %dma_wait3A_237[%dma_wait3A_232, %dma_wait3A_238, %dma_wait3A_239] : memref<8x16x128xf32, #tpu.memory_space<vmem>> -> memref<1x16x128xf32, #tpu.memory_space<vmem>>
        %dma_wait3A_241 = tpu.memref_squeeze %dma_wait3A_240 : memref<1x16x128xf32, #tpu.memory_space<vmem>> -> memref<16x128xf32, #tpu.memory_space<vmem>>
        %dma_wait3A_242 = arith.constant 0 : i32
        %dma_wait3A_243 = arith.constant 0 : i32
        %dma_wait3A_244 = tpu.memref_slice %arg2[%dma_wait3A_242, %dma_wait3A_243] : memref<16x1000000xf32, #tpu.memory_space<hbm>> -> memref<16x128xf32, #tpu.memory_space<hbm>>
        %dma_wait3A_245 = arith.constant 0 : i32
        %dma_wait3A_246 = arith.constant 0 : i32
        %dma_wait3A_247 = arith.constant 0 : i32
        %dma_wait3A_248 = tpu.memref_slice %arg9[%dma_wait3A_231, %dma_wait3A_245, %dma_wait3A_246, %dma_wait3A_247] : memref<3x8x16x128xf32, #tpu.memory_space<vmem>> -> memref<1x8x16x128xf32, #tpu.memory_space<vmem>>
        %dma_wait3A_249 = tpu.memref_squeeze %dma_wait3A_248 : memref<1x8x16x128xf32, #tpu.memory_space<vmem>> -> memref<8x16x128xf32, #tpu.memory_space<vmem>>
        %dma_wait3A_250 = arith.constant 0 : i32
        %dma_wait3A_251 = arith.constant 0 : i32
        %dma_wait3A_252 = tpu.memref_slice %dma_wait3A_249[%dma_wait3A_232, %dma_wait3A_250, %dma_wait3A_251] : memref<8x16x128xf32, #tpu.memory_space<vmem>> -> memref<1x16x128xf32, #tpu.memory_space<vmem>>
        %dma_wait3A_253 = tpu.memref_squeeze %dma_wait3A_252 : memref<1x16x128xf32, #tpu.memory_space<vmem>> -> memref<16x128xf32, #tpu.memory_space<vmem>>
        %dma_wait3A_254 = arith.constant 0 : i32
        %dma_wait3A_255 = arith.constant 0 : i32
        %dma_wait3A_256 = tpu.memref_slice %arg2[%dma_wait3A_254, %dma_wait3A_255] : memref<16x1000000xf32, #tpu.memory_space<hbm>> -> memref<16x128xf32, #tpu.memory_space<hbm>>
        tpu.wait_dma2 semaphore(%arg12 : memref<!tpu.dma_semaphore, #tpu.memory_space<semaphore_mem>>) src(%dma_wait3A_256 : memref<16x128xf32, #tpu.memory_space<hbm>>) dst(%dma_wait3A_253 : memref<16x128xf32, #tpu.memory_space<vmem>>)
        %dma_wait3A_257 = arith.constant 0 : i32
        %dma_wait3A_258 = arith.constant 7 : i32
        %dma_wait3A_259 = arith.constant 0 : i32
        %dma_wait3A_260 = arith.constant 0 : i32
        %dma_wait3A_261 = arith.constant 0 : i32
        %dma_wait3A_262 = tpu.memref_slice %arg9[%dma_wait3A_257, %dma_wait3A_259, %dma_wait3A_260, %dma_wait3A_261] : memref<3x8x16x128xf32, #tpu.memory_space<vmem>> -> memref<1x8x16x128xf32, #tpu.memory_space<vmem>>
        %dma_wait3A_263 = tpu.memref_squeeze %dma_wait3A_262 : memref<1x8x16x128xf32, #tpu.memory_space<vmem>> -> memref<8x16x128xf32, #tpu.memory_space<vmem>>
        %dma_wait3A_264 = arith.constant 0 : i32
        %dma_wait3A_265 = arith.constant 0 : i32
        %dma_wait3A_266 = tpu.memref_slice %dma_wait3A_263[%dma_wait3A_258, %dma_wait3A_264, %dma_wait3A_265] : memref<8x16x128xf32, #tpu.memory_space<vmem>> -> memref<1x16x128xf32, #tpu.memory_space<vmem>>
        %dma_wait3A_267 = tpu.memref_squeeze %dma_wait3A_266 : memref<1x16x128xf32, #tpu.memory_space<vmem>> -> memref<16x128xf32, #tpu.memory_space<vmem>>
        %dma_wait3A_268 = arith.constant 0 : i32
        %dma_wait3A_269 = arith.constant 0 : i32
        %dma_wait3A_270 = tpu.memref_slice %arg2[%dma_wait3A_268, %dma_wait3A_269] : memref<16x1000000xf32, #tpu.memory_space<hbm>> -> memref<16x128xf32, #tpu.memory_space<hbm>>
        %dma_wait3A_271 = arith.constant 0 : i32
        %dma_wait3A_272 = arith.constant 0 : i32
        %dma_wait3A_273 = arith.constant 0 : i32
        %dma_wait3A_274 = tpu.memref_slice %arg9[%dma_wait3A_257, %dma_wait3A_271, %dma_wait3A_272, %dma_wait3A_273] : memref<3x8x16x128xf32, #tpu.memory_space<vmem>> -> memref<1x8x16x128xf32, #tpu.memory_space<vmem>>
        %dma_wait3A_275 = tpu.memref_squeeze %dma_wait3A_274 : memref<1x8x16x128xf32, #tpu.memory_space<vmem>> -> memref<8x16x128xf32, #tpu.memory_space<vmem>>
        %dma_wait3A_276 = arith.constant 0 : i32
        %dma_wait3A_277 = arith.constant 0 : i32
        %dma_wait3A_278 = tpu.memref_slice %dma_wait3A_275[%dma_wait3A_258, %dma_wait3A_276, %dma_wait3A_277] : memref<8x16x128xf32, #tpu.memory_space<vmem>> -> memref<1x16x128xf32, #tpu.memory_space<vmem>>
        %dma_wait3A_279 = tpu.memref_squeeze %dma_wait3A_278 : memref<1x16x128xf32, #tpu.memory_space<vmem>> -> memref<16x128xf32, #tpu.memory_space<vmem>>
        %dma_wait3A_280 = arith.constant 0 : i32
        %dma_wait3A_281 = arith.constant 0 : i32
        %dma_wait3A_282 = tpu.memref_slice %arg2[%dma_wait3A_280, %dma_wait3A_281] : memref<16x1000000xf32, #tpu.memory_space<hbm>> -> memref<16x128xf32, #tpu.memory_space<hbm>>
        tpu.wait_dma2 semaphore(%arg12 : memref<!tpu.dma_semaphore, #tpu.memory_space<semaphore_mem>>) src(%dma_wait3A_282 : memref<16x128xf32, #tpu.memory_space<hbm>>) dst(%dma_wait3A_279 : memref<16x128xf32, #tpu.memory_space<vmem>>)
        %dma_wait3A_283 = arith.constant 0 : i32
        %dma_wait3A_284 = arith.constant 0 : i32
        %dma_wait3A_285 = arith.constant 0 : i32
        %dma_wait3A_286 = arith.constant 0 : i32
        %dma_wait3A_287 = arith.constant 0 : i32
        %dma_wait3A_288 = tpu.memref_slice %arg10[%dma_wait3A_283, %dma_wait3A_285, %dma_wait3A_286, %dma_wait3A_287] : memref<3x8x16x128xf32, #tpu.memory_space<vmem>> -> memref<1x8x16x128xf32, #tpu.memory_space<vmem>>
        %dma_wait3A_289 = tpu.memref_squeeze %dma_wait3A_288 : memref<1x8x16x128xf32, #tpu.memory_space<vmem>> -> memref<8x16x128xf32, #tpu.memory_space<vmem>>
        %dma_wait3A_290 = arith.constant 0 : i32
        %dma_wait3A_291 = arith.constant 0 : i32
        %dma_wait3A_292 = tpu.memref_slice %dma_wait3A_289[%dma_wait3A_284, %dma_wait3A_290, %dma_wait3A_291] : memref<8x16x128xf32, #tpu.memory_space<vmem>> -> memref<1x16x128xf32, #tpu.memory_space<vmem>>
        %dma_wait3A_293 = tpu.memref_squeeze %dma_wait3A_292 : memref<1x16x128xf32, #tpu.memory_space<vmem>> -> memref<16x128xf32, #tpu.memory_space<vmem>>
        %dma_wait3A_294 = arith.constant 0 : i32
        %dma_wait3A_295 = arith.constant 0 : i32
        %dma_wait3A_296 = tpu.memref_slice %arg3[%dma_wait3A_294, %dma_wait3A_295] : memref<16x1000000xf32, #tpu.memory_space<hbm>> -> memref<16x128xf32, #tpu.memory_space<hbm>>
        %dma_wait3A_297 = arith.constant 0 : i32
        %dma_wait3A_298 = arith.constant 0 : i32
        %dma_wait3A_299 = arith.constant 0 : i32
        %dma_wait3A_300 = tpu.memref_slice %arg10[%dma_wait3A_283, %dma_wait3A_297, %dma_wait3A_298, %dma_wait3A_299] : memref<3x8x16x128xf32, #tpu.memory_space<vmem>> -> memref<1x8x16x128xf32, #tpu.memory_space<vmem>>
        %dma_wait3A_301 = tpu.memref_squeeze %dma_wait3A_300 : memref<1x8x16x128xf32, #tpu.memory_space<vmem>> -> memref<8x16x128xf32, #tpu.memory_space<vmem>>
        %dma_wait3A_302 = arith.constant 0 : i32
        %dma_wait3A_303 = arith.constant 0 : i32
        %dma_wait3A_304 = tpu.memref_slice %dma_wait3A_301[%dma_wait3A_284, %dma_wait3A_302, %dma_wait3A_303] : memref<8x16x128xf32, #tpu.memory_space<vmem>> -> memref<1x16x128xf32, #tpu.memory_space<vmem>>
        %dma_wait3A_305 = tpu.memref_squeeze %dma_wait3A_304 : memref<1x16x128xf32, #tpu.memory_space<vmem>> -> memref<16x128xf32, #tpu.memory_space<vmem>>
        %dma_wait3A_306 = arith.constant 0 : i32
        %dma_wait3A_307 = arith.constant 0 : i32
        %dma_wait3A_308 = tpu.memref_slice %arg3[%dma_wait3A_306, %dma_wait3A_307] : memref<16x1000000xf32, #tpu.memory_space<hbm>> -> memref<16x128xf32, #tpu.memory_space<hbm>>
        tpu.wait_dma2 semaphore(%arg12 : memref<!tpu.dma_semaphore, #tpu.memory_space<semaphore_mem>>) src(%dma_wait3A_308 : memref<16x128xf32, #tpu.memory_space<hbm>>) dst(%dma_wait3A_305 : memref<16x128xf32, #tpu.memory_space<vmem>>)
        %dma_wait3A_309 = arith.constant 0 : i32
        %dma_wait3A_310 = arith.constant 1 : i32
        %dma_wait3A_311 = arith.constant 0 : i32
        %dma_wait3A_312 = arith.constant 0 : i32
        %dma_wait3A_313 = arith.constant 0 : i32
        %dma_wait3A_314 = tpu.memref_slice %arg10[%dma_wait3A_309, %dma_wait3A_311, %dma_wait3A_312, %dma_wait3A_313] : memref<3x8x16x128xf32, #tpu.memory_space<vmem>> -> memref<1x8x16x128xf32, #tpu.memory_space<vmem>>
        %dma_wait3A_315 = tpu.memref_squeeze %dma_wait3A_314 : memref<1x8x16x128xf32, #tpu.memory_space<vmem>> -> memref<8x16x128xf32, #tpu.memory_space<vmem>>
        %dma_wait3A_316 = arith.constant 0 : i32
        %dma_wait3A_317 = arith.constant 0 : i32
        %dma_wait3A_318 = tpu.memref_slice %dma_wait3A_315[%dma_wait3A_310, %dma_wait3A_316, %dma_wait3A_317] : memref<8x16x128xf32, #tpu.memory_space<vmem>> -> memref<1x16x128xf32, #tpu.memory_space<vmem>>
        %dma_wait3A_319 = tpu.memref_squeeze %dma_wait3A_318 : memref<1x16x128xf32, #tpu.memory_space<vmem>> -> memref<16x128xf32, #tpu.memory_space<vmem>>
        %dma_wait3A_320 = arith.constant 0 : i32
        %dma_wait3A_321 = arith.constant 0 : i32
        %dma_wait3A_322 = tpu.memref_slice %arg3[%dma_wait3A_320, %dma_wait3A_321] : memref<16x1000000xf32, #tpu.memory_space<hbm>> -> memref<16x128xf32, #tpu.memory_space<hbm>>
        %dma_wait3A_323 = arith.constant 0 : i32
        %dma_wait3A_324 = arith.constant 0 : i32
        %dma_wait3A_325 = arith.constant 0 : i32
        %dma_wait3A_326 = tpu.memref_slice %arg10[%dma_wait3A_309, %dma_wait3A_323, %dma_wait3A_324, %dma_wait3A_325] : memref<3x8x16x128xf32, #tpu.memory_space<vmem>> -> memref<1x8x16x128xf32, #tpu.memory_space<vmem>>
        %dma_wait3A_327 = tpu.memref_squeeze %dma_wait3A_326 : memref<1x8x16x128xf32, #tpu.memory_space<vmem>> -> memref<8x16x128xf32, #tpu.memory_space<vmem>>
        %dma_wait3A_328 = arith.constant 0 : i32
        %dma_wait3A_329 = arith.constant 0 : i32
        %dma_wait3A_330 = tpu.memref_slice %dma_wait3A_327[%dma_wait3A_310, %dma_wait3A_328, %dma_wait3A_329] : memref<8x16x128xf32, #tpu.memory_space<vmem>> -> memref<1x16x128xf32, #tpu.memory_space<vmem>>
        %dma_wait3A_331 = tpu.memref_squeeze %dma_wait3A_330 : memref<1x16x128xf32, #tpu.memory_space<vmem>> -> memref<16x128xf32, #tpu.memory_space<vmem>>
        %dma_wait3A_332 = arith.constant 0 : i32
        %dma_wait3A_333 = arith.constant 0 : i32
        %dma_wait3A_334 = tpu.memref_slice %arg3[%dma_wait3A_332, %dma_wait3A_333] : memref<16x1000000xf32, #tpu.memory_space<hbm>> -> memref<16x128xf32, #tpu.memory_space<hbm>>
        tpu.wait_dma2 semaphore(%arg12 : memref<!tpu.dma_semaphore, #tpu.memory_space<semaphore_mem>>) src(%dma_wait3A_334 : memref<16x128xf32, #tpu.memory_space<hbm>>) dst(%dma_wait3A_331 : memref<16x128xf32, #tpu.memory_space<vmem>>)
        %dma_wait3A_335 = arith.constant 0 : i32
        %dma_wait3A_336 = arith.constant 2 : i32
        %dma_wait3A_337 = arith.constant 0 : i32
        %dma_wait3A_338 = arith.constant 0 : i32
        %dma_wait3A_339 = arith.constant 0 : i32
        %dma_wait3A_340 = tpu.memref_slice %arg10[%dma_wait3A_335, %dma_wait3A_337, %dma_wait3A_338, %dma_wait3A_339] : memref<3x8x16x128xf32, #tpu.memory_space<vmem>> -> memref<1x8x16x128xf32, #tpu.memory_space<vmem>>
        %dma_wait3A_341 = tpu.memref_squeeze %dma_wait3A_340 : memref<1x8x16x128xf32, #tpu.memory_space<vmem>> -> memref<8x16x128xf32, #tpu.memory_space<vmem>>
        %dma_wait3A_342 = arith.constant 0 : i32
        %dma_wait3A_343 = arith.constant 0 : i32
        %dma_wait3A_344 = tpu.memref_slice %dma_wait3A_341[%dma_wait3A_336, %dma_wait3A_342, %dma_wait3A_343] : memref<8x16x128xf32, #tpu.memory_space<vmem>> -> memref<1x16x128xf32, #tpu.memory_space<vmem>>
        %dma_wait3A_345 = tpu.memref_squeeze %dma_wait3A_344 : memref<1x16x128xf32, #tpu.memory_space<vmem>> -> memref<16x128xf32, #tpu.memory_space<vmem>>
        %dma_wait3A_346 = arith.constant 0 : i32
        %dma_wait3A_347 = arith.constant 0 : i32
        %dma_wait3A_348 = tpu.memref_slice %arg3[%dma_wait3A_346, %dma_wait3A_347] : memref<16x1000000xf32, #tpu.memory_space<hbm>> -> memref<16x128xf32, #tpu.memory_space<hbm>>
        %dma_wait3A_349 = arith.constant 0 : i32
        %dma_wait3A_350 = arith.constant 0 : i32
        %dma_wait3A_351 = arith.constant 0 : i32
        %dma_wait3A_352 = tpu.memref_slice %arg10[%dma_wait3A_335, %dma_wait3A_349, %dma_wait3A_350, %dma_wait3A_351] : memref<3x8x16x128xf32, #tpu.memory_space<vmem>> -> memref<1x8x16x128xf32, #tpu.memory_space<vmem>>
        %dma_wait3A_353 = tpu.memref_squeeze %dma_wait3A_352 : memref<1x8x16x128xf32, #tpu.memory_space<vmem>> -> memref<8x16x128xf32, #tpu.memory_space<vmem>>
        %dma_wait3A_354 = arith.constant 0 : i32
        %dma_wait3A_355 = arith.constant 0 : i32
        %dma_wait3A_356 = tpu.memref_slice %dma_wait3A_353[%dma_wait3A_336, %dma_wait3A_354, %dma_wait3A_355] : memref<8x16x128xf32, #tpu.memory_space<vmem>> -> memref<1x16x128xf32, #tpu.memory_space<vmem>>
        %dma_wait3A_357 = tpu.memref_squeeze %dma_wait3A_356 : memref<1x16x128xf32, #tpu.memory_space<vmem>> -> memref<16x128xf32, #tpu.memory_space<vmem>>
        %dma_wait3A_358 = arith.constant 0 : i32
        %dma_wait3A_359 = arith.constant 0 : i32
        %dma_wait3A_360 = tpu.memref_slice %arg3[%dma_wait3A_358, %dma_wait3A_359] : memref<16x1000000xf32, #tpu.memory_space<hbm>> -> memref<16x128xf32, #tpu.memory_space<hbm>>
        tpu.wait_dma2 semaphore(%arg12 : memref<!tpu.dma_semaphore, #tpu.memory_space<semaphore_mem>>) src(%dma_wait3A_360 : memref<16x128xf32, #tpu.memory_space<hbm>>) dst(%dma_wait3A_357 : memref<16x128xf32, #tpu.memory_space<vmem>>)
        %dma_wait3A_361 = arith.constant 0 : i32
        %dma_wait3A_362 = arith.constant 3 : i32
        %dma_wait3A_363 = arith.constant 0 : i32
        %dma_wait3A_364 = arith.constant 0 : i32
        %dma_wait3A_365 = arith.constant 0 : i32
        %dma_wait3A_366 = tpu.memref_slice %arg10[%dma_wait3A_361, %dma_wait3A_363, %dma_wait3A_364, %dma_wait3A_365] : memref<3x8x16x128xf32, #tpu.memory_space<vmem>> -> memref<1x8x16x128xf32, #tpu.memory_space<vmem>>
        %dma_wait3A_367 = tpu.memref_squeeze %dma_wait3A_366 : memref<1x8x16x128xf32, #tpu.memory_space<vmem>> -> memref<8x16x128xf32, #tpu.memory_space<vmem>>
        %dma_wait3A_368 = arith.constant 0 : i32
        %dma_wait3A_369 = arith.constant 0 : i32
        %dma_wait3A_370 = tpu.memref_slice %dma_wait3A_367[%dma_wait3A_362, %dma_wait3A_368, %dma_wait3A_369] : memref<8x16x128xf32, #tpu.memory_space<vmem>> -> memref<1x16x128xf32, #tpu.memory_space<vmem>>
        %dma_wait3A_371 = tpu.memref_squeeze %dma_wait3A_370 : memref<1x16x128xf32, #tpu.memory_space<vmem>> -> memref<16x128xf32, #tpu.memory_space<vmem>>
        %dma_wait3A_372 = arith.constant 0 : i32
        %dma_wait3A_373 = arith.constant 0 : i32
        %dma_wait3A_374 = tpu.memref_slice %arg3[%dma_wait3A_372, %dma_wait3A_373] : memref<16x1000000xf32, #tpu.memory_space<hbm>> -> memref<16x128xf32, #tpu.memory_space<hbm>>
        %dma_wait3A_375 = arith.constant 0 : i32
        %dma_wait3A_376 = arith.constant 0 : i32
        %dma_wait3A_377 = arith.constant 0 : i32
        %dma_wait3A_378 = tpu.memref_slice %arg10[%dma_wait3A_361, %dma_wait3A_375, %dma_wait3A_376, %dma_wait3A_377] : memref<3x8x16x128xf32, #tpu.memory_space<vmem>> -> memref<1x8x16x128xf32, #tpu.memory_space<vmem>>
        %dma_wait3A_379 = tpu.memref_squeeze %dma_wait3A_378 : memref<1x8x16x128xf32, #tpu.memory_space<vmem>> -> memref<8x16x128xf32, #tpu.memory_space<vmem>>
        %dma_wait3A_380 = arith.constant 0 : i32
        %dma_wait3A_381 = arith.constant 0 : i32
        %dma_wait3A_382 = tpu.memref_slice %dma_wait3A_379[%dma_wait3A_362, %dma_wait3A_380, %dma_wait3A_381] : memref<8x16x128xf32, #tpu.memory_space<vmem>> -> memref<1x16x128xf32, #tpu.memory_space<vmem>>
        %dma_wait3A_383 = tpu.memref_squeeze %dma_wait3A_382 : memref<1x16x128xf32, #tpu.memory_space<vmem>> -> memref<16x128xf32, #tpu.memory_space<vmem>>
        %dma_wait3A_384 = arith.constant 0 : i32
        %dma_wait3A_385 = arith.constant 0 : i32
        %dma_wait3A_386 = tpu.memref_slice %arg3[%dma_wait3A_384, %dma_wait3A_385] : memref<16x1000000xf32, #tpu.memory_space<hbm>> -> memref<16x128xf32, #tpu.memory_space<hbm>>
        tpu.wait_dma2 semaphore(%arg12 : memref<!tpu.dma_semaphore, #tpu.memory_space<semaphore_mem>>) src(%dma_wait3A_386 : memref<16x128xf32, #tpu.memory_space<hbm>>) dst(%dma_wait3A_383 : memref<16x128xf32, #tpu.memory_space<vmem>>)
        %dma_wait3A_387 = arith.constant 0 : i32
        %dma_wait3A_388 = arith.constant 4 : i32
        %dma_wait3A_389 = arith.constant 0 : i32
        %dma_wait3A_390 = arith.constant 0 : i32
        %dma_wait3A_391 = arith.constant 0 : i32
        %dma_wait3A_392 = tpu.memref_slice %arg10[%dma_wait3A_387, %dma_wait3A_389, %dma_wait3A_390, %dma_wait3A_391] : memref<3x8x16x128xf32, #tpu.memory_space<vmem>> -> memref<1x8x16x128xf32, #tpu.memory_space<vmem>>
        %dma_wait3A_393 = tpu.memref_squeeze %dma_wait3A_392 : memref<1x8x16x128xf32, #tpu.memory_space<vmem>> -> memref<8x16x128xf32, #tpu.memory_space<vmem>>
        %dma_wait3A_394 = arith.constant 0 : i32
        %dma_wait3A_395 = arith.constant 0 : i32
        %dma_wait3A_396 = tpu.memref_slice %dma_wait3A_393[%dma_wait3A_388, %dma_wait3A_394, %dma_wait3A_395] : memref<8x16x128xf32, #tpu.memory_space<vmem>> -> memref<1x16x128xf32, #tpu.memory_space<vmem>>
        %dma_wait3A_397 = tpu.memref_squeeze %dma_wait3A_396 : memref<1x16x128xf32, #tpu.memory_space<vmem>> -> memref<16x128xf32, #tpu.memory_space<vmem>>
        %dma_wait3A_398 = arith.constant 0 : i32
        %dma_wait3A_399 = arith.constant 0 : i32
        %dma_wait3A_400 = tpu.memref_slice %arg3[%dma_wait3A_398, %dma_wait3A_399] : memref<16x1000000xf32, #tpu.memory_space<hbm>> -> memref<16x128xf32, #tpu.memory_space<hbm>>
        %dma_wait3A_401 = arith.constant 0 : i32
        %dma_wait3A_402 = arith.constant 0 : i32
        %dma_wait3A_403 = arith.constant 0 : i32
        %dma_wait3A_404 = tpu.memref_slice %arg10[%dma_wait3A_387, %dma_wait3A_401, %dma_wait3A_402, %dma_wait3A_403] : memref<3x8x16x128xf32, #tpu.memory_space<vmem>> -> memref<1x8x16x128xf32, #tpu.memory_space<vmem>>
        %dma_wait3A_405 = tpu.memref_squeeze %dma_wait3A_404 : memref<1x8x16x128xf32, #tpu.memory_space<vmem>> -> memref<8x16x128xf32, #tpu.memory_space<vmem>>
        %dma_wait3A_406 = arith.constant 0 : i32
        %dma_wait3A_407 = arith.constant 0 : i32
        %dma_wait3A_408 = tpu.memref_slice %dma_wait3A_405[%dma_wait3A_388, %dma_wait3A_406, %dma_wait3A_407] : memref<8x16x128xf32, #tpu.memory_space<vmem>> -> memref<1x16x128xf32, #tpu.memory_space<vmem>>
        %dma_wait3A_409 = tpu.memref_squeeze %dma_wait3A_408 : memref<1x16x128xf32, #tpu.memory_space<vmem>> -> memref<16x128xf32, #tpu.memory_space<vmem>>
        %dma_wait3A_410 = arith.constant 0 : i32
        %dma_wait3A_411 = arith.constant 0 : i32
        %dma_wait3A_412 = tpu.memref_slice %arg3[%dma_wait3A_410, %dma_wait3A_411] : memref<16x1000000xf32, #tpu.memory_space<hbm>> -> memref<16x128xf32, #tpu.memory_space<hbm>>
        tpu.wait_dma2 semaphore(%arg12 : memref<!tpu.dma_semaphore, #tpu.memory_space<semaphore_mem>>) src(%dma_wait3A_412 : memref<16x128xf32, #tpu.memory_space<hbm>>) dst(%dma_wait3A_409 : memref<16x128xf32, #tpu.memory_space<vmem>>)
        %dma_wait3A_413 = arith.constant 0 : i32
        %dma_wait3A_414 = arith.constant 5 : i32
        %dma_wait3A_415 = arith.constant 0 : i32
        %dma_wait3A_416 = arith.constant 0 : i32
        %dma_wait3A_417 = arith.constant 0 : i32
        %dma_wait3A_418 = tpu.memref_slice %arg10[%dma_wait3A_413, %dma_wait3A_415, %dma_wait3A_416, %dma_wait3A_417] : memref<3x8x16x128xf32, #tpu.memory_space<vmem>> -> memref<1x8x16x128xf32, #tpu.memory_space<vmem>>
        %dma_wait3A_419 = tpu.memref_squeeze %dma_wait3A_418 : memref<1x8x16x128xf32, #tpu.memory_space<vmem>> -> memref<8x16x128xf32, #tpu.memory_space<vmem>>
        %dma_wait3A_420 = arith.constant 0 : i32
        %dma_wait3A_421 = arith.constant 0 : i32
        %dma_wait3A_422 = tpu.memref_slice %dma_wait3A_419[%dma_wait3A_414, %dma_wait3A_420, %dma_wait3A_421] : memref<8x16x128xf32, #tpu.memory_space<vmem>> -> memref<1x16x128xf32, #tpu.memory_space<vmem>>
        %dma_wait3A_423 = tpu.memref_squeeze %dma_wait3A_422 : memref<1x16x128xf32, #tpu.memory_space<vmem>> -> memref<16x128xf32, #tpu.memory_space<vmem>>
        %dma_wait3A_424 = arith.constant 0 : i32
        %dma_wait3A_425 = arith.constant 0 : i32
        %dma_wait3A_426 = tpu.memref_slice %arg3[%dma_wait3A_424, %dma_wait3A_425] : memref<16x1000000xf32, #tpu.memory_space<hbm>> -> memref<16x128xf32, #tpu.memory_space<hbm>>
        %dma_wait3A_427 = arith.constant 0 : i32
        %dma_wait3A_428 = arith.constant 0 : i32
        %dma_wait3A_429 = arith.constant 0 : i32
        %dma_wait3A_430 = tpu.memref_slice %arg10[%dma_wait3A_413, %dma_wait3A_427, %dma_wait3A_428, %dma_wait3A_429] : memref<3x8x16x128xf32, #tpu.memory_space<vmem>> -> memref<1x8x16x128xf32, #tpu.memory_space<vmem>>
        %dma_wait3A_431 = tpu.memref_squeeze %dma_wait3A_430 : memref<1x8x16x128xf32, #tpu.memory_space<vmem>> -> memref<8x16x128xf32, #tpu.memory_space<vmem>>
        %dma_wait3A_432 = arith.constant 0 : i32
        %dma_wait3A_433 = arith.constant 0 : i32
        %dma_wait3A_434 = tpu.memref_slice %dma_wait3A_431[%dma_wait3A_414, %dma_wait3A_432, %dma_wait3A_433] : memref<8x16x128xf32, #tpu.memory_space<vmem>> -> memref<1x16x128xf32, #tpu.memory_space<vmem>>
        %dma_wait3A_435 = tpu.memref_squeeze %dma_wait3A_434 : memref<1x16x128xf32, #tpu.memory_space<vmem>> -> memref<16x128xf32, #tpu.memory_space<vmem>>
        %dma_wait3A_436 = arith.constant 0 : i32
        %dma_wait3A_437 = arith.constant 0 : i32
        %dma_wait3A_438 = tpu.memref_slice %arg3[%dma_wait3A_436, %dma_wait3A_437] : memref<16x1000000xf32, #tpu.memory_space<hbm>> -> memref<16x128xf32, #tpu.memory_space<hbm>>
        tpu.wait_dma2 semaphore(%arg12 : memref<!tpu.dma_semaphore, #tpu.memory_space<semaphore_mem>>) src(%dma_wait3A_438 : memref<16x128xf32, #tpu.memory_space<hbm>>) dst(%dma_wait3A_435 : memref<16x128xf32, #tpu.memory_space<vmem>>)
        %dma_wait3A_439 = arith.constant 0 : i32
        %dma_wait3A_440 = arith.constant 6 : i32
        %dma_wait3A_441 = arith.constant 0 : i32
        %dma_wait3A_442 = arith.constant 0 : i32
        %dma_wait3A_443 = arith.constant 0 : i32
        %dma_wait3A_444 = tpu.memref_slice %arg10[%dma_wait3A_439, %dma_wait3A_441, %dma_wait3A_442, %dma_wait3A_443] : memref<3x8x16x128xf32, #tpu.memory_space<vmem>> -> memref<1x8x16x128xf32, #tpu.memory_space<vmem>>
        %dma_wait3A_445 = tpu.memref_squeeze %dma_wait3A_444 : memref<1x8x16x128xf32, #tpu.memory_space<vmem>> -> memref<8x16x128xf32, #tpu.memory_space<vmem>>
        %dma_wait3A_446 = arith.constant 0 : i32
        %dma_wait3A_447 = arith.constant 0 : i32
        %dma_wait3A_448 = tpu.memref_slice %dma_wait3A_445[%dma_wait3A_440, %dma_wait3A_446, %dma_wait3A_447] : memref<8x16x128xf32, #tpu.memory_space<vmem>> -> memref<1x16x128xf32, #tpu.memory_space<vmem>>
        %dma_wait3A_449 = tpu.memref_squeeze %dma_wait3A_448 : memref<1x16x128xf32, #tpu.memory_space<vmem>> -> memref<16x128xf32, #tpu.memory_space<vmem>>
        %dma_wait3A_450 = arith.constant 0 : i32
        %dma_wait3A_451 = arith.constant 0 : i32
        %dma_wait3A_452 = tpu.memref_slice %arg3[%dma_wait3A_450, %dma_wait3A_451] : memref<16x1000000xf32, #tpu.memory_space<hbm>> -> memref<16x128xf32, #tpu.memory_space<hbm>>
        %dma_wait3A_453 = arith.constant 0 : i32
        %dma_wait3A_454 = arith.constant 0 : i32
        %dma_wait3A_455 = arith.constant 0 : i32
        %dma_wait3A_456 = tpu.memref_slice %arg10[%dma_wait3A_439, %dma_wait3A_453, %dma_wait3A_454, %dma_wait3A_455] : memref<3x8x16x128xf32, #tpu.memory_space<vmem>> -> memref<1x8x16x128xf32, #tpu.memory_space<vmem>>
        %dma_wait3A_457 = tpu.memref_squeeze %dma_wait3A_456 : memref<1x8x16x128xf32, #tpu.memory_space<vmem>> -> memref<8x16x128xf32, #tpu.memory_space<vmem>>
        %dma_wait3A_458 = arith.constant 0 : i32
        %dma_wait3A_459 = arith.constant 0 : i32
        %dma_wait3A_460 = tpu.memref_slice %dma_wait3A_457[%dma_wait3A_440, %dma_wait3A_458, %dma_wait3A_459] : memref<8x16x128xf32, #tpu.memory_space<vmem>> -> memref<1x16x128xf32, #tpu.memory_space<vmem>>
        %dma_wait3A_461 = tpu.memref_squeeze %dma_wait3A_460 : memref<1x16x128xf32, #tpu.memory_space<vmem>> -> memref<16x128xf32, #tpu.memory_space<vmem>>
        %dma_wait3A_462 = arith.constant 0 : i32
        %dma_wait3A_463 = arith.constant 0 : i32
        %dma_wait3A_464 = tpu.memref_slice %arg3[%dma_wait3A_462, %dma_wait3A_463] : memref<16x1000000xf32, #tpu.memory_space<hbm>> -> memref<16x128xf32, #tpu.memory_space<hbm>>
        tpu.wait_dma2 semaphore(%arg12 : memref<!tpu.dma_semaphore, #tpu.memory_space<semaphore_mem>>) src(%dma_wait3A_464 : memref<16x128xf32, #tpu.memory_space<hbm>>) dst(%dma_wait3A_461 : memref<16x128xf32, #tpu.memory_space<vmem>>)
        %dma_wait3A_465 = arith.constant 0 : i32
        %dma_wait3A_466 = arith.constant 7 : i32
        %dma_wait3A_467 = arith.constant 0 : i32
        %dma_wait3A_468 = arith.constant 0 : i32
        %dma_wait3A_469 = arith.constant 0 : i32
        %dma_wait3A_470 = tpu.memref_slice %arg10[%dma_wait3A_465, %dma_wait3A_467, %dma_wait3A_468, %dma_wait3A_469] : memref<3x8x16x128xf32, #tpu.memory_space<vmem>> -> memref<1x8x16x128xf32, #tpu.memory_space<vmem>>
        %dma_wait3A_471 = tpu.memref_squeeze %dma_wait3A_470 : memref<1x8x16x128xf32, #tpu.memory_space<vmem>> -> memref<8x16x128xf32, #tpu.memory_space<vmem>>
        %dma_wait3A_472 = arith.constant 0 : i32
        %dma_wait3A_473 = arith.constant 0 : i32
        %dma_wait3A_474 = tpu.memref_slice %dma_wait3A_471[%dma_wait3A_466, %dma_wait3A_472, %dma_wait3A_473] : memref<8x16x128xf32, #tpu.memory_space<vmem>> -> memref<1x16x128xf32, #tpu.memory_space<vmem>>
        %dma_wait3A_475 = tpu.memref_squeeze %dma_wait3A_474 : memref<1x16x128xf32, #tpu.memory_space<vmem>> -> memref<16x128xf32, #tpu.memory_space<vmem>>
        %dma_wait3A_476 = arith.constant 0 : i32
        %dma_wait3A_477 = arith.constant 0 : i32
        %dma_wait3A_478 = tpu.memref_slice %arg3[%dma_wait3A_476, %dma_wait3A_477] : memref<16x1000000xf32, #tpu.memory_space<hbm>> -> memref<16x128xf32, #tpu.memory_space<hbm>>
        %dma_wait3A_479 = arith.constant 0 : i32
        %dma_wait3A_480 = arith.constant 0 : i32
        %dma_wait3A_481 = arith.constant 0 : i32
        %dma_wait3A_482 = tpu.memref_slice %arg10[%dma_wait3A_465, %dma_wait3A_479, %dma_wait3A_480, %dma_wait3A_481] : memref<3x8x16x128xf32, #tpu.memory_space<vmem>> -> memref<1x8x16x128xf32, #tpu.memory_space<vmem>>
        %dma_wait3A_483 = tpu.memref_squeeze %dma_wait3A_482 : memref<1x8x16x128xf32, #tpu.memory_space<vmem>> -> memref<8x16x128xf32, #tpu.memory_space<vmem>>
        %dma_wait3A_484 = arith.constant 0 : i32
        %dma_wait3A_485 = arith.constant 0 : i32
        %dma_wait3A_486 = tpu.memref_slice %dma_wait3A_483[%dma_wait3A_466, %dma_wait3A_484, %dma_wait3A_485] : memref<8x16x128xf32, #tpu.memory_space<vmem>> -> memref<1x16x128xf32, #tpu.memory_space<vmem>>
        %dma_wait3A_487 = tpu.memref_squeeze %dma_wait3A_486 : memref<1x16x128xf32, #tpu.memory_space<vmem>> -> memref<16x128xf32, #tpu.memory_space<vmem>>
        %dma_wait3A_488 = arith.constant 0 : i32
        %dma_wait3A_489 = arith.constant 0 : i32
        %dma_wait3A_490 = tpu.memref_slice %arg3[%dma_wait3A_488, %dma_wait3A_489] : memref<16x1000000xf32, #tpu.memory_space<hbm>> -> memref<16x128xf32, #tpu.memory_space<hbm>>
        tpu.wait_dma2 semaphore(%arg12 : memref<!tpu.dma_semaphore, #tpu.memory_space<semaphore_mem>>) src(%dma_wait3A_490 : memref<16x128xf32, #tpu.memory_space<hbm>>) dst(%dma_wait3A_487 : memref<16x128xf32, #tpu.memory_space<vmem>>)
        %mul3A_491 = arith.constant 8 : i32
        %mul3A_492 = arith.muli %sub3A_75, %mul3A_491 : i32
        %get3A = arith.index_cast %mul3A_492 : i32 to index
        %get3A_493 = tpu.vector_load %arg7[%get3A] {strides = array<i32>} : memref<640xi32, #tpu.memory_space<vmem>>, vector<16xi32>,
        %mul3A_494 = arith.constant 8 : i32
        %mul3A_495 = arith.muli %sub3A_75, %mul3A_494 : i32
        %get3A_496 = arith.index_cast %mul3A_495 : i32 to index
        %get3A_497 = tpu.vector_load %arg8[%get3A_496] {strides = array<i32>} : memref<640xi32, #tpu.memory_space<vmem>>, vector<16xi32>,
        %shift_right_arithmetic3A = arith.constant 4 : i32
        %shift_right_arithmetic3A_498 = arith.shrsi %sub3A_75, %shift_right_arithmetic3A : i32
        %broadcast_in_dim3A = vector.broadcast %shift_right_arithmetic3A_498 : i32 to vector<16xi32>
        %mul3A_499 = arith.constant 8 : i32
        %mul3A_500 = arith.muli %sub3A_75, %mul3A_499 : i32
        %and3A_501 = arith.constant 127 : i32
        %and3A_502 = arith.andi %mul3A_500, %and3A_501 : i32
        %slice3A = vector.extract_strided_slice %get3A_493 {offsets = [0], sizes = [1], strides = [1]} : vector<16xi32> to vector<1xi32>
        %squeeze3A = vector.extract %slice3A[0] : i32 from vector<1xi32>
        %and3A_503 = arith.constant 127 : i32
        %and3A_504 = arith.andi %squeeze3A, %and3A_503 : i32
        %broadcast_in_dim3A_505 = vector.broadcast %and3A_504 : i32 to vector<16xi32>
        %slice3A_506 = vector.extract_strided_slice %get3A_497 {offsets = [0], sizes = [1], strides = [1]} : vector<16xi32> to vector<1xi32>
        %squeeze3A_507 = vector.extract %slice3A_506[0] : i32 from vector<1xi32>
        %and3A_508 = arith.constant 127 : i32
        %and3A_509 = arith.andi %squeeze3A_507, %and3A_508 : i32
        %broadcast_in_dim3A_510 = vector.broadcast %and3A_509 : i32 to vector<16xi32>
        %gather3A = arith.constant 0 : i32
        %gather3A_511 = arith.constant 0 : i32
        %gather3A_512 = arith.constant 0 : i32
        %gather3A_513 = arith.constant 0 : i32
        %gather3A_514 = arith.constant 0 : i32
        %gather3A_515 = tpu.memref_slice %arg9[%gather3A, %gather3A_512, %gather3A_513, %gather3A_514] : memref<3x8x16x128xf32, #tpu.memory_space<vmem>> -> memref<1x8x16x128xf32, #tpu.memory_space<vmem>>
        %gather3A_516 = tpu.memref_squeeze %gather3A_515 : memref<1x8x16x128xf32, #tpu.memory_space<vmem>> -> memref<8x16x128xf32, #tpu.memory_space<vmem>>
        %gather3A_517 = arith.constant 0 : i32
        %gather3A_518 = arith.constant 0 : i32
        %gather3A_519 = tpu.memref_slice %gather3A_516[%gather3A_511, %gather3A_517, %gather3A_518] : memref<8x16x128xf32, #tpu.memory_space<vmem>> -> memref<1x16x128xf32, #tpu.memory_space<vmem>>
        %gather3A_520 = tpu.memref_squeeze %gather3A_519 : memref<1x16x128xf32, #tpu.memory_space<vmem>> -> memref<16x128xf32, #tpu.memory_space<vmem>>
        %gather3A_521 = tpu.vector_load_idx %gather3A_520[%iota3A, %broadcast_in_dim3A_505] : memref<16x128xf32, #tpu.memory_space<vmem>>[vector<16xi32>, vector<16xi32>], vector<16xf32>,
        %gather3A_522 = arith.constant 0 : i32
        %gather3A_523 = arith.constant 0 : i32
        %gather3A_524 = arith.constant 0 : i32
        %gather3A_525 = arith.constant 0 : i32
        %gather3A_526 = arith.constant 0 : i32
        %gather3A_527 = tpu.memref_slice %arg10[%gather3A_522, %gather3A_524, %gather3A_525, %gather3A_526] : memref<3x8x16x128xf32, #tpu.memory_space<vmem>> -> memref<1x8x16x128xf32, #tpu.memory_space<vmem>>
        %gather3A_528 = tpu.memref_squeeze %gather3A_527 : memref<1x8x16x128xf32, #tpu.memory_space<vmem>> -> memref<8x16x128xf32, #tpu.memory_space<vmem>>
        %gather3A_529 = arith.constant 0 : i32
        %gather3A_530 = arith.constant 0 : i32
        %gather3A_531 = tpu.memref_slice %gather3A_528[%gather3A_523, %gather3A_529, %gather3A_530] : memref<8x16x128xf32, #tpu.memory_space<vmem>> -> memref<1x16x128xf32, #tpu.memory_space<vmem>>
        %gather3A_532 = tpu.memref_squeeze %gather3A_531 : memref<1x16x128xf32, #tpu.memory_space<vmem>> -> memref<16x128xf32, #tpu.memory_space<vmem>>
        %gather3A_533 = tpu.vector_load_idx %gather3A_532[%iota3A, %broadcast_in_dim3A_510] : memref<16x128xf32, #tpu.memory_space<vmem>>[vector<16xi32>, vector<16xi32>], vector<16xf32>,
        %add3A_534 = arith.constant 0 : i32
        %add3A_535 = arith.addi %and3A_502, %add3A_534 : i32
        %broadcast_in_dim3A_536 = vector.broadcast %add3A_535 : i32 to vector<16xi32>
        %mul3A_537 = arith.mulf %gather3A_521, %gather3A_533 : vector<16xf32>
        tpu.vector_store_idx %arg11[%broadcast_in_dim3A, %iota3A, %broadcast_in_dim3A_536], %mul3A_537 : memref<4x16x128xf32, #tpu.memory_space<vmem>>[vector<16xi32>, vector<16xi32>, vector<16xi32>], vector<16xf32>,
        %slice3A_538 = vector.extract_strided_slice %get3A_493 {offsets = [1], sizes = [1], strides = [1]} : vector<16xi32> to vector<1xi32>
        %squeeze3A_539 = vector.extract %slice3A_538[0] : i32 from vector<1xi32>
        %and3A_540 = arith.constant 127 : i32
        %and3A_541 = arith.andi %squeeze3A_539, %and3A_540 : i32
        %broadcast_in_dim3A_542 = vector.broadcast %and3A_541 : i32 to vector<16xi32>
        %slice3A_543 = vector.extract_strided_slice %get3A_497 {offsets = [1], sizes = [1], strides = [1]} : vector<16xi32> to vector<1xi32>
        %squeeze3A_544 = vector.extract %slice3A_543[0] : i32 from vector<1xi32>
        %and3A_545 = arith.constant 127 : i32
        %and3A_546 = arith.andi %squeeze3A_544, %and3A_545 : i32
        %broadcast_in_dim3A_547 = vector.broadcast %and3A_546 : i32 to vector<16xi32>
        %gather3A_548 = arith.constant 0 : i32
        %gather3A_549 = arith.constant 1 : i32
        %gather3A_550 = arith.constant 0 : i32
        %gather3A_551 = arith.constant 0 : i32
        %gather3A_552 = arith.constant 0 : i32
        %gather3A_553 = tpu.memref_slice %arg9[%gather3A_548, %gather3A_550, %gather3A_551, %gather3A_552] : memref<3x8x16x128xf32, #tpu.memory_space<vmem>> -> memref<1x8x16x128xf32, #tpu.memory_space<vmem>>
        %gather3A_554 = tpu.memref_squeeze %gather3A_553 : memref<1x8x16x128xf32, #tpu.memory_space<vmem>> -> memref<8x16x128xf32, #tpu.memory_space<vmem>>
        %gather3A_555 = arith.constant 0 : i32
        %gather3A_556 = arith.constant 0 : i32
        %gather3A_557 = tpu.memref_slice %gather3A_554[%gather3A_549, %gather3A_555, %gather3A_556] : memref<8x16x128xf32, #tpu.memory_space<vmem>> -> memref<1x16x128xf32, #tpu.memory_space<vmem>>
        %gather3A_558 = tpu.memref_squeeze %gather3A_557 : memref<1x16x128xf32, #tpu.memory_space<vmem>> -> memref<16x128xf32, #tpu.memory_space<vmem>>
        %gather3A_559 = tpu.vector_load_idx %gather3A_558[%iota3A, %broadcast_in_dim3A_542] : memref<16x128xf32, #tpu.memory_space<vmem>>[vector<16xi32>, vector<16xi32>], vector<16xf32>,
        %gather3A_560 = arith.constant 0 : i32
        %gather3A_561 = arith.constant 1 : i32
        %gather3A_562 = arith.constant 0 : i32
        %gather3A_563 = arith.constant 0 : i32
        %gather3A_564 = arith.constant 0 : i32
        %gather3A_565 = tpu.memref_slice %arg10[%gather3A_560, %gather3A_562, %gather3A_563, %gather3A_564] : memref<3x8x16x128xf32, #tpu.memory_space<vmem>> -> memref<1x8x16x128xf32, #tpu.memory_space<vmem>>
        %gather3A_566 = tpu.memref_squeeze %gather3A_565 : memref<1x8x16x128xf32, #tpu.memory_space<vmem>> -> memref<8x16x128xf32, #tpu.memory_space<vmem>>
        %gather3A_567 = arith.constant 0 : i32
        %gather3A_568 = arith.constant 0 : i32
        %gather3A_569 = tpu.memref_slice %gather3A_566[%gather3A_561, %gather3A_567, %gather3A_568] : memref<8x16x128xf32, #tpu.memory_space<vmem>> -> memref<1x16x128xf32, #tpu.memory_space<vmem>>
        %gather3A_570 = tpu.memref_squeeze %gather3A_569 : memref<1x16x128xf32, #tpu.memory_space<vmem>> -> memref<16x128xf32, #tpu.memory_space<vmem>>
        %gather3A_571 = tpu.vector_load_idx %gather3A_570[%iota3A, %broadcast_in_dim3A_547] : memref<16x128xf32, #tpu.memory_space<vmem>>[vector<16xi32>, vector<16xi32>], vector<16xf32>,
        %add3A_572 = arith.constant 1 : i32
        %add3A_573 = arith.addi %and3A_502, %add3A_572 : i32
        %broadcast_in_dim3A_574 = vector.broadcast %add3A_573 : i32 to vector<16xi32>
        %mul3A_575 = arith.mulf %gather3A_559, %gather3A_571 : vector<16xf32>
        tpu.vector_store_idx %arg11[%broadcast_in_dim3A, %iota3A, %broadcast_in_dim3A_574], %mul3A_575 : memref<4x16x128xf32, #tpu.memory_space<vmem>>[vector<16xi32>, vector<16xi32>, vector<16xi32>], vector<16xf32>,
        %slice3A_576 = vector.extract_strided_slice %get3A_493 {offsets = [2], sizes = [1], strides = [1]} : vector<16xi32> to vector<1xi32>
        %squeeze3A_577 = vector.extract %slice3A_576[0] : i32 from vector<1xi32>
        %and3A_578 = arith.constant 127 : i32
        %and3A_579 = arith.andi %squeeze3A_577, %and3A_578 : i32
        %broadcast_in_dim3A_580 = vector.broadcast %and3A_579 : i32 to vector<16xi32>
        %slice3A_581 = vector.extract_strided_slice %get3A_497 {offsets = [2], sizes = [1], strides = [1]} : vector<16xi32> to vector<1xi32>
        %squeeze3A_582 = vector.extract %slice3A_581[0] : i32 from vector<1xi32>
        %and3A_583 = arith.constant 127 : i32
        %and3A_584 = arith.andi %squeeze3A_582, %and3A_583 : i32
        %broadcast_in_dim3A_585 = vector.broadcast %and3A_584 : i32 to vector<16xi32>
        %gather3A_586 = arith.constant 0 : i32
        %gather3A_587 = arith.constant 2 : i32
        %gather3A_588 = arith.constant 0 : i32
        %gather3A_589 = arith.constant 0 : i32
        %gather3A_590 = arith.constant 0 : i32
        %gather3A_591 = tpu.memref_slice %arg9[%gather3A_586, %gather3A_588, %gather3A_589, %gather3A_590] : memref<3x8x16x128xf32, #tpu.memory_space<vmem>> -> memref<1x8x16x128xf32, #tpu.memory_space<vmem>>
        %gather3A_592 = tpu.memref_squeeze %gather3A_591 : memref<1x8x16x128xf32, #tpu.memory_space<vmem>> -> memref<8x16x128xf32, #tpu.memory_space<vmem>>
        %gather3A_593 = arith.constant 0 : i32
        %gather3A_594 = arith.constant 0 : i32
        %gather3A_595 = tpu.memref_slice %gather3A_592[%gather3A_587, %gather3A_593, %gather3A_594] : memref<8x16x128xf32, #tpu.memory_space<vmem>> -> memref<1x16x128xf32, #tpu.memory_space<vmem>>
        %gather3A_596 = tpu.memref_squeeze %gather3A_595 : memref<1x16x128xf32, #tpu.memory_space<vmem>> -> memref<16x128xf32, #tpu.memory_space<vmem>>
        %gather3A_597 = tpu.vector_load_idx %gather3A_596[%iota3A, %broadcast_in_dim3A_580] : memref<16x128xf32, #tpu.memory_space<vmem>>[vector<16xi32>, vector<16xi32>], vector<16xf32>,
        %gather3A_598 = arith.constant 0 : i32
        %gather3A_599 = arith.constant 2 : i32
        %gather3A_600 = arith.constant 0 : i32
        %gather3A_601 = arith.constant 0 : i32
        %gather3A_602 = arith.constant 0 : i32
        %gather3A_603 = tpu.memref_slice %arg10[%gather3A_598, %gather3A_600, %gather3A_601, %gather3A_602] : memref<3x8x16x128xf32, #tpu.memory_space<vmem>> -> memref<1x8x16x128xf32, #tpu.memory_space<vmem>>
        %gather3A_604 = tpu.memref_squeeze %gather3A_603 : memref<1x8x16x128xf32, #tpu.memory_space<vmem>> -> memref<8x16x128xf32, #tpu.memory_space<vmem>>
        %gather3A_605 = arith.constant 0 : i32
        %gather3A_606 = arith.constant 0 : i32
        %gather3A_607 = tpu.memref_slice %gather3A_604[%gather3A_599, %gather3A_605, %gather3A_606] : memref<8x16x128xf32, #tpu.memory_space<vmem>> -> memref<1x16x128xf32, #tpu.memory_space<vmem>>
        %gather3A_608 = tpu.memref_squeeze %gather3A_607 : memref<1x16x128xf32, #tpu.memory_space<vmem>> -> memref<16x128xf32, #tpu.memory_space<vmem>>
        %gather3A_609 = tpu.vector_load_idx %gather3A_608[%iota3A, %broadcast_in_dim3A_585] : memref<16x128xf32, #tpu.memory_space<vmem>>[vector<16xi32>, vector<16xi32>], vector<16xf32>,
        %add3A_610 = arith.constant 2 : i32
        %add3A_611 = arith.addi %and3A_502, %add3A_610 : i32
        %broadcast_in_dim3A_612 = vector.broadcast %add3A_611 : i32 to vector<16xi32>
        %mul3A_613 = arith.mulf %gather3A_597, %gather3A_609 : vector<16xf32>
        tpu.vector_store_idx %arg11[%broadcast_in_dim3A, %iota3A, %broadcast_in_dim3A_612], %mul3A_613 : memref<4x16x128xf32, #tpu.memory_space<vmem>>[vector<16xi32>, vector<16xi32>, vector<16xi32>], vector<16xf32>,
        %slice3A_614 = vector.extract_strided_slice %get3A_493 {offsets = [3], sizes = [1], strides = [1]} : vector<16xi32> to vector<1xi32>
        %squeeze3A_615 = vector.extract %slice3A_614[0] : i32 from vector<1xi32>
        %and3A_616 = arith.constant 127 : i32
        %and3A_617 = arith.andi %squeeze3A_615, %and3A_616 : i32
        %broadcast_in_dim3A_618 = vector.broadcast %and3A_617 : i32 to vector<16xi32>
        %slice3A_619 = vector.extract_strided_slice %get3A_497 {offsets = [3], sizes = [1], strides = [1]} : vector<16xi32> to vector<1xi32>
        %squeeze3A_620 = vector.extract %slice3A_619[0] : i32 from vector<1xi32>
        %and3A_621 = arith.constant 127 : i32
        %and3A_622 = arith.andi %squeeze3A_620, %and3A_621 : i32
        %broadcast_in_dim3A_623 = vector.broadcast %and3A_622 : i32 to vector<16xi32>
        %gather3A_624 = arith.constant 0 : i32
        %gather3A_625 = arith.constant 3 : i32
        %gather3A_626 = arith.constant 0 : i32
        %gather3A_627 = arith.constant 0 : i32
        %gather3A_628 = arith.constant 0 : i32
        %gather3A_629 = tpu.memref_slice %arg9[%gather3A_624, %gather3A_626, %gather3A_627, %gather3A_628] : memref<3x8x16x128xf32, #tpu.memory_space<vmem>> -> memref<1x8x16x128xf32, #tpu.memory_space<vmem>>
        %gather3A_630 = tpu.memref_squeeze %gather3A_629 : memref<1x8x16x128xf32, #tpu.memory_space<vmem>> -> memref<8x16x128xf32, #tpu.memory_space<vmem>>
        %gather3A_631 = arith.constant 0 : i32
        %gather3A_632 = arith.constant 0 : i32
        %gather3A_633 = tpu.memref_slice %gather3A_630[%gather3A_625, %gather3A_631, %gather3A_632] : memref<8x16x128xf32, #tpu.memory_space<vmem>> -> memref<1x16x128xf32, #tpu.memory_space<vmem>>
        %gather3A_634 = tpu.memref_squeeze %gather3A_633 : memref<1x16x128xf32, #tpu.memory_space<vmem>> -> memref<16x128xf32, #tpu.memory_space<vmem>>
        %gather3A_635 = tpu.vector_load_idx %gather3A_634[%iota3A, %broadcast_in_dim3A_618] : memref<16x128xf32, #tpu.memory_space<vmem>>[vector<16xi32>, vector<16xi32>], vector<16xf32>,
        %gather3A_636 = arith.constant 0 : i32
        %gather3A_637 = arith.constant 3 : i32
        %gather3A_638 = arith.constant 0 : i32
        %gather3A_639 = arith.constant 0 : i32
        %gather3A_640 = arith.constant 0 : i32
        %gather3A_641 = tpu.memref_slice %arg10[%gather3A_636, %gather3A_638, %gather3A_639, %gather3A_640] : memref<3x8x16x128xf32, #tpu.memory_space<vmem>> -> memref<1x8x16x128xf32, #tpu.memory_space<vmem>>
        %gather3A_642 = tpu.memref_squeeze %gather3A_641 : memref<1x8x16x128xf32, #tpu.memory_space<vmem>> -> memref<8x16x128xf32, #tpu.memory_space<vmem>>
        %gather3A_643 = arith.constant 0 : i32
        %gather3A_644 = arith.constant 0 : i32
        %gather3A_645 = tpu.memref_slice %gather3A_642[%gather3A_637, %gather3A_643, %gather3A_644] : memref<8x16x128xf32, #tpu.memory_space<vmem>> -> memref<1x16x128xf32, #tpu.memory_space<vmem>>
        %gather3A_646 = tpu.memref_squeeze %gather3A_645 : memref<1x16x128xf32, #tpu.memory_space<vmem>> -> memref<16x128xf32, #tpu.memory_space<vmem>>
        %gather3A_647 = tpu.vector_load_idx %gather3A_646[%iota3A, %broadcast_in_dim3A_623] : memref<16x128xf32, #tpu.memory_space<vmem>>[vector<16xi32>, vector<16xi32>], vector<16xf32>,
        %add3A_648 = arith.constant 3 : i32
        %add3A_649 = arith.addi %and3A_502, %add3A_648 : i32
        %broadcast_in_dim3A_650 = vector.broadcast %add3A_649 : i32 to vector<16xi32>
        %mul3A_651 = arith.mulf %gather3A_635, %gather3A_647 : vector<16xf32>
        tpu.vector_store_idx %arg11[%broadcast_in_dim3A, %iota3A, %broadcast_in_dim3A_650], %mul3A_651 : memref<4x16x128xf32, #tpu.memory_space<vmem>>[vector<16xi32>, vector<16xi32>, vector<16xi32>], vector<16xf32>,
        %slice3A_652 = vector.extract_strided_slice %get3A_493 {offsets = [4], sizes = [1], strides = [1]} : vector<16xi32> to vector<1xi32>
        %squeeze3A_653 = vector.extract %slice3A_652[0] : i32 from vector<1xi32>
        %and3A_654 = arith.constant 127 : i32
        %and3A_655 = arith.andi %squeeze3A_653, %and3A_654 : i32
        %broadcast_in_dim3A_656 = vector.broadcast %and3A_655 : i32 to vector<16xi32>
        %slice3A_657 = vector.extract_strided_slice %get3A_497 {offsets = [4], sizes = [1], strides = [1]} : vector<16xi32> to vector<1xi32>
        %squeeze3A_658 = vector.extract %slice3A_657[0] : i32 from vector<1xi32>
        %and3A_659 = arith.constant 127 : i32
        %and3A_660 = arith.andi %squeeze3A_658, %and3A_659 : i32
        %broadcast_in_dim3A_661 = vector.broadcast %and3A_660 : i32 to vector<16xi32>
        %gather3A_662 = arith.constant 0 : i32
        %gather3A_663 = arith.constant 4 : i32
        %gather3A_664 = arith.constant 0 : i32
        %gather3A_665 = arith.constant 0 : i32
        %gather3A_666 = arith.constant 0 : i32
        %gather3A_667 = tpu.memref_slice %arg9[%gather3A_662, %gather3A_664, %gather3A_665, %gather3A_666] : memref<3x8x16x128xf32, #tpu.memory_space<vmem>> -> memref<1x8x16x128xf32, #tpu.memory_space<vmem>>
        %gather3A_668 = tpu.memref_squeeze %gather3A_667 : memref<1x8x16x128xf32, #tpu.memory_space<vmem>> -> memref<8x16x128xf32, #tpu.memory_space<vmem>>
        %gather3A_669 = arith.constant 0 : i32
        %gather3A_670 = arith.constant 0 : i32
        %gather3A_671 = tpu.memref_slice %gather3A_668[%gather3A_663, %gather3A_669, %gather3A_670] : memref<8x16x128xf32, #tpu.memory_space<vmem>> -> memref<1x16x128xf32, #tpu.memory_space<vmem>>
        %gather3A_672 = tpu.memref_squeeze %gather3A_671 : memref<1x16x128xf32, #tpu.memory_space<vmem>> -> memref<16x128xf32, #tpu.memory_space<vmem>>
        %gather3A_673 = tpu.vector_load_idx %gather3A_672[%iota3A, %broadcast_in_dim3A_656] : memref<16x128xf32, #tpu.memory_space<vmem>>[vector<16xi32>, vector<16xi32>], vector<16xf32>,
        %gather3A_674 = arith.constant 0 : i32
        %gather3A_675 = arith.constant 4 : i32
        %gather3A_676 = arith.constant 0 : i32
        %gather3A_677 = arith.constant 0 : i32
        %gather3A_678 = arith.constant 0 : i32
        %gather3A_679 = tpu.memref_slice %arg10[%gather3A_674, %gather3A_676, %gather3A_677, %gather3A_678] : memref<3x8x16x128xf32, #tpu.memory_space<vmem>> -> memref<1x8x16x128xf32, #tpu.memory_space<vmem>>
        %gather3A_680 = tpu.memref_squeeze %gather3A_679 : memref<1x8x16x128xf32, #tpu.memory_space<vmem>> -> memref<8x16x128xf32, #tpu.memory_space<vmem>>
        %gather3A_681 = arith.constant 0 : i32
        %gather3A_682 = arith.constant 0 : i32
        %gather3A_683 = tpu.memref_slice %gather3A_680[%gather3A_675, %gather3A_681, %gather3A_682] : memref<8x16x128xf32, #tpu.memory_space<vmem>> -> memref<1x16x128xf32, #tpu.memory_space<vmem>>
        %gather3A_684 = tpu.memref_squeeze %gather3A_683 : memref<1x16x128xf32, #tpu.memory_space<vmem>> -> memref<16x128xf32, #tpu.memory_space<vmem>>
        %gather3A_685 = tpu.vector_load_idx %gather3A_684[%iota3A, %broadcast_in_dim3A_661] : memref<16x128xf32, #tpu.memory_space<vmem>>[vector<16xi32>, vector<16xi32>], vector<16xf32>,
        %add3A_686 = arith.constant 4 : i32
        %add3A_687 = arith.addi %and3A_502, %add3A_686 : i32
        %broadcast_in_dim3A_688 = vector.broadcast %add3A_687 : i32 to vector<16xi32>
        %mul3A_689 = arith.mulf %gather3A_673, %gather3A_685 : vector<16xf32>
        tpu.vector_store_idx %arg11[%broadcast_in_dim3A, %iota3A, %broadcast_in_dim3A_688], %mul3A_689 : memref<4x16x128xf32, #tpu.memory_space<vmem>>[vector<16xi32>, vector<16xi32>, vector<16xi32>], vector<16xf32>,
        %slice3A_690 = vector.extract_strided_slice %get3A_493 {offsets = [5], sizes = [1], strides = [1]} : vector<16xi32> to vector<1xi32>
        %squeeze3A_691 = vector.extract %slice3A_690[0] : i32 from vector<1xi32>
        %and3A_692 = arith.constant 127 : i32
        %and3A_693 = arith.andi %squeeze3A_691, %and3A_692 : i32
        %broadcast_in_dim3A_694 = vector.broadcast %and3A_693 : i32 to vector<16xi32>
        %slice3A_695 = vector.extract_strided_slice %get3A_497 {offsets = [5], sizes = [1], strides = [1]} : vector<16xi32> to vector<1xi32>
        %squeeze3A_696 = vector.extract %slice3A_695[0] : i32 from vector<1xi32>
        %and3A_697 = arith.constant 127 : i32
        %and3A_698 = arith.andi %squeeze3A_696, %and3A_697 : i32
        %broadcast_in_dim3A_699 = vector.broadcast %and3A_698 : i32 to vector<16xi32>
        %gather3A_700 = arith.constant 0 : i32
        %gather3A_701 = arith.constant 5 : i32
        %gather3A_702 = arith.constant 0 : i32
        %gather3A_703 = arith.constant 0 : i32
        %gather3A_704 = arith.constant 0 : i32
        %gather3A_705 = tpu.memref_slice %arg9[%gather3A_700, %gather3A_702, %gather3A_703, %gather3A_704] : memref<3x8x16x128xf32, #tpu.memory_space<vmem>> -> memref<1x8x16x128xf32, #tpu.memory_space<vmem>>
        %gather3A_706 = tpu.memref_squeeze %gather3A_705 : memref<1x8x16x128xf32, #tpu.memory_space<vmem>> -> memref<8x16x128xf32, #tpu.memory_space<vmem>>
        %gather3A_707 = arith.constant 0 : i32
        %gather3A_708 = arith.constant 0 : i32
        %gather3A_709 = tpu.memref_slice %gather3A_706[%gather3A_701, %gather3A_707, %gather3A_708] : memref<8x16x128xf32, #tpu.memory_space<vmem>> -> memref<1x16x128xf32, #tpu.memory_space<vmem>>
        %gather3A_710 = tpu.memref_squeeze %gather3A_709 : memref<1x16x128xf32, #tpu.memory_space<vmem>> -> memref<16x128xf32, #tpu.memory_space<vmem>>
        %gather3A_711 = tpu.vector_load_idx %gather3A_710[%iota3A, %broadcast_in_dim3A_694] : memref<16x128xf32, #tpu.memory_space<vmem>>[vector<16xi32>, vector<16xi32>], vector<16xf32>,
        %gather3A_712 = arith.constant 0 : i32
        %gather3A_713 = arith.constant 5 : i32
        %gather3A_714 = arith.constant 0 : i32
        %gather3A_715 = arith.constant 0 : i32
        %gather3A_716 = arith.constant 0 : i32
        %gather3A_717 = tpu.memref_slice %arg10[%gather3A_712, %gather3A_714, %gather3A_715, %gather3A_716] : memref<3x8x16x128xf32, #tpu.memory_space<vmem>> -> memref<1x8x16x128xf32, #tpu.memory_space<vmem>>
        %gather3A_718 = tpu.memref_squeeze %gather3A_717 : memref<1x8x16x128xf32, #tpu.memory_space<vmem>> -> memref<8x16x128xf32, #tpu.memory_space<vmem>>
        %gather3A_719 = arith.constant 0 : i32
        %gather3A_720 = arith.constant 0 : i32
        %gather3A_721 = tpu.memref_slice %gather3A_718[%gather3A_713, %gather3A_719, %gather3A_720] : memref<8x16x128xf32, #tpu.memory_space<vmem>> -> memref<1x16x128xf32, #tpu.memory_space<vmem>>
        %gather3A_722 = tpu.memref_squeeze %gather3A_721 : memref<1x16x128xf32, #tpu.memory_space<vmem>> -> memref<16x128xf32, #tpu.memory_space<vmem>>
        %gather3A_723 = tpu.vector_load_idx %gather3A_722[%iota3A, %broadcast_in_dim3A_699] : memref<16x128xf32, #tpu.memory_space<vmem>>[vector<16xi32>, vector<16xi32>], vector<16xf32>,
        %add3A_724 = arith.constant 5 : i32
        %add3A_725 = arith.addi %and3A_502, %add3A_724 : i32
        %broadcast_in_dim3A_726 = vector.broadcast %add3A_725 : i32 to vector<16xi32>
        %mul3A_727 = arith.mulf %gather3A_711, %gather3A_723 : vector<16xf32>
        tpu.vector_store_idx %arg11[%broadcast_in_dim3A, %iota3A, %broadcast_in_dim3A_726], %mul3A_727 : memref<4x16x128xf32, #tpu.memory_space<vmem>>[vector<16xi32>, vector<16xi32>, vector<16xi32>], vector<16xf32>,
        %slice3A_728 = vector.extract_strided_slice %get3A_493 {offsets = [6], sizes = [1], strides = [1]} : vector<16xi32> to vector<1xi32>
        %squeeze3A_729 = vector.extract %slice3A_728[0] : i32 from vector<1xi32>
        %and3A_730 = arith.constant 127 : i32
        %and3A_731 = arith.andi %squeeze3A_729, %and3A_730 : i32
        %broadcast_in_dim3A_732 = vector.broadcast %and3A_731 : i32 to vector<16xi32>
        %slice3A_733 = vector.extract_strided_slice %get3A_497 {offsets = [6], sizes = [1], strides = [1]} : vector<16xi32> to vector<1xi32>
        %squeeze3A_734 = vector.extract %slice3A_733[0] : i32 from vector<1xi32>
        %and3A_735 = arith.constant 127 : i32
        %and3A_736 = arith.andi %squeeze3A_734, %and3A_735 : i32
        %broadcast_in_dim3A_737 = vector.broadcast %and3A_736 : i32 to vector<16xi32>
        %gather3A_738 = arith.constant 0 : i32
        %gather3A_739 = arith.constant 6 : i32
        %gather3A_740 = arith.constant 0 : i32
        %gather3A_741 = arith.constant 0 : i32
        %gather3A_742 = arith.constant 0 : i32
        %gather3A_743 = tpu.memref_slice %arg9[%gather3A_738, %gather3A_740, %gather3A_741, %gather3A_742] : memref<3x8x16x128xf32, #tpu.memory_space<vmem>> -> memref<1x8x16x128xf32, #tpu.memory_space<vmem>>
        %gather3A_744 = tpu.memref_squeeze %gather3A_743 : memref<1x8x16x128xf32, #tpu.memory_space<vmem>> -> memref<8x16x128xf32, #tpu.memory_space<vmem>>
        %gather3A_745 = arith.constant 0 : i32
        %gather3A_746 = arith.constant 0 : i32
        %gather3A_747 = tpu.memref_slice %gather3A_744[%gather3A_739, %gather3A_745, %gather3A_746] : memref<8x16x128xf32, #tpu.memory_space<vmem>> -> memref<1x16x128xf32, #tpu.memory_space<vmem>>
        %gather3A_748 = tpu.memref_squeeze %gather3A_747 : memref<1x16x128xf32, #tpu.memory_space<vmem>> -> memref<16x128xf32, #tpu.memory_space<vmem>>
        %gather3A_749 = tpu.vector_load_idx %gather3A_748[%iota3A, %broadcast_in_dim3A_732] : memref<16x128xf32, #tpu.memory_space<vmem>>[vector<16xi32>, vector<16xi32>], vector<16xf32>,
        %gather3A_750 = arith.constant 0 : i32
        %gather3A_751 = arith.constant 6 : i32
        %gather3A_752 = arith.constant 0 : i32
        %gather3A_753 = arith.constant 0 : i32
        %gather3A_754 = arith.constant 0 : i32
        %gather3A_755 = tpu.memref_slice %arg10[%gather3A_750, %gather3A_752, %gather3A_753, %gather3A_754] : memref<3x8x16x128xf32, #tpu.memory_space<vmem>> -> memref<1x8x16x128xf32, #tpu.memory_space<vmem>>
        %gather3A_756 = tpu.memref_squeeze %gather3A_755 : memref<1x8x16x128xf32, #tpu.memory_space<vmem>> -> memref<8x16x128xf32, #tpu.memory_space<vmem>>
        %gather3A_757 = arith.constant 0 : i32
        %gather3A_758 = arith.constant 0 : i32
        %gather3A_759 = tpu.memref_slice %gather3A_756[%gather3A_751, %gather3A_757, %gather3A_758] : memref<8x16x128xf32, #tpu.memory_space<vmem>> -> memref<1x16x128xf32, #tpu.memory_space<vmem>>
        %gather3A_760 = tpu.memref_squeeze %gather3A_759 : memref<1x16x128xf32, #tpu.memory_space<vmem>> -> memref<16x128xf32, #tpu.memory_space<vmem>>
        %gather3A_761 = tpu.vector_load_idx %gather3A_760[%iota3A, %broadcast_in_dim3A_737] : memref<16x128xf32, #tpu.memory_space<vmem>>[vector<16xi32>, vector<16xi32>], vector<16xf32>,
        %add3A_762 = arith.constant 6 : i32
        %add3A_763 = arith.addi %and3A_502, %add3A_762 : i32
        %broadcast_in_dim3A_764 = vector.broadcast %add3A_763 : i32 to vector<16xi32>
        %mul3A_765 = arith.mulf %gather3A_749, %gather3A_761 : vector<16xf32>
        tpu.vector_store_idx %arg11[%broadcast_in_dim3A, %iota3A, %broadcast_in_dim3A_764], %mul3A_765 : memref<4x16x128xf32, #tpu.memory_space<vmem>>[vector<16xi32>, vector<16xi32>, vector<16xi32>], vector<16xf32>,
        %slice3A_766 = vector.extract_strided_slice %get3A_493 {offsets = [7], sizes = [1], strides = [1]} : vector<16xi32> to vector<1xi32>
        %squeeze3A_767 = vector.extract %slice3A_766[0] : i32 from vector<1xi32>
        %and3A_768 = arith.constant 127 : i32
        %and3A_769 = arith.andi %squeeze3A_767, %and3A_768 : i32
        %broadcast_in_dim3A_770 = vector.broadcast %and3A_769 : i32 to vector<16xi32>
        %slice3A_771 = vector.extract_strided_slice %get3A_497 {offsets = [7], sizes = [1], strides = [1]} : vector<16xi32> to vector<1xi32>
        %squeeze3A_772 = vector.extract %slice3A_771[0] : i32 from vector<1xi32>
        %and3A_773 = arith.constant 127 : i32
        %and3A_774 = arith.andi %squeeze3A_772, %and3A_773 : i32
        %broadcast_in_dim3A_775 = vector.broadcast %and3A_774 : i32 to vector<16xi32>
        %gather3A_776 = arith.constant 0 : i32
        %gather3A_777 = arith.constant 7 : i32
        %gather3A_778 = arith.constant 0 : i32
        %gather3A_779 = arith.constant 0 : i32
        %gather3A_780 = arith.constant 0 : i32
        %gather3A_781 = tpu.memref_slice %arg9[%gather3A_776, %gather3A_778, %gather3A_779, %gather3A_780] : memref<3x8x16x128xf32, #tpu.memory_space<vmem>> -> memref<1x8x16x128xf32, #tpu.memory_space<vmem>>
        %gather3A_782 = tpu.memref_squeeze %gather3A_781 : memref<1x8x16x128xf32, #tpu.memory_space<vmem>> -> memref<8x16x128xf32, #tpu.memory_space<vmem>>
        %gather3A_783 = arith.constant 0 : i32
        %gather3A_784 = arith.constant 0 : i32
        %gather3A_785 = tpu.memref_slice %gather3A_782[%gather3A_777, %gather3A_783, %gather3A_784] : memref<8x16x128xf32, #tpu.memory_space<vmem>> -> memref<1x16x128xf32, #tpu.memory_space<vmem>>
        %gather3A_786 = tpu.memref_squeeze %gather3A_785 : memref<1x16x128xf32, #tpu.memory_space<vmem>> -> memref<16x128xf32, #tpu.memory_space<vmem>>
        %gather3A_787 = tpu.vector_load_idx %gather3A_786[%iota3A, %broadcast_in_dim3A_770] : memref<16x128xf32, #tpu.memory_space<vmem>>[vector<16xi32>, vector<16xi32>], vector<16xf32>,
        %gather3A_788 = arith.constant 0 : i32
        %gather3A_789 = arith.constant 7 : i32
        %gather3A_790 = arith.constant 0 : i32
        %gather3A_791 = arith.constant 0 : i32
        %gather3A_792 = arith.constant 0 : i32
        %gather3A_793 = tpu.memref_slice %arg10[%gather3A_788, %gather3A_790, %gather3A_791, %gather3A_792] : memref<3x8x16x128xf32, #tpu.memory_space<vmem>> -> memref<1x8x16x128xf32, #tpu.memory_space<vmem>>
        %gather3A_794 = tpu.memref_squeeze %gather3A_793 : memref<1x8x16x128xf32, #tpu.memory_space<vmem>> -> memref<8x16x128xf32, #tpu.memory_space<vmem>>
        %gather3A_795 = arith.constant 0 : i32
        %gather3A_796 = arith.constant 0 : i32
        %gather3A_797 = tpu.memref_slice %gather3A_794[%gather3A_789, %gather3A_795, %gather3A_796] : memref<8x16x128xf32, #tpu.memory_space<vmem>> -> memref<1x16x128xf32, #tpu.memory_space<vmem>>
        %gather3A_798 = tpu.memref_squeeze %gather3A_797 : memref<1x16x128xf32, #tpu.memory_space<vmem>> -> memref<16x128xf32, #tpu.memory_space<vmem>>
        %gather3A_799 = tpu.vector_load_idx %gather3A_798[%iota3A, %broadcast_in_dim3A_775] : memref<16x128xf32, #tpu.memory_space<vmem>>[vector<16xi32>, vector<16xi32>], vector<16xf32>,
        %add3A_800 = arith.constant 7 : i32
        %add3A_801 = arith.addi %and3A_502, %add3A_800 : i32
        %broadcast_in_dim3A_802 = vector.broadcast %add3A_801 : i32 to vector<16xi32>
        %mul3A_803 = arith.mulf %gather3A_787, %gather3A_799 : vector<16xf32>
        tpu.vector_store_idx %arg11[%broadcast_in_dim3A, %iota3A, %broadcast_in_dim3A_802], %mul3A_803 : memref<4x16x128xf32, #tpu.memory_space<vmem>>[vector<16xi32>, vector<16xi32>, vector<16xi32>], vector<16xf32>,
      } else {
      }
      %mul3A_55 = arith.constant 3 : i32
      %mul3A_56 = arith.muli %mul3A_55, %scan3A_22 : i32
      %add3A_57 = arith.constant 2 : i32
      %add3A_58 = arith.addi %mul3A_56, %add3A_57 : i32
      %lt3A_59 = arith.constant 64 : i32
      %lt3A_60 = arith.cmpi slt, %add3A_58, %lt3A_59 : i32
      %convert_element_type3A_61 = arith.extui %lt3A_60 : i1 to i32
      %cond3A_62 = arith.constant 0 : i32
      %cond3A_63 = arith.cmpi ne, %convert_element_type3A_61, %cond3A_62 : i32
      scf.if %cond3A_63 {
        %mul3A_74 = arith.constant 8 : i32
        %mul3A_75 = arith.muli %add3A_58, %mul3A_74 : i32
        %get3A = arith.index_cast %mul3A_75 : i32 to index
        %get3A_76 = tpu.vector_load %arg7[%get3A] {strides = array<i32>} : memref<640xi32, #tpu.memory_space<vmem>>, vector<16xi32>,
        %mul3A_77 = arith.constant 8 : i32
        %mul3A_78 = arith.muli %add3A_58, %mul3A_77 : i32
        %get3A_79 = arith.index_cast %mul3A_78 : i32 to index
        %get3A_80 = tpu.vector_load %arg8[%get3A_79] {strides = array<i32>} : memref<640xi32, #tpu.memory_space<vmem>>, vector<16xi32>,
        %slice3A = vector.extract_strided_slice %get3A_76 {offsets = [0], sizes = [1], strides = [1]} : vector<16xi32> to vector<1xi32>
        %squeeze3A = vector.extract %slice3A[0] : i32 from vector<1xi32>
        %and3A_81 = arith.constant -128 : i32
        %and3A_82 = arith.andi %squeeze3A, %and3A_81 : i32
        %multiple_of3A_83 = tpu.assume_multiple %and3A_82, 128 : i32
        %dma_start3A = arith.constant 2 : i32
        %dma_start3A_84 = arith.constant 0 : i32
        %dma_start3A_85 = arith.constant 0 : i32
        %dma_start3A_86 = arith.constant 0 : i32
        %dma_start3A_87 = arith.constant 0 : i32
        %dma_start3A_88 = tpu.memref_slice %arg9[%dma_start3A, %dma_start3A_85, %dma_start3A_86, %dma_start3A_87] : memref<3x8x16x128xf32, #tpu.memory_space<vmem>> -> memref<1x8x16x128xf32, #tpu.memory_space<vmem>>
        %dma_start3A_89 = tpu.memref_squeeze %dma_start3A_88 : memref<1x8x16x128xf32, #tpu.memory_space<vmem>> -> memref<8x16x128xf32, #tpu.memory_space<vmem>>
        %dma_start3A_90 = arith.constant 0 : i32
        %dma_start3A_91 = arith.constant 0 : i32
        %dma_start3A_92 = tpu.memref_slice %dma_start3A_89[%dma_start3A_84, %dma_start3A_90, %dma_start3A_91] : memref<8x16x128xf32, #tpu.memory_space<vmem>> -> memref<1x16x128xf32, #tpu.memory_space<vmem>>
        %dma_start3A_93 = tpu.memref_squeeze %dma_start3A_92 : memref<1x16x128xf32, #tpu.memory_space<vmem>> -> memref<16x128xf32, #tpu.memory_space<vmem>>
        %dma_start3A_94 = arith.constant 0 : i32
        %dma_start3A_95 = tpu.memref_slice %arg2[%dma_start3A_94, %multiple_of3A_83] : memref<16x1000000xf32, #tpu.memory_space<hbm>> -> memref<16x128xf32, #tpu.memory_space<hbm>>
        %dma_start3A_96 = arith.constant 0 : i32
        %dma_start3A_97 = arith.constant 0 : i32
        %dma_start3A_98 = arith.constant 0 : i32
        %dma_start3A_99 = tpu.memref_slice %arg9[%dma_start3A, %dma_start3A_96, %dma_start3A_97, %dma_start3A_98] : memref<3x8x16x128xf32, #tpu.memory_space<vmem>> -> memref<1x8x16x128xf32, #tpu.memory_space<vmem>>
        %dma_start3A_100 = tpu.memref_squeeze %dma_start3A_99 : memref<1x8x16x128xf32, #tpu.memory_space<vmem>> -> memref<8x16x128xf32, #tpu.memory_space<vmem>>
        %dma_start3A_101 = arith.constant 0 : i32
        %dma_start3A_102 = arith.constant 0 : i32
        %dma_start3A_103 = tpu.memref_slice %dma_start3A_100[%dma_start3A_84, %dma_start3A_101, %dma_start3A_102] : memref<8x16x128xf32, #tpu.memory_space<vmem>> -> memref<1x16x128xf32, #tpu.memory_space<vmem>>
        %dma_start3A_104 = tpu.memref_squeeze %dma_start3A_103 : memref<1x16x128xf32, #tpu.memory_space<vmem>> -> memref<16x128xf32, #tpu.memory_space<vmem>>
        %dma_start3A_105 = arith.constant 0 : i32
        %dma_start3A_106 = tpu.memref_slice %arg2[%dma_start3A_105, %multiple_of3A_83] : memref<16x1000000xf32, #tpu.memory_space<hbm>> -> memref<16x128xf32, #tpu.memory_space<hbm>>
        tpu.enqueue_dma source(%dma_start3A_106 : memref<16x128xf32, #tpu.memory_space<hbm>>) target(%dma_start3A_104 : memref<16x128xf32, #tpu.memory_space<vmem>>) target_semaphore(%arg14 : memref<!tpu.dma_semaphore, #tpu.memory_space<semaphore_mem>>)
        %slice3A_107 = vector.extract_strided_slice %get3A_76 {offsets = [1], sizes = [1], strides = [1]} : vector<16xi32> to vector<1xi32>
        %squeeze3A_108 = vector.extract %slice3A_107[0] : i32 from vector<1xi32>
        %and3A_109 = arith.constant -128 : i32
        %and3A_110 = arith.andi %squeeze3A_108, %and3A_109 : i32
        %multiple_of3A_111 = tpu.assume_multiple %and3A_110, 128 : i32
        %dma_start3A_112 = arith.constant 2 : i32
        %dma_start3A_113 = arith.constant 1 : i32
        %dma_start3A_114 = arith.constant 0 : i32
        %dma_start3A_115 = arith.constant 0 : i32
        %dma_start3A_116 = arith.constant 0 : i32
        %dma_start3A_117 = tpu.memref_slice %arg9[%dma_start3A_112, %dma_start3A_114, %dma_start3A_115, %dma_start3A_116] : memref<3x8x16x128xf32, #tpu.memory_space<vmem>> -> memref<1x8x16x128xf32, #tpu.memory_space<vmem>>
        %dma_start3A_118 = tpu.memref_squeeze %dma_start3A_117 : memref<1x8x16x128xf32, #tpu.memory_space<vmem>> -> memref<8x16x128xf32, #tpu.memory_space<vmem>>
        %dma_start3A_119 = arith.constant 0 : i32
        %dma_start3A_120 = arith.constant 0 : i32
        %dma_start3A_121 = tpu.memref_slice %dma_start3A_118[%dma_start3A_113, %dma_start3A_119, %dma_start3A_120] : memref<8x16x128xf32, #tpu.memory_space<vmem>> -> memref<1x16x128xf32, #tpu.memory_space<vmem>>
        %dma_start3A_122 = tpu.memref_squeeze %dma_start3A_121 : memref<1x16x128xf32, #tpu.memory_space<vmem>> -> memref<16x128xf32, #tpu.memory_space<vmem>>
        %dma_start3A_123 = arith.constant 0 : i32
        %dma_start3A_124 = tpu.memref_slice %arg2[%dma_start3A_123, %multiple_of3A_111] : memref<16x1000000xf32, #tpu.memory_space<hbm>> -> memref<16x128xf32, #tpu.memory_space<hbm>>
        %dma_start3A_125 = arith.constant 0 : i32
        %dma_start3A_126 = arith.constant 0 : i32
        %dma_start3A_127 = arith.constant 0 : i32
        %dma_start3A_128 = tpu.memref_slice %arg9[%dma_start3A_112, %dma_start3A_125, %dma_start3A_126, %dma_start3A_127] : memref<3x8x16x128xf32, #tpu.memory_space<vmem>> -> memref<1x8x16x128xf32, #tpu.memory_space<vmem>>
        %dma_start3A_129 = tpu.memref_squeeze %dma_start3A_128 : memref<1x8x16x128xf32, #tpu.memory_space<vmem>> -> memref<8x16x128xf32, #tpu.memory_space<vmem>>
        %dma_start3A_130 = arith.constant 0 : i32
        %dma_start3A_131 = arith.constant 0 : i32
        %dma_start3A_132 = tpu.memref_slice %dma_start3A_129[%dma_start3A_113, %dma_start3A_130, %dma_start3A_131] : memref<8x16x128xf32, #tpu.memory_space<vmem>> -> memref<1x16x128xf32, #tpu.memory_space<vmem>>
        %dma_start3A_133 = tpu.memref_squeeze %dma_start3A_132 : memref<1x16x128xf32, #tpu.memory_space<vmem>> -> memref<16x128xf32, #tpu.memory_space<vmem>>
        %dma_start3A_134 = arith.constant 0 : i32
        %dma_start3A_135 = tpu.memref_slice %arg2[%dma_start3A_134, %multiple_of3A_111] : memref<16x1000000xf32, #tpu.memory_space<hbm>> -> memref<16x128xf32, #tpu.memory_space<hbm>>
        tpu.enqueue_dma source(%dma_start3A_135 : memref<16x128xf32, #tpu.memory_space<hbm>>) target(%dma_start3A_133 : memref<16x128xf32, #tpu.memory_space<vmem>>) target_semaphore(%arg14 : memref<!tpu.dma_semaphore, #tpu.memory_space<semaphore_mem>>)
        %slice3A_136 = vector.extract_strided_slice %get3A_76 {offsets = [2], sizes = [1], strides = [1]} : vector<16xi32> to vector<1xi32>
        %squeeze3A_137 = vector.extract %slice3A_136[0] : i32 from vector<1xi32>
        %and3A_138 = arith.constant -128 : i32
        %and3A_139 = arith.andi %squeeze3A_137, %and3A_138 : i32
        %multiple_of3A_140 = tpu.assume_multiple %and3A_139, 128 : i32
        %dma_start3A_141 = arith.constant 2 : i32
        %dma_start3A_142 = arith.constant 2 : i32
        %dma_start3A_143 = arith.constant 0 : i32
        %dma_start3A_144 = arith.constant 0 : i32
        %dma_start3A_145 = arith.constant 0 : i32
        %dma_start3A_146 = tpu.memref_slice %arg9[%dma_start3A_141, %dma_start3A_143, %dma_start3A_144, %dma_start3A_145] : memref<3x8x16x128xf32, #tpu.memory_space<vmem>> -> memref<1x8x16x128xf32, #tpu.memory_space<vmem>>
        %dma_start3A_147 = tpu.memref_squeeze %dma_start3A_146 : memref<1x8x16x128xf32, #tpu.memory_space<vmem>> -> memref<8x16x128xf32, #tpu.memory_space<vmem>>
        %dma_start3A_148 = arith.constant 0 : i32
        %dma_start3A_149 = arith.constant 0 : i32
        %dma_start3A_150 = tpu.memref_slice %dma_start3A_147[%dma_start3A_142, %dma_start3A_148, %dma_start3A_149] : memref<8x16x128xf32, #tpu.memory_space<vmem>> -> memref<1x16x128xf32, #tpu.memory_space<vmem>>
        %dma_start3A_151 = tpu.memref_squeeze %dma_start3A_150 : memref<1x16x128xf32, #tpu.memory_space<vmem>> -> memref<16x128xf32, #tpu.memory_space<vmem>>
        %dma_start3A_152 = arith.constant 0 : i32
        %dma_start3A_153 = tpu.memref_slice %arg2[%dma_start3A_152, %multiple_of3A_140] : memref<16x1000000xf32, #tpu.memory_space<hbm>> -> memref<16x128xf32, #tpu.memory_space<hbm>>
        %dma_start3A_154 = arith.constant 0 : i32
        %dma_start3A_155 = arith.constant 0 : i32
        %dma_start3A_156 = arith.constant 0 : i32
        %dma_start3A_157 = tpu.memref_slice %arg9[%dma_start3A_141, %dma_start3A_154, %dma_start3A_155, %dma_start3A_156] : memref<3x8x16x128xf32, #tpu.memory_space<vmem>> -> memref<1x8x16x128xf32, #tpu.memory_space<vmem>>
        %dma_start3A_158 = tpu.memref_squeeze %dma_start3A_157 : memref<1x8x16x128xf32, #tpu.memory_space<vmem>> -> memref<8x16x128xf32, #tpu.memory_space<vmem>>
        %dma_start3A_159 = arith.constant 0 : i32
        %dma_start3A_160 = arith.constant 0 : i32
        %dma_start3A_161 = tpu.memref_slice %dma_start3A_158[%dma_start3A_142, %dma_start3A_159, %dma_start3A_160] : memref<8x16x128xf32, #tpu.memory_space<vmem>> -> memref<1x16x128xf32, #tpu.memory_space<vmem>>
        %dma_start3A_162 = tpu.memref_squeeze %dma_start3A_161 : memref<1x16x128xf32, #tpu.memory_space<vmem>> -> memref<16x128xf32, #tpu.memory_space<vmem>>
        %dma_start3A_163 = arith.constant 0 : i32
        %dma_start3A_164 = tpu.memref_slice %arg2[%dma_start3A_163, %multiple_of3A_140] : memref<16x1000000xf32, #tpu.memory_space<hbm>> -> memref<16x128xf32, #tpu.memory_space<hbm>>
        tpu.enqueue_dma source(%dma_start3A_164 : memref<16x128xf32, #tpu.memory_space<hbm>>) target(%dma_start3A_162 : memref<16x128xf32, #tpu.memory_space<vmem>>) target_semaphore(%arg14 : memref<!tpu.dma_semaphore, #tpu.memory_space<semaphore_mem>>)
        %slice3A_165 = vector.extract_strided_slice %get3A_76 {offsets = [3], sizes = [1], strides = [1]} : vector<16xi32> to vector<1xi32>
        %squeeze3A_166 = vector.extract %slice3A_165[0] : i32 from vector<1xi32>
        %and3A_167 = arith.constant -128 : i32
        %and3A_168 = arith.andi %squeeze3A_166, %and3A_167 : i32
        %multiple_of3A_169 = tpu.assume_multiple %and3A_168, 128 : i32
        %dma_start3A_170 = arith.constant 2 : i32
        %dma_start3A_171 = arith.constant 3 : i32
        %dma_start3A_172 = arith.constant 0 : i32
        %dma_start3A_173 = arith.constant 0 : i32
        %dma_start3A_174 = arith.constant 0 : i32
        %dma_start3A_175 = tpu.memref_slice %arg9[%dma_start3A_170, %dma_start3A_172, %dma_start3A_173, %dma_start3A_174] : memref<3x8x16x128xf32, #tpu.memory_space<vmem>> -> memref<1x8x16x128xf32, #tpu.memory_space<vmem>>
        %dma_start3A_176 = tpu.memref_squeeze %dma_start3A_175 : memref<1x8x16x128xf32, #tpu.memory_space<vmem>> -> memref<8x16x128xf32, #tpu.memory_space<vmem>>
        %dma_start3A_177 = arith.constant 0 : i32
        %dma_start3A_178 = arith.constant 0 : i32
        %dma_start3A_179 = tpu.memref_slice %dma_start3A_176[%dma_start3A_171, %dma_start3A_177, %dma_start3A_178] : memref<8x16x128xf32, #tpu.memory_space<vmem>> -> memref<1x16x128xf32, #tpu.memory_space<vmem>>
        %dma_start3A_180 = tpu.memref_squeeze %dma_start3A_179 : memref<1x16x128xf32, #tpu.memory_space<vmem>> -> memref<16x128xf32, #tpu.memory_space<vmem>>
        %dma_start3A_181 = arith.constant 0 : i32
        %dma_start3A_182 = tpu.memref_slice %arg2[%dma_start3A_181, %multiple_of3A_169] : memref<16x1000000xf32, #tpu.memory_space<hbm>> -> memref<16x128xf32, #tpu.memory_space<hbm>>
        %dma_start3A_183 = arith.constant 0 : i32
        %dma_start3A_184 = arith.constant 0 : i32
        %dma_start3A_185 = arith.constant 0 : i32
        %dma_start3A_186 = tpu.memref_slice %arg9[%dma_start3A_170, %dma_start3A_183, %dma_start3A_184, %dma_start3A_185] : memref<3x8x16x128xf32, #tpu.memory_space<vmem>> -> memref<1x8x16x128xf32, #tpu.memory_space<vmem>>
        %dma_start3A_187 = tpu.memref_squeeze %dma_start3A_186 : memref<1x8x16x128xf32, #tpu.memory_space<vmem>> -> memref<8x16x128xf32, #tpu.memory_space<vmem>>
        %dma_start3A_188 = arith.constant 0 : i32
        %dma_start3A_189 = arith.constant 0 : i32
        %dma_start3A_190 = tpu.memref_slice %dma_start3A_187[%dma_start3A_171, %dma_start3A_188, %dma_start3A_189] : memref<8x16x128xf32, #tpu.memory_space<vmem>> -> memref<1x16x128xf32, #tpu.memory_space<vmem>>
        %dma_start3A_191 = tpu.memref_squeeze %dma_start3A_190 : memref<1x16x128xf32, #tpu.memory_space<vmem>> -> memref<16x128xf32, #tpu.memory_space<vmem>>
        %dma_start3A_192 = arith.constant 0 : i32
        %dma_start3A_193 = tpu.memref_slice %arg2[%dma_start3A_192, %multiple_of3A_169] : memref<16x1000000xf32, #tpu.memory_space<hbm>> -> memref<16x128xf32, #tpu.memory_space<hbm>>
        tpu.enqueue_dma source(%dma_start3A_193 : memref<16x128xf32, #tpu.memory_space<hbm>>) target(%dma_start3A_191 : memref<16x128xf32, #tpu.memory_space<vmem>>) target_semaphore(%arg14 : memref<!tpu.dma_semaphore, #tpu.memory_space<semaphore_mem>>)
        %slice3A_194 = vector.extract_strided_slice %get3A_76 {offsets = [4], sizes = [1], strides = [1]} : vector<16xi32> to vector<1xi32>
        %squeeze3A_195 = vector.extract %slice3A_194[0] : i32 from vector<1xi32>
        %and3A_196 = arith.constant -128 : i32
        %and3A_197 = arith.andi %squeeze3A_195, %and3A_196 : i32
        %multiple_of3A_198 = tpu.assume_multiple %and3A_197, 128 : i32
        %dma_start3A_199 = arith.constant 2 : i32
        %dma_start3A_200 = arith.constant 4 : i32
        %dma_start3A_201 = arith.constant 0 : i32
        %dma_start3A_202 = arith.constant 0 : i32
        %dma_start3A_203 = arith.constant 0 : i32
        %dma_start3A_204 = tpu.memref_slice %arg9[%dma_start3A_199, %dma_start3A_201, %dma_start3A_202, %dma_start3A_203] : memref<3x8x16x128xf32, #tpu.memory_space<vmem>> -> memref<1x8x16x128xf32, #tpu.memory_space<vmem>>
        %dma_start3A_205 = tpu.memref_squeeze %dma_start3A_204 : memref<1x8x16x128xf32, #tpu.memory_space<vmem>> -> memref<8x16x128xf32, #tpu.memory_space<vmem>>
        %dma_start3A_206 = arith.constant 0 : i32
        %dma_start3A_207 = arith.constant 0 : i32
        %dma_start3A_208 = tpu.memref_slice %dma_start3A_205[%dma_start3A_200, %dma_start3A_206, %dma_start3A_207] : memref<8x16x128xf32, #tpu.memory_space<vmem>> -> memref<1x16x128xf32, #tpu.memory_space<vmem>>
        %dma_start3A_209 = tpu.memref_squeeze %dma_start3A_208 : memref<1x16x128xf32, #tpu.memory_space<vmem>> -> memref<16x128xf32, #tpu.memory_space<vmem>>
        %dma_start3A_210 = arith.constant 0 : i32
        %dma_start3A_211 = tpu.memref_slice %arg2[%dma_start3A_210, %multiple_of3A_198] : memref<16x1000000xf32, #tpu.memory_space<hbm>> -> memref<16x128xf32, #tpu.memory_space<hbm>>
        %dma_start3A_212 = arith.constant 0 : i32
        %dma_start3A_213 = arith.constant 0 : i32
        %dma_start3A_214 = arith.constant 0 : i32
        %dma_start3A_215 = tpu.memref_slice %arg9[%dma_start3A_199, %dma_start3A_212, %dma_start3A_213, %dma_start3A_214] : memref<3x8x16x128xf32, #tpu.memory_space<vmem>> -> memref<1x8x16x128xf32, #tpu.memory_space<vmem>>
        %dma_start3A_216 = tpu.memref_squeeze %dma_start3A_215 : memref<1x8x16x128xf32, #tpu.memory_space<vmem>> -> memref<8x16x128xf32, #tpu.memory_space<vmem>>
        %dma_start3A_217 = arith.constant 0 : i32
        %dma_start3A_218 = arith.constant 0 : i32
        %dma_start3A_219 = tpu.memref_slice %dma_start3A_216[%dma_start3A_200, %dma_start3A_217, %dma_start3A_218] : memref<8x16x128xf32, #tpu.memory_space<vmem>> -> memref<1x16x128xf32, #tpu.memory_space<vmem>>
        %dma_start3A_220 = tpu.memref_squeeze %dma_start3A_219 : memref<1x16x128xf32, #tpu.memory_space<vmem>> -> memref<16x128xf32, #tpu.memory_space<vmem>>
        %dma_start3A_221 = arith.constant 0 : i32
        %dma_start3A_222 = tpu.memref_slice %arg2[%dma_start3A_221, %multiple_of3A_198] : memref<16x1000000xf32, #tpu.memory_space<hbm>> -> memref<16x128xf32, #tpu.memory_space<hbm>>
        tpu.enqueue_dma source(%dma_start3A_222 : memref<16x128xf32, #tpu.memory_space<hbm>>) target(%dma_start3A_220 : memref<16x128xf32, #tpu.memory_space<vmem>>) target_semaphore(%arg14 : memref<!tpu.dma_semaphore, #tpu.memory_space<semaphore_mem>>)
        %slice3A_223 = vector.extract_strided_slice %get3A_76 {offsets = [5], sizes = [1], strides = [1]} : vector<16xi32> to vector<1xi32>
        %squeeze3A_224 = vector.extract %slice3A_223[0] : i32 from vector<1xi32>
        %and3A_225 = arith.constant -128 : i32
        %and3A_226 = arith.andi %squeeze3A_224, %and3A_225 : i32
        %multiple_of3A_227 = tpu.assume_multiple %and3A_226, 128 : i32
        %dma_start3A_228 = arith.constant 2 : i32
        %dma_start3A_229 = arith.constant 5 : i32
        %dma_start3A_230 = arith.constant 0 : i32
        %dma_start3A_231 = arith.constant 0 : i32
        %dma_start3A_232 = arith.constant 0 : i32
        %dma_start3A_233 = tpu.memref_slice %arg9[%dma_start3A_228, %dma_start3A_230, %dma_start3A_231, %dma_start3A_232] : memref<3x8x16x128xf32, #tpu.memory_space<vmem>> -> memref<1x8x16x128xf32, #tpu.memory_space<vmem>>
        %dma_start3A_234 = tpu.memref_squeeze %dma_start3A_233 : memref<1x8x16x128xf32, #tpu.memory_space<vmem>> -> memref<8x16x128xf32, #tpu.memory_space<vmem>>
        %dma_start3A_235 = arith.constant 0 : i32
        %dma_start3A_236 = arith.constant 0 : i32
        %dma_start3A_237 = tpu.memref_slice %dma_start3A_234[%dma_start3A_229, %dma_start3A_235, %dma_start3A_236] : memref<8x16x128xf32, #tpu.memory_space<vmem>> -> memref<1x16x128xf32, #tpu.memory_space<vmem>>
        %dma_start3A_238 = tpu.memref_squeeze %dma_start3A_237 : memref<1x16x128xf32, #tpu.memory_space<vmem>> -> memref<16x128xf32, #tpu.memory_space<vmem>>
        %dma_start3A_239 = arith.constant 0 : i32
        %dma_start3A_240 = tpu.memref_slice %arg2[%dma_start3A_239, %multiple_of3A_227] : memref<16x1000000xf32, #tpu.memory_space<hbm>> -> memref<16x128xf32, #tpu.memory_space<hbm>>
        %dma_start3A_241 = arith.constant 0 : i32
        %dma_start3A_242 = arith.constant 0 : i32
        %dma_start3A_243 = arith.constant 0 : i32
        %dma_start3A_244 = tpu.memref_slice %arg9[%dma_start3A_228, %dma_start3A_241, %dma_start3A_242, %dma_start3A_243] : memref<3x8x16x128xf32, #tpu.memory_space<vmem>> -> memref<1x8x16x128xf32, #tpu.memory_space<vmem>>
        %dma_start3A_245 = tpu.memref_squeeze %dma_start3A_244 : memref<1x8x16x128xf32, #tpu.memory_space<vmem>> -> memref<8x16x128xf32, #tpu.memory_space<vmem>>
        %dma_start3A_246 = arith.constant 0 : i32
        %dma_start3A_247 = arith.constant 0 : i32
        %dma_start3A_248 = tpu.memref_slice %dma_start3A_245[%dma_start3A_229, %dma_start3A_246, %dma_start3A_247] : memref<8x16x128xf32, #tpu.memory_space<vmem>> -> memref<1x16x128xf32, #tpu.memory_space<vmem>>
        %dma_start3A_249 = tpu.memref_squeeze %dma_start3A_248 : memref<1x16x128xf32, #tpu.memory_space<vmem>> -> memref<16x128xf32, #tpu.memory_space<vmem>>
        %dma_start3A_250 = arith.constant 0 : i32
        %dma_start3A_251 = tpu.memref_slice %arg2[%dma_start3A_250, %multiple_of3A_227] : memref<16x1000000xf32, #tpu.memory_space<hbm>> -> memref<16x128xf32, #tpu.memory_space<hbm>>
        tpu.enqueue_dma source(%dma_start3A_251 : memref<16x128xf32, #tpu.memory_space<hbm>>) target(%dma_start3A_249 : memref<16x128xf32, #tpu.memory_space<vmem>>) target_semaphore(%arg14 : memref<!tpu.dma_semaphore, #tpu.memory_space<semaphore_mem>>)
        %slice3A_252 = vector.extract_strided_slice %get3A_76 {offsets = [6], sizes = [1], strides = [1]} : vector<16xi32> to vector<1xi32>
        %squeeze3A_253 = vector.extract %slice3A_252[0] : i32 from vector<1xi32>
        %and3A_254 = arith.constant -128 : i32
        %and3A_255 = arith.andi %squeeze3A_253, %and3A_254 : i32
        %multiple_of3A_256 = tpu.assume_multiple %and3A_255, 128 : i32
        %dma_start3A_257 = arith.constant 2 : i32
        %dma_start3A_258 = arith.constant 6 : i32
        %dma_start3A_259 = arith.constant 0 : i32
        %dma_start3A_260 = arith.constant 0 : i32
        %dma_start3A_261 = arith.constant 0 : i32
        %dma_start3A_262 = tpu.memref_slice %arg9[%dma_start3A_257, %dma_start3A_259, %dma_start3A_260, %dma_start3A_261] : memref<3x8x16x128xf32, #tpu.memory_space<vmem>> -> memref<1x8x16x128xf32, #tpu.memory_space<vmem>>
        %dma_start3A_263 = tpu.memref_squeeze %dma_start3A_262 : memref<1x8x16x128xf32, #tpu.memory_space<vmem>> -> memref<8x16x128xf32, #tpu.memory_space<vmem>>
        %dma_start3A_264 = arith.constant 0 : i32
        %dma_start3A_265 = arith.constant 0 : i32
        %dma_start3A_266 = tpu.memref_slice %dma_start3A_263[%dma_start3A_258, %dma_start3A_264, %dma_start3A_265] : memref<8x16x128xf32, #tpu.memory_space<vmem>> -> memref<1x16x128xf32, #tpu.memory_space<vmem>>
        %dma_start3A_267 = tpu.memref_squeeze %dma_start3A_266 : memref<1x16x128xf32, #tpu.memory_space<vmem>> -> memref<16x128xf32, #tpu.memory_space<vmem>>
        %dma_start3A_268 = arith.constant 0 : i32
        %dma_start3A_269 = tpu.memref_slice %arg2[%dma_start3A_268, %multiple_of3A_256] : memref<16x1000000xf32, #tpu.memory_space<hbm>> -> memref<16x128xf32, #tpu.memory_space<hbm>>
        %dma_start3A_270 = arith.constant 0 : i32
        %dma_start3A_271 = arith.constant 0 : i32
        %dma_start3A_272 = arith.constant 0 : i32
        %dma_start3A_273 = tpu.memref_slice %arg9[%dma_start3A_257, %dma_start3A_270, %dma_start3A_271, %dma_start3A_272] : memref<3x8x16x128xf32, #tpu.memory_space<vmem>> -> memref<1x8x16x128xf32, #tpu.memory_space<vmem>>
        %dma_start3A_274 = tpu.memref_squeeze %dma_start3A_273 : memref<1x8x16x128xf32, #tpu.memory_space<vmem>> -> memref<8x16x128xf32, #tpu.memory_space<vmem>>
        %dma_start3A_275 = arith.constant 0 : i32
        %dma_start3A_276 = arith.constant 0 : i32
        %dma_start3A_277 = tpu.memref_slice %dma_start3A_274[%dma_start3A_258, %dma_start3A_275, %dma_start3A_276] : memref<8x16x128xf32, #tpu.memory_space<vmem>> -> memref<1x16x128xf32, #tpu.memory_space<vmem>>
        %dma_start3A_278 = tpu.memref_squeeze %dma_start3A_277 : memref<1x16x128xf32, #tpu.memory_space<vmem>> -> memref<16x128xf32, #tpu.memory_space<vmem>>
        %dma_start3A_279 = arith.constant 0 : i32
        %dma_start3A_280 = tpu.memref_slice %arg2[%dma_start3A_279, %multiple_of3A_256] : memref<16x1000000xf32, #tpu.memory_space<hbm>> -> memref<16x128xf32, #tpu.memory_space<hbm>>
        tpu.enqueue_dma source(%dma_start3A_280 : memref<16x128xf32, #tpu.memory_space<hbm>>) target(%dma_start3A_278 : memref<16x128xf32, #tpu.memory_space<vmem>>) target_semaphore(%arg14 : memref<!tpu.dma_semaphore, #tpu.memory_space<semaphore_mem>>)
        %slice3A_281 = vector.extract_strided_slice %get3A_76 {offsets = [7], sizes = [1], strides = [1]} : vector<16xi32> to vector<1xi32>
        %squeeze3A_282 = vector.extract %slice3A_281[0] : i32 from vector<1xi32>
        %and3A_283 = arith.constant -128 : i32
        %and3A_284 = arith.andi %squeeze3A_282, %and3A_283 : i32
        %multiple_of3A_285 = tpu.assume_multiple %and3A_284, 128 : i32
        %dma_start3A_286 = arith.constant 2 : i32
        %dma_start3A_287 = arith.constant 7 : i32
        %dma_start3A_288 = arith.constant 0 : i32
        %dma_start3A_289 = arith.constant 0 : i32
        %dma_start3A_290 = arith.constant 0 : i32
        %dma_start3A_291 = tpu.memref_slice %arg9[%dma_start3A_286, %dma_start3A_288, %dma_start3A_289, %dma_start3A_290] : memref<3x8x16x128xf32, #tpu.memory_space<vmem>> -> memref<1x8x16x128xf32, #tpu.memory_space<vmem>>
        %dma_start3A_292 = tpu.memref_squeeze %dma_start3A_291 : memref<1x8x16x128xf32, #tpu.memory_space<vmem>> -> memref<8x16x128xf32, #tpu.memory_space<vmem>>
        %dma_start3A_293 = arith.constant 0 : i32
        %dma_start3A_294 = arith.constant 0 : i32
        %dma_start3A_295 = tpu.memref_slice %dma_start3A_292[%dma_start3A_287, %dma_start3A_293, %dma_start3A_294] : memref<8x16x128xf32, #tpu.memory_space<vmem>> -> memref<1x16x128xf32, #tpu.memory_space<vmem>>
        %dma_start3A_296 = tpu.memref_squeeze %dma_start3A_295 : memref<1x16x128xf32, #tpu.memory_space<vmem>> -> memref<16x128xf32, #tpu.memory_space<vmem>>
        %dma_start3A_297 = arith.constant 0 : i32
        %dma_start3A_298 = tpu.memref_slice %arg2[%dma_start3A_297, %multiple_of3A_285] : memref<16x1000000xf32, #tpu.memory_space<hbm>> -> memref<16x128xf32, #tpu.memory_space<hbm>>
        %dma_start3A_299 = arith.constant 0 : i32
        %dma_start3A_300 = arith.constant 0 : i32
        %dma_start3A_301 = arith.constant 0 : i32
        %dma_start3A_302 = tpu.memref_slice %arg9[%dma_start3A_286, %dma_start3A_299, %dma_start3A_300, %dma_start3A_301] : memref<3x8x16x128xf32, #tpu.memory_space<vmem>> -> memref<1x8x16x128xf32, #tpu.memory_space<vmem>>
        %dma_start3A_303 = tpu.memref_squeeze %dma_start3A_302 : memref<1x8x16x128xf32, #tpu.memory_space<vmem>> -> memref<8x16x128xf32, #tpu.memory_space<vmem>>
        %dma_start3A_304 = arith.constant 0 : i32
        %dma_start3A_305 = arith.constant 0 : i32
        %dma_start3A_306 = tpu.memref_slice %dma_start3A_303[%dma_start3A_287, %dma_start3A_304, %dma_start3A_305] : memref<8x16x128xf32, #tpu.memory_space<vmem>> -> memref<1x16x128xf32, #tpu.memory_space<vmem>>
        %dma_start3A_307 = tpu.memref_squeeze %dma_start3A_306 : memref<1x16x128xf32, #tpu.memory_space<vmem>> -> memref<16x128xf32, #tpu.memory_space<vmem>>
        %dma_start3A_308 = arith.constant 0 : i32
        %dma_start3A_309 = tpu.memref_slice %arg2[%dma_start3A_308, %multiple_of3A_285] : memref<16x1000000xf32, #tpu.memory_space<hbm>> -> memref<16x128xf32, #tpu.memory_space<hbm>>
        tpu.enqueue_dma source(%dma_start3A_309 : memref<16x128xf32, #tpu.memory_space<hbm>>) target(%dma_start3A_307 : memref<16x128xf32, #tpu.memory_space<vmem>>) target_semaphore(%arg14 : memref<!tpu.dma_semaphore, #tpu.memory_space<semaphore_mem>>)
        %slice3A_310 = vector.extract_strided_slice %get3A_80 {offsets = [0], sizes = [1], strides = [1]} : vector<16xi32> to vector<1xi32>
        %squeeze3A_311 = vector.extract %slice3A_310[0] : i32 from vector<1xi32>
        %and3A_312 = arith.constant -128 : i32
        %and3A_313 = arith.andi %squeeze3A_311, %and3A_312 : i32
        %multiple_of3A_314 = tpu.assume_multiple %and3A_313, 128 : i32
        %dma_start3A_315 = arith.constant 2 : i32
        %dma_start3A_316 = arith.constant 0 : i32
        %dma_start3A_317 = arith.constant 0 : i32
        %dma_start3A_318 = arith.constant 0 : i32
        %dma_start3A_319 = arith.constant 0 : i32
        %dma_start3A_320 = tpu.memref_slice %arg10[%dma_start3A_315, %dma_start3A_317, %dma_start3A_318, %dma_start3A_319] : memref<3x8x16x128xf32, #tpu.memory_space<vmem>> -> memref<1x8x16x128xf32, #tpu.memory_space<vmem>>
        %dma_start3A_321 = tpu.memref_squeeze %dma_start3A_320 : memref<1x8x16x128xf32, #tpu.memory_space<vmem>> -> memref<8x16x128xf32, #tpu.memory_space<vmem>>
        %dma_start3A_322 = arith.constant 0 : i32
        %dma_start3A_323 = arith.constant 0 : i32
        %dma_start3A_324 = tpu.memref_slice %dma_start3A_321[%dma_start3A_316, %dma_start3A_322, %dma_start3A_323] : memref<8x16x128xf32, #tpu.memory_space<vmem>> -> memref<1x16x128xf32, #tpu.memory_space<vmem>>
        %dma_start3A_325 = tpu.memref_squeeze %dma_start3A_324 : memref<1x16x128xf32, #tpu.memory_space<vmem>> -> memref<16x128xf32, #tpu.memory_space<vmem>>
        %dma_start3A_326 = arith.constant 0 : i32
        %dma_start3A_327 = tpu.memref_slice %arg3[%dma_start3A_326, %multiple_of3A_314] : memref<16x1000000xf32, #tpu.memory_space<hbm>> -> memref<16x128xf32, #tpu.memory_space<hbm>>
        %dma_start3A_328 = arith.constant 0 : i32
        %dma_start3A_329 = arith.constant 0 : i32
        %dma_start3A_330 = arith.constant 0 : i32
        %dma_start3A_331 = tpu.memref_slice %arg10[%dma_start3A_315, %dma_start3A_328, %dma_start3A_329, %dma_start3A_330] : memref<3x8x16x128xf32, #tpu.memory_space<vmem>> -> memref<1x8x16x128xf32, #tpu.memory_space<vmem>>
        %dma_start3A_332 = tpu.memref_squeeze %dma_start3A_331 : memref<1x8x16x128xf32, #tpu.memory_space<vmem>> -> memref<8x16x128xf32, #tpu.memory_space<vmem>>
        %dma_start3A_333 = arith.constant 0 : i32
        %dma_start3A_334 = arith.constant 0 : i32
        %dma_start3A_335 = tpu.memref_slice %dma_start3A_332[%dma_start3A_316, %dma_start3A_333, %dma_start3A_334] : memref<8x16x128xf32, #tpu.memory_space<vmem>> -> memref<1x16x128xf32, #tpu.memory_space<vmem>>
        %dma_start3A_336 = tpu.memref_squeeze %dma_start3A_335 : memref<1x16x128xf32, #tpu.memory_space<vmem>> -> memref<16x128xf32, #tpu.memory_space<vmem>>
        %dma_start3A_337 = arith.constant 0 : i32
        %dma_start3A_338 = tpu.memref_slice %arg3[%dma_start3A_337, %multiple_of3A_314] : memref<16x1000000xf32, #tpu.memory_space<hbm>> -> memref<16x128xf32, #tpu.memory_space<hbm>>
        tpu.enqueue_dma source(%dma_start3A_338 : memref<16x128xf32, #tpu.memory_space<hbm>>) target(%dma_start3A_336 : memref<16x128xf32, #tpu.memory_space<vmem>>) target_semaphore(%arg14 : memref<!tpu.dma_semaphore, #tpu.memory_space<semaphore_mem>>)
        %slice3A_339 = vector.extract_strided_slice %get3A_80 {offsets = [1], sizes = [1], strides = [1]} : vector<16xi32> to vector<1xi32>
        %squeeze3A_340 = vector.extract %slice3A_339[0] : i32 from vector<1xi32>
        %and3A_341 = arith.constant -128 : i32
        %and3A_342 = arith.andi %squeeze3A_340, %and3A_341 : i32
        %multiple_of3A_343 = tpu.assume_multiple %and3A_342, 128 : i32
        %dma_start3A_344 = arith.constant 2 : i32
        %dma_start3A_345 = arith.constant 1 : i32
        %dma_start3A_346 = arith.constant 0 : i32
        %dma_start3A_347 = arith.constant 0 : i32
        %dma_start3A_348 = arith.constant 0 : i32
        %dma_start3A_349 = tpu.memref_slice %arg10[%dma_start3A_344, %dma_start3A_346, %dma_start3A_347, %dma_start3A_348] : memref<3x8x16x128xf32, #tpu.memory_space<vmem>> -> memref<1x8x16x128xf32, #tpu.memory_space<vmem>>
        %dma_start3A_350 = tpu.memref_squeeze %dma_start3A_349 : memref<1x8x16x128xf32, #tpu.memory_space<vmem>> -> memref<8x16x128xf32, #tpu.memory_space<vmem>>
        %dma_start3A_351 = arith.constant 0 : i32
        %dma_start3A_352 = arith.constant 0 : i32
        %dma_start3A_353 = tpu.memref_slice %dma_start3A_350[%dma_start3A_345, %dma_start3A_351, %dma_start3A_352] : memref<8x16x128xf32, #tpu.memory_space<vmem>> -> memref<1x16x128xf32, #tpu.memory_space<vmem>>
        %dma_start3A_354 = tpu.memref_squeeze %dma_start3A_353 : memref<1x16x128xf32, #tpu.memory_space<vmem>> -> memref<16x128xf32, #tpu.memory_space<vmem>>
        %dma_start3A_355 = arith.constant 0 : i32
        %dma_start3A_356 = tpu.memref_slice %arg3[%dma_start3A_355, %multiple_of3A_343] : memref<16x1000000xf32, #tpu.memory_space<hbm>> -> memref<16x128xf32, #tpu.memory_space<hbm>>
        %dma_start3A_357 = arith.constant 0 : i32
        %dma_start3A_358 = arith.constant 0 : i32
        %dma_start3A_359 = arith.constant 0 : i32
        %dma_start3A_360 = tpu.memref_slice %arg10[%dma_start3A_344, %dma_start3A_357, %dma_start3A_358, %dma_start3A_359] : memref<3x8x16x128xf32, #tpu.memory_space<vmem>> -> memref<1x8x16x128xf32, #tpu.memory_space<vmem>>
        %dma_start3A_361 = tpu.memref_squeeze %dma_start3A_360 : memref<1x8x16x128xf32, #tpu.memory_space<vmem>> -> memref<8x16x128xf32, #tpu.memory_space<vmem>>
        %dma_start3A_362 = arith.constant 0 : i32
        %dma_start3A_363 = arith.constant 0 : i32
        %dma_start3A_364 = tpu.memref_slice %dma_start3A_361[%dma_start3A_345, %dma_start3A_362, %dma_start3A_363] : memref<8x16x128xf32, #tpu.memory_space<vmem>> -> memref<1x16x128xf32, #tpu.memory_space<vmem>>
        %dma_start3A_365 = tpu.memref_squeeze %dma_start3A_364 : memref<1x16x128xf32, #tpu.memory_space<vmem>> -> memref<16x128xf32, #tpu.memory_space<vmem>>
        %dma_start3A_366 = arith.constant 0 : i32
        %dma_start3A_367 = tpu.memref_slice %arg3[%dma_start3A_366, %multiple_of3A_343] : memref<16x1000000xf32, #tpu.memory_space<hbm>> -> memref<16x128xf32, #tpu.memory_space<hbm>>
        tpu.enqueue_dma source(%dma_start3A_367 : memref<16x128xf32, #tpu.memory_space<hbm>>) target(%dma_start3A_365 : memref<16x128xf32, #tpu.memory_space<vmem>>) target_semaphore(%arg14 : memref<!tpu.dma_semaphore, #tpu.memory_space<semaphore_mem>>)
        %slice3A_368 = vector.extract_strided_slice %get3A_80 {offsets = [2], sizes = [1], strides = [1]} : vector<16xi32> to vector<1xi32>
        %squeeze3A_369 = vector.extract %slice3A_368[0] : i32 from vector<1xi32>
        %and3A_370 = arith.constant -128 : i32
        %and3A_371 = arith.andi %squeeze3A_369, %and3A_370 : i32
        %multiple_of3A_372 = tpu.assume_multiple %and3A_371, 128 : i32
        %dma_start3A_373 = arith.constant 2 : i32
        %dma_start3A_374 = arith.constant 2 : i32
        %dma_start3A_375 = arith.constant 0 : i32
        %dma_start3A_376 = arith.constant 0 : i32
        %dma_start3A_377 = arith.constant 0 : i32
        %dma_start3A_378 = tpu.memref_slice %arg10[%dma_start3A_373, %dma_start3A_375, %dma_start3A_376, %dma_start3A_377] : memref<3x8x16x128xf32, #tpu.memory_space<vmem>> -> memref<1x8x16x128xf32, #tpu.memory_space<vmem>>
        %dma_start3A_379 = tpu.memref_squeeze %dma_start3A_378 : memref<1x8x16x128xf32, #tpu.memory_space<vmem>> -> memref<8x16x128xf32, #tpu.memory_space<vmem>>
        %dma_start3A_380 = arith.constant 0 : i32
        %dma_start3A_381 = arith.constant 0 : i32
        %dma_start3A_382 = tpu.memref_slice %dma_start3A_379[%dma_start3A_374, %dma_start3A_380, %dma_start3A_381] : memref<8x16x128xf32, #tpu.memory_space<vmem>> -> memref<1x16x128xf32, #tpu.memory_space<vmem>>
        %dma_start3A_383 = tpu.memref_squeeze %dma_start3A_382 : memref<1x16x128xf32, #tpu.memory_space<vmem>> -> memref<16x128xf32, #tpu.memory_space<vmem>>
        %dma_start3A_384 = arith.constant 0 : i32
        %dma_start3A_385 = tpu.memref_slice %arg3[%dma_start3A_384, %multiple_of3A_372] : memref<16x1000000xf32, #tpu.memory_space<hbm>> -> memref<16x128xf32, #tpu.memory_space<hbm>>
        %dma_start3A_386 = arith.constant 0 : i32
        %dma_start3A_387 = arith.constant 0 : i32
        %dma_start3A_388 = arith.constant 0 : i32
        %dma_start3A_389 = tpu.memref_slice %arg10[%dma_start3A_373, %dma_start3A_386, %dma_start3A_387, %dma_start3A_388] : memref<3x8x16x128xf32, #tpu.memory_space<vmem>> -> memref<1x8x16x128xf32, #tpu.memory_space<vmem>>
        %dma_start3A_390 = tpu.memref_squeeze %dma_start3A_389 : memref<1x8x16x128xf32, #tpu.memory_space<vmem>> -> memref<8x16x128xf32, #tpu.memory_space<vmem>>
        %dma_start3A_391 = arith.constant 0 : i32
        %dma_start3A_392 = arith.constant 0 : i32
        %dma_start3A_393 = tpu.memref_slice %dma_start3A_390[%dma_start3A_374, %dma_start3A_391, %dma_start3A_392] : memref<8x16x128xf32, #tpu.memory_space<vmem>> -> memref<1x16x128xf32, #tpu.memory_space<vmem>>
        %dma_start3A_394 = tpu.memref_squeeze %dma_start3A_393 : memref<1x16x128xf32, #tpu.memory_space<vmem>> -> memref<16x128xf32, #tpu.memory_space<vmem>>
        %dma_start3A_395 = arith.constant 0 : i32
        %dma_start3A_396 = tpu.memref_slice %arg3[%dma_start3A_395, %multiple_of3A_372] : memref<16x1000000xf32, #tpu.memory_space<hbm>> -> memref<16x128xf32, #tpu.memory_space<hbm>>
        tpu.enqueue_dma source(%dma_start3A_396 : memref<16x128xf32, #tpu.memory_space<hbm>>) target(%dma_start3A_394 : memref<16x128xf32, #tpu.memory_space<vmem>>) target_semaphore(%arg14 : memref<!tpu.dma_semaphore, #tpu.memory_space<semaphore_mem>>)
        %slice3A_397 = vector.extract_strided_slice %get3A_80 {offsets = [3], sizes = [1], strides = [1]} : vector<16xi32> to vector<1xi32>
        %squeeze3A_398 = vector.extract %slice3A_397[0] : i32 from vector<1xi32>
        %and3A_399 = arith.constant -128 : i32
        %and3A_400 = arith.andi %squeeze3A_398, %and3A_399 : i32
        %multiple_of3A_401 = tpu.assume_multiple %and3A_400, 128 : i32
        %dma_start3A_402 = arith.constant 2 : i32
        %dma_start3A_403 = arith.constant 3 : i32
        %dma_start3A_404 = arith.constant 0 : i32
        %dma_start3A_405 = arith.constant 0 : i32
        %dma_start3A_406 = arith.constant 0 : i32
        %dma_start3A_407 = tpu.memref_slice %arg10[%dma_start3A_402, %dma_start3A_404, %dma_start3A_405, %dma_start3A_406] : memref<3x8x16x128xf32, #tpu.memory_space<vmem>> -> memref<1x8x16x128xf32, #tpu.memory_space<vmem>>
        %dma_start3A_408 = tpu.memref_squeeze %dma_start3A_407 : memref<1x8x16x128xf32, #tpu.memory_space<vmem>> -> memref<8x16x128xf32, #tpu.memory_space<vmem>>
        %dma_start3A_409 = arith.constant 0 : i32
        %dma_start3A_410 = arith.constant 0 : i32
        %dma_start3A_411 = tpu.memref_slice %dma_start3A_408[%dma_start3A_403, %dma_start3A_409, %dma_start3A_410] : memref<8x16x128xf32, #tpu.memory_space<vmem>> -> memref<1x16x128xf32, #tpu.memory_space<vmem>>
        %dma_start3A_412 = tpu.memref_squeeze %dma_start3A_411 : memref<1x16x128xf32, #tpu.memory_space<vmem>> -> memref<16x128xf32, #tpu.memory_space<vmem>>
        %dma_start3A_413 = arith.constant 0 : i32
        %dma_start3A_414 = tpu.memref_slice %arg3[%dma_start3A_413, %multiple_of3A_401] : memref<16x1000000xf32, #tpu.memory_space<hbm>> -> memref<16x128xf32, #tpu.memory_space<hbm>>
        %dma_start3A_415 = arith.constant 0 : i32
        %dma_start3A_416 = arith.constant 0 : i32
        %dma_start3A_417 = arith.constant 0 : i32
        %dma_start3A_418 = tpu.memref_slice %arg10[%dma_start3A_402, %dma_start3A_415, %dma_start3A_416, %dma_start3A_417] : memref<3x8x16x128xf32, #tpu.memory_space<vmem>> -> memref<1x8x16x128xf32, #tpu.memory_space<vmem>>
        %dma_start3A_419 = tpu.memref_squeeze %dma_start3A_418 : memref<1x8x16x128xf32, #tpu.memory_space<vmem>> -> memref<8x16x128xf32, #tpu.memory_space<vmem>>
        %dma_start3A_420 = arith.constant 0 : i32
        %dma_start3A_421 = arith.constant 0 : i32
        %dma_start3A_422 = tpu.memref_slice %dma_start3A_419[%dma_start3A_403, %dma_start3A_420, %dma_start3A_421] : memref<8x16x128xf32, #tpu.memory_space<vmem>> -> memref<1x16x128xf32, #tpu.memory_space<vmem>>
        %dma_start3A_423 = tpu.memref_squeeze %dma_start3A_422 : memref<1x16x128xf32, #tpu.memory_space<vmem>> -> memref<16x128xf32, #tpu.memory_space<vmem>>
        %dma_start3A_424 = arith.constant 0 : i32
        %dma_start3A_425 = tpu.memref_slice %arg3[%dma_start3A_424, %multiple_of3A_401] : memref<16x1000000xf32, #tpu.memory_space<hbm>> -> memref<16x128xf32, #tpu.memory_space<hbm>>
        tpu.enqueue_dma source(%dma_start3A_425 : memref<16x128xf32, #tpu.memory_space<hbm>>) target(%dma_start3A_423 : memref<16x128xf32, #tpu.memory_space<vmem>>) target_semaphore(%arg14 : memref<!tpu.dma_semaphore, #tpu.memory_space<semaphore_mem>>)
        %slice3A_426 = vector.extract_strided_slice %get3A_80 {offsets = [4], sizes = [1], strides = [1]} : vector<16xi32> to vector<1xi32>
        %squeeze3A_427 = vector.extract %slice3A_426[0] : i32 from vector<1xi32>
        %and3A_428 = arith.constant -128 : i32
        %and3A_429 = arith.andi %squeeze3A_427, %and3A_428 : i32
        %multiple_of3A_430 = tpu.assume_multiple %and3A_429, 128 : i32
        %dma_start3A_431 = arith.constant 2 : i32
        %dma_start3A_432 = arith.constant 4 : i32
        %dma_start3A_433 = arith.constant 0 : i32
        %dma_start3A_434 = arith.constant 0 : i32
        %dma_start3A_435 = arith.constant 0 : i32
        %dma_start3A_436 = tpu.memref_slice %arg10[%dma_start3A_431, %dma_start3A_433, %dma_start3A_434, %dma_start3A_435] : memref<3x8x16x128xf32, #tpu.memory_space<vmem>> -> memref<1x8x16x128xf32, #tpu.memory_space<vmem>>
        %dma_start3A_437 = tpu.memref_squeeze %dma_start3A_436 : memref<1x8x16x128xf32, #tpu.memory_space<vmem>> -> memref<8x16x128xf32, #tpu.memory_space<vmem>>
        %dma_start3A_438 = arith.constant 0 : i32
        %dma_start3A_439 = arith.constant 0 : i32
        %dma_start3A_440 = tpu.memref_slice %dma_start3A_437[%dma_start3A_432, %dma_start3A_438, %dma_start3A_439] : memref<8x16x128xf32, #tpu.memory_space<vmem>> -> memref<1x16x128xf32, #tpu.memory_space<vmem>>
        %dma_start3A_441 = tpu.memref_squeeze %dma_start3A_440 : memref<1x16x128xf32, #tpu.memory_space<vmem>> -> memref<16x128xf32, #tpu.memory_space<vmem>>
        %dma_start3A_442 = arith.constant 0 : i32
        %dma_start3A_443 = tpu.memref_slice %arg3[%dma_start3A_442, %multiple_of3A_430] : memref<16x1000000xf32, #tpu.memory_space<hbm>> -> memref<16x128xf32, #tpu.memory_space<hbm>>
        %dma_start3A_444 = arith.constant 0 : i32
        %dma_start3A_445 = arith.constant 0 : i32
        %dma_start3A_446 = arith.constant 0 : i32
        %dma_start3A_447 = tpu.memref_slice %arg10[%dma_start3A_431, %dma_start3A_444, %dma_start3A_445, %dma_start3A_446] : memref<3x8x16x128xf32, #tpu.memory_space<vmem>> -> memref<1x8x16x128xf32, #tpu.memory_space<vmem>>
        %dma_start3A_448 = tpu.memref_squeeze %dma_start3A_447 : memref<1x8x16x128xf32, #tpu.memory_space<vmem>> -> memref<8x16x128xf32, #tpu.memory_space<vmem>>
        %dma_start3A_449 = arith.constant 0 : i32
        %dma_start3A_450 = arith.constant 0 : i32
        %dma_start3A_451 = tpu.memref_slice %dma_start3A_448[%dma_start3A_432, %dma_start3A_449, %dma_start3A_450] : memref<8x16x128xf32, #tpu.memory_space<vmem>> -> memref<1x16x128xf32, #tpu.memory_space<vmem>>
        %dma_start3A_452 = tpu.memref_squeeze %dma_start3A_451 : memref<1x16x128xf32, #tpu.memory_space<vmem>> -> memref<16x128xf32, #tpu.memory_space<vmem>>
        %dma_start3A_453 = arith.constant 0 : i32
        %dma_start3A_454 = tpu.memref_slice %arg3[%dma_start3A_453, %multiple_of3A_430] : memref<16x1000000xf32, #tpu.memory_space<hbm>> -> memref<16x128xf32, #tpu.memory_space<hbm>>
        tpu.enqueue_dma source(%dma_start3A_454 : memref<16x128xf32, #tpu.memory_space<hbm>>) target(%dma_start3A_452 : memref<16x128xf32, #tpu.memory_space<vmem>>) target_semaphore(%arg14 : memref<!tpu.dma_semaphore, #tpu.memory_space<semaphore_mem>>)
        %slice3A_455 = vector.extract_strided_slice %get3A_80 {offsets = [5], sizes = [1], strides = [1]} : vector<16xi32> to vector<1xi32>
        %squeeze3A_456 = vector.extract %slice3A_455[0] : i32 from vector<1xi32>
        %and3A_457 = arith.constant -128 : i32
        %and3A_458 = arith.andi %squeeze3A_456, %and3A_457 : i32
        %multiple_of3A_459 = tpu.assume_multiple %and3A_458, 128 : i32
        %dma_start3A_460 = arith.constant 2 : i32
        %dma_start3A_461 = arith.constant 5 : i32
        %dma_start3A_462 = arith.constant 0 : i32
        %dma_start3A_463 = arith.constant 0 : i32
        %dma_start3A_464 = arith.constant 0 : i32
        %dma_start3A_465 = tpu.memref_slice %arg10[%dma_start3A_460, %dma_start3A_462, %dma_start3A_463, %dma_start3A_464] : memref<3x8x16x128xf32, #tpu.memory_space<vmem>> -> memref<1x8x16x128xf32, #tpu.memory_space<vmem>>
        %dma_start3A_466 = tpu.memref_squeeze %dma_start3A_465 : memref<1x8x16x128xf32, #tpu.memory_space<vmem>> -> memref<8x16x128xf32, #tpu.memory_space<vmem>>
        %dma_start3A_467 = arith.constant 0 : i32
        %dma_start3A_468 = arith.constant 0 : i32
        %dma_start3A_469 = tpu.memref_slice %dma_start3A_466[%dma_start3A_461, %dma_start3A_467, %dma_start3A_468] : memref<8x16x128xf32, #tpu.memory_space<vmem>> -> memref<1x16x128xf32, #tpu.memory_space<vmem>>
        %dma_start3A_470 = tpu.memref_squeeze %dma_start3A_469 : memref<1x16x128xf32, #tpu.memory_space<vmem>> -> memref<16x128xf32, #tpu.memory_space<vmem>>
        %dma_start3A_471 = arith.constant 0 : i32
        %dma_start3A_472 = tpu.memref_slice %arg3[%dma_start3A_471, %multiple_of3A_459] : memref<16x1000000xf32, #tpu.memory_space<hbm>> -> memref<16x128xf32, #tpu.memory_space<hbm>>
        %dma_start3A_473 = arith.constant 0 : i32
        %dma_start3A_474 = arith.constant 0 : i32
        %dma_start3A_475 = arith.constant 0 : i32
        %dma_start3A_476 = tpu.memref_slice %arg10[%dma_start3A_460, %dma_start3A_473, %dma_start3A_474, %dma_start3A_475] : memref<3x8x16x128xf32, #tpu.memory_space<vmem>> -> memref<1x8x16x128xf32, #tpu.memory_space<vmem>>
        %dma_start3A_477 = tpu.memref_squeeze %dma_start3A_476 : memref<1x8x16x128xf32, #tpu.memory_space<vmem>> -> memref<8x16x128xf32, #tpu.memory_space<vmem>>
        %dma_start3A_478 = arith.constant 0 : i32
        %dma_start3A_479 = arith.constant 0 : i32
        %dma_start3A_480 = tpu.memref_slice %dma_start3A_477[%dma_start3A_461, %dma_start3A_478, %dma_start3A_479] : memref<8x16x128xf32, #tpu.memory_space<vmem>> -> memref<1x16x128xf32, #tpu.memory_space<vmem>>
        %dma_start3A_481 = tpu.memref_squeeze %dma_start3A_480 : memref<1x16x128xf32, #tpu.memory_space<vmem>> -> memref<16x128xf32, #tpu.memory_space<vmem>>
        %dma_start3A_482 = arith.constant 0 : i32
        %dma_start3A_483 = tpu.memref_slice %arg3[%dma_start3A_482, %multiple_of3A_459] : memref<16x1000000xf32, #tpu.memory_space<hbm>> -> memref<16x128xf32, #tpu.memory_space<hbm>>
        tpu.enqueue_dma source(%dma_start3A_483 : memref<16x128xf32, #tpu.memory_space<hbm>>) target(%dma_start3A_481 : memref<16x128xf32, #tpu.memory_space<vmem>>) target_semaphore(%arg14 : memref<!tpu.dma_semaphore, #tpu.memory_space<semaphore_mem>>)
        %slice3A_484 = vector.extract_strided_slice %get3A_80 {offsets = [6], sizes = [1], strides = [1]} : vector<16xi32> to vector<1xi32>
        %squeeze3A_485 = vector.extract %slice3A_484[0] : i32 from vector<1xi32>
        %and3A_486 = arith.constant -128 : i32
        %and3A_487 = arith.andi %squeeze3A_485, %and3A_486 : i32
        %multiple_of3A_488 = tpu.assume_multiple %and3A_487, 128 : i32
        %dma_start3A_489 = arith.constant 2 : i32
        %dma_start3A_490 = arith.constant 6 : i32
        %dma_start3A_491 = arith.constant 0 : i32
        %dma_start3A_492 = arith.constant 0 : i32
        %dma_start3A_493 = arith.constant 0 : i32
        %dma_start3A_494 = tpu.memref_slice %arg10[%dma_start3A_489, %dma_start3A_491, %dma_start3A_492, %dma_start3A_493] : memref<3x8x16x128xf32, #tpu.memory_space<vmem>> -> memref<1x8x16x128xf32, #tpu.memory_space<vmem>>
        %dma_start3A_495 = tpu.memref_squeeze %dma_start3A_494 : memref<1x8x16x128xf32, #tpu.memory_space<vmem>> -> memref<8x16x128xf32, #tpu.memory_space<vmem>>
        %dma_start3A_496 = arith.constant 0 : i32
        %dma_start3A_497 = arith.constant 0 : i32
        %dma_start3A_498 = tpu.memref_slice %dma_start3A_495[%dma_start3A_490, %dma_start3A_496, %dma_start3A_497] : memref<8x16x128xf32, #tpu.memory_space<vmem>> -> memref<1x16x128xf32, #tpu.memory_space<vmem>>
        %dma_start3A_499 = tpu.memref_squeeze %dma_start3A_498 : memref<1x16x128xf32, #tpu.memory_space<vmem>> -> memref<16x128xf32, #tpu.memory_space<vmem>>
        %dma_start3A_500 = arith.constant 0 : i32
        %dma_start3A_501 = tpu.memref_slice %arg3[%dma_start3A_500, %multiple_of3A_488] : memref<16x1000000xf32, #tpu.memory_space<hbm>> -> memref<16x128xf32, #tpu.memory_space<hbm>>
        %dma_start3A_502 = arith.constant 0 : i32
        %dma_start3A_503 = arith.constant 0 : i32
        %dma_start3A_504 = arith.constant 0 : i32
        %dma_start3A_505 = tpu.memref_slice %arg10[%dma_start3A_489, %dma_start3A_502, %dma_start3A_503, %dma_start3A_504] : memref<3x8x16x128xf32, #tpu.memory_space<vmem>> -> memref<1x8x16x128xf32, #tpu.memory_space<vmem>>
        %dma_start3A_506 = tpu.memref_squeeze %dma_start3A_505 : memref<1x8x16x128xf32, #tpu.memory_space<vmem>> -> memref<8x16x128xf32, #tpu.memory_space<vmem>>
        %dma_start3A_507 = arith.constant 0 : i32
        %dma_start3A_508 = arith.constant 0 : i32
        %dma_start3A_509 = tpu.memref_slice %dma_start3A_506[%dma_start3A_490, %dma_start3A_507, %dma_start3A_508] : memref<8x16x128xf32, #tpu.memory_space<vmem>> -> memref<1x16x128xf32, #tpu.memory_space<vmem>>
        %dma_start3A_510 = tpu.memref_squeeze %dma_start3A_509 : memref<1x16x128xf32, #tpu.memory_space<vmem>> -> memref<16x128xf32, #tpu.memory_space<vmem>>
        %dma_start3A_511 = arith.constant 0 : i32
        %dma_start3A_512 = tpu.memref_slice %arg3[%dma_start3A_511, %multiple_of3A_488] : memref<16x1000000xf32, #tpu.memory_space<hbm>> -> memref<16x128xf32, #tpu.memory_space<hbm>>
        tpu.enqueue_dma source(%dma_start3A_512 : memref<16x128xf32, #tpu.memory_space<hbm>>) target(%dma_start3A_510 : memref<16x128xf32, #tpu.memory_space<vmem>>) target_semaphore(%arg14 : memref<!tpu.dma_semaphore, #tpu.memory_space<semaphore_mem>>)
        %slice3A_513 = vector.extract_strided_slice %get3A_80 {offsets = [7], sizes = [1], strides = [1]} : vector<16xi32> to vector<1xi32>
        %squeeze3A_514 = vector.extract %slice3A_513[0] : i32 from vector<1xi32>
        %and3A_515 = arith.constant -128 : i32
        %and3A_516 = arith.andi %squeeze3A_514, %and3A_515 : i32
        %multiple_of3A_517 = tpu.assume_multiple %and3A_516, 128 : i32
        %dma_start3A_518 = arith.constant 2 : i32
        %dma_start3A_519 = arith.constant 7 : i32
        %dma_start3A_520 = arith.constant 0 : i32
        %dma_start3A_521 = arith.constant 0 : i32
        %dma_start3A_522 = arith.constant 0 : i32
        %dma_start3A_523 = tpu.memref_slice %arg10[%dma_start3A_518, %dma_start3A_520, %dma_start3A_521, %dma_start3A_522] : memref<3x8x16x128xf32, #tpu.memory_space<vmem>> -> memref<1x8x16x128xf32, #tpu.memory_space<vmem>>
        %dma_start3A_524 = tpu.memref_squeeze %dma_start3A_523 : memref<1x8x16x128xf32, #tpu.memory_space<vmem>> -> memref<8x16x128xf32, #tpu.memory_space<vmem>>
        %dma_start3A_525 = arith.constant 0 : i32
        %dma_start3A_526 = arith.constant 0 : i32
        %dma_start3A_527 = tpu.memref_slice %dma_start3A_524[%dma_start3A_519, %dma_start3A_525, %dma_start3A_526] : memref<8x16x128xf32, #tpu.memory_space<vmem>> -> memref<1x16x128xf32, #tpu.memory_space<vmem>>
        %dma_start3A_528 = tpu.memref_squeeze %dma_start3A_527 : memref<1x16x128xf32, #tpu.memory_space<vmem>> -> memref<16x128xf32, #tpu.memory_space<vmem>>
        %dma_start3A_529 = arith.constant 0 : i32
        %dma_start3A_530 = tpu.memref_slice %arg3[%dma_start3A_529, %multiple_of3A_517] : memref<16x1000000xf32, #tpu.memory_space<hbm>> -> memref<16x128xf32, #tpu.memory_space<hbm>>
        %dma_start3A_531 = arith.constant 0 : i32
        %dma_start3A_532 = arith.constant 0 : i32
        %dma_start3A_533 = arith.constant 0 : i32
        %dma_start3A_534 = tpu.memref_slice %arg10[%dma_start3A_518, %dma_start3A_531, %dma_start3A_532, %dma_start3A_533] : memref<3x8x16x128xf32, #tpu.memory_space<vmem>> -> memref<1x8x16x128xf32, #tpu.memory_space<vmem>>
        %dma_start3A_535 = tpu.memref_squeeze %dma_start3A_534 : memref<1x8x16x128xf32, #tpu.memory_space<vmem>> -> memref<8x16x128xf32, #tpu.memory_space<vmem>>
        %dma_start3A_536 = arith.constant 0 : i32
        %dma_start3A_537 = arith.constant 0 : i32
        %dma_start3A_538 = tpu.memref_slice %dma_start3A_535[%dma_start3A_519, %dma_start3A_536, %dma_start3A_537] : memref<8x16x128xf32, #tpu.memory_space<vmem>> -> memref<1x16x128xf32, #tpu.memory_space<vmem>>
        %dma_start3A_539 = tpu.memref_squeeze %dma_start3A_538 : memref<1x16x128xf32, #tpu.memory_space<vmem>> -> memref<16x128xf32, #tpu.memory_space<vmem>>
        %dma_start3A_540 = arith.constant 0 : i32
        %dma_start3A_541 = tpu.memref_slice %arg3[%dma_start3A_540, %multiple_of3A_517] : memref<16x1000000xf32, #tpu.memory_space<hbm>> -> memref<16x128xf32, #tpu.memory_space<hbm>>
        tpu.enqueue_dma source(%dma_start3A_541 : memref<16x128xf32, #tpu.memory_space<hbm>>) target(%dma_start3A_539 : memref<16x128xf32, #tpu.memory_space<vmem>>) target_semaphore(%arg14 : memref<!tpu.dma_semaphore, #tpu.memory_space<semaphore_mem>>)
      } else {
      }
      %gt3A_64 = arith.constant 0 : i32
      %gt3A_65 = arith.cmpi sgt, %add3A_58, %gt3A_64 : i32
      %sub3A_66 = arith.constant 1 : i32
      %sub3A_67 = arith.subi %add3A_58, %sub3A_66 : i32
      %lt3A_68 = arith.constant 64 : i32
      %lt3A_69 = arith.cmpi slt, %sub3A_67, %lt3A_68 : i32
      %and3A_70 = arith.andi %gt3A_65, %lt3A_69 : i1
      %convert_element_type3A_71 = arith.extui %and3A_70 : i1 to i32
      %cond3A_72 = arith.constant 0 : i32
      %cond3A_73 = arith.cmpi ne, %convert_element_type3A_71, %cond3A_72 : i32
      scf.if %cond3A_73 {
        %sub3A_74 = arith.constant 1 : i32
        %sub3A_75 = arith.subi %add3A_58, %sub3A_74 : i32
        %dma_wait3A = arith.constant 1 : i32
        %dma_wait3A_76 = arith.constant 0 : i32
        %dma_wait3A_77 = arith.constant 0 : i32
        %dma_wait3A_78 = arith.constant 0 : i32
        %dma_wait3A_79 = arith.constant 0 : i32
        %dma_wait3A_80 = tpu.memref_slice %arg9[%dma_wait3A, %dma_wait3A_77, %dma_wait3A_78, %dma_wait3A_79] : memref<3x8x16x128xf32, #tpu.memory_space<vmem>> -> memref<1x8x16x128xf32, #tpu.memory_space<vmem>>
        %dma_wait3A_81 = tpu.memref_squeeze %dma_wait3A_80 : memref<1x8x16x128xf32, #tpu.memory_space<vmem>> -> memref<8x16x128xf32, #tpu.memory_space<vmem>>
        %dma_wait3A_82 = arith.constant 0 : i32
        %dma_wait3A_83 = arith.constant 0 : i32
        %dma_wait3A_84 = tpu.memref_slice %dma_wait3A_81[%dma_wait3A_76, %dma_wait3A_82, %dma_wait3A_83] : memref<8x16x128xf32, #tpu.memory_space<vmem>> -> memref<1x16x128xf32, #tpu.memory_space<vmem>>
        %dma_wait3A_85 = tpu.memref_squeeze %dma_wait3A_84 : memref<1x16x128xf32, #tpu.memory_space<vmem>> -> memref<16x128xf32, #tpu.memory_space<vmem>>
        %dma_wait3A_86 = arith.constant 0 : i32
        %dma_wait3A_87 = arith.constant 0 : i32
        %dma_wait3A_88 = tpu.memref_slice %arg2[%dma_wait3A_86, %dma_wait3A_87] : memref<16x1000000xf32, #tpu.memory_space<hbm>> -> memref<16x128xf32, #tpu.memory_space<hbm>>
        %dma_wait3A_89 = arith.constant 0 : i32
        %dma_wait3A_90 = arith.constant 0 : i32
        %dma_wait3A_91 = arith.constant 0 : i32
        %dma_wait3A_92 = tpu.memref_slice %arg9[%dma_wait3A, %dma_wait3A_89, %dma_wait3A_90, %dma_wait3A_91] : memref<3x8x16x128xf32, #tpu.memory_space<vmem>> -> memref<1x8x16x128xf32, #tpu.memory_space<vmem>>
        %dma_wait3A_93 = tpu.memref_squeeze %dma_wait3A_92 : memref<1x8x16x128xf32, #tpu.memory_space<vmem>> -> memref<8x16x128xf32, #tpu.memory_space<vmem>>
        %dma_wait3A_94 = arith.constant 0 : i32
        %dma_wait3A_95 = arith.constant 0 : i32
        %dma_wait3A_96 = tpu.memref_slice %dma_wait3A_93[%dma_wait3A_76, %dma_wait3A_94, %dma_wait3A_95] : memref<8x16x128xf32, #tpu.memory_space<vmem>> -> memref<1x16x128xf32, #tpu.memory_space<vmem>>
        %dma_wait3A_97 = tpu.memref_squeeze %dma_wait3A_96 : memref<1x16x128xf32, #tpu.memory_space<vmem>> -> memref<16x128xf32, #tpu.memory_space<vmem>>
        %dma_wait3A_98 = arith.constant 0 : i32
        %dma_wait3A_99 = arith.constant 0 : i32
        %dma_wait3A_100 = tpu.memref_slice %arg2[%dma_wait3A_98, %dma_wait3A_99] : memref<16x1000000xf32, #tpu.memory_space<hbm>> -> memref<16x128xf32, #tpu.memory_space<hbm>>
        tpu.wait_dma2 semaphore(%arg13 : memref<!tpu.dma_semaphore, #tpu.memory_space<semaphore_mem>>) src(%dma_wait3A_100 : memref<16x128xf32, #tpu.memory_space<hbm>>) dst(%dma_wait3A_97 : memref<16x128xf32, #tpu.memory_space<vmem>>)
        %dma_wait3A_101 = arith.constant 1 : i32
        %dma_wait3A_102 = arith.constant 1 : i32
        %dma_wait3A_103 = arith.constant 0 : i32
        %dma_wait3A_104 = arith.constant 0 : i32
        %dma_wait3A_105 = arith.constant 0 : i32
        %dma_wait3A_106 = tpu.memref_slice %arg9[%dma_wait3A_101, %dma_wait3A_103, %dma_wait3A_104, %dma_wait3A_105] : memref<3x8x16x128xf32, #tpu.memory_space<vmem>> -> memref<1x8x16x128xf32, #tpu.memory_space<vmem>>
        %dma_wait3A_107 = tpu.memref_squeeze %dma_wait3A_106 : memref<1x8x16x128xf32, #tpu.memory_space<vmem>> -> memref<8x16x128xf32, #tpu.memory_space<vmem>>
        %dma_wait3A_108 = arith.constant 0 : i32
        %dma_wait3A_109 = arith.constant 0 : i32
        %dma_wait3A_110 = tpu.memref_slice %dma_wait3A_107[%dma_wait3A_102, %dma_wait3A_108, %dma_wait3A_109] : memref<8x16x128xf32, #tpu.memory_space<vmem>> -> memref<1x16x128xf32, #tpu.memory_space<vmem>>
        %dma_wait3A_111 = tpu.memref_squeeze %dma_wait3A_110 : memref<1x16x128xf32, #tpu.memory_space<vmem>> -> memref<16x128xf32, #tpu.memory_space<vmem>>
        %dma_wait3A_112 = arith.constant 0 : i32
        %dma_wait3A_113 = arith.constant 0 : i32
        %dma_wait3A_114 = tpu.memref_slice %arg2[%dma_wait3A_112, %dma_wait3A_113] : memref<16x1000000xf32, #tpu.memory_space<hbm>> -> memref<16x128xf32, #tpu.memory_space<hbm>>
        %dma_wait3A_115 = arith.constant 0 : i32
        %dma_wait3A_116 = arith.constant 0 : i32
        %dma_wait3A_117 = arith.constant 0 : i32
        %dma_wait3A_118 = tpu.memref_slice %arg9[%dma_wait3A_101, %dma_wait3A_115, %dma_wait3A_116, %dma_wait3A_117] : memref<3x8x16x128xf32, #tpu.memory_space<vmem>> -> memref<1x8x16x128xf32, #tpu.memory_space<vmem>>
        %dma_wait3A_119 = tpu.memref_squeeze %dma_wait3A_118 : memref<1x8x16x128xf32, #tpu.memory_space<vmem>> -> memref<8x16x128xf32, #tpu.memory_space<vmem>>
        %dma_wait3A_120 = arith.constant 0 : i32
        %dma_wait3A_121 = arith.constant 0 : i32
        %dma_wait3A_122 = tpu.memref_slice %dma_wait3A_119[%dma_wait3A_102, %dma_wait3A_120, %dma_wait3A_121] : memref<8x16x128xf32, #tpu.memory_space<vmem>> -> memref<1x16x128xf32, #tpu.memory_space<vmem>>
        %dma_wait3A_123 = tpu.memref_squeeze %dma_wait3A_122 : memref<1x16x128xf32, #tpu.memory_space<vmem>> -> memref<16x128xf32, #tpu.memory_space<vmem>>
        %dma_wait3A_124 = arith.constant 0 : i32
        %dma_wait3A_125 = arith.constant 0 : i32
        %dma_wait3A_126 = tpu.memref_slice %arg2[%dma_wait3A_124, %dma_wait3A_125] : memref<16x1000000xf32, #tpu.memory_space<hbm>> -> memref<16x128xf32, #tpu.memory_space<hbm>>
        tpu.wait_dma2 semaphore(%arg13 : memref<!tpu.dma_semaphore, #tpu.memory_space<semaphore_mem>>) src(%dma_wait3A_126 : memref<16x128xf32, #tpu.memory_space<hbm>>) dst(%dma_wait3A_123 : memref<16x128xf32, #tpu.memory_space<vmem>>)
        %dma_wait3A_127 = arith.constant 1 : i32
        %dma_wait3A_128 = arith.constant 2 : i32
        %dma_wait3A_129 = arith.constant 0 : i32
        %dma_wait3A_130 = arith.constant 0 : i32
        %dma_wait3A_131 = arith.constant 0 : i32
        %dma_wait3A_132 = tpu.memref_slice %arg9[%dma_wait3A_127, %dma_wait3A_129, %dma_wait3A_130, %dma_wait3A_131] : memref<3x8x16x128xf32, #tpu.memory_space<vmem>> -> memref<1x8x16x128xf32, #tpu.memory_space<vmem>>
        %dma_wait3A_133 = tpu.memref_squeeze %dma_wait3A_132 : memref<1x8x16x128xf32, #tpu.memory_space<vmem>> -> memref<8x16x128xf32, #tpu.memory_space<vmem>>
        %dma_wait3A_134 = arith.constant 0 : i32
        %dma_wait3A_135 = arith.constant 0 : i32
        %dma_wait3A_136 = tpu.memref_slice %dma_wait3A_133[%dma_wait3A_128, %dma_wait3A_134, %dma_wait3A_135] : memref<8x16x128xf32, #tpu.memory_space<vmem>> -> memref<1x16x128xf32, #tpu.memory_space<vmem>>
        %dma_wait3A_137 = tpu.memref_squeeze %dma_wait3A_136 : memref<1x16x128xf32, #tpu.memory_space<vmem>> -> memref<16x128xf32, #tpu.memory_space<vmem>>
        %dma_wait3A_138 = arith.constant 0 : i32
        %dma_wait3A_139 = arith.constant 0 : i32
        %dma_wait3A_140 = tpu.memref_slice %arg2[%dma_wait3A_138, %dma_wait3A_139] : memref<16x1000000xf32, #tpu.memory_space<hbm>> -> memref<16x128xf32, #tpu.memory_space<hbm>>
        %dma_wait3A_141 = arith.constant 0 : i32
        %dma_wait3A_142 = arith.constant 0 : i32
        %dma_wait3A_143 = arith.constant 0 : i32
        %dma_wait3A_144 = tpu.memref_slice %arg9[%dma_wait3A_127, %dma_wait3A_141, %dma_wait3A_142, %dma_wait3A_143] : memref<3x8x16x128xf32, #tpu.memory_space<vmem>> -> memref<1x8x16x128xf32, #tpu.memory_space<vmem>>
        %dma_wait3A_145 = tpu.memref_squeeze %dma_wait3A_144 : memref<1x8x16x128xf32, #tpu.memory_space<vmem>> -> memref<8x16x128xf32, #tpu.memory_space<vmem>>
        %dma_wait3A_146 = arith.constant 0 : i32
        %dma_wait3A_147 = arith.constant 0 : i32
        %dma_wait3A_148 = tpu.memref_slice %dma_wait3A_145[%dma_wait3A_128, %dma_wait3A_146, %dma_wait3A_147] : memref<8x16x128xf32, #tpu.memory_space<vmem>> -> memref<1x16x128xf32, #tpu.memory_space<vmem>>
        %dma_wait3A_149 = tpu.memref_squeeze %dma_wait3A_148 : memref<1x16x128xf32, #tpu.memory_space<vmem>> -> memref<16x128xf32, #tpu.memory_space<vmem>>
        %dma_wait3A_150 = arith.constant 0 : i32
        %dma_wait3A_151 = arith.constant 0 : i32
        %dma_wait3A_152 = tpu.memref_slice %arg2[%dma_wait3A_150, %dma_wait3A_151] : memref<16x1000000xf32, #tpu.memory_space<hbm>> -> memref<16x128xf32, #tpu.memory_space<hbm>>
        tpu.wait_dma2 semaphore(%arg13 : memref<!tpu.dma_semaphore, #tpu.memory_space<semaphore_mem>>) src(%dma_wait3A_152 : memref<16x128xf32, #tpu.memory_space<hbm>>) dst(%dma_wait3A_149 : memref<16x128xf32, #tpu.memory_space<vmem>>)
        %dma_wait3A_153 = arith.constant 1 : i32
        %dma_wait3A_154 = arith.constant 3 : i32
        %dma_wait3A_155 = arith.constant 0 : i32
        %dma_wait3A_156 = arith.constant 0 : i32
        %dma_wait3A_157 = arith.constant 0 : i32
        %dma_wait3A_158 = tpu.memref_slice %arg9[%dma_wait3A_153, %dma_wait3A_155, %dma_wait3A_156, %dma_wait3A_157] : memref<3x8x16x128xf32, #tpu.memory_space<vmem>> -> memref<1x8x16x128xf32, #tpu.memory_space<vmem>>
        %dma_wait3A_159 = tpu.memref_squeeze %dma_wait3A_158 : memref<1x8x16x128xf32, #tpu.memory_space<vmem>> -> memref<8x16x128xf32, #tpu.memory_space<vmem>>
        %dma_wait3A_160 = arith.constant 0 : i32
        %dma_wait3A_161 = arith.constant 0 : i32
        %dma_wait3A_162 = tpu.memref_slice %dma_wait3A_159[%dma_wait3A_154, %dma_wait3A_160, %dma_wait3A_161] : memref<8x16x128xf32, #tpu.memory_space<vmem>> -> memref<1x16x128xf32, #tpu.memory_space<vmem>>
        %dma_wait3A_163 = tpu.memref_squeeze %dma_wait3A_162 : memref<1x16x128xf32, #tpu.memory_space<vmem>> -> memref<16x128xf32, #tpu.memory_space<vmem>>
        %dma_wait3A_164 = arith.constant 0 : i32
        %dma_wait3A_165 = arith.constant 0 : i32
        %dma_wait3A_166 = tpu.memref_slice %arg2[%dma_wait3A_164, %dma_wait3A_165] : memref<16x1000000xf32, #tpu.memory_space<hbm>> -> memref<16x128xf32, #tpu.memory_space<hbm>>
        %dma_wait3A_167 = arith.constant 0 : i32
        %dma_wait3A_168 = arith.constant 0 : i32
        %dma_wait3A_169 = arith.constant 0 : i32
        %dma_wait3A_170 = tpu.memref_slice %arg9[%dma_wait3A_153, %dma_wait3A_167, %dma_wait3A_168, %dma_wait3A_169] : memref<3x8x16x128xf32, #tpu.memory_space<vmem>> -> memref<1x8x16x128xf32, #tpu.memory_space<vmem>>
        %dma_wait3A_171 = tpu.memref_squeeze %dma_wait3A_170 : memref<1x8x16x128xf32, #tpu.memory_space<vmem>> -> memref<8x16x128xf32, #tpu.memory_space<vmem>>
        %dma_wait3A_172 = arith.constant 0 : i32
        %dma_wait3A_173 = arith.constant 0 : i32
        %dma_wait3A_174 = tpu.memref_slice %dma_wait3A_171[%dma_wait3A_154, %dma_wait3A_172, %dma_wait3A_173] : memref<8x16x128xf32, #tpu.memory_space<vmem>> -> memref<1x16x128xf32, #tpu.memory_space<vmem>>
        %dma_wait3A_175 = tpu.memref_squeeze %dma_wait3A_174 : memref<1x16x128xf32, #tpu.memory_space<vmem>> -> memref<16x128xf32, #tpu.memory_space<vmem>>
        %dma_wait3A_176 = arith.constant 0 : i32
        %dma_wait3A_177 = arith.constant 0 : i32
        %dma_wait3A_178 = tpu.memref_slice %arg2[%dma_wait3A_176, %dma_wait3A_177] : memref<16x1000000xf32, #tpu.memory_space<hbm>> -> memref<16x128xf32, #tpu.memory_space<hbm>>
        tpu.wait_dma2 semaphore(%arg13 : memref<!tpu.dma_semaphore, #tpu.memory_space<semaphore_mem>>) src(%dma_wait3A_178 : memref<16x128xf32, #tpu.memory_space<hbm>>) dst(%dma_wait3A_175 : memref<16x128xf32, #tpu.memory_space<vmem>>)
        %dma_wait3A_179 = arith.constant 1 : i32
        %dma_wait3A_180 = arith.constant 4 : i32
        %dma_wait3A_181 = arith.constant 0 : i32
        %dma_wait3A_182 = arith.constant 0 : i32
        %dma_wait3A_183 = arith.constant 0 : i32
        %dma_wait3A_184 = tpu.memref_slice %arg9[%dma_wait3A_179, %dma_wait3A_181, %dma_wait3A_182, %dma_wait3A_183] : memref<3x8x16x128xf32, #tpu.memory_space<vmem>> -> memref<1x8x16x128xf32, #tpu.memory_space<vmem>>
        %dma_wait3A_185 = tpu.memref_squeeze %dma_wait3A_184 : memref<1x8x16x128xf32, #tpu.memory_space<vmem>> -> memref<8x16x128xf32, #tpu.memory_space<vmem>>
        %dma_wait3A_186 = arith.constant 0 : i32
        %dma_wait3A_187 = arith.constant 0 : i32
        %dma_wait3A_188 = tpu.memref_slice %dma_wait3A_185[%dma_wait3A_180, %dma_wait3A_186, %dma_wait3A_187] : memref<8x16x128xf32, #tpu.memory_space<vmem>> -> memref<1x16x128xf32, #tpu.memory_space<vmem>>
        %dma_wait3A_189 = tpu.memref_squeeze %dma_wait3A_188 : memref<1x16x128xf32, #tpu.memory_space<vmem>> -> memref<16x128xf32, #tpu.memory_space<vmem>>
        %dma_wait3A_190 = arith.constant 0 : i32
        %dma_wait3A_191 = arith.constant 0 : i32
        %dma_wait3A_192 = tpu.memref_slice %arg2[%dma_wait3A_190, %dma_wait3A_191] : memref<16x1000000xf32, #tpu.memory_space<hbm>> -> memref<16x128xf32, #tpu.memory_space<hbm>>
        %dma_wait3A_193 = arith.constant 0 : i32
        %dma_wait3A_194 = arith.constant 0 : i32
        %dma_wait3A_195 = arith.constant 0 : i32
        %dma_wait3A_196 = tpu.memref_slice %arg9[%dma_wait3A_179, %dma_wait3A_193, %dma_wait3A_194, %dma_wait3A_195] : memref<3x8x16x128xf32, #tpu.memory_space<vmem>> -> memref<1x8x16x128xf32, #tpu.memory_space<vmem>>
        %dma_wait3A_197 = tpu.memref_squeeze %dma_wait3A_196 : memref<1x8x16x128xf32, #tpu.memory_space<vmem>> -> memref<8x16x128xf32, #tpu.memory_space<vmem>>
        %dma_wait3A_198 = arith.constant 0 : i32
        %dma_wait3A_199 = arith.constant 0 : i32
        %dma_wait3A_200 = tpu.memref_slice %dma_wait3A_197[%dma_wait3A_180, %dma_wait3A_198, %dma_wait3A_199] : memref<8x16x128xf32, #tpu.memory_space<vmem>> -> memref<1x16x128xf32, #tpu.memory_space<vmem>>
        %dma_wait3A_201 = tpu.memref_squeeze %dma_wait3A_200 : memref<1x16x128xf32, #tpu.memory_space<vmem>> -> memref<16x128xf32, #tpu.memory_space<vmem>>
        %dma_wait3A_202 = arith.constant 0 : i32
        %dma_wait3A_203 = arith.constant 0 : i32
        %dma_wait3A_204 = tpu.memref_slice %arg2[%dma_wait3A_202, %dma_wait3A_203] : memref<16x1000000xf32, #tpu.memory_space<hbm>> -> memref<16x128xf32, #tpu.memory_space<hbm>>
        tpu.wait_dma2 semaphore(%arg13 : memref<!tpu.dma_semaphore, #tpu.memory_space<semaphore_mem>>) src(%dma_wait3A_204 : memref<16x128xf32, #tpu.memory_space<hbm>>) dst(%dma_wait3A_201 : memref<16x128xf32, #tpu.memory_space<vmem>>)
        %dma_wait3A_205 = arith.constant 1 : i32
        %dma_wait3A_206 = arith.constant 5 : i32
        %dma_wait3A_207 = arith.constant 0 : i32
        %dma_wait3A_208 = arith.constant 0 : i32
        %dma_wait3A_209 = arith.constant 0 : i32
        %dma_wait3A_210 = tpu.memref_slice %arg9[%dma_wait3A_205, %dma_wait3A_207, %dma_wait3A_208, %dma_wait3A_209] : memref<3x8x16x128xf32, #tpu.memory_space<vmem>> -> memref<1x8x16x128xf32, #tpu.memory_space<vmem>>
        %dma_wait3A_211 = tpu.memref_squeeze %dma_wait3A_210 : memref<1x8x16x128xf32, #tpu.memory_space<vmem>> -> memref<8x16x128xf32, #tpu.memory_space<vmem>>
        %dma_wait3A_212 = arith.constant 0 : i32
        %dma_wait3A_213 = arith.constant 0 : i32
        %dma_wait3A_214 = tpu.memref_slice %dma_wait3A_211[%dma_wait3A_206, %dma_wait3A_212, %dma_wait3A_213] : memref<8x16x128xf32, #tpu.memory_space<vmem>> -> memref<1x16x128xf32, #tpu.memory_space<vmem>>
        %dma_wait3A_215 = tpu.memref_squeeze %dma_wait3A_214 : memref<1x16x128xf32, #tpu.memory_space<vmem>> -> memref<16x128xf32, #tpu.memory_space<vmem>>
        %dma_wait3A_216 = arith.constant 0 : i32
        %dma_wait3A_217 = arith.constant 0 : i32
        %dma_wait3A_218 = tpu.memref_slice %arg2[%dma_wait3A_216, %dma_wait3A_217] : memref<16x1000000xf32, #tpu.memory_space<hbm>> -> memref<16x128xf32, #tpu.memory_space<hbm>>
        %dma_wait3A_219 = arith.constant 0 : i32
        %dma_wait3A_220 = arith.constant 0 : i32
        %dma_wait3A_221 = arith.constant 0 : i32
        %dma_wait3A_222 = tpu.memref_slice %arg9[%dma_wait3A_205, %dma_wait3A_219, %dma_wait3A_220, %dma_wait3A_221] : memref<3x8x16x128xf32, #tpu.memory_space<vmem>> -> memref<1x8x16x128xf32, #tpu.memory_space<vmem>>
        %dma_wait3A_223 = tpu.memref_squeeze %dma_wait3A_222 : memref<1x8x16x128xf32, #tpu.memory_space<vmem>> -> memref<8x16x128xf32, #tpu.memory_space<vmem>>
        %dma_wait3A_224 = arith.constant 0 : i32
        %dma_wait3A_225 = arith.constant 0 : i32
        %dma_wait3A_226 = tpu.memref_slice %dma_wait3A_223[%dma_wait3A_206, %dma_wait3A_224, %dma_wait3A_225] : memref<8x16x128xf32, #tpu.memory_space<vmem>> -> memref<1x16x128xf32, #tpu.memory_space<vmem>>
        %dma_wait3A_227 = tpu.memref_squeeze %dma_wait3A_226 : memref<1x16x128xf32, #tpu.memory_space<vmem>> -> memref<16x128xf32, #tpu.memory_space<vmem>>
        %dma_wait3A_228 = arith.constant 0 : i32
        %dma_wait3A_229 = arith.constant 0 : i32
        %dma_wait3A_230 = tpu.memref_slice %arg2[%dma_wait3A_228, %dma_wait3A_229] : memref<16x1000000xf32, #tpu.memory_space<hbm>> -> memref<16x128xf32, #tpu.memory_space<hbm>>
        tpu.wait_dma2 semaphore(%arg13 : memref<!tpu.dma_semaphore, #tpu.memory_space<semaphore_mem>>) src(%dma_wait3A_230 : memref<16x128xf32, #tpu.memory_space<hbm>>) dst(%dma_wait3A_227 : memref<16x128xf32, #tpu.memory_space<vmem>>)
        %dma_wait3A_231 = arith.constant 1 : i32
        %dma_wait3A_232 = arith.constant 6 : i32
        %dma_wait3A_233 = arith.constant 0 : i32
        %dma_wait3A_234 = arith.constant 0 : i32
        %dma_wait3A_235 = arith.constant 0 : i32
        %dma_wait3A_236 = tpu.memref_slice %arg9[%dma_wait3A_231, %dma_wait3A_233, %dma_wait3A_234, %dma_wait3A_235] : memref<3x8x16x128xf32, #tpu.memory_space<vmem>> -> memref<1x8x16x128xf32, #tpu.memory_space<vmem>>
        %dma_wait3A_237 = tpu.memref_squeeze %dma_wait3A_236 : memref<1x8x16x128xf32, #tpu.memory_space<vmem>> -> memref<8x16x128xf32, #tpu.memory_space<vmem>>
        %dma_wait3A_238 = arith.constant 0 : i32
        %dma_wait3A_239 = arith.constant 0 : i32
        %dma_wait3A_240 = tpu.memref_slice %dma_wait3A_237[%dma_wait3A_232, %dma_wait3A_238, %dma_wait3A_239] : memref<8x16x128xf32, #tpu.memory_space<vmem>> -> memref<1x16x128xf32, #tpu.memory_space<vmem>>
        %dma_wait3A_241 = tpu.memref_squeeze %dma_wait3A_240 : memref<1x16x128xf32, #tpu.memory_space<vmem>> -> memref<16x128xf32, #tpu.memory_space<vmem>>
        %dma_wait3A_242 = arith.constant 0 : i32
        %dma_wait3A_243 = arith.constant 0 : i32
        %dma_wait3A_244 = tpu.memref_slice %arg2[%dma_wait3A_242, %dma_wait3A_243] : memref<16x1000000xf32, #tpu.memory_space<hbm>> -> memref<16x128xf32, #tpu.memory_space<hbm>>
        %dma_wait3A_245 = arith.constant 0 : i32
        %dma_wait3A_246 = arith.constant 0 : i32
        %dma_wait3A_247 = arith.constant 0 : i32
        %dma_wait3A_248 = tpu.memref_slice %arg9[%dma_wait3A_231, %dma_wait3A_245, %dma_wait3A_246, %dma_wait3A_247] : memref<3x8x16x128xf32, #tpu.memory_space<vmem>> -> memref<1x8x16x128xf32, #tpu.memory_space<vmem>>
        %dma_wait3A_249 = tpu.memref_squeeze %dma_wait3A_248 : memref<1x8x16x128xf32, #tpu.memory_space<vmem>> -> memref<8x16x128xf32, #tpu.memory_space<vmem>>
        %dma_wait3A_250 = arith.constant 0 : i32
        %dma_wait3A_251 = arith.constant 0 : i32
        %dma_wait3A_252 = tpu.memref_slice %dma_wait3A_249[%dma_wait3A_232, %dma_wait3A_250, %dma_wait3A_251] : memref<8x16x128xf32, #tpu.memory_space<vmem>> -> memref<1x16x128xf32, #tpu.memory_space<vmem>>
        %dma_wait3A_253 = tpu.memref_squeeze %dma_wait3A_252 : memref<1x16x128xf32, #tpu.memory_space<vmem>> -> memref<16x128xf32, #tpu.memory_space<vmem>>
        %dma_wait3A_254 = arith.constant 0 : i32
        %dma_wait3A_255 = arith.constant 0 : i32
        %dma_wait3A_256 = tpu.memref_slice %arg2[%dma_wait3A_254, %dma_wait3A_255] : memref<16x1000000xf32, #tpu.memory_space<hbm>> -> memref<16x128xf32, #tpu.memory_space<hbm>>
        tpu.wait_dma2 semaphore(%arg13 : memref<!tpu.dma_semaphore, #tpu.memory_space<semaphore_mem>>) src(%dma_wait3A_256 : memref<16x128xf32, #tpu.memory_space<hbm>>) dst(%dma_wait3A_253 : memref<16x128xf32, #tpu.memory_space<vmem>>)
        %dma_wait3A_257 = arith.constant 1 : i32
        %dma_wait3A_258 = arith.constant 7 : i32
        %dma_wait3A_259 = arith.constant 0 : i32
        %dma_wait3A_260 = arith.constant 0 : i32
        %dma_wait3A_261 = arith.constant 0 : i32
        %dma_wait3A_262 = tpu.memref_slice %arg9[%dma_wait3A_257, %dma_wait3A_259, %dma_wait3A_260, %dma_wait3A_261] : memref<3x8x16x128xf32, #tpu.memory_space<vmem>> -> memref<1x8x16x128xf32, #tpu.memory_space<vmem>>
        %dma_wait3A_263 = tpu.memref_squeeze %dma_wait3A_262 : memref<1x8x16x128xf32, #tpu.memory_space<vmem>> -> memref<8x16x128xf32, #tpu.memory_space<vmem>>
        %dma_wait3A_264 = arith.constant 0 : i32
        %dma_wait3A_265 = arith.constant 0 : i32
        %dma_wait3A_266 = tpu.memref_slice %dma_wait3A_263[%dma_wait3A_258, %dma_wait3A_264, %dma_wait3A_265] : memref<8x16x128xf32, #tpu.memory_space<vmem>> -> memref<1x16x128xf32, #tpu.memory_space<vmem>>
        %dma_wait3A_267 = tpu.memref_squeeze %dma_wait3A_266 : memref<1x16x128xf32, #tpu.memory_space<vmem>> -> memref<16x128xf32, #tpu.memory_space<vmem>>
        %dma_wait3A_268 = arith.constant 0 : i32
        %dma_wait3A_269 = arith.constant 0 : i32
        %dma_wait3A_270 = tpu.memref_slice %arg2[%dma_wait3A_268, %dma_wait3A_269] : memref<16x1000000xf32, #tpu.memory_space<hbm>> -> memref<16x128xf32, #tpu.memory_space<hbm>>
        %dma_wait3A_271 = arith.constant 0 : i32
        %dma_wait3A_272 = arith.constant 0 : i32
        %dma_wait3A_273 = arith.constant 0 : i32
        %dma_wait3A_274 = tpu.memref_slice %arg9[%dma_wait3A_257, %dma_wait3A_271, %dma_wait3A_272, %dma_wait3A_273] : memref<3x8x16x128xf32, #tpu.memory_space<vmem>> -> memref<1x8x16x128xf32, #tpu.memory_space<vmem>>
        %dma_wait3A_275 = tpu.memref_squeeze %dma_wait3A_274 : memref<1x8x16x128xf32, #tpu.memory_space<vmem>> -> memref<8x16x128xf32, #tpu.memory_space<vmem>>
        %dma_wait3A_276 = arith.constant 0 : i32
        %dma_wait3A_277 = arith.constant 0 : i32
        %dma_wait3A_278 = tpu.memref_slice %dma_wait3A_275[%dma_wait3A_258, %dma_wait3A_276, %dma_wait3A_277] : memref<8x16x128xf32, #tpu.memory_space<vmem>> -> memref<1x16x128xf32, #tpu.memory_space<vmem>>
        %dma_wait3A_279 = tpu.memref_squeeze %dma_wait3A_278 : memref<1x16x128xf32, #tpu.memory_space<vmem>> -> memref<16x128xf32, #tpu.memory_space<vmem>>
        %dma_wait3A_280 = arith.constant 0 : i32
        %dma_wait3A_281 = arith.constant 0 : i32
        %dma_wait3A_282 = tpu.memref_slice %arg2[%dma_wait3A_280, %dma_wait3A_281] : memref<16x1000000xf32, #tpu.memory_space<hbm>> -> memref<16x128xf32, #tpu.memory_space<hbm>>
        tpu.wait_dma2 semaphore(%arg13 : memref<!tpu.dma_semaphore, #tpu.memory_space<semaphore_mem>>) src(%dma_wait3A_282 : memref<16x128xf32, #tpu.memory_space<hbm>>) dst(%dma_wait3A_279 : memref<16x128xf32, #tpu.memory_space<vmem>>)
        %dma_wait3A_283 = arith.constant 1 : i32
        %dma_wait3A_284 = arith.constant 0 : i32
        %dma_wait3A_285 = arith.constant 0 : i32
        %dma_wait3A_286 = arith.constant 0 : i32
        %dma_wait3A_287 = arith.constant 0 : i32
        %dma_wait3A_288 = tpu.memref_slice %arg10[%dma_wait3A_283, %dma_wait3A_285, %dma_wait3A_286, %dma_wait3A_287] : memref<3x8x16x128xf32, #tpu.memory_space<vmem>> -> memref<1x8x16x128xf32, #tpu.memory_space<vmem>>
        %dma_wait3A_289 = tpu.memref_squeeze %dma_wait3A_288 : memref<1x8x16x128xf32, #tpu.memory_space<vmem>> -> memref<8x16x128xf32, #tpu.memory_space<vmem>>
        %dma_wait3A_290 = arith.constant 0 : i32
        %dma_wait3A_291 = arith.constant 0 : i32
        %dma_wait3A_292 = tpu.memref_slice %dma_wait3A_289[%dma_wait3A_284, %dma_wait3A_290, %dma_wait3A_291] : memref<8x16x128xf32, #tpu.memory_space<vmem>> -> memref<1x16x128xf32, #tpu.memory_space<vmem>>
        %dma_wait3A_293 = tpu.memref_squeeze %dma_wait3A_292 : memref<1x16x128xf32, #tpu.memory_space<vmem>> -> memref<16x128xf32, #tpu.memory_space<vmem>>
        %dma_wait3A_294 = arith.constant 0 : i32
        %dma_wait3A_295 = arith.constant 0 : i32
        %dma_wait3A_296 = tpu.memref_slice %arg3[%dma_wait3A_294, %dma_wait3A_295] : memref<16x1000000xf32, #tpu.memory_space<hbm>> -> memref<16x128xf32, #tpu.memory_space<hbm>>
        %dma_wait3A_297 = arith.constant 0 : i32
        %dma_wait3A_298 = arith.constant 0 : i32
        %dma_wait3A_299 = arith.constant 0 : i32
        %dma_wait3A_300 = tpu.memref_slice %arg10[%dma_wait3A_283, %dma_wait3A_297, %dma_wait3A_298, %dma_wait3A_299] : memref<3x8x16x128xf32, #tpu.memory_space<vmem>> -> memref<1x8x16x128xf32, #tpu.memory_space<vmem>>
        %dma_wait3A_301 = tpu.memref_squeeze %dma_wait3A_300 : memref<1x8x16x128xf32, #tpu.memory_space<vmem>> -> memref<8x16x128xf32, #tpu.memory_space<vmem>>
        %dma_wait3A_302 = arith.constant 0 : i32
        %dma_wait3A_303 = arith.constant 0 : i32
        %dma_wait3A_304 = tpu.memref_slice %dma_wait3A_301[%dma_wait3A_284, %dma_wait3A_302, %dma_wait3A_303] : memref<8x16x128xf32, #tpu.memory_space<vmem>> -> memref<1x16x128xf32, #tpu.memory_space<vmem>>
        %dma_wait3A_305 = tpu.memref_squeeze %dma_wait3A_304 : memref<1x16x128xf32, #tpu.memory_space<vmem>> -> memref<16x128xf32, #tpu.memory_space<vmem>>
        %dma_wait3A_306 = arith.constant 0 : i32
        %dma_wait3A_307 = arith.constant 0 : i32
        %dma_wait3A_308 = tpu.memref_slice %arg3[%dma_wait3A_306, %dma_wait3A_307] : memref<16x1000000xf32, #tpu.memory_space<hbm>> -> memref<16x128xf32, #tpu.memory_space<hbm>>
        tpu.wait_dma2 semaphore(%arg13 : memref<!tpu.dma_semaphore, #tpu.memory_space<semaphore_mem>>) src(%dma_wait3A_308 : memref<16x128xf32, #tpu.memory_space<hbm>>) dst(%dma_wait3A_305 : memref<16x128xf32, #tpu.memory_space<vmem>>)
        %dma_wait3A_309 = arith.constant 1 : i32
        %dma_wait3A_310 = arith.constant 1 : i32
        %dma_wait3A_311 = arith.constant 0 : i32
        %dma_wait3A_312 = arith.constant 0 : i32
        %dma_wait3A_313 = arith.constant 0 : i32
        %dma_wait3A_314 = tpu.memref_slice %arg10[%dma_wait3A_309, %dma_wait3A_311, %dma_wait3A_312, %dma_wait3A_313] : memref<3x8x16x128xf32, #tpu.memory_space<vmem>> -> memref<1x8x16x128xf32, #tpu.memory_space<vmem>>
        %dma_wait3A_315 = tpu.memref_squeeze %dma_wait3A_314 : memref<1x8x16x128xf32, #tpu.memory_space<vmem>> -> memref<8x16x128xf32, #tpu.memory_space<vmem>>
        %dma_wait3A_316 = arith.constant 0 : i32
        %dma_wait3A_317 = arith.constant 0 : i32
        %dma_wait3A_318 = tpu.memref_slice %dma_wait3A_315[%dma_wait3A_310, %dma_wait3A_316, %dma_wait3A_317] : memref<8x16x128xf32, #tpu.memory_space<vmem>> -> memref<1x16x128xf32, #tpu.memory_space<vmem>>
        %dma_wait3A_319 = tpu.memref_squeeze %dma_wait3A_318 : memref<1x16x128xf32, #tpu.memory_space<vmem>> -> memref<16x128xf32, #tpu.memory_space<vmem>>
        %dma_wait3A_320 = arith.constant 0 : i32
        %dma_wait3A_321 = arith.constant 0 : i32
        %dma_wait3A_322 = tpu.memref_slice %arg3[%dma_wait3A_320, %dma_wait3A_321] : memref<16x1000000xf32, #tpu.memory_space<hbm>> -> memref<16x128xf32, #tpu.memory_space<hbm>>
        %dma_wait3A_323 = arith.constant 0 : i32
        %dma_wait3A_324 = arith.constant 0 : i32
        %dma_wait3A_325 = arith.constant 0 : i32
        %dma_wait3A_326 = tpu.memref_slice %arg10[%dma_wait3A_309, %dma_wait3A_323, %dma_wait3A_324, %dma_wait3A_325] : memref<3x8x16x128xf32, #tpu.memory_space<vmem>> -> memref<1x8x16x128xf32, #tpu.memory_space<vmem>>
        %dma_wait3A_327 = tpu.memref_squeeze %dma_wait3A_326 : memref<1x8x16x128xf32, #tpu.memory_space<vmem>> -> memref<8x16x128xf32, #tpu.memory_space<vmem>>
        %dma_wait3A_328 = arith.constant 0 : i32
        %dma_wait3A_329 = arith.constant 0 : i32
        %dma_wait3A_330 = tpu.memref_slice %dma_wait3A_327[%dma_wait3A_310, %dma_wait3A_328, %dma_wait3A_329] : memref<8x16x128xf32, #tpu.memory_space<vmem>> -> memref<1x16x128xf32, #tpu.memory_space<vmem>>
        %dma_wait3A_331 = tpu.memref_squeeze %dma_wait3A_330 : memref<1x16x128xf32, #tpu.memory_space<vmem>> -> memref<16x128xf32, #tpu.memory_space<vmem>>
        %dma_wait3A_332 = arith.constant 0 : i32
        %dma_wait3A_333 = arith.constant 0 : i32
        %dma_wait3A_334 = tpu.memref_slice %arg3[%dma_wait3A_332, %dma_wait3A_333] : memref<16x1000000xf32, #tpu.memory_space<hbm>> -> memref<16x128xf32, #tpu.memory_space<hbm>>
        tpu.wait_dma2 semaphore(%arg13 : memref<!tpu.dma_semaphore, #tpu.memory_space<semaphore_mem>>) src(%dma_wait3A_334 : memref<16x128xf32, #tpu.memory_space<hbm>>) dst(%dma_wait3A_331 : memref<16x128xf32, #tpu.memory_space<vmem>>)
        %dma_wait3A_335 = arith.constant 1 : i32
        %dma_wait3A_336 = arith.constant 2 : i32
        %dma_wait3A_337 = arith.constant 0 : i32
        %dma_wait3A_338 = arith.constant 0 : i32
        %dma_wait3A_339 = arith.constant 0 : i32
        %dma_wait3A_340 = tpu.memref_slice %arg10[%dma_wait3A_335, %dma_wait3A_337, %dma_wait3A_338, %dma_wait3A_339] : memref<3x8x16x128xf32, #tpu.memory_space<vmem>> -> memref<1x8x16x128xf32, #tpu.memory_space<vmem>>
        %dma_wait3A_341 = tpu.memref_squeeze %dma_wait3A_340 : memref<1x8x16x128xf32, #tpu.memory_space<vmem>> -> memref<8x16x128xf32, #tpu.memory_space<vmem>>
        %dma_wait3A_342 = arith.constant 0 : i32
        %dma_wait3A_343 = arith.constant 0 : i32
        %dma_wait3A_344 = tpu.memref_slice %dma_wait3A_341[%dma_wait3A_336, %dma_wait3A_342, %dma_wait3A_343] : memref<8x16x128xf32, #tpu.memory_space<vmem>> -> memref<1x16x128xf32, #tpu.memory_space<vmem>>
        %dma_wait3A_345 = tpu.memref_squeeze %dma_wait3A_344 : memref<1x16x128xf32, #tpu.memory_space<vmem>> -> memref<16x128xf32, #tpu.memory_space<vmem>>
        %dma_wait3A_346 = arith.constant 0 : i32
        %dma_wait3A_347 = arith.constant 0 : i32
        %dma_wait3A_348 = tpu.memref_slice %arg3[%dma_wait3A_346, %dma_wait3A_347] : memref<16x1000000xf32, #tpu.memory_space<hbm>> -> memref<16x128xf32, #tpu.memory_space<hbm>>
        %dma_wait3A_349 = arith.constant 0 : i32
        %dma_wait3A_350 = arith.constant 0 : i32
        %dma_wait3A_351 = arith.constant 0 : i32
        %dma_wait3A_352 = tpu.memref_slice %arg10[%dma_wait3A_335, %dma_wait3A_349, %dma_wait3A_350, %dma_wait3A_351] : memref<3x8x16x128xf32, #tpu.memory_space<vmem>> -> memref<1x8x16x128xf32, #tpu.memory_space<vmem>>
        %dma_wait3A_353 = tpu.memref_squeeze %dma_wait3A_352 : memref<1x8x16x128xf32, #tpu.memory_space<vmem>> -> memref<8x16x128xf32, #tpu.memory_space<vmem>>
        %dma_wait3A_354 = arith.constant 0 : i32
        %dma_wait3A_355 = arith.constant 0 : i32
        %dma_wait3A_356 = tpu.memref_slice %dma_wait3A_353[%dma_wait3A_336, %dma_wait3A_354, %dma_wait3A_355] : memref<8x16x128xf32, #tpu.memory_space<vmem>> -> memref<1x16x128xf32, #tpu.memory_space<vmem>>
        %dma_wait3A_357 = tpu.memref_squeeze %dma_wait3A_356 : memref<1x16x128xf32, #tpu.memory_space<vmem>> -> memref<16x128xf32, #tpu.memory_space<vmem>>
        %dma_wait3A_358 = arith.constant 0 : i32
        %dma_wait3A_359 = arith.constant 0 : i32
        %dma_wait3A_360 = tpu.memref_slice %arg3[%dma_wait3A_358, %dma_wait3A_359] : memref<16x1000000xf32, #tpu.memory_space<hbm>> -> memref<16x128xf32, #tpu.memory_space<hbm>>
        tpu.wait_dma2 semaphore(%arg13 : memref<!tpu.dma_semaphore, #tpu.memory_space<semaphore_mem>>) src(%dma_wait3A_360 : memref<16x128xf32, #tpu.memory_space<hbm>>) dst(%dma_wait3A_357 : memref<16x128xf32, #tpu.memory_space<vmem>>)
        %dma_wait3A_361 = arith.constant 1 : i32
        %dma_wait3A_362 = arith.constant 3 : i32
        %dma_wait3A_363 = arith.constant 0 : i32
        %dma_wait3A_364 = arith.constant 0 : i32
        %dma_wait3A_365 = arith.constant 0 : i32
        %dma_wait3A_366 = tpu.memref_slice %arg10[%dma_wait3A_361, %dma_wait3A_363, %dma_wait3A_364, %dma_wait3A_365] : memref<3x8x16x128xf32, #tpu.memory_space<vmem>> -> memref<1x8x16x128xf32, #tpu.memory_space<vmem>>
        %dma_wait3A_367 = tpu.memref_squeeze %dma_wait3A_366 : memref<1x8x16x128xf32, #tpu.memory_space<vmem>> -> memref<8x16x128xf32, #tpu.memory_space<vmem>>
        %dma_wait3A_368 = arith.constant 0 : i32
        %dma_wait3A_369 = arith.constant 0 : i32
        %dma_wait3A_370 = tpu.memref_slice %dma_wait3A_367[%dma_wait3A_362, %dma_wait3A_368, %dma_wait3A_369] : memref<8x16x128xf32, #tpu.memory_space<vmem>> -> memref<1x16x128xf32, #tpu.memory_space<vmem>>
        %dma_wait3A_371 = tpu.memref_squeeze %dma_wait3A_370 : memref<1x16x128xf32, #tpu.memory_space<vmem>> -> memref<16x128xf32, #tpu.memory_space<vmem>>
        %dma_wait3A_372 = arith.constant 0 : i32
        %dma_wait3A_373 = arith.constant 0 : i32
        %dma_wait3A_374 = tpu.memref_slice %arg3[%dma_wait3A_372, %dma_wait3A_373] : memref<16x1000000xf32, #tpu.memory_space<hbm>> -> memref<16x128xf32, #tpu.memory_space<hbm>>
        %dma_wait3A_375 = arith.constant 0 : i32
        %dma_wait3A_376 = arith.constant 0 : i32
        %dma_wait3A_377 = arith.constant 0 : i32
        %dma_wait3A_378 = tpu.memref_slice %arg10[%dma_wait3A_361, %dma_wait3A_375, %dma_wait3A_376, %dma_wait3A_377] : memref<3x8x16x128xf32, #tpu.memory_space<vmem>> -> memref<1x8x16x128xf32, #tpu.memory_space<vmem>>
        %dma_wait3A_379 = tpu.memref_squeeze %dma_wait3A_378 : memref<1x8x16x128xf32, #tpu.memory_space<vmem>> -> memref<8x16x128xf32, #tpu.memory_space<vmem>>
        %dma_wait3A_380 = arith.constant 0 : i32
        %dma_wait3A_381 = arith.constant 0 : i32
        %dma_wait3A_382 = tpu.memref_slice %dma_wait3A_379[%dma_wait3A_362, %dma_wait3A_380, %dma_wait3A_381] : memref<8x16x128xf32, #tpu.memory_space<vmem>> -> memref<1x16x128xf32, #tpu.memory_space<vmem>>
        %dma_wait3A_383 = tpu.memref_squeeze %dma_wait3A_382 : memref<1x16x128xf32, #tpu.memory_space<vmem>> -> memref<16x128xf32, #tpu.memory_space<vmem>>
        %dma_wait3A_384 = arith.constant 0 : i32
        %dma_wait3A_385 = arith.constant 0 : i32
        %dma_wait3A_386 = tpu.memref_slice %arg3[%dma_wait3A_384, %dma_wait3A_385] : memref<16x1000000xf32, #tpu.memory_space<hbm>> -> memref<16x128xf32, #tpu.memory_space<hbm>>
        tpu.wait_dma2 semaphore(%arg13 : memref<!tpu.dma_semaphore, #tpu.memory_space<semaphore_mem>>) src(%dma_wait3A_386 : memref<16x128xf32, #tpu.memory_space<hbm>>) dst(%dma_wait3A_383 : memref<16x128xf32, #tpu.memory_space<vmem>>)
        %dma_wait3A_387 = arith.constant 1 : i32
        %dma_wait3A_388 = arith.constant 4 : i32
        %dma_wait3A_389 = arith.constant 0 : i32
        %dma_wait3A_390 = arith.constant 0 : i32
        %dma_wait3A_391 = arith.constant 0 : i32
        %dma_wait3A_392 = tpu.memref_slice %arg10[%dma_wait3A_387, %dma_wait3A_389, %dma_wait3A_390, %dma_wait3A_391] : memref<3x8x16x128xf32, #tpu.memory_space<vmem>> -> memref<1x8x16x128xf32, #tpu.memory_space<vmem>>
        %dma_wait3A_393 = tpu.memref_squeeze %dma_wait3A_392 : memref<1x8x16x128xf32, #tpu.memory_space<vmem>> -> memref<8x16x128xf32, #tpu.memory_space<vmem>>
        %dma_wait3A_394 = arith.constant 0 : i32
        %dma_wait3A_395 = arith.constant 0 : i32
        %dma_wait3A_396 = tpu.memref_slice %dma_wait3A_393[%dma_wait3A_388, %dma_wait3A_394, %dma_wait3A_395] : memref<8x16x128xf32, #tpu.memory_space<vmem>> -> memref<1x16x128xf32, #tpu.memory_space<vmem>>
        %dma_wait3A_397 = tpu.memref_squeeze %dma_wait3A_396 : memref<1x16x128xf32, #tpu.memory_space<vmem>> -> memref<16x128xf32, #tpu.memory_space<vmem>>
        %dma_wait3A_398 = arith.constant 0 : i32
        %dma_wait3A_399 = arith.constant 0 : i32
        %dma_wait3A_400 = tpu.memref_slice %arg3[%dma_wait3A_398, %dma_wait3A_399] : memref<16x1000000xf32, #tpu.memory_space<hbm>> -> memref<16x128xf32, #tpu.memory_space<hbm>>
        %dma_wait3A_401 = arith.constant 0 : i32
        %dma_wait3A_402 = arith.constant 0 : i32
        %dma_wait3A_403 = arith.constant 0 : i32
        %dma_wait3A_404 = tpu.memref_slice %arg10[%dma_wait3A_387, %dma_wait3A_401, %dma_wait3A_402, %dma_wait3A_403] : memref<3x8x16x128xf32, #tpu.memory_space<vmem>> -> memref<1x8x16x128xf32, #tpu.memory_space<vmem>>
        %dma_wait3A_405 = tpu.memref_squeeze %dma_wait3A_404 : memref<1x8x16x128xf32, #tpu.memory_space<vmem>> -> memref<8x16x128xf32, #tpu.memory_space<vmem>>
        %dma_wait3A_406 = arith.constant 0 : i32
        %dma_wait3A_407 = arith.constant 0 : i32
        %dma_wait3A_408 = tpu.memref_slice %dma_wait3A_405[%dma_wait3A_388, %dma_wait3A_406, %dma_wait3A_407] : memref<8x16x128xf32, #tpu.memory_space<vmem>> -> memref<1x16x128xf32, #tpu.memory_space<vmem>>
        %dma_wait3A_409 = tpu.memref_squeeze %dma_wait3A_408 : memref<1x16x128xf32, #tpu.memory_space<vmem>> -> memref<16x128xf32, #tpu.memory_space<vmem>>
        %dma_wait3A_410 = arith.constant 0 : i32
        %dma_wait3A_411 = arith.constant 0 : i32
        %dma_wait3A_412 = tpu.memref_slice %arg3[%dma_wait3A_410, %dma_wait3A_411] : memref<16x1000000xf32, #tpu.memory_space<hbm>> -> memref<16x128xf32, #tpu.memory_space<hbm>>
        tpu.wait_dma2 semaphore(%arg13 : memref<!tpu.dma_semaphore, #tpu.memory_space<semaphore_mem>>) src(%dma_wait3A_412 : memref<16x128xf32, #tpu.memory_space<hbm>>) dst(%dma_wait3A_409 : memref<16x128xf32, #tpu.memory_space<vmem>>)
        %dma_wait3A_413 = arith.constant 1 : i32
        %dma_wait3A_414 = arith.constant 5 : i32
        %dma_wait3A_415 = arith.constant 0 : i32
        %dma_wait3A_416 = arith.constant 0 : i32
        %dma_wait3A_417 = arith.constant 0 : i32
        %dma_wait3A_418 = tpu.memref_slice %arg10[%dma_wait3A_413, %dma_wait3A_415, %dma_wait3A_416, %dma_wait3A_417] : memref<3x8x16x128xf32, #tpu.memory_space<vmem>> -> memref<1x8x16x128xf32, #tpu.memory_space<vmem>>
        %dma_wait3A_419 = tpu.memref_squeeze %dma_wait3A_418 : memref<1x8x16x128xf32, #tpu.memory_space<vmem>> -> memref<8x16x128xf32, #tpu.memory_space<vmem>>
        %dma_wait3A_420 = arith.constant 0 : i32
        %dma_wait3A_421 = arith.constant 0 : i32
        %dma_wait3A_422 = tpu.memref_slice %dma_wait3A_419[%dma_wait3A_414, %dma_wait3A_420, %dma_wait3A_421] : memref<8x16x128xf32, #tpu.memory_space<vmem>> -> memref<1x16x128xf32, #tpu.memory_space<vmem>>
        %dma_wait3A_423 = tpu.memref_squeeze %dma_wait3A_422 : memref<1x16x128xf32, #tpu.memory_space<vmem>> -> memref<16x128xf32, #tpu.memory_space<vmem>>
        %dma_wait3A_424 = arith.constant 0 : i32
        %dma_wait3A_425 = arith.constant 0 : i32
        %dma_wait3A_426 = tpu.memref_slice %arg3[%dma_wait3A_424, %dma_wait3A_425] : memref<16x1000000xf32, #tpu.memory_space<hbm>> -> memref<16x128xf32, #tpu.memory_space<hbm>>
        %dma_wait3A_427 = arith.constant 0 : i32
        %dma_wait3A_428 = arith.constant 0 : i32
        %dma_wait3A_429 = arith.constant 0 : i32
        %dma_wait3A_430 = tpu.memref_slice %arg10[%dma_wait3A_413, %dma_wait3A_427, %dma_wait3A_428, %dma_wait3A_429] : memref<3x8x16x128xf32, #tpu.memory_space<vmem>> -> memref<1x8x16x128xf32, #tpu.memory_space<vmem>>
        %dma_wait3A_431 = tpu.memref_squeeze %dma_wait3A_430 : memref<1x8x16x128xf32, #tpu.memory_space<vmem>> -> memref<8x16x128xf32, #tpu.memory_space<vmem>>
        %dma_wait3A_432 = arith.constant 0 : i32
        %dma_wait3A_433 = arith.constant 0 : i32
        %dma_wait3A_434 = tpu.memref_slice %dma_wait3A_431[%dma_wait3A_414, %dma_wait3A_432, %dma_wait3A_433] : memref<8x16x128xf32, #tpu.memory_space<vmem>> -> memref<1x16x128xf32, #tpu.memory_space<vmem>>
        %dma_wait3A_435 = tpu.memref_squeeze %dma_wait3A_434 : memref<1x16x128xf32, #tpu.memory_space<vmem>> -> memref<16x128xf32, #tpu.memory_space<vmem>>
        %dma_wait3A_436 = arith.constant 0 : i32
        %dma_wait3A_437 = arith.constant 0 : i32
        %dma_wait3A_438 = tpu.memref_slice %arg3[%dma_wait3A_436, %dma_wait3A_437] : memref<16x1000000xf32, #tpu.memory_space<hbm>> -> memref<16x128xf32, #tpu.memory_space<hbm>>
        tpu.wait_dma2 semaphore(%arg13 : memref<!tpu.dma_semaphore, #tpu.memory_space<semaphore_mem>>) src(%dma_wait3A_438 : memref<16x128xf32, #tpu.memory_space<hbm>>) dst(%dma_wait3A_435 : memref<16x128xf32, #tpu.memory_space<vmem>>)
        %dma_wait3A_439 = arith.constant 1 : i32
        %dma_wait3A_440 = arith.constant 6 : i32
        %dma_wait3A_441 = arith.constant 0 : i32
        %dma_wait3A_442 = arith.constant 0 : i32
        %dma_wait3A_443 = arith.constant 0 : i32
        %dma_wait3A_444 = tpu.memref_slice %arg10[%dma_wait3A_439, %dma_wait3A_441, %dma_wait3A_442, %dma_wait3A_443] : memref<3x8x16x128xf32, #tpu.memory_space<vmem>> -> memref<1x8x16x128xf32, #tpu.memory_space<vmem>>
        %dma_wait3A_445 = tpu.memref_squeeze %dma_wait3A_444 : memref<1x8x16x128xf32, #tpu.memory_space<vmem>> -> memref<8x16x128xf32, #tpu.memory_space<vmem>>
        %dma_wait3A_446 = arith.constant 0 : i32
        %dma_wait3A_447 = arith.constant 0 : i32
        %dma_wait3A_448 = tpu.memref_slice %dma_wait3A_445[%dma_wait3A_440, %dma_wait3A_446, %dma_wait3A_447] : memref<8x16x128xf32, #tpu.memory_space<vmem>> -> memref<1x16x128xf32, #tpu.memory_space<vmem>>
        %dma_wait3A_449 = tpu.memref_squeeze %dma_wait3A_448 : memref<1x16x128xf32, #tpu.memory_space<vmem>> -> memref<16x128xf32, #tpu.memory_space<vmem>>
        %dma_wait3A_450 = arith.constant 0 : i32
        %dma_wait3A_451 = arith.constant 0 : i32
        %dma_wait3A_452 = tpu.memref_slice %arg3[%dma_wait3A_450, %dma_wait3A_451] : memref<16x1000000xf32, #tpu.memory_space<hbm>> -> memref<16x128xf32, #tpu.memory_space<hbm>>
        %dma_wait3A_453 = arith.constant 0 : i32
        %dma_wait3A_454 = arith.constant 0 : i32
        %dma_wait3A_455 = arith.constant 0 : i32
        %dma_wait3A_456 = tpu.memref_slice %arg10[%dma_wait3A_439, %dma_wait3A_453, %dma_wait3A_454, %dma_wait3A_455] : memref<3x8x16x128xf32, #tpu.memory_space<vmem>> -> memref<1x8x16x128xf32, #tpu.memory_space<vmem>>
        %dma_wait3A_457 = tpu.memref_squeeze %dma_wait3A_456 : memref<1x8x16x128xf32, #tpu.memory_space<vmem>> -> memref<8x16x128xf32, #tpu.memory_space<vmem>>
        %dma_wait3A_458 = arith.constant 0 : i32
        %dma_wait3A_459 = arith.constant 0 : i32
        %dma_wait3A_460 = tpu.memref_slice %dma_wait3A_457[%dma_wait3A_440, %dma_wait3A_458, %dma_wait3A_459] : memref<8x16x128xf32, #tpu.memory_space<vmem>> -> memref<1x16x128xf32, #tpu.memory_space<vmem>>
        %dma_wait3A_461 = tpu.memref_squeeze %dma_wait3A_460 : memref<1x16x128xf32, #tpu.memory_space<vmem>> -> memref<16x128xf32, #tpu.memory_space<vmem>>
        %dma_wait3A_462 = arith.constant 0 : i32
        %dma_wait3A_463 = arith.constant 0 : i32
        %dma_wait3A_464 = tpu.memref_slice %arg3[%dma_wait3A_462, %dma_wait3A_463] : memref<16x1000000xf32, #tpu.memory_space<hbm>> -> memref<16x128xf32, #tpu.memory_space<hbm>>
        tpu.wait_dma2 semaphore(%arg13 : memref<!tpu.dma_semaphore, #tpu.memory_space<semaphore_mem>>) src(%dma_wait3A_464 : memref<16x128xf32, #tpu.memory_space<hbm>>) dst(%dma_wait3A_461 : memref<16x128xf32, #tpu.memory_space<vmem>>)
        %dma_wait3A_465 = arith.constant 1 : i32
        %dma_wait3A_466 = arith.constant 7 : i32
        %dma_wait3A_467 = arith.constant 0 : i32
        %dma_wait3A_468 = arith.constant 0 : i32
        %dma_wait3A_469 = arith.constant 0 : i32
        %dma_wait3A_470 = tpu.memref_slice %arg10[%dma_wait3A_465, %dma_wait3A_467, %dma_wait3A_468, %dma_wait3A_469] : memref<3x8x16x128xf32, #tpu.memory_space<vmem>> -> memref<1x8x16x128xf32, #tpu.memory_space<vmem>>
        %dma_wait3A_471 = tpu.memref_squeeze %dma_wait3A_470 : memref<1x8x16x128xf32, #tpu.memory_space<vmem>> -> memref<8x16x128xf32, #tpu.memory_space<vmem>>
        %dma_wait3A_472 = arith.constant 0 : i32
        %dma_wait3A_473 = arith.constant 0 : i32
        %dma_wait3A_474 = tpu.memref_slice %dma_wait3A_471[%dma_wait3A_466, %dma_wait3A_472, %dma_wait3A_473] : memref<8x16x128xf32, #tpu.memory_space<vmem>> -> memref<1x16x128xf32, #tpu.memory_space<vmem>>
        %dma_wait3A_475 = tpu.memref_squeeze %dma_wait3A_474 : memref<1x16x128xf32, #tpu.memory_space<vmem>> -> memref<16x128xf32, #tpu.memory_space<vmem>>
        %dma_wait3A_476 = arith.constant 0 : i32
        %dma_wait3A_477 = arith.constant 0 : i32
        %dma_wait3A_478 = tpu.memref_slice %arg3[%dma_wait3A_476, %dma_wait3A_477] : memref<16x1000000xf32, #tpu.memory_space<hbm>> -> memref<16x128xf32, #tpu.memory_space<hbm>>
        %dma_wait3A_479 = arith.constant 0 : i32
        %dma_wait3A_480 = arith.constant 0 : i32
        %dma_wait3A_481 = arith.constant 0 : i32
        %dma_wait3A_482 = tpu.memref_slice %arg10[%dma_wait3A_465, %dma_wait3A_479, %dma_wait3A_480, %dma_wait3A_481] : memref<3x8x16x128xf32, #tpu.memory_space<vmem>> -> memref<1x8x16x128xf32, #tpu.memory_space<vmem>>
        %dma_wait3A_483 = tpu.memref_squeeze %dma_wait3A_482 : memref<1x8x16x128xf32, #tpu.memory_space<vmem>> -> memref<8x16x128xf32, #tpu.memory_space<vmem>>
        %dma_wait3A_484 = arith.constant 0 : i32
        %dma_wait3A_485 = arith.constant 0 : i32
        %dma_wait3A_486 = tpu.memref_slice %dma_wait3A_483[%dma_wait3A_466, %dma_wait3A_484, %dma_wait3A_485] : memref<8x16x128xf32, #tpu.memory_space<vmem>> -> memref<1x16x128xf32, #tpu.memory_space<vmem>>
        %dma_wait3A_487 = tpu.memref_squeeze %dma_wait3A_486 : memref<1x16x128xf32, #tpu.memory_space<vmem>> -> memref<16x128xf32, #tpu.memory_space<vmem>>
        %dma_wait3A_488 = arith.constant 0 : i32
        %dma_wait3A_489 = arith.constant 0 : i32
        %dma_wait3A_490 = tpu.memref_slice %arg3[%dma_wait3A_488, %dma_wait3A_489] : memref<16x1000000xf32, #tpu.memory_space<hbm>> -> memref<16x128xf32, #tpu.memory_space<hbm>>
        tpu.wait_dma2 semaphore(%arg13 : memref<!tpu.dma_semaphore, #tpu.memory_space<semaphore_mem>>) src(%dma_wait3A_490 : memref<16x128xf32, #tpu.memory_space<hbm>>) dst(%dma_wait3A_487 : memref<16x128xf32, #tpu.memory_space<vmem>>)
        %mul3A_491 = arith.constant 8 : i32
        %mul3A_492 = arith.muli %sub3A_75, %mul3A_491 : i32
        %get3A = arith.index_cast %mul3A_492 : i32 to index
        %get3A_493 = tpu.vector_load %arg7[%get3A] {strides = array<i32>} : memref<640xi32, #tpu.memory_space<vmem>>, vector<16xi32>,
        %mul3A_494 = arith.constant 8 : i32
        %mul3A_495 = arith.muli %sub3A_75, %mul3A_494 : i32
        %get3A_496 = arith.index_cast %mul3A_495 : i32 to index
        %get3A_497 = tpu.vector_load %arg8[%get3A_496] {strides = array<i32>} : memref<640xi32, #tpu.memory_space<vmem>>, vector<16xi32>,
        %shift_right_arithmetic3A = arith.constant 4 : i32
        %shift_right_arithmetic3A_498 = arith.shrsi %sub3A_75, %shift_right_arithmetic3A : i32
        %broadcast_in_dim3A = vector.broadcast %shift_right_arithmetic3A_498 : i32 to vector<16xi32>
        %mul3A_499 = arith.constant 8 : i32
        %mul3A_500 = arith.muli %sub3A_75, %mul3A_499 : i32
        %and3A_501 = arith.constant 127 : i32
        %and3A_502 = arith.andi %mul3A_500, %and3A_501 : i32
        %slice3A = vector.extract_strided_slice %get3A_493 {offsets = [0], sizes = [1], strides = [1]} : vector<16xi32> to vector<1xi32>
        %squeeze3A = vector.extract %slice3A[0] : i32 from vector<1xi32>
        %and3A_503 = arith.constant 127 : i32
        %and3A_504 = arith.andi %squeeze3A, %and3A_503 : i32
        %broadcast_in_dim3A_505 = vector.broadcast %and3A_504 : i32 to vector<16xi32>
        %slice3A_506 = vector.extract_strided_slice %get3A_497 {offsets = [0], sizes = [1], strides = [1]} : vector<16xi32> to vector<1xi32>
        %squeeze3A_507 = vector.extract %slice3A_506[0] : i32 from vector<1xi32>
        %and3A_508 = arith.constant 127 : i32
        %and3A_509 = arith.andi %squeeze3A_507, %and3A_508 : i32
        %broadcast_in_dim3A_510 = vector.broadcast %and3A_509 : i32 to vector<16xi32>
        %gather3A = arith.constant 1 : i32
        %gather3A_511 = arith.constant 0 : i32
        %gather3A_512 = arith.constant 0 : i32
        %gather3A_513 = arith.constant 0 : i32
        %gather3A_514 = arith.constant 0 : i32
        %gather3A_515 = tpu.memref_slice %arg9[%gather3A, %gather3A_512, %gather3A_513, %gather3A_514] : memref<3x8x16x128xf32, #tpu.memory_space<vmem>> -> memref<1x8x16x128xf32, #tpu.memory_space<vmem>>
        %gather3A_516 = tpu.memref_squeeze %gather3A_515 : memref<1x8x16x128xf32, #tpu.memory_space<vmem>> -> memref<8x16x128xf32, #tpu.memory_space<vmem>>
        %gather3A_517 = arith.constant 0 : i32
        %gather3A_518 = arith.constant 0 : i32
        %gather3A_519 = tpu.memref_slice %gather3A_516[%gather3A_511, %gather3A_517, %gather3A_518] : memref<8x16x128xf32, #tpu.memory_space<vmem>> -> memref<1x16x128xf32, #tpu.memory_space<vmem>>
        %gather3A_520 = tpu.memref_squeeze %gather3A_519 : memref<1x16x128xf32, #tpu.memory_space<vmem>> -> memref<16x128xf32, #tpu.memory_space<vmem>>
        %gather3A_521 = tpu.vector_load_idx %gather3A_520[%iota3A, %broadcast_in_dim3A_505] : memref<16x128xf32, #tpu.memory_space<vmem>>[vector<16xi32>, vector<16xi32>], vector<16xf32>,
        %gather3A_522 = arith.constant 1 : i32
        %gather3A_523 = arith.constant 0 : i32
        %gather3A_524 = arith.constant 0 : i32
        %gather3A_525 = arith.constant 0 : i32
        %gather3A_526 = arith.constant 0 : i32
        %gather3A_527 = tpu.memref_slice %arg10[%gather3A_522, %gather3A_524, %gather3A_525, %gather3A_526] : memref<3x8x16x128xf32, #tpu.memory_space<vmem>> -> memref<1x8x16x128xf32, #tpu.memory_space<vmem>>
        %gather3A_528 = tpu.memref_squeeze %gather3A_527 : memref<1x8x16x128xf32, #tpu.memory_space<vmem>> -> memref<8x16x128xf32, #tpu.memory_space<vmem>>
        %gather3A_529 = arith.constant 0 : i32
        %gather3A_530 = arith.constant 0 : i32
        %gather3A_531 = tpu.memref_slice %gather3A_528[%gather3A_523, %gather3A_529, %gather3A_530] : memref<8x16x128xf32, #tpu.memory_space<vmem>> -> memref<1x16x128xf32, #tpu.memory_space<vmem>>
        %gather3A_532 = tpu.memref_squeeze %gather3A_531 : memref<1x16x128xf32, #tpu.memory_space<vmem>> -> memref<16x128xf32, #tpu.memory_space<vmem>>
        %gather3A_533 = tpu.vector_load_idx %gather3A_532[%iota3A, %broadcast_in_dim3A_510] : memref<16x128xf32, #tpu.memory_space<vmem>>[vector<16xi32>, vector<16xi32>], vector<16xf32>,
        %add3A_534 = arith.constant 0 : i32
        %add3A_535 = arith.addi %and3A_502, %add3A_534 : i32
        %broadcast_in_dim3A_536 = vector.broadcast %add3A_535 : i32 to vector<16xi32>
        %mul3A_537 = arith.mulf %gather3A_521, %gather3A_533 : vector<16xf32>
        tpu.vector_store_idx %arg11[%broadcast_in_dim3A, %iota3A, %broadcast_in_dim3A_536], %mul3A_537 : memref<4x16x128xf32, #tpu.memory_space<vmem>>[vector<16xi32>, vector<16xi32>, vector<16xi32>], vector<16xf32>,
        %slice3A_538 = vector.extract_strided_slice %get3A_493 {offsets = [1], sizes = [1], strides = [1]} : vector<16xi32> to vector<1xi32>
        %squeeze3A_539 = vector.extract %slice3A_538[0] : i32 from vector<1xi32>
        %and3A_540 = arith.constant 127 : i32
        %and3A_541 = arith.andi %squeeze3A_539, %and3A_540 : i32
        %broadcast_in_dim3A_542 = vector.broadcast %and3A_541 : i32 to vector<16xi32>
        %slice3A_543 = vector.extract_strided_slice %get3A_497 {offsets = [1], sizes = [1], strides = [1]} : vector<16xi32> to vector<1xi32>
        %squeeze3A_544 = vector.extract %slice3A_543[0] : i32 from vector<1xi32>
        %and3A_545 = arith.constant 127 : i32
        %and3A_546 = arith.andi %squeeze3A_544, %and3A_545 : i32
        %broadcast_in_dim3A_547 = vector.broadcast %and3A_546 : i32 to vector<16xi32>
        %gather3A_548 = arith.constant 1 : i32
        %gather3A_549 = arith.constant 1 : i32
        %gather3A_550 = arith.constant 0 : i32
        %gather3A_551 = arith.constant 0 : i32
        %gather3A_552 = arith.constant 0 : i32
        %gather3A_553 = tpu.memref_slice %arg9[%gather3A_548, %gather3A_550, %gather3A_551, %gather3A_552] : memref<3x8x16x128xf32, #tpu.memory_space<vmem>> -> memref<1x8x16x128xf32, #tpu.memory_space<vmem>>
        %gather3A_554 = tpu.memref_squeeze %gather3A_553 : memref<1x8x16x128xf32, #tpu.memory_space<vmem>> -> memref<8x16x128xf32, #tpu.memory_space<vmem>>
        %gather3A_555 = arith.constant 0 : i32
        %gather3A_556 = arith.constant 0 : i32
        %gather3A_557 = tpu.memref_slice %gather3A_554[%gather3A_549, %gather3A_555, %gather3A_556] : memref<8x16x128xf32, #tpu.memory_space<vmem>> -> memref<1x16x128xf32, #tpu.memory_space<vmem>>
        %gather3A_558 = tpu.memref_squeeze %gather3A_557 : memref<1x16x128xf32, #tpu.memory_space<vmem>> -> memref<16x128xf32, #tpu.memory_space<vmem>>
        %gather3A_559 = tpu.vector_load_idx %gather3A_558[%iota3A, %broadcast_in_dim3A_542] : memref<16x128xf32, #tpu.memory_space<vmem>>[vector<16xi32>, vector<16xi32>], vector<16xf32>,
        %gather3A_560 = arith.constant 1 : i32
        %gather3A_561 = arith.constant 1 : i32
        %gather3A_562 = arith.constant 0 : i32
        %gather3A_563 = arith.constant 0 : i32
        %gather3A_564 = arith.constant 0 : i32
        %gather3A_565 = tpu.memref_slice %arg10[%gather3A_560, %gather3A_562, %gather3A_563, %gather3A_564] : memref<3x8x16x128xf32, #tpu.memory_space<vmem>> -> memref<1x8x16x128xf32, #tpu.memory_space<vmem>>
        %gather3A_566 = tpu.memref_squeeze %gather3A_565 : memref<1x8x16x128xf32, #tpu.memory_space<vmem>> -> memref<8x16x128xf32, #tpu.memory_space<vmem>>
        %gather3A_567 = arith.constant 0 : i32
        %gather3A_568 = arith.constant 0 : i32
        %gather3A_569 = tpu.memref_slice %gather3A_566[%gather3A_561, %gather3A_567, %gather3A_568] : memref<8x16x128xf32, #tpu.memory_space<vmem>> -> memref<1x16x128xf32, #tpu.memory_space<vmem>>
        %gather3A_570 = tpu.memref_squeeze %gather3A_569 : memref<1x16x128xf32, #tpu.memory_space<vmem>> -> memref<16x128xf32, #tpu.memory_space<vmem>>
        %gather3A_571 = tpu.vector_load_idx %gather3A_570[%iota3A, %broadcast_in_dim3A_547] : memref<16x128xf32, #tpu.memory_space<vmem>>[vector<16xi32>, vector<16xi32>], vector<16xf32>,
        %add3A_572 = arith.constant 1 : i32
        %add3A_573 = arith.addi %and3A_502, %add3A_572 : i32
        %broadcast_in_dim3A_574 = vector.broadcast %add3A_573 : i32 to vector<16xi32>
        %mul3A_575 = arith.mulf %gather3A_559, %gather3A_571 : vector<16xf32>
        tpu.vector_store_idx %arg11[%broadcast_in_dim3A, %iota3A, %broadcast_in_dim3A_574], %mul3A_575 : memref<4x16x128xf32, #tpu.memory_space<vmem>>[vector<16xi32>, vector<16xi32>, vector<16xi32>], vector<16xf32>,
        %slice3A_576 = vector.extract_strided_slice %get3A_493 {offsets = [2], sizes = [1], strides = [1]} : vector<16xi32> to vector<1xi32>
        %squeeze3A_577 = vector.extract %slice3A_576[0] : i32 from vector<1xi32>
        %and3A_578 = arith.constant 127 : i32
        %and3A_579 = arith.andi %squeeze3A_577, %and3A_578 : i32
        %broadcast_in_dim3A_580 = vector.broadcast %and3A_579 : i32 to vector<16xi32>
        %slice3A_581 = vector.extract_strided_slice %get3A_497 {offsets = [2], sizes = [1], strides = [1]} : vector<16xi32> to vector<1xi32>
        %squeeze3A_582 = vector.extract %slice3A_581[0] : i32 from vector<1xi32>
        %and3A_583 = arith.constant 127 : i32
        %and3A_584 = arith.andi %squeeze3A_582, %and3A_583 : i32
        %broadcast_in_dim3A_585 = vector.broadcast %and3A_584 : i32 to vector<16xi32>
        %gather3A_586 = arith.constant 1 : i32
        %gather3A_587 = arith.constant 2 : i32
        %gather3A_588 = arith.constant 0 : i32
        %gather3A_589 = arith.constant 0 : i32
        %gather3A_590 = arith.constant 0 : i32
        %gather3A_591 = tpu.memref_slice %arg9[%gather3A_586, %gather3A_588, %gather3A_589, %gather3A_590] : memref<3x8x16x128xf32, #tpu.memory_space<vmem>> -> memref<1x8x16x128xf32, #tpu.memory_space<vmem>>
        %gather3A_592 = tpu.memref_squeeze %gather3A_591 : memref<1x8x16x128xf32, #tpu.memory_space<vmem>> -> memref<8x16x128xf32, #tpu.memory_space<vmem>>
        %gather3A_593 = arith.constant 0 : i32
        %gather3A_594 = arith.constant 0 : i32
        %gather3A_595 = tpu.memref_slice %gather3A_592[%gather3A_587, %gather3A_593, %gather3A_594] : memref<8x16x128xf32, #tpu.memory_space<vmem>> -> memref<1x16x128xf32, #tpu.memory_space<vmem>>
        %gather3A_596 = tpu.memref_squeeze %gather3A_595 : memref<1x16x128xf32, #tpu.memory_space<vmem>> -> memref<16x128xf32, #tpu.memory_space<vmem>>
        %gather3A_597 = tpu.vector_load_idx %gather3A_596[%iota3A, %broadcast_in_dim3A_580] : memref<16x128xf32, #tpu.memory_space<vmem>>[vector<16xi32>, vector<16xi32>], vector<16xf32>,
        %gather3A_598 = arith.constant 1 : i32
        %gather3A_599 = arith.constant 2 : i32
        %gather3A_600 = arith.constant 0 : i32
        %gather3A_601 = arith.constant 0 : i32
        %gather3A_602 = arith.constant 0 : i32
        %gather3A_603 = tpu.memref_slice %arg10[%gather3A_598, %gather3A_600, %gather3A_601, %gather3A_602] : memref<3x8x16x128xf32, #tpu.memory_space<vmem>> -> memref<1x8x16x128xf32, #tpu.memory_space<vmem>>
        %gather3A_604 = tpu.memref_squeeze %gather3A_603 : memref<1x8x16x128xf32, #tpu.memory_space<vmem>> -> memref<8x16x128xf32, #tpu.memory_space<vmem>>
        %gather3A_605 = arith.constant 0 : i32
        %gather3A_606 = arith.constant 0 : i32
        %gather3A_607 = tpu.memref_slice %gather3A_604[%gather3A_599, %gather3A_605, %gather3A_606] : memref<8x16x128xf32, #tpu.memory_space<vmem>> -> memref<1x16x128xf32, #tpu.memory_space<vmem>>
        %gather3A_608 = tpu.memref_squeeze %gather3A_607 : memref<1x16x128xf32, #tpu.memory_space<vmem>> -> memref<16x128xf32, #tpu.memory_space<vmem>>
        %gather3A_609 = tpu.vector_load_idx %gather3A_608[%iota3A, %broadcast_in_dim3A_585] : memref<16x128xf32, #tpu.memory_space<vmem>>[vector<16xi32>, vector<16xi32>], vector<16xf32>,
        %add3A_610 = arith.constant 2 : i32
        %add3A_611 = arith.addi %and3A_502, %add3A_610 : i32
        %broadcast_in_dim3A_612 = vector.broadcast %add3A_611 : i32 to vector<16xi32>
        %mul3A_613 = arith.mulf %gather3A_597, %gather3A_609 : vector<16xf32>
        tpu.vector_store_idx %arg11[%broadcast_in_dim3A, %iota3A, %broadcast_in_dim3A_612], %mul3A_613 : memref<4x16x128xf32, #tpu.memory_space<vmem>>[vector<16xi32>, vector<16xi32>, vector<16xi32>], vector<16xf32>,
        %slice3A_614 = vector.extract_strided_slice %get3A_493 {offsets = [3], sizes = [1], strides = [1]} : vector<16xi32> to vector<1xi32>
        %squeeze3A_615 = vector.extract %slice3A_614[0] : i32 from vector<1xi32>
        %and3A_616 = arith.constant 127 : i32
        %and3A_617 = arith.andi %squeeze3A_615, %and3A_616 : i32
        %broadcast_in_dim3A_618 = vector.broadcast %and3A_617 : i32 to vector<16xi32>
        %slice3A_619 = vector.extract_strided_slice %get3A_497 {offsets = [3], sizes = [1], strides = [1]} : vector<16xi32> to vector<1xi32>
        %squeeze3A_620 = vector.extract %slice3A_619[0] : i32 from vector<1xi32>
        %and3A_621 = arith.constant 127 : i32
        %and3A_622 = arith.andi %squeeze3A_620, %and3A_621 : i32
        %broadcast_in_dim3A_623 = vector.broadcast %and3A_622 : i32 to vector<16xi32>
        %gather3A_624 = arith.constant 1 : i32
        %gather3A_625 = arith.constant 3 : i32
        %gather3A_626 = arith.constant 0 : i32
        %gather3A_627 = arith.constant 0 : i32
        %gather3A_628 = arith.constant 0 : i32
        %gather3A_629 = tpu.memref_slice %arg9[%gather3A_624, %gather3A_626, %gather3A_627, %gather3A_628] : memref<3x8x16x128xf32, #tpu.memory_space<vmem>> -> memref<1x8x16x128xf32, #tpu.memory_space<vmem>>
        %gather3A_630 = tpu.memref_squeeze %gather3A_629 : memref<1x8x16x128xf32, #tpu.memory_space<vmem>> -> memref<8x16x128xf32, #tpu.memory_space<vmem>>
        %gather3A_631 = arith.constant 0 : i32
        %gather3A_632 = arith.constant 0 : i32
        %gather3A_633 = tpu.memref_slice %gather3A_630[%gather3A_625, %gather3A_631, %gather3A_632] : memref<8x16x128xf32, #tpu.memory_space<vmem>> -> memref<1x16x128xf32, #tpu.memory_space<vmem>>
        %gather3A_634 = tpu.memref_squeeze %gather3A_633 : memref<1x16x128xf32, #tpu.memory_space<vmem>> -> memref<16x128xf32, #tpu.memory_space<vmem>>
        %gather3A_635 = tpu.vector_load_idx %gather3A_634[%iota3A, %broadcast_in_dim3A_618] : memref<16x128xf32, #tpu.memory_space<vmem>>[vector<16xi32>, vector<16xi32>], vector<16xf32>,
        %gather3A_636 = arith.constant 1 : i32
        %gather3A_637 = arith.constant 3 : i32
        %gather3A_638 = arith.constant 0 : i32
        %gather3A_639 = arith.constant 0 : i32
        %gather3A_640 = arith.constant 0 : i32
        %gather3A_641 = tpu.memref_slice %arg10[%gather3A_636, %gather3A_638, %gather3A_639, %gather3A_640] : memref<3x8x16x128xf32, #tpu.memory_space<vmem>> -> memref<1x8x16x128xf32, #tpu.memory_space<vmem>>
        %gather3A_642 = tpu.memref_squeeze %gather3A_641 : memref<1x8x16x128xf32, #tpu.memory_space<vmem>> -> memref<8x16x128xf32, #tpu.memory_space<vmem>>
        %gather3A_643 = arith.constant 0 : i32
        %gather3A_644 = arith.constant 0 : i32
        %gather3A_645 = tpu.memref_slice %gather3A_642[%gather3A_637, %gather3A_643, %gather3A_644] : memref<8x16x128xf32, #tpu.memory_space<vmem>> -> memref<1x16x128xf32, #tpu.memory_space<vmem>>
        %gather3A_646 = tpu.memref_squeeze %gather3A_645 : memref<1x16x128xf32, #tpu.memory_space<vmem>> -> memref<16x128xf32, #tpu.memory_space<vmem>>
        %gather3A_647 = tpu.vector_load_idx %gather3A_646[%iota3A, %broadcast_in_dim3A_623] : memref<16x128xf32, #tpu.memory_space<vmem>>[vector<16xi32>, vector<16xi32>], vector<16xf32>,
        %add3A_648 = arith.constant 3 : i32
        %add3A_649 = arith.addi %and3A_502, %add3A_648 : i32
        %broadcast_in_dim3A_650 = vector.broadcast %add3A_649 : i32 to vector<16xi32>
        %mul3A_651 = arith.mulf %gather3A_635, %gather3A_647 : vector<16xf32>
        tpu.vector_store_idx %arg11[%broadcast_in_dim3A, %iota3A, %broadcast_in_dim3A_650], %mul3A_651 : memref<4x16x128xf32, #tpu.memory_space<vmem>>[vector<16xi32>, vector<16xi32>, vector<16xi32>], vector<16xf32>,
        %slice3A_652 = vector.extract_strided_slice %get3A_493 {offsets = [4], sizes = [1], strides = [1]} : vector<16xi32> to vector<1xi32>
        %squeeze3A_653 = vector.extract %slice3A_652[0] : i32 from vector<1xi32>
        %and3A_654 = arith.constant 127 : i32
        %and3A_655 = arith.andi %squeeze3A_653, %and3A_654 : i32
        %broadcast_in_dim3A_656 = vector.broadcast %and3A_655 : i32 to vector<16xi32>
        %slice3A_657 = vector.extract_strided_slice %get3A_497 {offsets = [4], sizes = [1], strides = [1]} : vector<16xi32> to vector<1xi32>
        %squeeze3A_658 = vector.extract %slice3A_657[0] : i32 from vector<1xi32>
        %and3A_659 = arith.constant 127 : i32
        %and3A_660 = arith.andi %squeeze3A_658, %and3A_659 : i32
        %broadcast_in_dim3A_661 = vector.broadcast %and3A_660 : i32 to vector<16xi32>
        %gather3A_662 = arith.constant 1 : i32
        %gather3A_663 = arith.constant 4 : i32
        %gather3A_664 = arith.constant 0 : i32
        %gather3A_665 = arith.constant 0 : i32
        %gather3A_666 = arith.constant 0 : i32
        %gather3A_667 = tpu.memref_slice %arg9[%gather3A_662, %gather3A_664, %gather3A_665, %gather3A_666] : memref<3x8x16x128xf32, #tpu.memory_space<vmem>> -> memref<1x8x16x128xf32, #tpu.memory_space<vmem>>
        %gather3A_668 = tpu.memref_squeeze %gather3A_667 : memref<1x8x16x128xf32, #tpu.memory_space<vmem>> -> memref<8x16x128xf32, #tpu.memory_space<vmem>>
        %gather3A_669 = arith.constant 0 : i32
        %gather3A_670 = arith.constant 0 : i32
        %gather3A_671 = tpu.memref_slice %gather3A_668[%gather3A_663, %gather3A_669, %gather3A_670] : memref<8x16x128xf32, #tpu.memory_space<vmem>> -> memref<1x16x128xf32, #tpu.memory_space<vmem>>
        %gather3A_672 = tpu.memref_squeeze %gather3A_671 : memref<1x16x128xf32, #tpu.memory_space<vmem>> -> memref<16x128xf32, #tpu.memory_space<vmem>>
        %gather3A_673 = tpu.vector_load_idx %gather3A_672[%iota3A, %broadcast_in_dim3A_656] : memref<16x128xf32, #tpu.memory_space<vmem>>[vector<16xi32>, vector<16xi32>], vector<16xf32>,
        %gather3A_674 = arith.constant 1 : i32
        %gather3A_675 = arith.constant 4 : i32
        %gather3A_676 = arith.constant 0 : i32
        %gather3A_677 = arith.constant 0 : i32
        %gather3A_678 = arith.constant 0 : i32
        %gather3A_679 = tpu.memref_slice %arg10[%gather3A_674, %gather3A_676, %gather3A_677, %gather3A_678] : memref<3x8x16x128xf32, #tpu.memory_space<vmem>> -> memref<1x8x16x128xf32, #tpu.memory_space<vmem>>
        %gather3A_680 = tpu.memref_squeeze %gather3A_679 : memref<1x8x16x128xf32, #tpu.memory_space<vmem>> -> memref<8x16x128xf32, #tpu.memory_space<vmem>>
        %gather3A_681 = arith.constant 0 : i32
        %gather3A_682 = arith.constant 0 : i32
        %gather3A_683 = tpu.memref_slice %gather3A_680[%gather3A_675, %gather3A_681, %gather3A_682] : memref<8x16x128xf32, #tpu.memory_space<vmem>> -> memref<1x16x128xf32, #tpu.memory_space<vmem>>
        %gather3A_684 = tpu.memref_squeeze %gather3A_683 : memref<1x16x128xf32, #tpu.memory_space<vmem>> -> memref<16x128xf32, #tpu.memory_space<vmem>>
        %gather3A_685 = tpu.vector_load_idx %gather3A_684[%iota3A, %broadcast_in_dim3A_661] : memref<16x128xf32, #tpu.memory_space<vmem>>[vector<16xi32>, vector<16xi32>], vector<16xf32>,
        %add3A_686 = arith.constant 4 : i32
        %add3A_687 = arith.addi %and3A_502, %add3A_686 : i32
        %broadcast_in_dim3A_688 = vector.broadcast %add3A_687 : i32 to vector<16xi32>
        %mul3A_689 = arith.mulf %gather3A_673, %gather3A_685 : vector<16xf32>
        tpu.vector_store_idx %arg11[%broadcast_in_dim3A, %iota3A, %broadcast_in_dim3A_688], %mul3A_689 : memref<4x16x128xf32, #tpu.memory_space<vmem>>[vector<16xi32>, vector<16xi32>, vector<16xi32>], vector<16xf32>,
        %slice3A_690 = vector.extract_strided_slice %get3A_493 {offsets = [5], sizes = [1], strides = [1]} : vector<16xi32> to vector<1xi32>
        %squeeze3A_691 = vector.extract %slice3A_690[0] : i32 from vector<1xi32>
        %and3A_692 = arith.constant 127 : i32
        %and3A_693 = arith.andi %squeeze3A_691, %and3A_692 : i32
        %broadcast_in_dim3A_694 = vector.broadcast %and3A_693 : i32 to vector<16xi32>
        %slice3A_695 = vector.extract_strided_slice %get3A_497 {offsets = [5], sizes = [1], strides = [1]} : vector<16xi32> to vector<1xi32>
        %squeeze3A_696 = vector.extract %slice3A_695[0] : i32 from vector<1xi32>
        %and3A_697 = arith.constant 127 : i32
        %and3A_698 = arith.andi %squeeze3A_696, %and3A_697 : i32
        %broadcast_in_dim3A_699 = vector.broadcast %and3A_698 : i32 to vector<16xi32>
        %gather3A_700 = arith.constant 1 : i32
        %gather3A_701 = arith.constant 5 : i32
        %gather3A_702 = arith.constant 0 : i32
        %gather3A_703 = arith.constant 0 : i32
        %gather3A_704 = arith.constant 0 : i32
        %gather3A_705 = tpu.memref_slice %arg9[%gather3A_700, %gather3A_702, %gather3A_703, %gather3A_704] : memref<3x8x16x128xf32, #tpu.memory_space<vmem>> -> memref<1x8x16x128xf32, #tpu.memory_space<vmem>>
        %gather3A_706 = tpu.memref_squeeze %gather3A_705 : memref<1x8x16x128xf32, #tpu.memory_space<vmem>> -> memref<8x16x128xf32, #tpu.memory_space<vmem>>
        %gather3A_707 = arith.constant 0 : i32
        %gather3A_708 = arith.constant 0 : i32
        %gather3A_709 = tpu.memref_slice %gather3A_706[%gather3A_701, %gather3A_707, %gather3A_708] : memref<8x16x128xf32, #tpu.memory_space<vmem>> -> memref<1x16x128xf32, #tpu.memory_space<vmem>>
        %gather3A_710 = tpu.memref_squeeze %gather3A_709 : memref<1x16x128xf32, #tpu.memory_space<vmem>> -> memref<16x128xf32, #tpu.memory_space<vmem>>
        %gather3A_711 = tpu.vector_load_idx %gather3A_710[%iota3A, %broadcast_in_dim3A_694] : memref<16x128xf32, #tpu.memory_space<vmem>>[vector<16xi32>, vector<16xi32>], vector<16xf32>,
        %gather3A_712 = arith.constant 1 : i32
        %gather3A_713 = arith.constant 5 : i32
        %gather3A_714 = arith.constant 0 : i32
        %gather3A_715 = arith.constant 0 : i32
        %gather3A_716 = arith.constant 0 : i32
        %gather3A_717 = tpu.memref_slice %arg10[%gather3A_712, %gather3A_714, %gather3A_715, %gather3A_716] : memref<3x8x16x128xf32, #tpu.memory_space<vmem>> -> memref<1x8x16x128xf32, #tpu.memory_space<vmem>>
        %gather3A_718 = tpu.memref_squeeze %gather3A_717 : memref<1x8x16x128xf32, #tpu.memory_space<vmem>> -> memref<8x16x128xf32, #tpu.memory_space<vmem>>
        %gather3A_719 = arith.constant 0 : i32
        %gather3A_720 = arith.constant 0 : i32
        %gather3A_721 = tpu.memref_slice %gather3A_718[%gather3A_713, %gather3A_719, %gather3A_720] : memref<8x16x128xf32, #tpu.memory_space<vmem>> -> memref<1x16x128xf32, #tpu.memory_space<vmem>>
        %gather3A_722 = tpu.memref_squeeze %gather3A_721 : memref<1x16x128xf32, #tpu.memory_space<vmem>> -> memref<16x128xf32, #tpu.memory_space<vmem>>
        %gather3A_723 = tpu.vector_load_idx %gather3A_722[%iota3A, %broadcast_in_dim3A_699] : memref<16x128xf32, #tpu.memory_space<vmem>>[vector<16xi32>, vector<16xi32>], vector<16xf32>,
        %add3A_724 = arith.constant 5 : i32
        %add3A_725 = arith.addi %and3A_502, %add3A_724 : i32
        %broadcast_in_dim3A_726 = vector.broadcast %add3A_725 : i32 to vector<16xi32>
        %mul3A_727 = arith.mulf %gather3A_711, %gather3A_723 : vector<16xf32>
        tpu.vector_store_idx %arg11[%broadcast_in_dim3A, %iota3A, %broadcast_in_dim3A_726], %mul3A_727 : memref<4x16x128xf32, #tpu.memory_space<vmem>>[vector<16xi32>, vector<16xi32>, vector<16xi32>], vector<16xf32>,
        %slice3A_728 = vector.extract_strided_slice %get3A_493 {offsets = [6], sizes = [1], strides = [1]} : vector<16xi32> to vector<1xi32>
        %squeeze3A_729 = vector.extract %slice3A_728[0] : i32 from vector<1xi32>
        %and3A_730 = arith.constant 127 : i32
        %and3A_731 = arith.andi %squeeze3A_729, %and3A_730 : i32
        %broadcast_in_dim3A_732 = vector.broadcast %and3A_731 : i32 to vector<16xi32>
        %slice3A_733 = vector.extract_strided_slice %get3A_497 {offsets = [6], sizes = [1], strides = [1]} : vector<16xi32> to vector<1xi32>
        %squeeze3A_734 = vector.extract %slice3A_733[0] : i32 from vector<1xi32>
        %and3A_735 = arith.constant 127 : i32
        %and3A_736 = arith.andi %squeeze3A_734, %and3A_735 : i32
        %broadcast_in_dim3A_737 = vector.broadcast %and3A_736 : i32 to vector<16xi32>
        %gather3A_738 = arith.constant 1 : i32
        %gather3A_739 = arith.constant 6 : i32
        %gather3A_740 = arith.constant 0 : i32
        %gather3A_741 = arith.constant 0 : i32
        %gather3A_742 = arith.constant 0 : i32
        %gather3A_743 = tpu.memref_slice %arg9[%gather3A_738, %gather3A_740, %gather3A_741, %gather3A_742] : memref<3x8x16x128xf32, #tpu.memory_space<vmem>> -> memref<1x8x16x128xf32, #tpu.memory_space<vmem>>
        %gather3A_744 = tpu.memref_squeeze %gather3A_743 : memref<1x8x16x128xf32, #tpu.memory_space<vmem>> -> memref<8x16x128xf32, #tpu.memory_space<vmem>>
        %gather3A_745 = arith.constant 0 : i32
        %gather3A_746 = arith.constant 0 : i32
        %gather3A_747 = tpu.memref_slice %gather3A_744[%gather3A_739, %gather3A_745, %gather3A_746] : memref<8x16x128xf32, #tpu.memory_space<vmem>> -> memref<1x16x128xf32, #tpu.memory_space<vmem>>
        %gather3A_748 = tpu.memref_squeeze %gather3A_747 : memref<1x16x128xf32, #tpu.memory_space<vmem>> -> memref<16x128xf32, #tpu.memory_space<vmem>>
        %gather3A_749 = tpu.vector_load_idx %gather3A_748[%iota3A, %broadcast_in_dim3A_732] : memref<16x128xf32, #tpu.memory_space<vmem>>[vector<16xi32>, vector<16xi32>], vector<16xf32>,
        %gather3A_750 = arith.constant 1 : i32
        %gather3A_751 = arith.constant 6 : i32
        %gather3A_752 = arith.constant 0 : i32
        %gather3A_753 = arith.constant 0 : i32
        %gather3A_754 = arith.constant 0 : i32
        %gather3A_755 = tpu.memref_slice %arg10[%gather3A_750, %gather3A_752, %gather3A_753, %gather3A_754] : memref<3x8x16x128xf32, #tpu.memory_space<vmem>> -> memref<1x8x16x128xf32, #tpu.memory_space<vmem>>
        %gather3A_756 = tpu.memref_squeeze %gather3A_755 : memref<1x8x16x128xf32, #tpu.memory_space<vmem>> -> memref<8x16x128xf32, #tpu.memory_space<vmem>>
        %gather3A_757 = arith.constant 0 : i32
        %gather3A_758 = arith.constant 0 : i32
        %gather3A_759 = tpu.memref_slice %gather3A_756[%gather3A_751, %gather3A_757, %gather3A_758] : memref<8x16x128xf32, #tpu.memory_space<vmem>> -> memref<1x16x128xf32, #tpu.memory_space<vmem>>
        %gather3A_760 = tpu.memref_squeeze %gather3A_759 : memref<1x16x128xf32, #tpu.memory_space<vmem>> -> memref<16x128xf32, #tpu.memory_space<vmem>>
        %gather3A_761 = tpu.vector_load_idx %gather3A_760[%iota3A, %broadcast_in_dim3A_737] : memref<16x128xf32, #tpu.memory_space<vmem>>[vector<16xi32>, vector<16xi32>], vector<16xf32>,
        %add3A_762 = arith.constant 6 : i32
        %add3A_763 = arith.addi %and3A_502, %add3A_762 : i32
        %broadcast_in_dim3A_764 = vector.broadcast %add3A_763 : i32 to vector<16xi32>
        %mul3A_765 = arith.mulf %gather3A_749, %gather3A_761 : vector<16xf32>
        tpu.vector_store_idx %arg11[%broadcast_in_dim3A, %iota3A, %broadcast_in_dim3A_764], %mul3A_765 : memref<4x16x128xf32, #tpu.memory_space<vmem>>[vector<16xi32>, vector<16xi32>, vector<16xi32>], vector<16xf32>,
        %slice3A_766 = vector.extract_strided_slice %get3A_493 {offsets = [7], sizes = [1], strides = [1]} : vector<16xi32> to vector<1xi32>
        %squeeze3A_767 = vector.extract %slice3A_766[0] : i32 from vector<1xi32>
        %and3A_768 = arith.constant 127 : i32
        %and3A_769 = arith.andi %squeeze3A_767, %and3A_768 : i32
        %broadcast_in_dim3A_770 = vector.broadcast %and3A_769 : i32 to vector<16xi32>
        %slice3A_771 = vector.extract_strided_slice %get3A_497 {offsets = [7], sizes = [1], strides = [1]} : vector<16xi32> to vector<1xi32>
        %squeeze3A_772 = vector.extract %slice3A_771[0] : i32 from vector<1xi32>
        %and3A_773 = arith.constant 127 : i32
        %and3A_774 = arith.andi %squeeze3A_772, %and3A_773 : i32
        %broadcast_in_dim3A_775 = vector.broadcast %and3A_774 : i32 to vector<16xi32>
        %gather3A_776 = arith.constant 1 : i32
        %gather3A_777 = arith.constant 7 : i32
        %gather3A_778 = arith.constant 0 : i32
        %gather3A_779 = arith.constant 0 : i32
        %gather3A_780 = arith.constant 0 : i32
        %gather3A_781 = tpu.memref_slice %arg9[%gather3A_776, %gather3A_778, %gather3A_779, %gather3A_780] : memref<3x8x16x128xf32, #tpu.memory_space<vmem>> -> memref<1x8x16x128xf32, #tpu.memory_space<vmem>>
        %gather3A_782 = tpu.memref_squeeze %gather3A_781 : memref<1x8x16x128xf32, #tpu.memory_space<vmem>> -> memref<8x16x128xf32, #tpu.memory_space<vmem>>
        %gather3A_783 = arith.constant 0 : i32
        %gather3A_784 = arith.constant 0 : i32
        %gather3A_785 = tpu.memref_slice %gather3A_782[%gather3A_777, %gather3A_783, %gather3A_784] : memref<8x16x128xf32, #tpu.memory_space<vmem>> -> memref<1x16x128xf32, #tpu.memory_space<vmem>>
        %gather3A_786 = tpu.memref_squeeze %gather3A_785 : memref<1x16x128xf32, #tpu.memory_space<vmem>> -> memref<16x128xf32, #tpu.memory_space<vmem>>
        %gather3A_787 = tpu.vector_load_idx %gather3A_786[%iota3A, %broadcast_in_dim3A_770] : memref<16x128xf32, #tpu.memory_space<vmem>>[vector<16xi32>, vector<16xi32>], vector<16xf32>,
        %gather3A_788 = arith.constant 1 : i32
        %gather3A_789 = arith.constant 7 : i32
        %gather3A_790 = arith.constant 0 : i32
        %gather3A_791 = arith.constant 0 : i32
        %gather3A_792 = arith.constant 0 : i32
        %gather3A_793 = tpu.memref_slice %arg10[%gather3A_788, %gather3A_790, %gather3A_791, %gather3A_792] : memref<3x8x16x128xf32, #tpu.memory_space<vmem>> -> memref<1x8x16x128xf32, #tpu.memory_space<vmem>>
        %gather3A_794 = tpu.memref_squeeze %gather3A_793 : memref<1x8x16x128xf32, #tpu.memory_space<vmem>> -> memref<8x16x128xf32, #tpu.memory_space<vmem>>
        %gather3A_795 = arith.constant 0 : i32
        %gather3A_796 = arith.constant 0 : i32
        %gather3A_797 = tpu.memref_slice %gather3A_794[%gather3A_789, %gather3A_795, %gather3A_796] : memref<8x16x128xf32, #tpu.memory_space<vmem>> -> memref<1x16x128xf32, #tpu.memory_space<vmem>>
        %gather3A_798 = tpu.memref_squeeze %gather3A_797 : memref<1x16x128xf32, #tpu.memory_space<vmem>> -> memref<16x128xf32, #tpu.memory_space<vmem>>
        %gather3A_799 = tpu.vector_load_idx %gather3A_798[%iota3A, %broadcast_in_dim3A_775] : memref<16x128xf32, #tpu.memory_space<vmem>>[vector<16xi32>, vector<16xi32>], vector<16xf32>,
        %add3A_800 = arith.constant 7 : i32
        %add3A_801 = arith.addi %and3A_502, %add3A_800 : i32
        %broadcast_in_dim3A_802 = vector.broadcast %add3A_801 : i32 to vector<16xi32>
        %mul3A_803 = arith.mulf %gather3A_787, %gather3A_799 : vector<16xf32>
        tpu.vector_store_idx %arg11[%broadcast_in_dim3A, %iota3A, %broadcast_in_dim3A_802], %mul3A_803 : memref<4x16x128xf32, #tpu.memory_space<vmem>>[vector<16xi32>, vector<16xi32>, vector<16xi32>], vector<16xf32>,
      } else {
      }
    }
    %scan3A_7 = arith.constant 22 : i32
    %add3A_8 = arith.constant 0 : i32
    %add3A_9 = arith.addi %mul3A_2, %add3A_8 : i32
    %multiple_of3A = tpu.assume_multiple %add3A_9, 128 : i32
    %run_scoped3A = arith.constant 0 : i32
    "tpu.region"() ({
      %run_scoped3A_22 = tpu.sem_alloc : memref<!tpu.dma_semaphore, #tpu.memory_space<semaphore_mem>>
      %dma_start3A = arith.constant 0 : i32
      %dma_start3A_23 = arith.constant 0 : i32
      %dma_start3A_24 = tpu.memref_slice %arg11[%run_scoped3A, %dma_start3A, %dma_start3A_23] : memref<4x16x128xf32, #tpu.memory_space<vmem>> -> memref<1x16x128xf32, #tpu.memory_space<vmem>>
      %dma_start3A_25 = tpu.memref_squeeze %dma_start3A_24 : memref<1x16x128xf32, #tpu.memory_space<vmem>> -> memref<16x128xf32, #tpu.memory_space<vmem>>
      %dma_start3A_26 = arith.constant 0 : i32
      %dma_start3A_27 = tpu.memref_slice %arg6[%dma_start3A_26, %multiple_of3A] : memref<16x16384xf32, #tpu.memory_space<hbm>> -> memref<16x128xf32, #tpu.memory_space<hbm>>
      %dma_start3A_28 = arith.constant 0 : i32
      %dma_start3A_29 = tpu.memref_slice %arg6[%dma_start3A_28, %multiple_of3A] : memref<16x16384xf32, #tpu.memory_space<hbm>> -> memref<16x128xf32, #tpu.memory_space<hbm>>
      %dma_start3A_30 = arith.constant 0 : i32
      %dma_start3A_31 = arith.constant 0 : i32
      %dma_start3A_32 = tpu.memref_slice %arg11[%run_scoped3A, %dma_start3A_30, %dma_start3A_31] : memref<4x16x128xf32, #tpu.memory_space<vmem>> -> memref<1x16x128xf32, #tpu.memory_space<vmem>>
      %dma_start3A_33 = tpu.memref_squeeze %dma_start3A_32 : memref<1x16x128xf32, #tpu.memory_space<vmem>> -> memref<16x128xf32, #tpu.memory_space<vmem>>
      tpu.enqueue_dma source(%dma_start3A_33 : memref<16x128xf32, #tpu.memory_space<vmem>>) target(%dma_start3A_29 : memref<16x128xf32, #tpu.memory_space<hbm>>) target_semaphore(%run_scoped3A_22 : memref<!tpu.dma_semaphore, #tpu.memory_space<semaphore_mem>>)
      %dma_wait3A = arith.constant 0 : i32
      %dma_wait3A_34 = arith.constant 0 : i32
      %dma_wait3A_35 = tpu.memref_slice %arg11[%run_scoped3A, %dma_wait3A, %dma_wait3A_34] : memref<4x16x128xf32, #tpu.memory_space<vmem>> -> memref<1x16x128xf32, #tpu.memory_space<vmem>>
      %dma_wait3A_36 = tpu.memref_squeeze %dma_wait3A_35 : memref<1x16x128xf32, #tpu.memory_space<vmem>> -> memref<16x128xf32, #tpu.memory_space<vmem>>
      %dma_wait3A_37 = arith.constant 0 : i32
      %dma_wait3A_38 = tpu.memref_slice %arg6[%dma_wait3A_37, %multiple_of3A] : memref<16x16384xf32, #tpu.memory_space<hbm>> -> memref<16x128xf32, #tpu.memory_space<hbm>>
      %dma_wait3A_39 = arith.constant 0 : i32
      %dma_wait3A_40 = tpu.memref_slice %arg6[%dma_wait3A_39, %multiple_of3A] : memref<16x16384xf32, #tpu.memory_space<hbm>> -> memref<16x128xf32, #tpu.memory_space<hbm>>
      %dma_wait3A_41 = arith.constant 0 : i32
      %dma_wait3A_42 = arith.constant 0 : i32
      %dma_wait3A_43 = tpu.memref_slice %arg11[%run_scoped3A, %dma_wait3A_41, %dma_wait3A_42] : memref<4x16x128xf32, #tpu.memory_space<vmem>> -> memref<1x16x128xf32, #tpu.memory_space<vmem>>
      %dma_wait3A_44 = tpu.memref_squeeze %dma_wait3A_43 : memref<1x16x128xf32, #tpu.memory_space<vmem>> -> memref<16x128xf32, #tpu.memory_space<vmem>>
      tpu.wait_dma2 semaphore(%run_scoped3A_22 : memref<!tpu.dma_semaphore, #tpu.memory_space<semaphore_mem>>) src(%dma_wait3A_44 : memref<16x128xf32, #tpu.memory_space<vmem>>) dst(%dma_wait3A_40 : memref<16x128xf32, #tpu.memory_space<hbm>>)
      tpu.yield
    }) : () -> ()
    %add3A_10 = arith.constant 128 : i32
    %add3A_11 = arith.addi %mul3A_2, %add3A_10 : i32
    %multiple_of3A_12 = tpu.assume_multiple %add3A_11, 128 : i32
    %run_scoped3A_13 = arith.constant 1 : i32
    "tpu.region"() ({
      %run_scoped3A_22 = tpu.sem_alloc : memref<!tpu.dma_semaphore, #tpu.memory_space<semaphore_mem>>
      %dma_start3A = arith.constant 0 : i32
      %dma_start3A_23 = arith.constant 0 : i32
      %dma_start3A_24 = tpu.memref_slice %arg11[%run_scoped3A_13, %dma_start3A, %dma_start3A_23] : memref<4x16x128xf32, #tpu.memory_space<vmem>> -> memref<1x16x128xf32, #tpu.memory_space<vmem>>
      %dma_start3A_25 = tpu.memref_squeeze %dma_start3A_24 : memref<1x16x128xf32, #tpu.memory_space<vmem>> -> memref<16x128xf32, #tpu.memory_space<vmem>>
      %dma_start3A_26 = arith.constant 0 : i32
      %dma_start3A_27 = tpu.memref_slice %arg6[%dma_start3A_26, %multiple_of3A_12] : memref<16x16384xf32, #tpu.memory_space<hbm>> -> memref<16x128xf32, #tpu.memory_space<hbm>>
      %dma_start3A_28 = arith.constant 0 : i32
      %dma_start3A_29 = tpu.memref_slice %arg6[%dma_start3A_28, %multiple_of3A_12] : memref<16x16384xf32, #tpu.memory_space<hbm>> -> memref<16x128xf32, #tpu.memory_space<hbm>>
      %dma_start3A_30 = arith.constant 0 : i32
      %dma_start3A_31 = arith.constant 0 : i32
      %dma_start3A_32 = tpu.memref_slice %arg11[%run_scoped3A_13, %dma_start3A_30, %dma_start3A_31] : memref<4x16x128xf32, #tpu.memory_space<vmem>> -> memref<1x16x128xf32, #tpu.memory_space<vmem>>
      %dma_start3A_33 = tpu.memref_squeeze %dma_start3A_32 : memref<1x16x128xf32, #tpu.memory_space<vmem>> -> memref<16x128xf32, #tpu.memory_space<vmem>>
      tpu.enqueue_dma source(%dma_start3A_33 : memref<16x128xf32, #tpu.memory_space<vmem>>) target(%dma_start3A_29 : memref<16x128xf32, #tpu.memory_space<hbm>>) target_semaphore(%run_scoped3A_22 : memref<!tpu.dma_semaphore, #tpu.memory_space<semaphore_mem>>)
      %dma_wait3A = arith.constant 0 : i32
      %dma_wait3A_34 = arith.constant 0 : i32
      %dma_wait3A_35 = tpu.memref_slice %arg11[%run_scoped3A_13, %dma_wait3A, %dma_wait3A_34] : memref<4x16x128xf32, #tpu.memory_space<vmem>> -> memref<1x16x128xf32, #tpu.memory_space<vmem>>
      %dma_wait3A_36 = tpu.memref_squeeze %dma_wait3A_35 : memref<1x16x128xf32, #tpu.memory_space<vmem>> -> memref<16x128xf32, #tpu.memory_space<vmem>>
      %dma_wait3A_37 = arith.constant 0 : i32
      %dma_wait3A_38 = tpu.memref_slice %arg6[%dma_wait3A_37, %multiple_of3A_12] : memref<16x16384xf32, #tpu.memory_space<hbm>> -> memref<16x128xf32, #tpu.memory_space<hbm>>
      %dma_wait3A_39 = arith.constant 0 : i32
      %dma_wait3A_40 = tpu.memref_slice %arg6[%dma_wait3A_39, %multiple_of3A_12] : memref<16x16384xf32, #tpu.memory_space<hbm>> -> memref<16x128xf32, #tpu.memory_space<hbm>>
      %dma_wait3A_41 = arith.constant 0 : i32
      %dma_wait3A_42 = arith.constant 0 : i32
      %dma_wait3A_43 = tpu.memref_slice %arg11[%run_scoped3A_13, %dma_wait3A_41, %dma_wait3A_42] : memref<4x16x128xf32, #tpu.memory_space<vmem>> -> memref<1x16x128xf32, #tpu.memory_space<vmem>>
      %dma_wait3A_44 = tpu.memref_squeeze %dma_wait3A_43 : memref<1x16x128xf32, #tpu.memory_space<vmem>> -> memref<16x128xf32, #tpu.memory_space<vmem>>
      tpu.wait_dma2 semaphore(%run_scoped3A_22 : memref<!tpu.dma_semaphore, #tpu.memory_space<semaphore_mem>>) src(%dma_wait3A_44 : memref<16x128xf32, #tpu.memory_space<vmem>>) dst(%dma_wait3A_40 : memref<16x128xf32, #tpu.memory_space<hbm>>)
      tpu.yield
    }) : () -> ()
    %add3A_14 = arith.constant 256 : i32
    %add3A_15 = arith.addi %mul3A_2, %add3A_14 : i32
    %multiple_of3A_16 = tpu.assume_multiple %add3A_15, 128 : i32
    %run_scoped3A_17 = arith.constant 2 : i32
    "tpu.region"() ({
      %run_scoped3A_22 = tpu.sem_alloc : memref<!tpu.dma_semaphore, #tpu.memory_space<semaphore_mem>>
      %dma_start3A = arith.constant 0 : i32
      %dma_start3A_23 = arith.constant 0 : i32
      %dma_start3A_24 = tpu.memref_slice %arg11[%run_scoped3A_17, %dma_start3A, %dma_start3A_23] : memref<4x16x128xf32, #tpu.memory_space<vmem>> -> memref<1x16x128xf32, #tpu.memory_space<vmem>>
      %dma_start3A_25 = tpu.memref_squeeze %dma_start3A_24 : memref<1x16x128xf32, #tpu.memory_space<vmem>> -> memref<16x128xf32, #tpu.memory_space<vmem>>
      %dma_start3A_26 = arith.constant 0 : i32
      %dma_start3A_27 = tpu.memref_slice %arg6[%dma_start3A_26, %multiple_of3A_16] : memref<16x16384xf32, #tpu.memory_space<hbm>> -> memref<16x128xf32, #tpu.memory_space<hbm>>
      %dma_start3A_28 = arith.constant 0 : i32
      %dma_start3A_29 = tpu.memref_slice %arg6[%dma_start3A_28, %multiple_of3A_16] : memref<16x16384xf32, #tpu.memory_space<hbm>> -> memref<16x128xf32, #tpu.memory_space<hbm>>
      %dma_start3A_30 = arith.constant 0 : i32
      %dma_start3A_31 = arith.constant 0 : i32
      %dma_start3A_32 = tpu.memref_slice %arg11[%run_scoped3A_17, %dma_start3A_30, %dma_start3A_31] : memref<4x16x128xf32, #tpu.memory_space<vmem>> -> memref<1x16x128xf32, #tpu.memory_space<vmem>>
      %dma_start3A_33 = tpu.memref_squeeze %dma_start3A_32 : memref<1x16x128xf32, #tpu.memory_space<vmem>> -> memref<16x128xf32, #tpu.memory_space<vmem>>
      tpu.enqueue_dma source(%dma_start3A_33 : memref<16x128xf32, #tpu.memory_space<vmem>>) target(%dma_start3A_29 : memref<16x128xf32, #tpu.memory_space<hbm>>) target_semaphore(%run_scoped3A_22 : memref<!tpu.dma_semaphore, #tpu.memory_space<semaphore_mem>>)
      %dma_wait3A = arith.constant 0 : i32
      %dma_wait3A_34 = arith.constant 0 : i32
      %dma_wait3A_35 = tpu.memref_slice %arg11[%run_scoped3A_17, %dma_wait3A, %dma_wait3A_34] : memref<4x16x128xf32, #tpu.memory_space<vmem>> -> memref<1x16x128xf32, #tpu.memory_space<vmem>>
      %dma_wait3A_36 = tpu.memref_squeeze %dma_wait3A_35 : memref<1x16x128xf32, #tpu.memory_space<vmem>> -> memref<16x128xf32, #tpu.memory_space<vmem>>
      %dma_wait3A_37 = arith.constant 0 : i32
      %dma_wait3A_38 = tpu.memref_slice %arg6[%dma_wait3A_37, %multiple_of3A_16] : memref<16x16384xf32, #tpu.memory_space<hbm>> -> memref<16x128xf32, #tpu.memory_space<hbm>>
      %dma_wait3A_39 = arith.constant 0 : i32
      %dma_wait3A_40 = tpu.memref_slice %arg6[%dma_wait3A_39, %multiple_of3A_16] : memref<16x16384xf32, #tpu.memory_space<hbm>> -> memref<16x128xf32, #tpu.memory_space<hbm>>
      %dma_wait3A_41 = arith.constant 0 : i32
      %dma_wait3A_42 = arith.constant 0 : i32
      %dma_wait3A_43 = tpu.memref_slice %arg11[%run_scoped3A_17, %dma_wait3A_41, %dma_wait3A_42] : memref<4x16x128xf32, #tpu.memory_space<vmem>> -> memref<1x16x128xf32, #tpu.memory_space<vmem>>
      %dma_wait3A_44 = tpu.memref_squeeze %dma_wait3A_43 : memref<1x16x128xf32, #tpu.memory_space<vmem>> -> memref<16x128xf32, #tpu.memory_space<vmem>>
      tpu.wait_dma2 semaphore(%run_scoped3A_22 : memref<!tpu.dma_semaphore, #tpu.memory_space<semaphore_mem>>) src(%dma_wait3A_44 : memref<16x128xf32, #tpu.memory_space<vmem>>) dst(%dma_wait3A_40 : memref<16x128xf32, #tpu.memory_space<hbm>>)
      tpu.yield
    }) : () -> ()
    %add3A_18 = arith.constant 384 : i32
    %add3A_19 = arith.addi %mul3A_2, %add3A_18 : i32
    %multiple_of3A_20 = tpu.assume_multiple %add3A_19, 128 : i32
    %run_scoped3A_21 = arith.constant 3 : i32
    "tpu.region"() ({
      %run_scoped3A_22 = tpu.sem_alloc : memref<!tpu.dma_semaphore, #tpu.memory_space<semaphore_mem>>
      %dma_start3A = arith.constant 0 : i32
      %dma_start3A_23 = arith.constant 0 : i32
      %dma_start3A_24 = tpu.memref_slice %arg11[%run_scoped3A_21, %dma_start3A, %dma_start3A_23] : memref<4x16x128xf32, #tpu.memory_space<vmem>> -> memref<1x16x128xf32, #tpu.memory_space<vmem>>
      %dma_start3A_25 = tpu.memref_squeeze %dma_start3A_24 : memref<1x16x128xf32, #tpu.memory_space<vmem>> -> memref<16x128xf32, #tpu.memory_space<vmem>>
      %dma_start3A_26 = arith.constant 0 : i32
      %dma_start3A_27 = tpu.memref_slice %arg6[%dma_start3A_26, %multiple_of3A_20] : memref<16x16384xf32, #tpu.memory_space<hbm>> -> memref<16x128xf32, #tpu.memory_space<hbm>>
      %dma_start3A_28 = arith.constant 0 : i32
      %dma_start3A_29 = tpu.memref_slice %arg6[%dma_start3A_28, %multiple_of3A_20] : memref<16x16384xf32, #tpu.memory_space<hbm>> -> memref<16x128xf32, #tpu.memory_space<hbm>>
      %dma_start3A_30 = arith.constant 0 : i32
      %dma_start3A_31 = arith.constant 0 : i32
      %dma_start3A_32 = tpu.memref_slice %arg11[%run_scoped3A_21, %dma_start3A_30, %dma_start3A_31] : memref<4x16x128xf32, #tpu.memory_space<vmem>> -> memref<1x16x128xf32, #tpu.memory_space<vmem>>
      %dma_start3A_33 = tpu.memref_squeeze %dma_start3A_32 : memref<1x16x128xf32, #tpu.memory_space<vmem>> -> memref<16x128xf32, #tpu.memory_space<vmem>>
      tpu.enqueue_dma source(%dma_start3A_33 : memref<16x128xf32, #tpu.memory_space<vmem>>) target(%dma_start3A_29 : memref<16x128xf32, #tpu.memory_space<hbm>>) target_semaphore(%run_scoped3A_22 : memref<!tpu.dma_semaphore, #tpu.memory_space<semaphore_mem>>)
      %dma_wait3A = arith.constant 0 : i32
      %dma_wait3A_34 = arith.constant 0 : i32
      %dma_wait3A_35 = tpu.memref_slice %arg11[%run_scoped3A_21, %dma_wait3A, %dma_wait3A_34] : memref<4x16x128xf32, #tpu.memory_space<vmem>> -> memref<1x16x128xf32, #tpu.memory_space<vmem>>
      %dma_wait3A_36 = tpu.memref_squeeze %dma_wait3A_35 : memref<1x16x128xf32, #tpu.memory_space<vmem>> -> memref<16x128xf32, #tpu.memory_space<vmem>>
      %dma_wait3A_37 = arith.constant 0 : i32
      %dma_wait3A_38 = tpu.memref_slice %arg6[%dma_wait3A_37, %multiple_of3A_20] : memref<16x16384xf32, #tpu.memory_space<hbm>> -> memref<16x128xf32, #tpu.memory_space<hbm>>
      %dma_wait3A_39 = arith.constant 0 : i32
      %dma_wait3A_40 = tpu.memref_slice %arg6[%dma_wait3A_39, %multiple_of3A_20] : memref<16x16384xf32, #tpu.memory_space<hbm>> -> memref<16x128xf32, #tpu.memory_space<hbm>>
      %dma_wait3A_41 = arith.constant 0 : i32
      %dma_wait3A_42 = arith.constant 0 : i32
      %dma_wait3A_43 = tpu.memref_slice %arg11[%run_scoped3A_21, %dma_wait3A_41, %dma_wait3A_42] : memref<4x16x128xf32, #tpu.memory_space<vmem>> -> memref<1x16x128xf32, #tpu.memory_space<vmem>>
      %dma_wait3A_44 = tpu.memref_squeeze %dma_wait3A_43 : memref<1x16x128xf32, #tpu.memory_space<vmem>> -> memref<16x128xf32, #tpu.memory_space<vmem>>
      tpu.wait_dma2 semaphore(%run_scoped3A_22 : memref<!tpu.dma_semaphore, #tpu.memory_space<semaphore_mem>>) src(%dma_wait3A_44 : memref<16x128xf32, #tpu.memory_space<vmem>>) dst(%dma_wait3A_40 : memref<16x128xf32, #tpu.memory_space<hbm>>)
      tpu.yield
    }) : () -> ()
    return
  }
}

</mosaic_0001>

<sc_bundles>
// kernel: _gmf.3.cloned.1.call-start
scs
__scs_entry_jumppad:
0x0: {  	(pc) =	sbr.rel $0x88, $3  }
0x1: {  	(tag) =	ssettag $0x0;
	lr =	simm.s32 $0x1  }
0x2: {  	[smem:$0x3F9D] =	sst lr;
	_ =	strace $0xD0000000  }
0x3: {  	_ = 	snop  }
0x4: {  	_ = 	snop  }
0x5: {  	_ = 	snop  }
0x6: {  	_ = 	snop  }
0x7: {  	_ = 	snop  }
__scs_overlays_trampoline_lowered:
0x8: {  	[smem:$0x3FAC] =	sst s0  }
0x9: {  	[smem:$0x3FAD] =	sst s1  }
0xa: {  	[smem:$0x3FAE] =	sst s2  }
0xb: {  	[smem:$0x3FAF] =	sst s3  }
0xc: {  	[smem:$0x3FB0] =	sst s4  }
0xd: {  	[smem:$0x3FB1] =	sst s5  }
0xe: {  	[smem:$0x3FB2] =	sst s6  }
0xf: {  	[smem:$0x3FB3] =	sst s7  }
0x10: {  	[smem:$0x3FB4] =	sst s8  }
0x11: {  	[smem:$0x3FB5] =	sst s9;
	s0 =	simm.s32 @!p0 $0x0  }
0x12: {  	s1 =	sld [smem:$0x3F9B];
	s0 =	simm.s32 @p0 $0x1  }
0x13: {  	[smem:$0x3FB6] =	sst s0;
	s0 =	simm.s32 @!p1 $0x0  }
0x14: {  	s2 =	sld [smem:$0x3F9A];
	s0 =	simm.s32 @p1 $0x1  }
0x15: {  	[smem:$0x3FB7] =	sst s0;
	s0 =	simm.s32 @!p2 $0x0  }
0x16: {  	s3 =	sld [smem:$0x3FDB];
	s0 =	simm.s32 @p2 $0x1  }
0x17: {  	s4 =	simm.s32 $0x1BF5;
	[smem:$0x3FB9] =	sst s0  }
0x18: {  	s0 =	sld [smem:$0x3F9C];
	_ =	swait.ge [sflag:s4], $0x0  }
0x19: {  	s7 =	sld [smem:$0x3F9D]  }
0x1a: {  	s8 =	sadd.s32 $0xFFFFE003, lr  }
0x1b: {  	s9 =	sadd.s32 $0xFFFFFEF7, lr;
	s5 =	simm.s32 $0xFFFFFFFF;
	p2 =	slt.u32 s8, $0xFFFFF086  }
0x1c: {  	p1 =	slt.u32 s9, $0xF7A;
	s5 =	simm.s32 @!p2 $0x0  }
0x1d: {  	s5 =	simm.s32 @p1 $0x1;
	p0 =	seq.s32 s7, s2  }
0x1e: {  	s7 =	smul.u32 @!p0 $0xF7A, s2;
	p2 =	seq.s32 @!p0 s5, $0x0  }
0x1f: {  	s9 =	smul.u32 $0xF7A, s1;
	s8 =	simm.s32 @!p0 $0x1BF5;
	p2 =	por !p2, p0  }
0x20: {  	[sflag:s8] =	ssyncset.s32 @!p0 $0xFFFFF086;
	s6 =	sadd.s32 @!p0 s3, s7;
	s7 =	simm.s32 @!p0 $0x108  }
0x21: {  	s3 =	sadd.s32 s3, s9;
	s6 =	sadd.s32 @!p0 $0x88, s6;
	s7 =	simm.s32 @p2 $0x1082  }
0x22: {  	[simem:s7], [sflag:s8] =	dma.local @!p0 [hbm:s6], $0xF7A  }
0x23: {  	s9 =	sor.u32 $0xD0000000, s2;
	s6 =	simm.s32 $0x108;
	_ =	swait.ge @!p0 [sflag:s8], $0x0  }
0x24: {  	s3 =	sadd.s32 $0x88, s3;
	s6 =	simm.s32 @!p1 $0x1082;
	[sflag:s4] =	ssyncset.s32 $0xFFFFF086  }
0x25: {  	[simem:s6], [sflag:s4] =	dma.local [hbm:s3], $0xF7A  }
0x26: {  	[smem:$0x3F9D] =	sst s1;
	(tag) =	ssettag s2;
	_ =	strace s9  }
0x27: {  	s1 =	sld [smem:$0x3FAD]  }
0x28: {  	s2 =	sld [smem:$0x3FAE]  }
0x29: {  	s4 =	sld [smem:$0x3FB0]  }
0x2a: {  	p0 =	seq.s32 s5, $0x0;
	s5 =	sld [smem:$0x3FB1]  }
0x2b: {  	s6 =	sld [smem:$0x3FB2]  }
0x2c: {  	s7 =	sld [smem:$0x3FB3]  }
0x2d: {  	s3 =	simm.s32 $0x108;
	s8 =	sld [smem:$0x3FB4]  }
0x2e: {  	s3 =	simm.s32 @!p0 $0x1082;
	s9 =	sld [smem:$0x3FB5]  }
0x2f: {  	lr =	sadd.s32 s0, s3;
	s0 =	sld [smem:$0x3FAC]  }
0x30: {  	s3 =	sld [smem:$0x3FAF]  }
0x31: {  	[smem:$0x3FB8] =	sst s10  }
0x32: {  	s10 =	sld [smem:$0x3FB6];
	_ =	sdelay $0x3  }
0x33: {  	p0 =	seq.s32 s10, $0x1;
	s10 =	sld [smem:$0x3FB8];
	_ =	sdelay $0x3  }
0x34: {  	[smem:$0x3FB8] =	sst s10  }
0x35: {  	s10 =	sld [smem:$0x3FB7];
	_ =	sdelay $0x3  }
0x36: {  	p1 =	seq.s32 s10, $0x1;
	s10 =	sld [smem:$0x3FB8];
	_ =	sdelay $0x3  }
0x37: {  	[smem:$0x3FB8] =	sst s10  }
0x38: {  	s10 =	sld [smem:$0x3FB9]  }
0x39: {  	_ = 	snop;
	(pc) =	sbr.ind lr, $3  }
0x3a: {  	_ = 	snop  }
0x3b: {  	_ = 	snop  }
0x3c: {  	p2 =	seq.s32 s10, $0x1;
	s10 =	sld [smem:$0x3FB8]  }
0x3d: {  	_ =	shalt  }
0x3e: {  	_ =	shalt  }
0x3f: {  	_ =	shalt  }
0x40: {  	_ =	shalt  }
0x41: {  	_ =	shalt  }
0x42: {  	_ =	shalt  }
0x43: {  	_ =	shalt  }
0x44: {  	_ =	shalt  }
0x45: {  	_ =	shalt  }
0x46: {  	_ =	shalt  }
0x47: {  	_ =	shalt  }
0x48: {  	_ =	shalt  }
0x49: {  	_ =	shalt  }
0x4a: {  	_ =	shalt  }
0x4b: {  	_ =	shalt  }
0x4c: {  	_ =	shalt  }
0x4d: {  	_ =	shalt  }
0x4e: {  	_ =	shalt  }
0x4f: {  	_ =	shalt  }
0x50: {  	_ =	shalt  }
0x51: {  	_ =	shalt  }
0x52: {  	_ =	shalt  }
0x53: {  	_ =	shalt  }
0x54: {  	_ =	shalt  }
0x55: {  	_ =	shalt  }
0x56: {  	_ =	shalt  }
0x57: {  	_ =	shalt  }
0x58: {  	_ =	shalt  }
0x59: {  	_ =	shalt  }
0x5a: {  	_ =	shalt  }
0x5b: {  	_ =	shalt  }
0x5c: {  	_ =	shalt  }
0x5d: {  	_ =	shalt  }
0x5e: {  	_ =	shalt  }
0x5f: {  	_ =	shalt  }
0x60: {  	_ =	shalt  }
0x61: {  	_ =	shalt  }
0x62: {  	_ =	shalt  }
0x63: {  	_ =	shalt  }
0x64: {  	_ =	shalt  }
0x65: {  	_ =	shalt  }
0x66: {  	_ =	shalt  }
0x67: {  	_ =	shalt  }
0x68: {  	_ =	shalt  }
0x69: {  	_ =	shalt  }
0x6a: {  	_ =	shalt  }
0x6b: {  	_ =	shalt  }
0x6c: {  	_ =	shalt  }
0x6d: {  	_ =	shalt  }
0x6e: {  	_ =	shalt  }
0x6f: {  	_ =	shalt  }
0x70: {  	_ =	shalt  }
0x71: {  	_ =	shalt  }
0x72: {  	_ =	shalt  }
0x73: {  	_ =	shalt  }
0x74: {  	_ =	shalt  }
0x75: {  	_ =	shalt  }
0x76: {  	_ =	shalt  }
0x77: {  	_ =	shalt  }
0x78: {  	_ =	shalt  }
0x79: {  	_ =	shalt  }
0x7a: {  	_ =	shalt  }
0x7b: {  	_ =	shalt  }
0x7c: {  	_ =	shalt  }
0x7d: {  	_ =	shalt  }
0x7e: {  	_ =	shalt  }
0x7f: {  	_ =	shalt  }
0x80: {  	_ =	shalt  }
0x81: {  	_ =	shalt  }
0x82: {  	_ =	shalt  }
0x83: {  	_ =	shalt  }
0x84: {  	_ =	shalt  }
0x85: {  	_ =	shalt  }
0x86: {  	_ =	shalt  }
0x87: {  	_ =	shalt  }
.Lfunc_end0:
.L_simem_size_0:
called_computation_lowered:
.L_overlay_start_0:
0x88: {  	s2 =	sld [smem:$0x3FD9]  }
0x89: {  	s3 =	sld [smem:$0x3FFE];
	_ =	sdelay $0x1  }
0x8a: {  	s1 =	srdreg.scid  }
0x8b: {  	s0 =	sand.u32 $0x1, s1  }
0x8c: {  	s18 =	sshll.u32 s0, $0xA;
	s2 =	sadd.s32 s3, s2  }
0x8d: {  	s2 =	sadd.s32 s2, s18  }
0x8e: {  	[smem:$0x3FC4] =	sst s2  }
0x8f: {  	_ = 	snop  }
0x90: {  	s2 =	sld [smem:$0x3FC9]  }
0x91: {  	s19 =	sld [smem:$0x3FC8]  }
0x92: {  	s4 =	sld [smem:$0x3FC7]  }
0x93: {  	s5 =	sld [smem:$0x3FC6]  }
0x94: {  	s6 =	sld [smem:$0x3FD0];
	(tm) =	ssettm $0x1  }
0x95: {  	s7 =	sld [smem:$0x3FFB];
	_ =	sdelay $0x3  }
0x96: {  	_ =	strace s7  }
0x97: {  	s7 =	sld [smem:$0x3FFC];
	_ =	sdelay $0x3  }
0x98: {  	_ =	strace s7  }
0x99: {  	s7 =	sld [smem:$0x3FFD];
	_ =	sdelay $0x3  }
0x9a: {  	_ =	strace s7  }
0x9b: {  	_ =	strace $0x8FFFFFFF  }
0x9c: {  	s20 =	sld [smem:$0x3FDB];
	_ =	sdelay $0x1  }
0x9d: {  	s8 =	simm.s32 $_scs_section_size  }
0x9e: {  	s9 =	simm.s32 $_size__tile_overlayer_lowered;
	s10 =	simm.s32 $_tile_overlayer_lowered  }
0x9f: {  	s23 =	simm.s32 $0x1BFF;
	s22 =	sshll.u32 s10, $0x1;
	s7 =	sadd.s32 s8, s20  }
0xa0: {  	s11 =	simm.s32 $0x0;
	s21 =	sshll.u32 s9, $0x1;
	s9 =	sadd.s32 s22, s7  }
0xa1: {  	[timem:s11], [sflag:s23] =	dma.local [hbm:s9], s21  }
0xa2: {  	_ =	swait.ge [sflag:s23], s21  }
0xa3: {  	s8 =	ssub.s32 $0x0, s21;
	[sflag:s23] =	ssyncset.done $0x0  }
0xa4: {  	[sflag:s23] =	ssyncadd.s32 s8;
	_ =	sdelay $0x1  }
0xa5: {  	s24 =	simm.s32 $0x1B8B  }
0xa6: {  	_ =	swait.ge [sflag:s24], $0x1  }
0xa7: {  	[sflag:s24] =	ssyncset.done $0x0  }
0xa8: {  	s25 =	simm.s32 $0x1B8E;
	[sflag:s24] =	ssyncadd.s32 $0xFFFFFFFF  }
0xa9: {  	s26 =	simm.s32 $execute0_lowered;
	[smem:$0x3FD2] =	sst s25  }
0xaa: {  	s8 =	sshll.u32 s26, $0x1;
	_ =	strace $0x80000046;
	[dreg:$0x1] =	wrdreg $0xFFFFFFFF  }
0xab: {  	s28 =	simm.s32 $_size_execute0_lowered;
	s7 =	sadd.s32 s7, s8;
	[dreg:$0x0] =	wrdreg $0x0  }
0xac: {  	s8 =	sshll.u32 s28, $0x1;
	[dreg:$0x2] =	wrdreg s7  }
0xad: {  	[dreg:$0x3] =	wrdreg s8  }
0xae: {  	[dreg:$0x4] =	wrdreg $0xC0  }
0xaf: {  	_ =	task [dreg:s11], $0x5FFFF  }
0xb0: {  	[dreg:$0x1] =	wrdreg $0xFFFFFFFF  }
0xb1: {  	[dreg:$0x0] =	wrdreg $0x60  }
0xb2: {  	[dreg:$0x2] =	wrdreg s2  }
0xb3: {  	[dreg:$0x3] =	wrdreg s19  }
0xb4: {  	[dreg:$0x4] =	wrdreg s4  }
0xb5: {  	[dreg:$0x5] =	wrdreg s5  }
0xb6: {  	[dreg:$0x6] =	wrdreg s6  }
0xb7: {  	[dreg:$0x7] =	wrdreg $0x9  }
0xb8: {  	_ =	task.clear_ibuf [dreg:s11], $0x8FFFF;
	_ =	strace $0x90000046  }
0xb9: {  	s29 =	simm.s32 $0x9;
	_ =	strace $0x80000048  }
0xba: {  	_ =	swait.ge [sflag:s29], $0x1  }
0xbb: {  	[sflag:s29] =	ssyncadd.s32 $0xFFFFFFFF  }
0xbc: {  	_ =	strace $0x90000048  }
0xbd: {  	_ =	sfence  }
0xbe: {  	s30 =	sld [smem:$0x0];
	_ =	sdelay $0x2  }
0xbf: {  	s31 =	sshll.u32 s1, $0xD;
	s1 =	sshrl.u32 s1, $0x2  }
0xc0: {  	s3 =	sand.u32 $0x4000, s31;
	s1 =	sadd.s32 s1, s30  }
0xc1: {  	s0 =	sor.u32 s3, s0;
	s1 =	sshll.u32 s1, $0x11  }
0xc2: {  	s0 =	sor.u32 s1, s0  }
0xc3: {  	s0 =	sadd.s32 $0x8F2B, s0  }
0xc4: {  	[sflag:s0] =	ssyncadd.remote.s32 $0x1  }
0xc5: {  	_ =	sfence.sel $0xFFFF  }
0xc6: {  	[dreg:$0x0] =	wrdreg $0xFFFFFFFF;
	(pc) =	sbr.abs _section_cstart, $3  }
0xc7: {  	[dreg:$0x1] =	wrdreg $0xFFFFFFFF  }
0xc8: {  	_ =	task.clear_ibuf [dreg:s11], $0x2FFFF;
	_ =	strace $0x9FFFFFFF  }
0xc9: {  	(tm) =	ssettm $0x7FFFFFFF  }
tec
execute0_lowered:
.L_overlay_start_1:
0x0: {  	(tag) =	ssettag $0x1  }
0x1: {  	s0 =	rddreg [dreg:$0x0]  }
0x2: {  	s2 =	rddreg [dreg:$0x1]  }
0x3: {  	s1 =	rddreg [dreg:$0x2]  }
0x4: {  	s3 =	rddreg [dreg:$0x3];
	s4 =	srdreg.scid  }
0x5: {  	s7 =	stileid.u32;
	s5 =	rddreg [dreg:$0x4]  }
0x6: {  	s9 =	simm.s32 $0x0;
	s13 =	simm.s32 $0x400;
	s16 =	simm.s32 $0x7A1400  }
0x7: {  	s18 =	simm.s32 $0xD00;
	s19 =	simm.s32 $0x1500;
	s20 =	simm.s32 $0x1D00  }
0x8: {  	s28 =	simm.s32 $0xD500;
	s29 =	simm.s32 $0xDD00;
	s30 =	simm.s32 $0xE500  }
0x9: {  	s31 =	simm.s32 $0xED00;
	s15 =	simm.s32 $0x3;
	s14 =	simm.s32 $0x2  }
0xa: {  	s4 =	sand.u32 $0x1, s4;
	s6 =	sshll.u32 s7, $0x1;
	s7 =	sshrl.u32 s7, $0x2  }
0xb: {  	[smem:$0x7FF] =	sst s9;
	s9 =	simm.s32 $0x4;
	s6 =	sor.u32 s4, s6  }
0xc: {  	s7 =	smul.u32 $0x1400, s7;
	s4 =	ssub.s32 $0x2, s4;
	_ =	strace $0x80000047  }
0xd: {  	s8 =	sshll.u32 s6, $0x7;
	s21 =	sshrl.u32 s4, $0x1;
	s6 =	sshll.u32 s6, $0x9  }
0xe: {  	s8 =	sand.u32 $0x380, s8;
	s4 =	ssub.s32 s4, s21;
	s23 =	sadd.s32 s5, s6  }
0xf: {  	s21 =	simm.s32 $0x2500;
	s24 =	sadd.s32 $0x80, s23;
	[dreg:$0x8] =	wrdreg s23  }
0x10: {  	s5 =	simm.s32 $0x18500;
	s25 =	sadd.s32 $0x100, s23;
	[dreg:$0x9] =	wrdreg s24  }
0x11: {  	s7 =	sor.u32 s7, s8;
	s26 =	smax.u32 s4, $0x1;
	[dreg:$0xa] =	wrdreg s25  }
0x12: {  	s6 =	simm.s32 $0x0;
	s7 =	sshrl.u32 s7, $0x3;
	[dreg:$0xc] =	wrdreg s26  }
.Ltmp0:
0x13: {  	s24 =	simm.s32 $0x3D00;
	s25 =	simm.s32 $0xC500;
	(pc) =	sbr.rel .LBB2_1-.Ltmp0, $4  }
0x14: {  	s26 =	simm.s32 $0xCD00;
	s1 =	sadd.s32 s1, s7;
	s22 =	sadd.s32 s3, s7  }
0x15: {  	s3 =	simm.s32 $0xF500;
	s7 =	simm.s32 $0x1;
	[dreg:$0x6] =	wrdreg s1  }
0x16: {  	v0 =	vlaneseq.u32;
	[dreg:$0x7] =	wrdreg s22;
	s1 =	sadd.s32 $0x180, s23;
	s22 =	simm.s32 $0x2D00  }
0x17: {  	v0 =	vmul.u32 $0x80, v0;
	s23 =	simm.s32 $0x3500;
	[dreg:$0xb] =	wrdreg s1;
	s1 =	simm.s32 $0xFD00  }
.LBB2_8:
0x18: {  	s4 =	rddreg [dreg:$0x8];
	s6 =	simm.s32 $0x20000;
	s9 =	simm.s32 $0x4  }
0x19: {  	[hbm4b:s4+s13] =	stream.strided.scatter [tilespmem:s5], [sflag:$0x4], $0x800, s6, s13, $0x38;
	[tilespmem:$0x1A500] =	vst v63  }
0x1a: {  	_ =	swait.ge [sflag:s9], $0x800  }
0x1b: {  	[sflag:s9] =	ssyncset.done $0x0  }
0x1c: {  	s8 =	simm.s32 $0x18D00;
	s11 =	rddreg [dreg:$0x9];
	[sflag:s9] =	ssyncadd.s32 $0xFFFFF800  }
0x1d: {  	[hbm4b:s11+s13] =	stream.strided.scatter [tilespmem:s8], [sflag:$0x4], $0x800, s6, s13, $0x38;
	[tilespmem:$0x1A500] =	vst v63  }
0x1e: {  	_ =	swait.ge [sflag:s9], $0x800  }
0x1f: {  	[sflag:s9] =	ssyncset.done $0x0  }
0x20: {  	s17 =	simm.s32 $0x19500;
	s12 =	rddreg [dreg:$0xa];
	[sflag:s9] =	ssyncadd.s32 $0xFFFFF800  }
0x21: {  	[hbm4b:s12+s13] =	stream.strided.scatter [tilespmem:s17], [sflag:$0x4], $0x800, s6, s13, $0x38;
	[tilespmem:$0x1A500] =	vst v63  }
0x22: {  	_ =	swait.ge [sflag:s9], $0x800  }
0x23: {  	[sflag:s9] =	ssyncset.done $0x0  }
0x24: {  	s11 =	simm.s32 $0x19D00;
	s10 =	rddreg [dreg:$0xb];
	[sflag:s9] =	ssyncadd.s32 $0xFFFFF800  }
0x25: {  	[hbm4b:s10+s13] =	stream.strided.scatter [tilespmem:s11], [sflag:$0x4], $0x800, s6, s13, $0x38;
	[tilespmem:$0x1A500] =	vst v63  }
0x26: {  	_ =	swait.ge [sflag:s9], $0x800  }
0x27: {  	s12 =	rddreg [dreg:$0xd]  }
0x28: {  	s17 =	rddreg [dreg:$0xc];
	s6 =	sadd.s32 $0x1, s12  }
0x29: {  	p0 =	sne.s32 s6, s17  }
.Ltmp1:
0x2a: {  	_ = 	snop;
	(pc) =	sbr.rel @!p0 .LBB2_9-.Ltmp1, $3  }
0x2b: {  	_ =	sdelay $0x1  }
0x2c: {  	[sflag:s9] =	ssyncset.done $0x0  }
0x2d: {  	[sflag:s9] =	ssyncadd.s32 $0xFFFFF800  }
.LBB2_1:
0x2e: {  	[dreg:$0xd] =	wrdreg s6  }
0x2f: {  	s4 =	simm.s32 $0x0;
	s11 =	rddreg [dreg:$0x6];
	s8 =	simm.s32 $0x80  }
0x30: {  	[tilespmem:s4], [sflag:$0x4] =	stream.strided.gather [hbm4b:s11+s8], $0x280, s13, s8, $0x38;
	[tilespmem:$0x1A500] =	vst v63  }
0x31: {  	_ =	swait.ge [sflag:s9], $0x280  }
0x32: {  	[sflag:s9] =	ssyncset.done $0x0  }
0x33: {  	s17 =	simm.s32 $0x280;
	s12 =	rddreg [dreg:$0x7];
	[sflag:s9] =	ssyncadd.s32 $0xFFFFFD80  }
0x34: {  	[tilespmem:s17], [sflag:$0x4] =	stream.strided.gather [hbm4b:s12+s8], $0x280, s13, s8, $0x38;
	[tilespmem:$0x1A500] =	vst v63  }
0x35: {  	_ =	swait.ge [sflag:s9], $0x280  }
0x36: {  	s6 =	simm.s32 $0x8;
	s10 =	simm.s32 $0x0;
	[sflag:s9] =	ssyncset.done $0x0  }
0x37: {  	s8 =	simm.s32 $0x288;
	[sflag:s9] =	ssyncadd.s32 $0xFFFFFD80;
	s9 =	simm.s32 $0x1  }
.LBB2_2:
0x38: {  	v1 =	vld [tilespmem:s6+$0xFFFFFFF8];
	_ =	sdelay $0x4  }
0x39: {  	(v2sf) =	vpush v1, $0x0;
	_ =	sdelay $0x3  }
0x3a: {  	(v2sf) =	vpush v1, $0x1;
	_ =	sdelay $0x1  }
0x3b: {  	(v2sf) =	vpush v1, $0x2;
	_ =	sdelay $0x2  }
0x3c: {  	(v2sf) =	vpush v1, $0x3;
	_ =	sdelay $0x5  }
0x3d: {  	s11 =	spop (v2sf);
	(v2sf) =	vpush v1, $0x4  }
0x3e: {  	s11 =	sand.u32 $0xFFFFF80, s11  }
0x3f: {  	s4 =	simm.s32 $0x500;
	s11 =	sadd.s32 s0, s11  }
0x40: {  	v2 =	vld [tilespmem:s8+$0xFFFFFFF8];
	[tilespmem:s4], [sflag:$0x1] =	stream.strided.gather [hbm4b:s11+s13], $0x800, s16, s13, $0x38  }
0x41: {  	s4 =	spop (v2sf);
	(v2sf) =	vpush v1, $0x5;
	_ =	sdelay $0x1  }
0x42: {  	s12 =	spop (v2sf);
	(v2sf) =	vpush v1, $0x6;
	_ =	sdelay $0x2  }
0x43: {  	s17 =	spop (v2sf);
	(v2sf) =	vpush v1, $0x7;
	_ =	sdelay $0x2  }
0x44: {  	s11 =	sand.u32 $0xFFFFF80, s4  }
0x45: {  	s11 =	sadd.s32 s0, s11  }
0x46: {  	[tilespmem:s18], [sflag:$0x1] =	stream.strided.gather [hbm4b:s11+s13], $0x800, s16, s13, $0x38;
	[tilespmem:$0x1A500] =	vst v63  }
0x47: {  	s11 =	sand.u32 $0xFFFFF80, s12;
	s4 =	spop (v2sf);
	(v2sf) =	vpush v2, $0x0  }
0x48: {  	s11 =	sadd.s32 s0, s11  }
0x49: {  	[tilespmem:s19], [sflag:$0x1] =	stream.strided.gather [hbm4b:s11+s13], $0x800, s16, s13, $0x38;
	[tilespmem:$0x1A500] =	vst v63  }
0x4a: {  	s11 =	sand.u32 $0xFFFFF80, s17  }
0x4b: {  	s11 =	sadd.s32 s0, s11;
	s12 =	spop (v2sf);
	(v2sf) =	vpush v2, $0x1  }
0x4c: {  	[tilespmem:s20], [sflag:$0x1] =	stream.strided.gather [hbm4b:s11+s13], $0x800, s16, s13, $0x38;
	[tilespmem:$0x1A500] =	vst v63  }
0x4d: {  	s11 =	sand.u32 $0xFFFFF80, s4;
	s17 =	spop (v2sf);
	(v2sf) =	vpush v2, $0x2  }
0x4e: {  	s11 =	sadd.s32 s0, s11  }
0x4f: {  	[tilespmem:s21], [sflag:$0x1] =	stream.strided.gather [hbm4b:s11+s13], $0x800, s16, s13, $0x38;
	[tilespmem:$0x1A500] =	vst v63  }
0x50: {  	s11 =	sand.u32 $0xFFFFF80, s12;
	s4 =	spop (v2sf);
	(v2sf) =	vpush v2, $0x3  }
0x51: {  	s11 =	sadd.s32 s0, s11  }
0x52: {  	[tilespmem:s22], [sflag:$0x1] =	stream.strided.gather [hbm4b:s11+s13], $0x800, s16, s13, $0x38;
	[tilespmem:$0x1A500] =	vst v63  }
0x53: {  	s11 =	sand.u32 $0xFFFFF80, s17  }
0x54: {  	s11 =	sadd.s32 s0, s11  }
0x55: {  	[tilespmem:s23], [sflag:$0x1] =	stream.strided.gather [hbm4b:s11+s13], $0x800, s16, s13, $0x38;
	[tilespmem:$0x1A500] =	vst v63  }
0x56: {  	s11 =	sand.u32 $0xFFFFF80, s4;
	s12 =	spop (v2sf);
	(v2sf) =	vpush v2, $0x4  }
0x57: {  	s11 =	sadd.s32 s0, s11  }
0x58: {  	[tilespmem:s24], [sflag:$0x1] =	stream.strided.gather [hbm4b:s11+s13], $0x800, s16, s13, $0x38;
	[tilespmem:$0x1A500] =	vst v63  }
0x59: {  	s11 =	sand.u32 $0xFFFFF80, s12  }
0x5a: {  	s11 =	sadd.s32 s2, s11;
	s17 =	spop (v2sf);
	(v2sf) =	vpush v2, $0x5  }
0x5b: {  	[tilespmem:s25], [sflag:$0x1] =	stream.strided.gather [hbm4b:s11+s13], $0x800, s16, s13, $0x38;
	[tilespmem:$0x1A500] =	vst v63  }
0x5c: {  	s11 =	sand.u32 $0xFFFFF80, s17;
	s4 =	spop (v2sf);
	(v2sf) =	vpush v2, $0x6  }
0x5d: {  	s11 =	sadd.s32 s2, s11  }
0x5e: {  	[tilespmem:s26], [sflag:$0x1] =	stream.strided.gather [hbm4b:s11+s13], $0x800, s16, s13, $0x38;
	[tilespmem:$0x1A500] =	vst v63  }
0x5f: {  	s12 =	spop (v2sf);
	(v2sf) =	vpush v2, $0x7;
	s11 =	sand.u32 $0xFFFFF80, s4  }
0x60: {  	s11 =	sadd.s32 s2, s11  }
0x61: {  	[tilespmem:s28], [sflag:$0x1] =	stream.strided.gather [hbm4b:s11+s13], $0x800, s16, s13, $0x38;
	[tilespmem:$0x1A500] =	vst v63  }
0x62: {  	s11 =	sand.u32 $0xFFFFF80, s12  }
0x63: {  	s11 =	sadd.s32 s2, s11  }
0x64: {  	[tilespmem:s29], [sflag:$0x1] =	stream.strided.gather [hbm4b:s11+s13], $0x800, s16, s13, $0x38;
	[tilespmem:$0x1A500] =	vst v63  }
0x65: {  	s17 =	spop (v2sf)  }
0x66: {  	s11 =	sand.u32 $0xFFFFF80, s17  }
0x67: {  	s11 =	sadd.s32 s2, s11  }
0x68: {  	[tilespmem:s30], [sflag:$0x1] =	stream.strided.gather [hbm4b:s11+s13], $0x800, s16, s13, $0x38;
	[tilespmem:$0x1A500] =	vst v63  }
0x69: {  	s4 =	spop (v2sf)  }
0x6a: {  	s11 =	sand.u32 $0xFFFFF80, s4  }
0x6b: {  	s12 =	spop (v2sf);
	s11 =	sadd.s32 s2, s11  }
0x6c: {  	[tilespmem:s31], [sflag:$0x1] =	stream.strided.gather [hbm4b:s11+s13], $0x800, s16, s13, $0x38;
	[tilespmem:$0x1A500] =	vst v63  }
0x6d: {  	s11 =	sand.u32 $0xFFFFF80, s12  }
0x6e: {  	s17 =	spop (v2sf);
	s11 =	sadd.s32 s2, s11  }
0x6f: {  	[tilespmem:s3], [sflag:$0x1] =	stream.strided.gather [hbm4b:s11+s13], $0x800, s16, s13, $0x38;
	[tilespmem:$0x1A500] =	vst v63  }
0x70: {  	s11 =	sand.u32 $0xFFFFF80, s17  }
0x71: {  	s11 =	sadd.s32 s2, s11  }
0x72: {  	[tilespmem:s1], [sflag:$0x1] =	stream.strided.gather [hbm4b:s11+s13], $0x800, s16, s13, $0x38;
	[tilespmem:$0x1A500] =	vst v63  }
0x73: {  	s11 =	sadd.s32 $0xFFFFFFFE, s9  }
0x74: {  	p0 =	sgt.u32 s11, $0x3F  }
.Ltmp2:
0x75: {  	_ = 	snop;
	(pc) =	sbr.rel @p0 .LBB2_4-.Ltmp2, $1  }
0x76: {  	_ =	sdelay $0x3  }
0x77: {  	_ =	swait.ge [sflag:s15], $0x800  }
0x78: {  	[sflag:s15] =	ssyncset.done $0x0  }
0x79: {  	[sflag:s15] =	ssyncadd.s32 $0xFFFFF800  }
0x7a: {  	_ =	swait.ge [sflag:s15], $0x800  }
0x7b: {  	[sflag:s15] =	ssyncset.done $0x0  }
0x7c: {  	[sflag:s15] =	ssyncadd.s32 $0xFFFFF800  }
0x7d: {  	_ =	swait.ge [sflag:s15], $0x800  }
0x7e: {  	[sflag:s15] =	ssyncset.done $0x0  }
0x7f: {  	[sflag:s15] =	ssyncadd.s32 $0xFFFFF800  }
0x80: {  	_ =	swait.ge [sflag:s15], $0x800  }
0x81: {  	[sflag:s15] =	ssyncset.done $0x0  }
0x82: {  	[sflag:s15] =	ssyncadd.s32 $0xFFFFF800  }
0x83: {  	_ =	swait.ge [sflag:s15], $0x800  }
0x84: {  	[sflag:s15] =	ssyncset.done $0x0  }
0x85: {  	[sflag:s15] =	ssyncadd.s32 $0xFFFFF800  }
0x86: {  	_ =	swait.ge [sflag:s15], $0x800  }
0x87: {  	[sflag:s15] =	ssyncset.done $0x0  }
0x88: {  	[sflag:s15] =	ssyncadd.s32 $0xFFFFF800  }
0x89: {  	_ =	swait.ge [sflag:s15], $0x800  }
0x8a: {  	[sflag:s15] =	ssyncset.done $0x0  }
0x8b: {  	[sflag:s15] =	ssyncadd.s32 $0xFFFFF800  }
0x8c: {  	_ =	swait.ge [sflag:s15], $0x800  }
0x8d: {  	[sflag:s15] =	ssyncset.done $0x0  }
0x8e: {  	[sflag:s15] =	ssyncadd.s32 $0xFFFFF800  }
0x8f: {  	_ =	swait.ge [sflag:s15], $0x800  }
0x90: {  	[sflag:s15] =	ssyncset.done $0x0  }
0x91: {  	[sflag:s15] =	ssyncadd.s32 $0xFFFFF800  }
0x92: {  	_ =	swait.ge [sflag:s15], $0x800  }
0x93: {  	[sflag:s15] =	ssyncset.done $0x0  }
0x94: {  	[sflag:s15] =	ssyncadd.s32 $0xFFFFF800  }
0x95: {  	_ =	swait.ge [sflag:s15], $0x800  }
0x96: {  	[sflag:s15] =	ssyncset.done $0x0  }
0x97: {  	[sflag:s15] =	ssyncadd.s32 $0xFFFFF800  }
0x98: {  	_ =	swait.ge [sflag:s15], $0x800  }
0x99: {  	[sflag:s15] =	ssyncset.done $0x0  }
0x9a: {  	[sflag:s15] =	ssyncadd.s32 $0xFFFFF800  }
0x9b: {  	_ =	swait.ge [sflag:s15], $0x800  }
0x9c: {  	[sflag:s15] =	ssyncset.done $0x0  }
0x9d: {  	[sflag:s15] =	ssyncadd.s32 $0xFFFFF800  }
0x9e: {  	_ =	swait.ge [sflag:s15], $0x800  }
0x9f: {  	[sflag:s15] =	ssyncset.done $0x0  }
0xa0: {  	[sflag:s15] =	ssyncadd.s32 $0xFFFFF800  }
0xa1: {  	_ =	swait.ge [sflag:s15], $0x800  }
0xa2: {  	[sflag:s15] =	ssyncset.done $0x0  }
0xa3: {  	[sflag:s15] =	ssyncadd.s32 $0xFFFFF800  }
0xa4: {  	_ =	swait.ge [sflag:s15], $0x800  }
0xa5: {  	[sflag:s15] =	ssyncset.done $0x0  }
0xa6: {  	[sflag:s15] =	ssyncadd.s32 $0xFFFFF800  }
0xa7: {  	v1 =	vld [tilespmem:s6+$0xFFFFFFF0]  }
0xa8: {  	v2 =	vld [tilespmem:s8+$0xFFFFFFF0];
	_ =	sdelay $0x3  }
0xa9: {  	(v2sf) =	vpush v1, $0x0  }
0xaa: {  	(v2sf) =	vpush v2, $0x0;
	_ =	sdelay $0x7  }
0xab: {  	(v2sf) =	vpush v1, $0x1  }
0xac: {  	(v2sf) =	vpush v2, $0x1;
	_ =	sdelay $0x4  }
0xad: {  	s4 =	spop (v2sf)  }
0xae: {  	s4 =	sand.u32 $0x7F, s4;
	s12 =	spop (v2sf)  }
0xaf: {  	s12 =	sand.u32 $0x7F, s12;
	v3 =	vor.u32 s4, v0  }
0xb0: {  	(v2sf) =	vpush v1, $0x2;
	v4 =	vor.u32 s12, v0  }
0xb1: {  	(v2sf) =	vpush v2, $0x2;
	_ =	sdelay $0x1  }
0xb2: {  	s12 =	simm.s32 $0x8500  }
0xb3: {  	s17 =	simm.s32 $0x14500;
	s4 =	sshll.u32 s11, $0x7;
	v3 =	vld.idx.msk [tilespmem:v3+s12+$0x0], $0xffff  }
0xb4: {  	s11 =	sadd.s32 $0xFFFFFFF8, s10;
	s4 =	sand.u32 $0xFFFFF800, s4;
	v4 =	vld.idx.msk [tilespmem:v4+s17+$0x0], $0xffff  }
0xb5: {  	s11 =	sand.u32 $0x78, s11;
	v5 =	vor.u32 s4, v0;
	s12 =	spop (v2sf)  }
0xb6: {  	v6 =	vor.u32 s11, v5;
	s4 =	sand.u32 $0x7F, s12;
	s17 =	spop (v2sf)  }
0xb7: {  	s12 =	sand.u32 $0x7F, s17;
	v7 =	vor.u32 s4, v0  }
0xb8: {  	(v2sf) =	vpush v1, $0x3;
	v8 =	vor.u32 s12, v0  }
0xb9: {  	(v2sf) =	vpush v2, $0x3;
	v3 =	vmul.f32 v4, v3;
	_ =	sdelay $0x1  }
0xba: {  	s12 =	simm.s32 $0x8D00;
	[tilespmem:v6+s5+$0x0] =	vst.idx.msk $0xffff, v3  }
0xbb: {  	s17 =	simm.s32 $0x14D00;
	v3 =	vld.idx.msk [tilespmem:v7+s12+$0x0], $0xffff  }
0xbc: {  	v45 =	vld.idx.msk [tilespmem:v8+s17+$0x0], $0xffff  }
0xbd: {  	s12 =	sor.u32 $0x1, s11;
	s17 =	spop (v2sf)  }
0xbe: {  	v46 =	vor.u32 s12, v5;
	s4 =	sand.u32 $0x7F, s17;
	s17 =	spop (v2sf)  }
0xbf: {  	s12 =	sand.u32 $0x7F, s17;
	v47 =	vor.u32 s4, v0  }
0xc0: {  	(v2sf) =	vpush v1, $0x4;
	v48 =	vor.u32 s12, v0  }
0xc1: {  	(v2sf) =	vpush v2, $0x4;
	v3 =	vmul.f32 v45, v3;
	_ =	sdelay $0x1  }
0xc2: {  	s12 =	simm.s32 $0x9500;
	[tilespmem:v46+s5+$0x0] =	vst.idx.msk $0xffff, v3  }
0xc3: {  	s17 =	simm.s32 $0x15500;
	v3 =	vld.idx.msk [tilespmem:v47+s12+$0x0], $0xffff  }
0xc4: {  	v49 =	vld.idx.msk [tilespmem:v48+s17+$0x0], $0xffff  }
0xc5: {  	s12 =	sor.u32 $0x2, s11;
	s17 =	spop (v2sf)  }
0xc6: {  	v50 =	vor.u32 s12, v5;
	s4 =	sand.u32 $0x7F, s17;
	s17 =	spop (v2sf)  }
0xc7: {  	s12 =	sand.u32 $0x7F, s17;
	v51 =	vor.u32 s4, v0  }
0xc8: {  	(v2sf) =	vpush v1, $0x5;
	v52 =	vor.u32 s12, v0  }
0xc9: {  	(v2sf) =	vpush v2, $0x5;
	v3 =	vmul.f32 v49, v3;
	_ =	sdelay $0x1  }
0xca: {  	s12 =	simm.s32 $0x9D00;
	[tilespmem:v50+s5+$0x0] =	vst.idx.msk $0xffff, v3  }
0xcb: {  	s17 =	simm.s32 $0x15D00;
	v3 =	vld.idx.msk [tilespmem:v51+s12+$0x0], $0xffff  }
0xcc: {  	v53 =	vld.idx.msk [tilespmem:v52+s17+$0x0], $0xffff  }
0xcd: {  	s12 =	sor.u32 $0x3, s11;
	s17 =	spop (v2sf)  }
0xce: {  	v54 =	vor.u32 s12, v5;
	s4 =	sand.u32 $0x7F, s17;
	s17 =	spop (v2sf)  }
0xcf: {  	s12 =	sand.u32 $0x7F, s17;
	v55 =	vor.u32 s4, v0  }
0xd0: {  	(v2sf) =	vpush v1, $0x6;
	v56 =	vor.u32 s12, v0  }
0xd1: {  	(v2sf) =	vpush v2, $0x6;
	v3 =	vmul.f32 v53, v3;
	_ =	sdelay $0x1  }
0xd2: {  	s12 =	simm.s32 $0xA500;
	[tilespmem:v54+s5+$0x0] =	vst.idx.msk $0xffff, v3  }
0xd3: {  	s17 =	simm.s32 $0x16500;
	v3 =	vld.idx.msk [tilespmem:v55+s12+$0x0], $0xffff  }
0xd4: {  	v57 =	vld.idx.msk [tilespmem:v56+s17+$0x0], $0xffff  }
0xd5: {  	s12 =	sor.u32 $0x4, s11;
	s17 =	spop (v2sf)  }
0xd6: {  	v58 =	vor.u32 s12, v5;
	s4 =	sand.u32 $0x7F, s17;
	s17 =	spop (v2sf)  }
0xd7: {  	s12 =	sand.u32 $0x7F, s17;
	v59 =	vor.u32 s4, v0  }
0xd8: {  	(v2sf) =	vpush v1, $0x7;
	v1 =	vor.u32 s12, v0  }
0xd9: {  	(v2sf) =	vpush v2, $0x7;
	v3 =	vmul.f32 v57, v3;
	_ =	sdelay $0x1  }
0xda: {  	s17 =	simm.s32 $0xAD00;
	[tilespmem:v58+s5+$0x0] =	vst.idx.msk $0xffff, v3  }
0xdb: {  	s12 =	simm.s32 $0x16D00;
	v2 =	vld.idx.msk [tilespmem:v59+s17+$0x0], $0xffff  }
0xdc: {  	v1 =	vld.idx.msk [tilespmem:v1+s12+$0x0], $0xffff  }
0xdd: {  	s4 =	spop (v2sf);
	s12 =	sor.u32 $0x5, s11  }
0xde: {  	s17 =	spop (v2sf);
	s4 =	sand.u32 $0x7F, s4;
	v3 =	vor.u32 s12, v5  }
0xdf: {  	s17 =	sand.u32 $0x7F, s17;
	v60 =	vor.u32 s4, v0  }
0xe0: {  	v61 =	vor.u32 s17, v0  }
0xe1: {  	v1 =	vmul.f32 v1, v2;
	_ =	sdelay $0x1  }
0xe2: {  	s17 =	simm.s32 $0xB500;
	[tilespmem:v3+s5+$0x0] =	vst.idx.msk $0xffff, v1  }
0xe3: {  	s12 =	simm.s32 $0x17500;
	v1 =	vld.idx.msk [tilespmem:v60+s17+$0x0], $0xffff  }
0xe4: {  	v2 =	vld.idx.msk [tilespmem:v61+s12+$0x0], $0xffff  }
0xe5: {  	s4 =	spop (v2sf);
	s17 =	sor.u32 $0x6, s11  }
0xe6: {  	s4 =	sand.u32 $0x7F, s4;
	v3 =	vor.u32 s17, v5;
	s17 =	spop (v2sf)  }
0xe7: {  	v62 =	vor.u32 s4, v0;
	s12 =	sand.u32 $0x7F, s17  }
0xe8: {  	v63 =	vor.u32 s12, v0  }
0xe9: {  	v1 =	vmul.f32 v2, v1;
	_ =	sdelay $0x1  }
0xea: {  	s17 =	simm.s32 $0xBD00;
	[tilespmem:v3+s5+$0x0] =	vst.idx.msk $0xffff, v1  }
0xeb: {  	s12 =	simm.s32 $0x17D00;
	v1 =	vld.idx.msk [tilespmem:v62+s17+$0x0], $0xffff  }
0xec: {  	v2 =	vld.idx.msk [tilespmem:v63+s12+$0x0], $0xffff  }
0xed: {  	s17 =	sor.u32 $0x7, s11  }
0xee: {  	v3 =	vor.u32 s17, v5;
	_ =	sdelay $0x2  }
0xef: {  	v1 =	vmul.f32 v2, v1;
	_ =	sdelay $0x1  }
0xf0: {  	[tilespmem:v3+s5+$0x0] =	vst.idx.msk $0xffff, v1  }
.LBB2_4:
0xf1: {  	p0 =	seq.s32 s10, $0x1F8  }
.Ltmp3:
0xf2: {  	_ = 	snop;
	(pc) =	sbr.rel @p0 .LBB2_6-.Ltmp3, $1  }
0xf3: {  	_ =	sdelay $0x3  }
0xf4: {  	v1 =	vld [tilespmem:s6+$0x0];
	_ =	sdelay $0x4  }
0xf5: {  	(v2sf) =	vpush v1, $0x0;
	_ =	sdelay $0x1  }
0xf6: {  	(v2sf) =	vpush v1, $0x1;
	_ =	sdelay $0x2  }
0xf7: {  	(v2sf) =	vpush v1, $0x2;
	_ =	sdelay $0x2  }
0xf8: {  	(v2sf) =	vpush v1, $0x3;
	_ =	sdelay $0x6  }
0xf9: {  	s4 =	spop (v2sf);
	(v2sf) =	vpush v1, $0x4;
	_ =	sdelay $0x1  }
0xfa: {  	s4 =	sand.u32 $0xFFFFF80, s4;
	s12 =	spop (v2sf);
	(v2sf) =	vpush v1, $0x5  }
0xfb: {  	s11 =	simm.s32 $0x4500;
	s4 =	sadd.s32 s0, s4  }
0xfc: {  	v2 =	vld [tilespmem:s8+$0x0];
	[tilespmem:s11], [sflag:$0x2] =	stream.strided.gather [hbm4b:s4+s13], $0x800, s16, s13, $0x38  }
0xfd: {  	s4 =	sand.u32 $0xFFFFF80, s12;
	s12 =	spop (v2sf);
	(v2sf) =	vpush v1, $0x6  }
0xfe: {  	s17 =	simm.s32 $0x4D00;
	s4 =	sadd.s32 s0, s4  }
0xff: {  	[tilespmem:s17], [sflag:$0x2] =	stream.strided.gather [hbm4b:s4+s13], $0x800, s16, s13, $0x38;
	[tilespmem:$0x1A500] =	vst v63  }
0x100: {  	s4 =	sand.u32 $0xFFFFF80, s12;
	s12 =	spop (v2sf);
	(v2sf) =	vpush v1, $0x7;
	_ =	sdelay $0x3  }
0x101: {  	s17 =	simm.s32 $0x5500;
	s4 =	sadd.s32 s0, s4  }
0x102: {  	[tilespmem:s17], [sflag:$0x2] =	stream.strided.gather [hbm4b:s4+s13], $0x800, s16, s13, $0x38;
	[tilespmem:$0x1A500] =	vst v63  }
0x103: {  	s4 =	sand.u32 $0xFFFFF80, s12  }
0x104: {  	s17 =	simm.s32 $0x5D00;
	s4 =	sadd.s32 s0, s4;
	s12 =	spop (v2sf);
	(v2sf) =	vpush v2, $0x0  }
0x105: {  	[tilespmem:s17], [sflag:$0x2] =	stream.strided.gather [hbm4b:s4+s13], $0x800, s16, s13, $0x38;
	[tilespmem:$0x1A500] =	vst v63  }
0x106: {  	s4 =	sand.u32 $0xFFFFF80, s12;
	s12 =	spop (v2sf);
	(v2sf) =	vpush v2, $0x1  }
0x107: {  	s17 =	simm.s32 $0x6500;
	s4 =	sadd.s32 s0, s4  }
0x108: {  	[tilespmem:s17], [sflag:$0x2] =	stream.strided.gather [hbm4b:s4+s13], $0x800, s16, s13, $0x38;
	[tilespmem:$0x1A500] =	vst v63  }
0x109: {  	s4 =	sand.u32 $0xFFFFF80, s12;
	s12 =	spop (v2sf);
	(v2sf) =	vpush v2, $0x2  }
0x10a: {  	s17 =	simm.s32 $0x6D00;
	s4 =	sadd.s32 s0, s4  }
0x10b: {  	[tilespmem:s17], [sflag:$0x2] =	stream.strided.gather [hbm4b:s4+s13], $0x800, s16, s13, $0x38;
	[tilespmem:$0x1A500] =	vst v63  }
0x10c: {  	s4 =	sand.u32 $0xFFFFF80, s12;
	s12 =	spop (v2sf);
	(v2sf) =	vpush v2, $0x3;
	_ =	sdelay $0x3  }
0x10d: {  	s17 =	simm.s32 $0x7500;
	s4 =	sadd.s32 s0, s4  }
0x10e: {  	[tilespmem:s17], [sflag:$0x2] =	stream.strided.gather [hbm4b:s4+s13], $0x800, s16, s13, $0x38;
	[tilespmem:$0x1A500] =	vst v63  }
0x10f: {  	s4 =	sand.u32 $0xFFFFF80, s12  }
0x110: {  	s17 =	simm.s32 $0x7D00;
	s4 =	sadd.s32 s0, s4;
	s12 =	spop (v2sf);
	(v2sf) =	vpush v2, $0x4  }
0x111: {  	[tilespmem:s17], [sflag:$0x2] =	stream.strided.gather [hbm4b:s4+s13], $0x800, s16, s13, $0x38;
	[tilespmem:$0x1A500] =	vst v63  }
0x112: {  	s4 =	sand.u32 $0xFFFFF80, s12;
	s12 =	spop (v2sf);
	(v2sf) =	vpush v2, $0x5  }
0x113: {  	s17 =	simm.s32 $0x10500;
	s4 =	sadd.s32 s2, s4  }
0x114: {  	[tilespmem:s17], [sflag:$0x2] =	stream.strided.gather [hbm4b:s4+s13], $0x800, s16, s13, $0x38;
	[tilespmem:$0x1A500] =	vst v63  }
0x115: {  	s4 =	sand.u32 $0xFFFFF80, s12;
	s12 =	spop (v2sf);
	(v2sf) =	vpush v2, $0x6  }
0x116: {  	s17 =	simm.s32 $0x10D00;
	s4 =	sadd.s32 s2, s4  }
0x117: {  	[tilespmem:s17], [sflag:$0x2] =	stream.strided.gather [hbm4b:s4+s13], $0x800, s16, s13, $0x38;
	[tilespmem:$0x1A500] =	vst v63  }
0x118: {  	s4 =	sand.u32 $0xFFFFF80, s12;
	s12 =	spop (v2sf);
	(v2sf) =	vpush v2, $0x7;
	_ =	sdelay $0x1  }
0x119: {  	s17 =	simm.s32 $0x11500;
	s4 =	sadd.s32 s2, s4  }
0x11a: {  	[tilespmem:s17], [sflag:$0x2] =	stream.strided.gather [hbm4b:s4+s13], $0x800, s16, s13, $0x38;
	[tilespmem:$0x1A500] =	vst v63  }
0x11b: {  	s4 =	sand.u32 $0xFFFFF80, s12  }
0x11c: {  	s17 =	simm.s32 $0x11D00;
	s4 =	sadd.s32 s2, s4  }
0x11d: {  	[tilespmem:s17], [sflag:$0x2] =	stream.strided.gather [hbm4b:s4+s13], $0x800, s16, s13, $0x38;
	[tilespmem:$0x1A500] =	vst v63  }
0x11e: {  	s12 =	spop (v2sf)  }
0x11f: {  	s4 =	sand.u32 $0xFFFFF80, s12  }
0x120: {  	s17 =	simm.s32 $0x12500;
	s12 =	spop (v2sf);
	s4 =	sadd.s32 s2, s4  }
0x121: {  	[tilespmem:s17], [sflag:$0x2] =	stream.strided.gather [hbm4b:s4+s13], $0x800, s16, s13, $0x38;
	[tilespmem:$0x1A500] =	vst v63  }
0x122: {  	s4 =	sand.u32 $0xFFFFF80, s12  }
0x123: {  	s17 =	simm.s32 $0x12D00;
	s12 =	spop (v2sf);
	s4 =	sadd.s32 s2, s4  }
0x124: {  	[tilespmem:s17], [sflag:$0x2] =	stream.strided.gather [hbm4b:s4+s13], $0x800, s16, s13, $0x38;
	[tilespmem:$0x1A500] =	vst v63  }
0x125: {  	s4 =	sand.u32 $0xFFFFF80, s12  }
0x126: {  	s17 =	simm.s32 $0x13500;
	s12 =	spop (v2sf);
	s4 =	sadd.s32 s2, s4  }
0x127: {  	[tilespmem:s17], [sflag:$0x2] =	stream.strided.gather [hbm4b:s4+s13], $0x800, s16, s13, $0x38;
	[tilespmem:$0x1A500] =	vst v63  }
0x128: {  	s4 =	sand.u32 $0xFFFFF80, s12  }
0x129: {  	s17 =	simm.s32 $0x13D00;
	s4 =	sadd.s32 s2, s4  }
0x12a: {  	[tilespmem:s17], [sflag:$0x2] =	stream.strided.gather [hbm4b:s4+s13], $0x800, s16, s13, $0x38;
	[tilespmem:$0x1A500] =	vst v63  }
.LBB2_6:
0x12b: {  	_ =	swait.ge [sflag:s7], $0x800  }
0x12c: {  	[sflag:s7] =	ssyncset.done $0x0  }
0x12d: {  	[sflag:s7] =	ssyncadd.s32 $0xFFFFF800  }
0x12e: {  	_ =	swait.ge [sflag:s7], $0x800  }
0x12f: {  	[sflag:s7] =	ssyncset.done $0x0  }
0x130: {  	[sflag:s7] =	ssyncadd.s32 $0xFFFFF800  }
0x131: {  	_ =	swait.ge [sflag:s7], $0x800  }
0x132: {  	[sflag:s7] =	ssyncset.done $0x0  }
0x133: {  	[sflag:s7] =	ssyncadd.s32 $0xFFFFF800  }
0x134: {  	_ =	swait.ge [sflag:s7], $0x800  }
0x135: {  	[sflag:s7] =	ssyncset.done $0x0  }
0x136: {  	[sflag:s7] =	ssyncadd.s32 $0xFFFFF800  }
0x137: {  	_ =	swait.ge [sflag:s7], $0x800  }
0x138: {  	[sflag:s7] =	ssyncset.done $0x0  }
0x139: {  	[sflag:s7] =	ssyncadd.s32 $0xFFFFF800  }
0x13a: {  	_ =	swait.ge [sflag:s7], $0x800  }
0x13b: {  	[sflag:s7] =	ssyncset.done $0x0  }
0x13c: {  	[sflag:s7] =	ssyncadd.s32 $0xFFFFF800  }
0x13d: {  	_ =	swait.ge [sflag:s7], $0x800  }
0x13e: {  	[sflag:s7] =	ssyncset.done $0x0  }
0x13f: {  	[sflag:s7] =	ssyncadd.s32 $0xFFFFF800  }
0x140: {  	_ =	swait.ge [sflag:s7], $0x800  }
0x141: {  	[sflag:s7] =	ssyncset.done $0x0  }
0x142: {  	[sflag:s7] =	ssyncadd.s32 $0xFFFFF800  }
0x143: {  	_ =	swait.ge [sflag:s7], $0x800  }
0x144: {  	[sflag:s7] =	ssyncset.done $0x0  }
0x145: {  	[sflag:s7] =	ssyncadd.s32 $0xFFFFF800  }
0x146: {  	_ =	swait.ge [sflag:s7], $0x800  }
0x147: {  	[sflag:s7] =	ssyncset.done $0x0  }
0x148: {  	[sflag:s7] =	ssyncadd.s32 $0xFFFFF800  }
0x149: {  	_ =	swait.ge [sflag:s7], $0x800  }
0x14a: {  	[sflag:s7] =	ssyncset.done $0x0  }
0x14b: {  	[sflag:s7] =	ssyncadd.s32 $0xFFFFF800  }
0x14c: {  	_ =	swait.ge [sflag:s7], $0x800  }
0x14d: {  	[sflag:s7] =	ssyncset.done $0x0  }
0x14e: {  	[sflag:s7] =	ssyncadd.s32 $0xFFFFF800  }
0x14f: {  	_ =	swait.ge [sflag:s7], $0x800  }
0x150: {  	[sflag:s7] =	ssyncset.done $0x0  }
0x151: {  	[sflag:s7] =	ssyncadd.s32 $0xFFFFF800  }
0x152: {  	_ =	swait.ge [sflag:s7], $0x800  }
0x153: {  	[sflag:s7] =	ssyncset.done $0x0  }
0x154: {  	[sflag:s7] =	ssyncadd.s32 $0xFFFFF800  }
0x155: {  	_ =	swait.ge [sflag:s7], $0x800  }
0x156: {  	[sflag:s7] =	ssyncset.done $0x0  }
0x157: {  	[sflag:s7] =	ssyncadd.s32 $0xFFFFF800  }
0x158: {  	_ =	swait.ge [sflag:s7], $0x800  }
0x159: {  	[sflag:s7] =	ssyncset.done $0x0  }
0x15a: {  	[sflag:s7] =	ssyncadd.s32 $0xFFFFF800  }
0x15b: {  	v1 =	vld [tilespmem:s6+$0xFFFFFFF8]  }
0x15c: {  	v2 =	vld [tilespmem:s8+$0xFFFFFFF8];
	_ =	sdelay $0x3  }
0x15d: {  	(v2sf) =	vpush v1, $0x0  }
0x15e: {  	(v2sf) =	vpush v2, $0x0;
	_ =	sdelay $0x7  }
0x15f: {  	(v2sf) =	vpush v1, $0x1  }
0x160: {  	(v2sf) =	vpush v2, $0x1;
	_ =	sdelay $0x4  }
0x161: {  	s4 =	spop (v2sf)  }
0x162: {  	s4 =	sand.u32 $0x7F, s4;
	s11 =	spop (v2sf)  }
0x163: {  	s11 =	sand.u32 $0x7F, s11;
	v3 =	vor.u32 s4, v0  }
0x164: {  	(v2sf) =	vpush v1, $0x2;
	v4 =	vor.u32 s11, v0  }
0x165: {  	(v2sf) =	vpush v2, $0x2;
	_ =	sdelay $0x1  }
0x166: {  	s17 =	sadd.s32 $0xFFFFFFFF, s9;
	s12 =	simm.s32 $0x500  }
0x167: {  	s4 =	sshll.u32 s17, $0x7;
	v3 =	vld.idx.msk [tilespmem:v3+s12+$0x0], $0xffff  }
0x168: {  	s4 =	sand.u32 $0xFFFFF800, s4;
	v4 =	vld.idx.msk [tilespmem:v4+s25+$0x0], $0xffff  }
0x169: {  	s17 =	spop (v2sf);
	s11 =	sand.u32 $0x78, s10;
	v5 =	vor.u32 s4, v0  }
0x16a: {  	s4 =	sand.u32 $0x7F, s17;
	v6 =	vor.u32 s11, v5;
	s12 =	spop (v2sf)  }
0x16b: {  	v7 =	vor.u32 s4, v0;
	s12 =	sand.u32 $0x7F, s12  }
0x16c: {  	(v2sf) =	vpush v1, $0x3;
	v8 =	vor.u32 s12, v0  }
0x16d: {  	(v2sf) =	vpush v2, $0x3;
	v3 =	vmul.f32 v4, v3;
	_ =	sdelay $0x1  }
0x16e: {  	[tilespmem:v6+s5+$0x0] =	vst.idx.msk $0xffff, v3  }
0x16f: {  	v3 =	vld.idx.msk [tilespmem:v7+s18+$0x0], $0xffff  }
0x170: {  	v45 =	vld.idx.msk [tilespmem:v8+s26+$0x0], $0xffff  }
0x171: {  	s12 =	sor.u32 $0x1, s11;
	s17 =	spop (v2sf)  }
0x172: {  	v46 =	vor.u32 s12, v5;
	s4 =	sand.u32 $0x7F, s17;
	s17 =	spop (v2sf)  }
0x173: {  	s12 =	sand.u32 $0x7F, s17;
	v47 =	vor.u32 s4, v0  }
0x174: {  	(v2sf) =	vpush v1, $0x4;
	v48 =	vor.u32 s12, v0  }
0x175: {  	(v2sf) =	vpush v2, $0x4;
	v3 =	vmul.f32 v45, v3;
	_ =	sdelay $0x1  }
0x176: {  	[tilespmem:v46+s5+$0x0] =	vst.idx.msk $0xffff, v3  }
0x177: {  	v3 =	vld.idx.msk [tilespmem:v47+s19+$0x0], $0xffff  }
0x178: {  	v49 =	vld.idx.msk [tilespmem:v48+s28+$0x0], $0xffff  }
0x179: {  	s17 =	spop (v2sf);
	s12 =	sor.u32 $0x2, s11  }
0x17a: {  	s4 =	sand.u32 $0x7F, s17;
	v50 =	vor.u32 s12, v5;
	s17 =	spop (v2sf)  }
0x17b: {  	v51 =	vor.u32 s4, v0;
	s12 =	sand.u32 $0x7F, s17  }
0x17c: {  	(v2sf) =	vpush v1, $0x5;
	v52 =	vor.u32 s12, v0  }
0x17d: {  	(v2sf) =	vpush v2, $0x5;
	v3 =	vmul.f32 v49, v3;
	_ =	sdelay $0x1  }
0x17e: {  	[tilespmem:v50+s5+$0x0] =	vst.idx.msk $0xffff, v3  }
0x17f: {  	v3 =	vld.idx.msk [tilespmem:v51+s20+$0x0], $0xffff  }
0x180: {  	v53 =	vld.idx.msk [tilespmem:v52+s29+$0x0], $0xffff  }
0x181: {  	s12 =	sor.u32 $0x3, s11;
	s17 =	spop (v2sf)  }
0x182: {  	v54 =	vor.u32 s12, v5;
	s4 =	sand.u32 $0x7F, s17;
	s17 =	spop (v2sf)  }
0x183: {  	s12 =	sand.u32 $0x7F, s17;
	v55 =	vor.u32 s4, v0  }
0x184: {  	(v2sf) =	vpush v1, $0x6;
	v56 =	vor.u32 s12, v0  }
0x185: {  	(v2sf) =	vpush v2, $0x6;
	v3 =	vmul.f32 v53, v3;
	_ =	sdelay $0x1  }
0x186: {  	[tilespmem:v54+s5+$0x0] =	vst.idx.msk $0xffff, v3  }
0x187: {  	v3 =	vld.idx.msk [tilespmem:v55+s21+$0x0], $0xffff  }
0x188: {  	v57 =	vld.idx.msk [tilespmem:v56+s30+$0x0], $0xffff  }
0x189: {  	s17 =	spop (v2sf);
	s12 =	sor.u32 $0x4, s11  }
0x18a: {  	s4 =	sand.u32 $0x7F, s17;
	v58 =	vor.u32 s12, v5;
	s17 =	spop (v2sf)  }
0x18b: {  	v59 =	vor.u32 s4, v0;
	s12 =	sand.u32 $0x7F, s17  }
0x18c: {  	(v2sf) =	vpush v1, $0x7;
	v1 =	vor.u32 s12, v0  }
0x18d: {  	(v2sf) =	vpush v2, $0x7;
	v3 =	vmul.f32 v57, v3;
	_ =	sdelay $0x1  }
0x18e: {  	[tilespmem:v58+s5+$0x0] =	vst.idx.msk $0xffff, v3  }
0x18f: {  	v2 =	vld.idx.msk [tilespmem:v59+s22+$0x0], $0xffff  }
0x190: {  	v1 =	vld.idx.msk [tilespmem:v1+s31+$0x0], $0xffff  }
0x191: {  	s12 =	sor.u32 $0x5, s11;
	s4 =	spop (v2sf)  }
0x192: {  	s17 =	spop (v2sf);
	s4 =	sand.u32 $0x7F, s4;
	v3 =	vor.u32 s12, v5  }
0x193: {  	s17 =	sand.u32 $0x7F, s17;
	v60 =	vor.u32 s4, v0  }
0x194: {  	v61 =	vor.u32 s17, v0  }
0x195: {  	v1 =	vmul.f32 v1, v2;
	_ =	sdelay $0x1  }
0x196: {  	[tilespmem:v3+s5+$0x0] =	vst.idx.msk $0xffff, v1  }
0x197: {  	v1 =	vld.idx.msk [tilespmem:v60+s23+$0x0], $0xffff  }
0x198: {  	v2 =	vld.idx.msk [tilespmem:v61+s3+$0x0], $0xffff  }
0x199: {  	s4 =	spop (v2sf);
	s17 =	sor.u32 $0x6, s11  }
0x19a: {  	s4 =	sand.u32 $0x7F, s4;
	v3 =	vor.u32 s17, v5;
	s17 =	spop (v2sf)  }
0x19b: {  	v62 =	vor.u32 s4, v0;
	s12 =	sand.u32 $0x7F, s17  }
0x19c: {  	v63 =	vor.u32 s12, v0  }
0x19d: {  	v1 =	vmul.f32 v2, v1;
	_ =	sdelay $0x1  }
0x19e: {  	[tilespmem:v3+s5+$0x0] =	vst.idx.msk $0xffff, v1  }
0x19f: {  	v1 =	vld.idx.msk [tilespmem:v62+s24+$0x0], $0xffff  }
0x1a0: {  	v2 =	vld.idx.msk [tilespmem:v63+s1+$0x0], $0xffff  }
0x1a1: {  	s17 =	sor.u32 $0x7, s11  }
0x1a2: {  	v3 =	vor.u32 s17, v5  }
.Ltmp4:
0x1a3: {  	_ = 	snop;
	(pc) =	sbr.rel @p0 .LBB2_8-.Ltmp4, $3  }
0x1a4: {  	_ = 	snop  }
0x1a5: {  	v1 =	vmul.f32 v2, v1;
	_ =	sdelay $0x1  }
0x1a6: {  	[tilespmem:v3+s5+$0x0] =	vst.idx.msk $0xffff, v1  }
0x1a7: {  	v1 =	vld [tilespmem:s6+$0x8];
	_ =	sdelay $0x4  }
0x1a8: {  	(v2sf) =	vpush v1, $0x0;
	_ =	sdelay $0x1  }
0x1a9: {  	(v2sf) =	vpush v1, $0x1;
	_ =	sdelay $0x2  }
0x1aa: {  	(v2sf) =	vpush v1, $0x2;
	_ =	sdelay $0x2  }
0x1ab: {  	(v2sf) =	vpush v1, $0x3;
	_ =	sdelay $0x6  }
0x1ac: {  	s4 =	spop (v2sf);
	(v2sf) =	vpush v1, $0x4;
	_ =	sdelay $0x1  }
0x1ad: {  	s4 =	sand.u32 $0xFFFFF80, s4;
	s12 =	spop (v2sf);
	(v2sf) =	vpush v1, $0x5  }
0x1ae: {  	s11 =	simm.s32 $0x8500;
	s4 =	sadd.s32 s0, s4  }
0x1af: {  	v2 =	vld [tilespmem:s8+$0x8];
	[tilespmem:s11], [sflag:$0x3] =	stream.strided.gather [hbm4b:s4+s13], $0x800, s16, s13, $0x38  }
0x1b0: {  	s4 =	sand.u32 $0xFFFFF80, s12;
	s12 =	spop (v2sf);
	(v2sf) =	vpush v1, $0x6  }
0x1b1: {  	s17 =	simm.s32 $0x8D00;
	s4 =	sadd.s32 s0, s4  }
0x1b2: {  	[tilespmem:s17], [sflag:$0x3] =	stream.strided.gather [hbm4b:s4+s13], $0x800, s16, s13, $0x38;
	[tilespmem:$0x1A500] =	vst v63  }
0x1b3: {  	s4 =	sand.u32 $0xFFFFF80, s12;
	s12 =	spop (v2sf);
	(v2sf) =	vpush v1, $0x7;
	_ =	sdelay $0x3  }
0x1b4: {  	s17 =	simm.s32 $0x9500;
	s4 =	sadd.s32 s0, s4  }
0x1b5: {  	[tilespmem:s17], [sflag:$0x3] =	stream.strided.gather [hbm4b:s4+s13], $0x800, s16, s13, $0x38;
	[tilespmem:$0x1A500] =	vst v63  }
0x1b6: {  	s4 =	sand.u32 $0xFFFFF80, s12  }
0x1b7: {  	s17 =	simm.s32 $0x9D00;
	s4 =	sadd.s32 s0, s4;
	s12 =	spop (v2sf);
	(v2sf) =	vpush v2, $0x0  }
0x1b8: {  	[tilespmem:s17], [sflag:$0x3] =	stream.strided.gather [hbm4b:s4+s13], $0x800, s16, s13, $0x38;
	[tilespmem:$0x1A500] =	vst v63  }
0x1b9: {  	s4 =	sand.u32 $0xFFFFF80, s12;
	s12 =	spop (v2sf);
	(v2sf) =	vpush v2, $0x1  }
0x1ba: {  	s17 =	simm.s32 $0xA500;
	s4 =	sadd.s32 s0, s4  }
0x1bb: {  	[tilespmem:s17], [sflag:$0x3] =	stream.strided.gather [hbm4b:s4+s13], $0x800, s16, s13, $0x38;
	[tilespmem:$0x1A500] =	vst v63  }
0x1bc: {  	s4 =	sand.u32 $0xFFFFF80, s12;
	s12 =	spop (v2sf);
	(v2sf) =	vpush v2, $0x2  }
0x1bd: {  	s17 =	simm.s32 $0xAD00;
	s4 =	sadd.s32 s0, s4  }
0x1be: {  	[tilespmem:s17], [sflag:$0x3] =	stream.strided.gather [hbm4b:s4+s13], $0x800, s16, s13, $0x38;
	[tilespmem:$0x1A500] =	vst v63  }
0x1bf: {  	s4 =	sand.u32 $0xFFFFF80, s12;
	s12 =	spop (v2sf);
	(v2sf) =	vpush v2, $0x3;
	_ =	sdelay $0x3  }
0x1c0: {  	s17 =	simm.s32 $0xB500;
	s4 =	sadd.s32 s0, s4  }
0x1c1: {  	[tilespmem:s17], [sflag:$0x3] =	stream.strided.gather [hbm4b:s4+s13], $0x800, s16, s13, $0x38;
	[tilespmem:$0x1A500] =	vst v63  }
0x1c2: {  	s4 =	sand.u32 $0xFFFFF80, s12  }
0x1c3: {  	s17 =	simm.s32 $0xBD00;
	s4 =	sadd.s32 s0, s4;
	s12 =	spop (v2sf);
	(v2sf) =	vpush v2, $0x4  }
0x1c4: {  	[tilespmem:s17], [sflag:$0x3] =	stream.strided.gather [hbm4b:s4+s13], $0x800, s16, s13, $0x38;
	[tilespmem:$0x1A500] =	vst v63  }
0x1c5: {  	s4 =	sand.u32 $0xFFFFF80, s12;
	s12 =	spop (v2sf);
	(v2sf) =	vpush v2, $0x5  }
0x1c6: {  	s17 =	simm.s32 $0x14500;
	s4 =	sadd.s32 s2, s4  }
0x1c7: {  	[tilespmem:s17], [sflag:$0x3] =	stream.strided.gather [hbm4b:s4+s13], $0x800, s16, s13, $0x38;
	[tilespmem:$0x1A500] =	vst v63  }
0x1c8: {  	s4 =	sand.u32 $0xFFFFF80, s12;
	s12 =	spop (v2sf);
	(v2sf) =	vpush v2, $0x6  }
0x1c9: {  	s17 =	simm.s32 $0x14D00;
	s4 =	sadd.s32 s2, s4  }
0x1ca: {  	[tilespmem:s17], [sflag:$0x3] =	stream.strided.gather [hbm4b:s4+s13], $0x800, s16, s13, $0x38;
	[tilespmem:$0x1A500] =	vst v63  }
0x1cb: {  	s4 =	sand.u32 $0xFFFFF80, s12;
	s12 =	spop (v2sf);
	(v2sf) =	vpush v2, $0x7;
	_ =	sdelay $0x1  }
0x1cc: {  	s17 =	simm.s32 $0x15500;
	s4 =	sadd.s32 s2, s4  }
0x1cd: {  	[tilespmem:s17], [sflag:$0x3] =	stream.strided.gather [hbm4b:s4+s13], $0x800, s16, s13, $0x38;
	[tilespmem:$0x1A500] =	vst v63  }
0x1ce: {  	s4 =	sand.u32 $0xFFFFF80, s12  }
0x1cf: {  	s17 =	simm.s32 $0x15D00;
	s4 =	sadd.s32 s2, s4  }
0x1d0: {  	[tilespmem:s17], [sflag:$0x3] =	stream.strided.gather [hbm4b:s4+s13], $0x800, s16, s13, $0x38;
	[tilespmem:$0x1A500] =	vst v63  }
0x1d1: {  	s12 =	spop (v2sf)  }
0x1d2: {  	s4 =	sand.u32 $0xFFFFF80, s12  }
0x1d3: {  	s17 =	simm.s32 $0x16500;
	s12 =	spop (v2sf);
	s4 =	sadd.s32 s2, s4  }
0x1d4: {  	[tilespmem:s17], [sflag:$0x3] =	stream.strided.gather [hbm4b:s4+s13], $0x800, s16, s13, $0x38;
	[tilespmem:$0x1A500] =	vst v63  }
0x1d5: {  	s4 =	sand.u32 $0xFFFFF80, s12  }
0x1d6: {  	s17 =	simm.s32 $0x16D00;
	s12 =	spop (v2sf);
	s4 =	sadd.s32 s2, s4  }
0x1d7: {  	[tilespmem:s17], [sflag:$0x3] =	stream.strided.gather [hbm4b:s4+s13], $0x800, s16, s13, $0x38;
	[tilespmem:$0x1A500] =	vst v63  }
0x1d8: {  	s4 =	sand.u32 $0xFFFFF80, s12  }
0x1d9: {  	s17 =	simm.s32 $0x17500;
	s12 =	spop (v2sf);
	s4 =	sadd.s32 s2, s4  }
0x1da: {  	[tilespmem:s17], [sflag:$0x3] =	stream.strided.gather [hbm4b:s4+s13], $0x800, s16, s13, $0x38;
	[tilespmem:$0x1A500] =	vst v63  }
0x1db: {  	s4 =	sand.u32 $0xFFFFF80, s12  }
0x1dc: {  	s17 =	simm.s32 $0x17D00;
	s4 =	sadd.s32 s2, s4  }
0x1dd: {  	[tilespmem:s17], [sflag:$0x3] =	stream.strided.gather [hbm4b:s4+s13], $0x800, s16, s13, $0x38;
	[tilespmem:$0x1A500] =	vst v63  }
0x1de: {  	_ =	swait.ge [sflag:s14], $0x800  }
0x1df: {  	[sflag:s14] =	ssyncset.done $0x0  }
0x1e0: {  	[sflag:s14] =	ssyncadd.s32 $0xFFFFF800  }
0x1e1: {  	_ =	swait.ge [sflag:s14], $0x800  }
0x1e2: {  	[sflag:s14] =	ssyncset.done $0x0  }
0x1e3: {  	[sflag:s14] =	ssyncadd.s32 $0xFFFFF800  }
0x1e4: {  	_ =	swait.ge [sflag:s14], $0x800  }
0x1e5: {  	[sflag:s14] =	ssyncset.done $0x0  }
0x1e6: {  	[sflag:s14] =	ssyncadd.s32 $0xFFFFF800  }
0x1e7: {  	_ =	swait.ge [sflag:s14], $0x800  }
0x1e8: {  	[sflag:s14] =	ssyncset.done $0x0  }
0x1e9: {  	[sflag:s14] =	ssyncadd.s32 $0xFFFFF800  }
0x1ea: {  	_ =	swait.ge [sflag:s14], $0x800  }
0x1eb: {  	[sflag:s14] =	ssyncset.done $0x0  }
0x1ec: {  	[sflag:s14] =	ssyncadd.s32 $0xFFFFF800  }
0x1ed: {  	_ =	swait.ge [sflag:s14], $0x800  }
0x1ee: {  	[sflag:s14] =	ssyncset.done $0x0  }
0x1ef: {  	[sflag:s14] =	ssyncadd.s32 $0xFFFFF800  }
0x1f0: {  	_ =	swait.ge [sflag:s14], $0x800  }
0x1f1: {  	[sflag:s14] =	ssyncset.done $0x0  }
0x1f2: {  	[sflag:s14] =	ssyncadd.s32 $0xFFFFF800  }
0x1f3: {  	_ =	swait.ge [sflag:s14], $0x800  }
0x1f4: {  	[sflag:s14] =	ssyncset.done $0x0  }
0x1f5: {  	[sflag:s14] =	ssyncadd.s32 $0xFFFFF800  }
0x1f6: {  	_ =	swait.ge [sflag:s14], $0x800  }
0x1f7: {  	[sflag:s14] =	ssyncset.done $0x0  }
0x1f8: {  	[sflag:s14] =	ssyncadd.s32 $0xFFFFF800  }
0x1f9: {  	_ =	swait.ge [sflag:s14], $0x800  }
0x1fa: {  	[sflag:s14] =	ssyncset.done $0x0  }
0x1fb: {  	[sflag:s14] =	ssyncadd.s32 $0xFFFFF800  }
0x1fc: {  	_ =	swait.ge [sflag:s14], $0x800  }
0x1fd: {  	[sflag:s14] =	ssyncset.done $0x0  }
0x1fe: {  	[sflag:s14] =	ssyncadd.s32 $0xFFFFF800  }
0x1ff: {  	_ =	swait.ge [sflag:s14], $0x800  }
0x200: {  	[sflag:s14] =	ssyncset.done $0x0  }
0x201: {  	[sflag:s14] =	ssyncadd.s32 $0xFFFFF800  }
0x202: {  	_ =	swait.ge [sflag:s14], $0x800  }
0x203: {  	[sflag:s14] =	ssyncset.done $0x0  }
0x204: {  	[sflag:s14] =	ssyncadd.s32 $0xFFFFF800  }
0x205: {  	_ =	swait.ge [sflag:s14], $0x800  }
0x206: {  	[sflag:s14] =	ssyncset.done $0x0  }
0x207: {  	[sflag:s14] =	ssyncadd.s32 $0xFFFFF800  }
0x208: {  	_ =	swait.ge [sflag:s14], $0x800  }
0x209: {  	[sflag:s14] =	ssyncset.done $0x0  }
0x20a: {  	[sflag:s14] =	ssyncadd.s32 $0xFFFFF800  }
0x20b: {  	_ =	swait.ge [sflag:s14], $0x800  }
0x20c: {  	[sflag:s14] =	ssyncset.done $0x0  }
0x20d: {  	[sflag:s14] =	ssyncadd.s32 $0xFFFFF800  }
0x20e: {  	v1 =	vld [tilespmem:s6+$0x0]  }
0x20f: {  	v2 =	vld [tilespmem:s8+$0x0];
	_ =	sdelay $0x3  }
0x210: {  	(v2sf) =	vpush v1, $0x0  }
0x211: {  	(v2sf) =	vpush v2, $0x0;
	_ =	sdelay $0x7  }
0x212: {  	(v2sf) =	vpush v1, $0x1  }
0x213: {  	(v2sf) =	vpush v2, $0x1;
	_ =	sdelay $0x4  }
0x214: {  	s11 =	spop (v2sf)  }
0x215: {  	s4 =	sand.u32 $0x7F, s11;
	s12 =	spop (v2sf)  }
0x216: {  	s11 =	sand.u32 $0x7F, s12;
	v3 =	vor.u32 s4, v0  }
0x217: {  	(v2sf) =	vpush v1, $0x2;
	v4 =	vor.u32 s11, v0  }
0x218: {  	(v2sf) =	vpush v2, $0x2;
	_ =	sdelay $0x1  }
0x219: {  	s17 =	simm.s32 $0x4500  }
0x21a: {  	s12 =	simm.s32 $0x10500;
	s11 =	sshll.u32 s9, $0x7;
	v3 =	vld.idx.msk [tilespmem:v3+s17+$0x0], $0xffff  }
0x21b: {  	s4 =	sand.u32 $0xFFFFF800, s11;
	s17 =	sadd.s32 $0x8, s10;
	v4 =	vld.idx.msk [tilespmem:v4+s12+$0x0], $0xffff  }
0x21c: {  	v5 =	vor.u32 s4, v0;
	s11 =	sand.u32 $0x78, s17;
	s12 =	spop (v2sf)  }
0x21d: {  	v6 =	vor.u32 s11, v5;
	s4 =	sand.u32 $0x7F, s12;
	s17 =	spop (v2sf)  }
0x21e: {  	s12 =	sand.u32 $0x7F, s17;
	v7 =	vor.u32 s4, v0  }
0x21f: {  	(v2sf) =	vpush v1, $0x3;
	v8 =	vor.u32 s12, v0  }
0x220: {  	(v2sf) =	vpush v2, $0x3;
	v3 =	vmul.f32 v4, v3;
	_ =	sdelay $0x1  }
0x221: {  	s12 =	simm.s32 $0x4D00;
	[tilespmem:v6+s5+$0x0] =	vst.idx.msk $0xffff, v3  }
0x222: {  	s17 =	simm.s32 $0x10D00;
	v3 =	vld.idx.msk [tilespmem:v7+s12+$0x0], $0xffff  }
0x223: {  	v45 =	vld.idx.msk [tilespmem:v8+s17+$0x0], $0xffff  }
0x224: {  	s12 =	sor.u32 $0x1, s11;
	s17 =	spop (v2sf)  }
0x225: {  	v46 =	vor.u32 s12, v5;
	s4 =	sand.u32 $0x7F, s17;
	s17 =	spop (v2sf)  }
0x226: {  	s12 =	sand.u32 $0x7F, s17;
	v47 =	vor.u32 s4, v0  }
0x227: {  	(v2sf) =	vpush v1, $0x4;
	v48 =	vor.u32 s12, v0  }
0x228: {  	(v2sf) =	vpush v2, $0x4;
	v3 =	vmul.f32 v45, v3;
	_ =	sdelay $0x1  }
0x229: {  	s12 =	simm.s32 $0x5500;
	[tilespmem:v46+s5+$0x0] =	vst.idx.msk $0xffff, v3  }
0x22a: {  	s17 =	simm.s32 $0x11500;
	v3 =	vld.idx.msk [tilespmem:v47+s12+$0x0], $0xffff  }
0x22b: {  	v49 =	vld.idx.msk [tilespmem:v48+s17+$0x0], $0xffff  }
0x22c: {  	s12 =	sor.u32 $0x2, s11;
	s17 =	spop (v2sf)  }
0x22d: {  	v50 =	vor.u32 s12, v5;
	s4 =	sand.u32 $0x7F, s17;
	s17 =	spop (v2sf)  }
0x22e: {  	s12 =	sand.u32 $0x7F, s17;
	v51 =	vor.u32 s4, v0  }
0x22f: {  	(v2sf) =	vpush v1, $0x5;
	v52 =	vor.u32 s12, v0  }
0x230: {  	(v2sf) =	vpush v2, $0x5;
	v3 =	vmul.f32 v49, v3;
	_ =	sdelay $0x1  }
0x231: {  	s12 =	simm.s32 $0x5D00;
	[tilespmem:v50+s5+$0x0] =	vst.idx.msk $0xffff, v3  }
0x232: {  	s17 =	simm.s32 $0x11D00;
	v3 =	vld.idx.msk [tilespmem:v51+s12+$0x0], $0xffff  }
0x233: {  	v53 =	vld.idx.msk [tilespmem:v52+s17+$0x0], $0xffff  }
0x234: {  	s12 =	sor.u32 $0x3, s11;
	s17 =	spop (v2sf)  }
0x235: {  	v54 =	vor.u32 s12, v5;
	s4 =	sand.u32 $0x7F, s17;
	s17 =	spop (v2sf)  }
0x236: {  	s12 =	sand.u32 $0x7F, s17;
	v55 =	vor.u32 s4, v0  }
0x237: {  	(v2sf) =	vpush v1, $0x6;
	v56 =	vor.u32 s12, v0  }
0x238: {  	(v2sf) =	vpush v2, $0x6;
	v3 =	vmul.f32 v53, v3;
	_ =	sdelay $0x1  }
0x239: {  	s12 =	simm.s32 $0x6500;
	[tilespmem:v54+s5+$0x0] =	vst.idx.msk $0xffff, v3  }
0x23a: {  	s17 =	simm.s32 $0x12500;
	v3 =	vld.idx.msk [tilespmem:v55+s12+$0x0], $0xffff  }
0x23b: {  	v57 =	vld.idx.msk [tilespmem:v56+s17+$0x0], $0xffff  }
0x23c: {  	s12 =	sor.u32 $0x4, s11;
	s17 =	spop (v2sf)  }
0x23d: {  	v58 =	vor.u32 s12, v5;
	s4 =	sand.u32 $0x7F, s17;
	s17 =	spop (v2sf)  }
0x23e: {  	s12 =	sand.u32 $0x7F, s17;
	v59 =	vor.u32 s4, v0  }
0x23f: {  	(v2sf) =	vpush v1, $0x7;
	v1 =	vor.u32 s12, v0  }
0x240: {  	(v2sf) =	vpush v2, $0x7;
	v3 =	vmul.f32 v57, v3;
	_ =	sdelay $0x1  }
0x241: {  	s17 =	simm.s32 $0x6D00;
	[tilespmem:v58+s5+$0x0] =	vst.idx.msk $0xffff, v3  }
0x242: {  	s12 =	simm.s32 $0x12D00;
	v2 =	vld.idx.msk [tilespmem:v59+s17+$0x0], $0xffff  }
0x243: {  	v1 =	vld.idx.msk [tilespmem:v1+s12+$0x0], $0xffff  }
0x244: {  	s4 =	spop (v2sf);
	s17 =	sor.u32 $0x5, s11  }
0x245: {  	s4 =	sand.u32 $0x7F, s4;
	v3 =	vor.u32 s17, v5;
	s17 =	spop (v2sf)  }
0x246: {  	v60 =	vor.u32 s4, v0;
	s12 =	sand.u32 $0x7F, s17  }
0x247: {  	v61 =	vor.u32 s12, v0  }
0x248: {  	v1 =	vmul.f32 v1, v2;
	_ =	sdelay $0x1  }
0x249: {  	s17 =	simm.s32 $0x7500;
	[tilespmem:v3+s5+$0x0] =	vst.idx.msk $0xffff, v1  }
0x24a: {  	s12 =	simm.s32 $0x13500;
	v1 =	vld.idx.msk [tilespmem:v60+s17+$0x0], $0xffff  }
0x24b: {  	v2 =	vld.idx.msk [tilespmem:v61+s12+$0x0], $0xffff  }
0x24c: {  	s4 =	spop (v2sf);
	s17 =	sor.u32 $0x6, s11  }
0x24d: {  	s4 =	sand.u32 $0x7F, s4;
	v3 =	vor.u32 s17, v5;
	s17 =	spop (v2sf)  }
0x24e: {  	v62 =	vor.u32 s4, v0;
	s12 =	sand.u32 $0x7F, s17  }
0x24f: {  	v63 =	vor.u32 s12, v0  }
0x250: {  	v1 =	vmul.f32 v2, v1;
	_ =	sdelay $0x1  }
0x251: {  	s17 =	simm.s32 $0x7D00;
	[tilespmem:v3+s5+$0x0] =	vst.idx.msk $0xffff, v1  }
0x252: {  	s12 =	simm.s32 $0x13D00;
	v1 =	vld.idx.msk [tilespmem:v62+s17+$0x0], $0xffff  }
0x253: {  	v2 =	vld.idx.msk [tilespmem:v63+s12+$0x0], $0xffff  }
0x254: {  	s17 =	sor.u32 $0x7, s11  }
0x255: {  	v3 =	vor.u32 s17, v5  }
.Ltmp5:
0x256: {  	_ = 	snop;
	(pc) =	sbr.rel .LBB2_2-.Ltmp5, $4  }
0x257: {  	_ = 	snop  }
0x258: {  	v1 =	vmul.f32 v2, v1  }
0x259: {  	s6 =	sadd.s32 $0x18, s6  }
0x25a: {  	s8 =	sadd.s32 $0x18, s8;
	s9 =	sadd.s32 $0x3, s9;
	s10 =	sadd.s32 $0x18, s10;
	[tilespmem:v3+s5+$0x0] =	vst.idx.msk $0xffff, v1  }
.LBB2_9:
0x25b: {  	_ =	sfence.sel $0x180000  }
0x25c: {  	[bflag:$0x0] =	sbarrier.arrive $0xFFFF  }
0x25d: {  	_ =	strace $0x90000047  }
0x25e: {  	s0 =	stileid.u32;
	[bflag:$0x2] =	sbarrier.arrive $0xFFFF  }
0x25f: {  	p0 =	sne.s32 s0, $0x0;
	s0 =	rddreg [dreg:$0x5]  }
0x260: {  	s0 =	sadd.s32 @!p0 $0x100000, s0  }
0x261: {  	[sflag:s0] =	ssyncadd.tile.s32 @!p0 $0x1;
	_ =	shalt  }
.Lfunc_end2:
_tile_overlayer_lowered:
.L_overlay_start_2:
0x262: {  	(tag) =	ssettag $0x2  }
0x263: {  	s0 =	rddreg [dreg:$0x0];
	s2 =	stileid.u32  }
0x264: {  	s1 =	rddreg [dreg:$0x1];
	p0 =	sne.s32 s2, $0x0  }
0x265: {  	s3 =	rddreg [dreg:$0x2];
	[bflag:$0x3] =	sbarrier.arrive $0xFFFF;
	s2 =	simm.s32 @!p0 $0x1C04  }
0x266: {  	[timem:s3], [sflag:s2] =	dma.local @!p0 [hbm:s0], s1  }
0x267: {  	s0 =	simm.s32 @!p0 $0x4  }
0x268: {  	_ =	swait.ge @!p0 [sflag:s0], s1  }
0x269: {  	s1 =	ssub.s32 @!p0 $0x0, s1;
	[sflag:s0] =	ssyncset.done @!p0 $0x0  }
0x26a: {  	[sflag:s0] =	ssyncadd.s32 @!p0 s1  }
0x26b: {  	[bflag:$0x3] =	sbarrier.arrive $0xFFFF  }
0x26c: {  	_ =	shalt  }

</sc_bundles>
